<compile_context>
chip_gen: v7x
topology: tpu7x:2x2x1
jax: 0.10.2.dev20260603
libtpu: 0.0.44.dev20260713+nightly
codegen_flags: <defaults>
</compile_context>

<pallas_src>
import functools

import jax
import jax.numpy as jnp
from jax import lax
from jax.experimental import pallas as pl
from jax.experimental.pallas import tpu as pltpu
from jax.experimental.pallas import tpu_sc as plsc

N = 10000
NP = 10240
E = 160000
DH = 256
HH = 128
CH = 128
NCHUNK = E // CH
NCHP = 1280
NC = 2
NS = 16
L = 16
F32 = jnp.float32

_mesh = plsc.VectorSubcoreMesh(
    core_axis_name="c", subcore_axis_name="s", num_cores=NC, num_subcores=NS)
_sc_params = pltpu.CompilerParams(needs_layout_passes=False)

W_CHUNKS = 39
S_CHUNKS = 78
NSL = NP // NS


def _aligned_base(start):
    b8 = pl.multiple_of((start // 8) * 8, 8)
    return b8, start - b8


def _sc_counts(ei3, znp):
    HNP = NP // 2

    @functools.partial(
        pl.kernel, mesh=_mesh, compiler_params=_sc_params,
        out_type=jax.ShapeDtypeStruct((NP,), F32),
        scratch_types=[
            pltpu.VMEM((88, CH), jnp.int32),
            pltpu.VMEM((CH,), F32),
            pltpu.SemaphoreType.DMA,
            pltpu.VMEM_SHARED((NP + 128,), F32),
        ])
    def k(ei_hbm, z_hbm, cnt_hbm, didx, ones_v, sem, cnt_sp):
        c = lax.axis_index("c")
        s = lax.axis_index("s")
        lo = c * HNP
        hi = lo + HNP
        for i in range(CH // L):
            ones_v[pl.ds(i * L, L)] = jnp.ones((L,), F32)
        sl = pl.ds(pl.multiple_of(s * NSL, 8), NSL)
        pltpu.sync_copy(z_hbm.at[sl], cnt_sp.at[sl])
        b8, r = _aligned_base(s * S_CHUNKS)
        pltpu.sync_copy(ei_hbm.at[1, pl.ds(b8, 88)], didx)
        plsc.subcore_barrier()

        def mask_row(j):
            for i in range(CH // L):
                vs = pl.ds(i * L, L)
                v = didx[j, vs]
                inr = (v >= lo) & (v < hi)
                didx[j, vs] = jnp.where(inr, v, NP)

        @pl.loop(0, S_CHUNKS)
        def _(j):
            mask_row(r + j)

        @pl.loop(0, S_CHUNKS)
        def _(j):
            pltpu.async_copy(ones_v, cnt_sp.at[didx.at[r + j]], sem, add=True)

        @pl.loop(0, S_CHUNKS)
        def _(j):
            pltpu.make_async_copy(ones_v, cnt_sp.at[didx.at[r]], sem).wait()

        @pl.when(s < 2)
        def _():
            pltpu.sync_copy(ei_hbm.at[1, pl.ds(1248, 8)], didx.at[pl.ds(0, 8)])
            mask_row(s)
            pltpu.async_copy(ones_v, cnt_sp.at[didx.at[s]], sem, add=True)
            pltpu.make_async_copy(ones_v, cnt_sp.at[didx.at[s]], sem).wait()

        plsc.subcore_barrier()

        @pl.when(s < 8)
        def _():
            wsl = pl.ds(pl.multiple_of(lo + s * NSL, 8), NSL)
            pltpu.sync_copy(cnt_sp.at[wsl], cnt_hbm.at[wsl])

    return k(ei3, znp)


def _sc_agg(hs3, ei3):
    @functools.partial(
        pl.kernel, mesh=_mesh, compiler_params=_sc_params,
        out_type=jax.ShapeDtypeStruct((NC, NP, HH), F32),
        scratch_types=[
            pltpu.VMEM((48, CH), jnp.int32),
            pltpu.VMEM((48, CH), jnp.int32),
            pltpu.VMEM((2, CH, HH), F32),
            [pltpu.SemaphoreType.DMA] * 2,
            pltpu.VMEM_SHARED((NP, HH), F32),
        ])
    def k(hs_hbm, ei_hbm, agg_hbm, sidx, didx, rows, gsems, acc_sp):
        c = lax.axis_index("c")
        s = lax.axis_index("s")
        rsl = pl.ds(pl.multiple_of(s * NSL, 8), NSL)
        pltpu.sync_copy(hs_hbm.at[c, rsl], acc_sp.at[rsl])
        plsc.subcore_barrier()

        def sg(j, b):
            pltpu.async_copy(hs_hbm.at[c].at[sidx.at[j]], rows.at[b],
                             gsems[b])

        def wg(j, b):
            pltpu.make_async_copy(hs_hbm.at[c].at[sidx.at[j]],
                                  rows.at[b], gsems[b]).wait()

        def sc(j, b):
            pltpu.sync_copy(rows.at[b], acc_sp.at[didx.at[j]], add=True)

        def phase(start, n):
            b8, r = _aligned_base(start)
            pltpu.sync_copy(ei_hbm.at[0, pl.ds(b8, 48)], sidx)
            pltpu.sync_copy(ei_hbm.at[1, pl.ds(b8, 48)], didx)
            sg(r, 0)

            @pl.loop(0, n // 2)
            def _(t):
                for u in range(2):
                    j = r + t * 2 + u
                    nxt = jnp.minimum(j + 1, r + n - 1)
                    sg(nxt, 1 - u)
                    wg(j, u)
                    sc(j, u)

            wg(r, 0)

        phase(s * S_CHUNKS, 40)
        phase(s * S_CHUNKS + 40, 38)

        @pl.when(s < 2)
        def _():
            pltpu.sync_copy(ei_hbm.at[0, pl.ds(1248, 8)],
                            sidx.at[pl.ds(0, 8)])
            pltpu.sync_copy(ei_hbm.at[1, pl.ds(1248, 8)],
                            didx.at[pl.ds(0, 8)])
            sg(s, 0)
            wg(s, 0)
            sc(s, 0)

        plsc.subcore_barrier()
        pltpu.sync_copy(acc_sp.at[rsl], agg_hbm.at[c, rsl])

    return k(hs3, ei3)


def _sc_seg(p, q, dinv, ei3, znp):
    @functools.partial(
        pl.kernel, mesh=_mesh, compiler_params=_sc_params,
        out_type=jax.ShapeDtypeStruct((NC, NP), F32),
        scratch_types=[
            pltpu.VMEM((48, CH), jnp.int32),
            pltpu.VMEM((48, CH), jnp.int32),
            pltpu.VMEM((48, CH), F32),
            pltpu.VMEM((N,), F32),
            pltpu.VMEM((N,), F32),
            pltpu.VMEM((NP,), F32),
            pltpu.SemaphoreType.DMA,
            pltpu.VMEM_SHARED((NP,), F32),
        ])
    def k(p_hbm, q_hbm, dinv_hbm, ei_hbm, z_hbm, segp_hbm,
          sidx, didx, tbuf, p_v, q_v, dinv_v, sem, seg_sp):
        c = lax.axis_index("c")
        s = lax.axis_index("s")
        pltpu.sync_copy(p_hbm, p_v)
        pltpu.sync_copy(q_hbm, q_v)
        pltpu.sync_copy(dinv_hbm, dinv_v)
        sl = pl.ds(pl.multiple_of(s * NSL, 8), NSL)
        pltpu.sync_copy(z_hbm.at[sl], seg_sp.at[sl])
        b8, r = _aligned_base(c * 625 + s * W_CHUNKS)
        pltpu.sync_copy(ei_hbm.at[0, pl.ds(b8, 48)], sidx)
        pltpu.sync_copy(ei_hbm.at[1, pl.ds(b8, 48)], didx)
        plsc.subcore_barrier()

        def compute_row(j):
            for i in range(CH // L):
                vs = pl.ds(i * L, L)
                s16 = sidx[j, vs]
                d16 = didx[j, vs]
                pv = plsc.load_gather(p_v, [s16])
                qv = plsc.load_gather(q_v, [d16])
                dv = plsc.load_gather(dinv_v, [s16])
                tbuf[j, vs] = (pv + qv) * dv

        @pl.loop(0, W_CHUNKS)
        def _(j):
            compute_row(r + j)

        @pl.loop(0, W_CHUNKS)
        def _(j):
            pltpu.async_copy(tbuf.at[r + j], seg_sp.at[didx.at[r + j]],
                             sem, add=True)

        @pl.loop(0, W_CHUNKS)
        def _(j):
            pltpu.make_async_copy(tbuf.at[r], seg_sp.at[didx.at[r]],
                                  sem).wait()

        @pl.when(s == 0)
        def _():
            xb8, xr = _aligned_base(c * 625 + 624)
            pltpu.sync_copy(ei_hbm.at[0, pl.ds(xb8, 8)], sidx.at[pl.ds(0, 8)])
            pltpu.sync_copy(ei_hbm.at[1, pl.ds(xb8, 8)], didx.at[pl.ds(0, 8)])
            compute_row(xr)
            pltpu.async_copy(tbuf.at[xr], seg_sp.at[didx.at[xr]], sem,
                             add=True)
            pltpu.make_async_copy(tbuf.at[xr], seg_sp.at[didx.at[xr]],
                                  sem).wait()

        plsc.subcore_barrier()
        pltpu.sync_copy(seg_sp.at[sl], segp_hbm.at[c, sl])

    return k(p, q, dinv, ei3, znp)


def _sc_edge_out(p, q, dinv, segp, ei3, b3b):
    @functools.partial(
        pl.kernel, mesh=_mesh, compiler_params=_sc_params,
        out_type=jax.ShapeDtypeStruct((E,), F32),
        scratch_types=[
            pltpu.VMEM((48, CH), jnp.int32),
            pltpu.VMEM((48, CH), jnp.int32),
            pltpu.VMEM((W_CHUNKS * CH,), F32),
            pltpu.VMEM((CH,), F32),
            pltpu.VMEM((N,), F32),
            pltpu.VMEM((N,), F32),
            pltpu.VMEM((NP,), F32),
            pltpu.VMEM((NP,), F32),
            pltpu.VMEM((NP,), F32),
            pltpu.VMEM((L,), F32),
        ])
    def k(p_hbm, q_hbm, dinv_hbm, segp_hbm, ei_hbm, b3_hbm, out_hbm,
          sidx, didx, obuf, obx, p_v, q_v, dinv_v, sa_v, sb_v, b3_v):
        c = lax.axis_index("c")
        s = lax.axis_index("s")
        wid = s * NC + c
        pltpu.sync_copy(p_hbm, p_v)
        pltpu.sync_copy(q_hbm, q_v)
        pltpu.sync_copy(dinv_hbm, dinv_v)
        pltpu.sync_copy(segp_hbm.at[0], sa_v)
        pltpu.sync_copy(segp_hbm.at[1], sb_v)
        pltpu.sync_copy(b3_hbm, b3_v)
        bv = b3_v[...]
        b8, r = _aligned_base(wid * W_CHUNKS)
        pltpu.sync_copy(ei_hbm.at[0, pl.ds(b8, 48)], sidx)
        pltpu.sync_copy(ei_hbm.at[1, pl.ds(b8, 48)], didx)

        @pl.loop(0, NP // L)
        def _(i):
            vs = pl.ds(pl.multiple_of(i * L, L), L)
            sa_v[vs] = sa_v[vs] + sb_v[vs]

        def compute_row(j, out_ref, ob):
            for i in range(CH // L):
                vs = pl.ds(i * L, L)
                s16 = sidx[j, vs]
                d16 = didx[j, vs]
                pv = plsc.load_gather(p_v, [s16])
                qv = plsc.load_gather(q_v, [d16])
                dv = plsc.load_gather(dinv_v, [s16])
                gv = plsc.load_gather(sa_v, [s16])
                hl = pv + qv
                val = dv * gv + dv * dv * hl + bv
                out_ref[pl.ds(ob + i * L, L)] = 1.0 / (1.0 + jnp.exp(-val))

        @pl.loop(0, W_CHUNKS)
        def _(j):
            compute_row(r + j, obuf, j * CH)

        pltpu.sync_copy(
            obuf, out_hbm.at[pl.ds(pl.multiple_of(wid * (W_CHUNKS * CH), 8),
                                   W_CHUNKS * CH)])

        @pl.when(wid < 2)
        def _():
            pltpu.sync_copy(ei_hbm.at[0, pl.ds(1248, 8)], sidx.at[pl.ds(0, 8)])
            pltpu.sync_copy(ei_hbm.at[1, pl.ds(1248, 8)], didx.at[pl.ds(0, 8)])
            compute_row(wid, obx, 0)
            pltpu.sync_copy(
                obx, out_hbm.at[pl.ds((1248 + wid) * CH, CH)])

    return k(p, q, dinv, segp, ei3, b3b)


def _tc_l1(x, W1, cnt, cnt_col):
    def body(x_ref, w_ref, cnt_ref, cc_ref, hs_ref, dinv_ref):
        dinv_ref[...] = lax.rsqrt(cnt_ref[...] + 1.0)
        dv = lax.rsqrt(cc_ref[0:N, :] + 1.0)
        h = jnp.dot(x_ref[...], w_ref[...], preferred_element_type=F32)
        hs = h * dv
        hs_ref[0, 0:N, :] = hs[:, 0:HH]
        hs_ref[1, 0:N, :] = hs[:, HH:]

    return pl.pallas_call(
        body,
        out_shape=(jax.ShapeDtypeStruct((NC, NP, HH), F32),
                   jax.ShapeDtypeStruct((NP,), F32)),
    )(x, W1, cnt, cnt_col)


def _tc_l2(agg1, cnt_col, b1r, g1r, be1r, W2):
    def body(a_ref, cc_ref, b_ref, g_ref, be_ref, w_ref, out_ref):
        dv = lax.rsqrt(cc_ref[0:N, :] + 1.0)

        def half(i):
            z = a_ref[i, 0:N, :] * dv + b_ref[i:i + 1, :]
            mu = jnp.mean(z, axis=0, keepdims=True)
            var = jnp.mean((z - mu) ** 2, axis=0, keepdims=True)
            zn = (z - mu) * lax.rsqrt(var + 1e-5)
            return jnp.maximum(zn * g_ref[i:i + 1, :] + be_ref[i:i + 1, :],
                               0.0)

        h0 = half(0)
        h1 = half(1)
        hs = (jnp.dot(h0, w_ref[0:HH, :], preferred_element_type=F32) +
              jnp.dot(h1, w_ref[HH:, :], preferred_element_type=F32))
        hs = hs * dv
        out_ref[0, 0:N, :] = hs[:, 0:HH]
        out_ref[1, 0:N, :] = hs[:, HH:]

    return pl.pallas_call(
        body,
        out_shape=jax.ShapeDtypeStruct((NC, NP, HH), F32),
    )(agg1, cnt_col, b1r, g1r, be1r, W2)


def _tc_l3(agg2, cnt_col, b2r, Wpq):
    def body(a_ref, cc_ref, b_ref, w_ref, pq_ref):
        dv = lax.rsqrt(cc_ref[0:N, :] + 1.0)
        h0 = jnp.maximum(a_ref[0, 0:N, :] * dv + b_ref[0:1, :], 0.0)
        h1 = jnp.maximum(a_ref[1, 0:N, :] * dv + b_ref[1:2, :], 0.0)
        pq_ref[...] = (
            jnp.dot(h0, w_ref[0:HH, :], preferred_element_type=F32) +
            jnp.dot(h1, w_ref[HH:, :], preferred_element_type=F32))

    return pl.pallas_call(
        body,
        out_shape=jax.ShapeDtypeStruct((N, 2), F32),
    )(agg2, cnt_col, b2r, Wpq)


def kernel(x, edge_index, W1, b1, gamma1, beta1, W2, b2, W3, b3):
    ei = edge_index.astype(jnp.int32)
    ei3 = jnp.pad(ei, ((0, 0), (0, NCHP * CH - E))).reshape(2, NCHP, CH)
    znp = jnp.zeros((NP,), F32)

    cnt = _sc_counts(ei3, znp)
    cnt_col = cnt[:N].reshape(N, 1)

    hs1, dinv = _tc_l1(x, W1, cnt, cnt_col)
    agg1 = _sc_agg(hs1, ei3)
    hs2 = _tc_l2(agg1, cnt_col,
                 b1.reshape(2, HH), gamma1.reshape(2, HH),
                 beta1.reshape(2, HH), W2)
    agg2 = _sc_agg(hs2, ei3)
    Wpq = jnp.concatenate([W3[:DH], W3[DH:]], axis=1)
    pq = _tc_l3(agg2, cnt_col, b2.reshape(2, HH), Wpq)

    p = pq[:, 0]
    q = pq[:, 1]
    segp = _sc_seg(p, q, dinv, ei3, znp)
    b3b = jnp.broadcast_to(b3, (L,)).astype(F32)
    out = _sc_edge_out(p, q, dinv, segp, ei3, b3b)
    return out.reshape(E, 1)

# --- scband reference (transcript-rebuilt; emitter-appended) ---
"""Pipeline reference for scband-line-gcn2-69217692942493 (READ-ONLY COPY).

The authoritative reference and input builder live on the scoring server;
editing this copy changes nothing except your own understanding.
"""

import jax, jax.numpy as jnp
import numpy as np

N_NODES = 10000
N_EDGES = 160000
D_IN = 128
D_HID = 256
D_OUT = 1


def build_line_edges(edge_index):
    src = np.asarray(edge_index[0])
    dst = np.asarray(edge_index[1])
    E = src.shape[0]
    N = int(max(src.max(), dst.max())) + 1
    counts = np.bincount(src, minlength=N).astype(np.int64)
    starts = np.concatenate([np.zeros(1, np.int64), np.cumsum(counts)])[:-1]
    sorted_eids = np.argsort(src, kind='stable').astype(np.int64)
    rep = counts[dst]
    le_src = np.repeat(np.arange(E, dtype=np.int64), rep)
    csum = np.cumsum(rep)
    total = int(csum[-1]) if E > 0 else 0
    within = np.arange(total, dtype=np.int64) - np.repeat(csum - rep, rep)
    le_dst = sorted_eids[starts[dst[le_src]] + within]
    return np.stack([le_src, le_dst]).astype(np.int64)


def gcn_layer(x, edge_index, W, b, gamma=None, beta=None, activation='relu'):
    N = x.shape[0]
    loops = jnp.arange(N, dtype=edge_index.dtype)
    src = jnp.concatenate([edge_index[0], loops])
    dst = jnp.concatenate([edge_index[1], loops])
    h = x @ W
    deg = jnp.zeros((N,), x.dtype).at[dst].add(1.0)
    dinv = jnp.where(deg > 0, deg ** -0.5, 0.0)
    norm = dinv[src] * dinv[dst]
    out = jnp.zeros((N, W.shape[1]), x.dtype).at[dst].add(h[src] * norm[:, None])
    out = out + b
    if gamma is not None:
        mu = jnp.mean(out, axis=0)
        var = jnp.var(out, axis=0)
        out = (out - mu) / jnp.sqrt(var + 1e-5) * gamma + beta
    if activation == 'relu':
        out = jax.nn.relu(out)
    return out


def setup_inputs(seed: int = 0) -> dict:
    key = jax.random.key(seed)
    ks = jax.random.split(key, 12)
    x = jax.random.normal(ks[0], (N_NODES, D_IN), dtype=jnp.float32)
    edge_index = jax.random.randint(ks[1], (2, N_EDGES), 0, N_NODES, dtype=jnp.int64)
    W1 = jax.random.normal(ks[2], (D_IN, D_HID), dtype=jnp.float32) * (1.0 / np.sqrt(D_IN))
    b1 = jnp.zeros((D_HID,), dtype=jnp.float32)
    gamma1 = jnp.ones((D_HID,), dtype=jnp.float32)
    beta1 = jnp.zeros((D_HID,), dtype=jnp.float32)
    W2 = jax.random.normal(ks[3], (D_HID, D_HID), dtype=jnp.float32) * (1.0 / np.sqrt(D_HID))
    b2 = jnp.zeros((D_HID,), dtype=jnp.float32)
    W3 = jax.random.normal(ks[4], (2 * D_HID, D_OUT), dtype=jnp.float32) * (1.0 / np.sqrt(2 * D_HID))
    b3 = jnp.zeros((D_OUT,), dtype=jnp.float32)
    return {"x": x, "edge_index": edge_index, "W1": W1, "b1": b1, "gamma1": gamma1, "beta1": beta1, "W2": W2, "b2": b2, "W3": W3, "b3": b3}


def reference(x, edge_index, W1, b1, gamma1, beta1, W2, b2, W3, b3):
    h = gcn_layer(x, edge_index, W1, b1, gamma1, beta1, activation='relu')
    h = gcn_layer(h, edge_index, W2, b2, None, None, activation='relu')
    # to_line_graph with node_feat_mixing='cat': each original edge becomes a line-node
    line_x = jnp.concatenate([h[edge_index[0]], h[edge_index[1]]], axis=-1)
    N = x.shape[0]
    src = edge_index[0]
    dst = edge_index[1]
    hL = line_x @ W3
    cnt = jnp.zeros((N,), line_x.dtype).at[dst].add(1.0)
    deg = cnt[src] + 1.0
    dinv = jnp.where(deg > 0, deg ** -0.5, 0.0)
    seg = jnp.zeros((N, W3.shape[1]), line_x.dtype).at[dst].add(hL * dinv[:, None])
    out = dinv[:, None] * seg[src] + (dinv ** 2)[:, None] * hL
    out = out + b3
    return jax.nn.sigmoid(out)

if __name__ == "__main__":
    import jax
    _d = setup_inputs()
    print(jax.jit(kernel)(*tuple(_d.values())))

</pallas_src>

<mosaic_0001>
#map = affine_map<(d0, d1) -> (0, 0, 0)>
module attributes {stable_mosaic.version = 14 : i64} {
  func.func @k(%arg0: i32, %arg1: i32, %arg2: memref<2x10240x128xf32, #tpu.memory_space<hbm>>, %arg3: memref<2x1280x128xi32, #tpu.memory_space<hbm>>, %arg4: memref<2x10240x128xf32, #tpu.memory_space<hbm>>, %arg5: memref<48x128xi32, #tpu.memory_space<vmem>>, %arg6: memref<48x128xi32, #tpu.memory_space<vmem>>, %arg7: memref<2x128x128xf32, #tpu.memory_space<vmem>>, %arg8: memref<!tpu.dma_semaphore, #tpu.memory_space<semaphore_mem>>, %arg9: memref<!tpu.dma_semaphore, #tpu.memory_space<semaphore_mem>>, %arg10: memref<10240x128xf32, #tpu.memory_space<vmem_shared>>) attributes {dimension_semantics = [#tpu.dimension_semantics<core_parallel>, #tpu.dimension_semantics<subcore_parallel>], iteration_bounds = array<i64: 2, 16>, scalar_prefetch = 0 : i64, scratch_operands = 6 : i64, tpu.core_type = #tpu.core_type<sc_vector_subcore>, window_params = [{transform_indices = #map}, {transform_indices = #map}, {transform_indices = #map}]} {
    %mul3A = arith.constant 640 : i32
    %mul3A_0 = arith.muli %arg1, %mul3A : i32
    %multiple_of3A = tpu.assume_multiple %mul3A_0, 8 : i32
    "tpu.region"() ({
      %run_scoped3A_127 = tpu.sem_alloc : memref<!tpu.dma_semaphore, #tpu.memory_space<semaphore_mem>>
      %dma_start3A_128 = arith.constant 0 : i32
      %dma_start3A_129 = tpu.memref_slice %arg10[%multiple_of3A, %dma_start3A_128] : memref<10240x128xf32, #tpu.memory_space<vmem_shared>> -> memref<640x128xf32, #tpu.memory_space<vmem_shared>>
      %dma_start3A_130 = arith.constant 0 : i32
      %dma_start3A_131 = tpu.memref_slice %arg2[%arg0, %multiple_of3A, %dma_start3A_130] : memref<2x10240x128xf32, #tpu.memory_space<hbm>> -> memref<1x640x128xf32, #tpu.memory_space<hbm>>
      %dma_start3A_132 = tpu.memref_squeeze %dma_start3A_131 : memref<1x640x128xf32, #tpu.memory_space<hbm>> -> memref<640x128xf32, #tpu.memory_space<hbm>>
      tpu.enqueue_dma source(%dma_start3A_132 : memref<640x128xf32, #tpu.memory_space<hbm>>) target(%dma_start3A_129 : memref<640x128xf32, #tpu.memory_space<vmem_shared>>) target_semaphore(%run_scoped3A_127 : memref<!tpu.dma_semaphore, #tpu.memory_space<semaphore_mem>>)
      %dma_wait3A_133 = arith.constant 0 : i32
      %dma_wait3A_134 = tpu.memref_slice %arg10[%multiple_of3A, %dma_wait3A_133] : memref<10240x128xf32, #tpu.memory_space<vmem_shared>> -> memref<640x128xf32, #tpu.memory_space<vmem_shared>>
      %dma_wait3A_135 = arith.constant 0 : i32
      %dma_wait3A_136 = tpu.memref_slice %arg2[%arg0, %multiple_of3A, %dma_wait3A_135] : memref<2x10240x128xf32, #tpu.memory_space<hbm>> -> memref<1x640x128xf32, #tpu.memory_space<hbm>>
      %dma_wait3A_137 = tpu.memref_squeeze %dma_wait3A_136 : memref<1x640x128xf32, #tpu.memory_space<hbm>> -> memref<640x128xf32, #tpu.memory_space<hbm>>
      tpu.wait_dma2 semaphore(%run_scoped3A_127 : memref<!tpu.dma_semaphore, #tpu.memory_space<semaphore_mem>>) src(%dma_wait3A_137 : memref<640x128xf32, #tpu.memory_space<hbm>>) dst(%dma_wait3A_134 : memref<640x128xf32, #tpu.memory_space<vmem_shared>>)
      tpu.yield
    }) : () -> ()
    %barrier3A = arith.constant 0 : index
    tpu.barrier barrier_id(%barrier3A)
    %mul3A_1 = arith.constant 78 : i32
    %mul3A_2 = arith.muli %arg1, %mul3A_1 : i32
    %jit3A = arith.constant 8 : i32
    %div3A = arith.divsi %mul3A_2, %jit3A : i32
    %sign3A = arith.constant 0 : i32
    %sign3A_3 = arith.cmpi sgt, %mul3A_2, %sign3A : i32
    %sign3A_4 = arith.extui %sign3A_3 : i1 to i32
    %sign3A_5 = arith.constant 0 : i32
    %sign3A_6 = arith.cmpi slt, %mul3A_2, %sign3A_5 : i32
    %sign3A_7 = arith.extui %sign3A_6 : i1 to i32
    %sign3A_8 = arith.subi %sign3A_4, %sign3A_7 : i32
    %sign3A_9 = arith.constant 0 : i32
    %sign3A_10 = arith.cmpi sgt, %jit3A, %sign3A_9 : i32
    %sign3A_11 = arith.extui %sign3A_10 : i1 to i32
    %sign3A_12 = arith.constant 0 : i32
    %sign3A_13 = arith.cmpi slt, %jit3A, %sign3A_12 : i32
    %sign3A_14 = arith.extui %sign3A_13 : i1 to i32
    %sign3A_15 = arith.subi %sign3A_11, %sign3A_14 : i32
    %ne3A = arith.cmpi ne, %sign3A_8, %sign3A_15 : i32
    %rem3A = arith.remsi %mul3A_2, %jit3A : i32
    %ne3A_16 = arith.constant 0 : i32
    %ne3A_17 = arith.cmpi ne, %rem3A, %ne3A_16 : i32
    %and3A = arith.andi %ne3A, %ne3A_17 : i1
    %sub3A = arith.constant 1 : i32
    %sub3A_18 = arith.subi %div3A, %sub3A : i32
    %select_n3A = arith.select %and3A, %sub3A_18, %div3A : i32
    %mul3A_19 = arith.constant 8 : i32
    %mul3A_20 = arith.muli %select_n3A, %mul3A_19 : i32
    %multiple_of3A_21 = tpu.assume_multiple %mul3A_20, 8 : i32
    %sub3A_22 = arith.subi %mul3A_2, %multiple_of3A_21 : i32
    %run_scoped3A = arith.constant 0 : i32
    "tpu.region"() ({
      %run_scoped3A_127 = tpu.sem_alloc : memref<!tpu.dma_semaphore, #tpu.memory_space<semaphore_mem>>
      %dma_start3A_128 = arith.constant 0 : i32
      %dma_start3A_129 = tpu.memref_slice %arg3[%run_scoped3A, %multiple_of3A_21, %dma_start3A_128] : memref<2x1280x128xi32, #tpu.memory_space<hbm>> -> memref<1x48x128xi32, #tpu.memory_space<hbm>>
      %dma_start3A_130 = tpu.memref_squeeze %dma_start3A_129 : memref<1x48x128xi32, #tpu.memory_space<hbm>> -> memref<48x128xi32, #tpu.memory_space<hbm>>
      %dma_start3A_131 = arith.constant 0 : i32
      %dma_start3A_132 = tpu.memref_slice %arg3[%run_scoped3A, %multiple_of3A_21, %dma_start3A_131] : memref<2x1280x128xi32, #tpu.memory_space<hbm>> -> memref<1x48x128xi32, #tpu.memory_space<hbm>>
      %dma_start3A_133 = tpu.memref_squeeze %dma_start3A_132 : memref<1x48x128xi32, #tpu.memory_space<hbm>> -> memref<48x128xi32, #tpu.memory_space<hbm>>
      tpu.enqueue_dma source(%dma_start3A_133 : memref<48x128xi32, #tpu.memory_space<hbm>>) target(%arg5 : memref<48x128xi32, #tpu.memory_space<vmem>>) target_semaphore(%run_scoped3A_127 : memref<!tpu.dma_semaphore, #tpu.memory_space<semaphore_mem>>)
      %dma_wait3A_134 = arith.constant 0 : i32
      %dma_wait3A_135 = tpu.memref_slice %arg3[%run_scoped3A, %multiple_of3A_21, %dma_wait3A_134] : memref<2x1280x128xi32, #tpu.memory_space<hbm>> -> memref<1x48x128xi32, #tpu.memory_space<hbm>>
      %dma_wait3A_136 = tpu.memref_squeeze %dma_wait3A_135 : memref<1x48x128xi32, #tpu.memory_space<hbm>> -> memref<48x128xi32, #tpu.memory_space<hbm>>
      %dma_wait3A_137 = arith.constant 0 : i32
      %dma_wait3A_138 = tpu.memref_slice %arg3[%run_scoped3A, %multiple_of3A_21, %dma_wait3A_137] : memref<2x1280x128xi32, #tpu.memory_space<hbm>> -> memref<1x48x128xi32, #tpu.memory_space<hbm>>
      %dma_wait3A_139 = tpu.memref_squeeze %dma_wait3A_138 : memref<1x48x128xi32, #tpu.memory_space<hbm>> -> memref<48x128xi32, #tpu.memory_space<hbm>>
      tpu.wait_dma2 semaphore(%run_scoped3A_127 : memref<!tpu.dma_semaphore, #tpu.memory_space<semaphore_mem>>) src(%dma_wait3A_139 : memref<48x128xi32, #tpu.memory_space<hbm>>) dst(%arg5 : memref<48x128xi32, #tpu.memory_space<vmem>>)
      tpu.yield
    }) : () -> ()
    %run_scoped3A_23 = arith.constant 1 : i32
    "tpu.region"() ({
      %run_scoped3A_127 = tpu.sem_alloc : memref<!tpu.dma_semaphore, #tpu.memory_space<semaphore_mem>>
      %dma_start3A_128 = arith.constant 0 : i32
      %dma_start3A_129 = tpu.memref_slice %arg3[%run_scoped3A_23, %multiple_of3A_21, %dma_start3A_128] : memref<2x1280x128xi32, #tpu.memory_space<hbm>> -> memref<1x48x128xi32, #tpu.memory_space<hbm>>
      %dma_start3A_130 = tpu.memref_squeeze %dma_start3A_129 : memref<1x48x128xi32, #tpu.memory_space<hbm>> -> memref<48x128xi32, #tpu.memory_space<hbm>>
      %dma_start3A_131 = arith.constant 0 : i32
      %dma_start3A_132 = tpu.memref_slice %arg3[%run_scoped3A_23, %multiple_of3A_21, %dma_start3A_131] : memref<2x1280x128xi32, #tpu.memory_space<hbm>> -> memref<1x48x128xi32, #tpu.memory_space<hbm>>
      %dma_start3A_133 = tpu.memref_squeeze %dma_start3A_132 : memref<1x48x128xi32, #tpu.memory_space<hbm>> -> memref<48x128xi32, #tpu.memory_space<hbm>>
      tpu.enqueue_dma source(%dma_start3A_133 : memref<48x128xi32, #tpu.memory_space<hbm>>) target(%arg6 : memref<48x128xi32, #tpu.memory_space<vmem>>) target_semaphore(%run_scoped3A_127 : memref<!tpu.dma_semaphore, #tpu.memory_space<semaphore_mem>>)
      %dma_wait3A_134 = arith.constant 0 : i32
      %dma_wait3A_135 = tpu.memref_slice %arg3[%run_scoped3A_23, %multiple_of3A_21, %dma_wait3A_134] : memref<2x1280x128xi32, #tpu.memory_space<hbm>> -> memref<1x48x128xi32, #tpu.memory_space<hbm>>
      %dma_wait3A_136 = tpu.memref_squeeze %dma_wait3A_135 : memref<1x48x128xi32, #tpu.memory_space<hbm>> -> memref<48x128xi32, #tpu.memory_space<hbm>>
      %dma_wait3A_137 = arith.constant 0 : i32
      %dma_wait3A_138 = tpu.memref_slice %arg3[%run_scoped3A_23, %multiple_of3A_21, %dma_wait3A_137] : memref<2x1280x128xi32, #tpu.memory_space<hbm>> -> memref<1x48x128xi32, #tpu.memory_space<hbm>>
      %dma_wait3A_139 = tpu.memref_squeeze %dma_wait3A_138 : memref<1x48x128xi32, #tpu.memory_space<hbm>> -> memref<48x128xi32, #tpu.memory_space<hbm>>
      tpu.wait_dma2 semaphore(%run_scoped3A_127 : memref<!tpu.dma_semaphore, #tpu.memory_space<semaphore_mem>>) src(%dma_wait3A_139 : memref<48x128xi32, #tpu.memory_space<hbm>>) dst(%arg6 : memref<48x128xi32, #tpu.memory_space<vmem>>)
      tpu.yield
    }) : () -> ()
    %dma_start3A = arith.constant 0 : i32
    %dma_start3A_24 = arith.constant 0 : i32
    %dma_start3A_25 = arith.constant 0 : i32
    %dma_start3A_26 = tpu.memref_slice %arg7[%dma_start3A, %dma_start3A_24, %dma_start3A_25] : memref<2x128x128xf32, #tpu.memory_space<vmem>> -> memref<1x128x128xf32, #tpu.memory_space<vmem>>
    %dma_start3A_27 = tpu.memref_squeeze %dma_start3A_26 : memref<1x128x128xf32, #tpu.memory_space<vmem>> -> memref<128x128xf32, #tpu.memory_space<vmem>>
    %dma_start3A_28 = arith.constant 0 : i32
    %dma_start3A_29 = tpu.memref_slice %arg5[%sub3A_22, %dma_start3A_28] : memref<48x128xi32, #tpu.memory_space<vmem>> -> memref<1x128xi32, #tpu.memory_space<vmem>>
    %dma_start3A_30 = tpu.memref_squeeze %dma_start3A_29 : memref<1x128xi32, #tpu.memory_space<vmem>> -> memref<128xi32, #tpu.memory_space<vmem>>
    %dma_start3A_31 = arith.constant 0 : i32
    %dma_start3A_32 = arith.constant 0 : i32
    %dma_start3A_33 = tpu.memref_slice %arg2[%arg0, %dma_start3A_31, %dma_start3A_32] : memref<2x10240x128xf32, #tpu.memory_space<hbm>> -> memref<1x10240x128xf32, #tpu.memory_space<hbm>>
    %dma_start3A_34 = tpu.memref_squeeze %dma_start3A_33 : memref<1x10240x128xf32, #tpu.memory_space<hbm>> -> memref<10240x128xf32, #tpu.memory_space<hbm>>
    %dma_start3A_35 = arith.constant 0 : i32
    %dma_start3A_36 = arith.constant 0 : i32
    %dma_start3A_37 = tpu.memref_slice %dma_start3A_34[%dma_start3A_35, %dma_start3A_36] : memref<10240x128xf32, #tpu.memory_space<hbm>> -> memref<10240x128xf32, #tpu.memory_space<hbm>>
    tpu.enqueue_indirect_dma source(%dma_start3A_37 : memref<10240x128xf32, #tpu.memory_space<hbm>>) target(%dma_start3A_27 : memref<128x128xf32, #tpu.memory_space<vmem>>) offsets(%dma_start3A_30 : memref<128xi32, #tpu.memory_space<vmem>>) semaphore(%arg8 : memref<!tpu.dma_semaphore, #tpu.memory_space<semaphore_mem>>)
    %scan3A = arith.constant 0 : i32
    %scan3A_38 = arith.constant 20 : i32
    %scan3A_39 = arith.addi %scan3A, %scan3A_38 : i32
    %scan3A_40 = arith.constant 1 : i32
    scf.for %scan3A_127 = %scan3A to %scan3A_39 step %scan3A_40  : i32 {
      %mul3A_128 = arith.constant 1 : i32
      %mul3A_129 = arith.muli %scan3A_127, %mul3A_128 : i32
      %add3A_130 = arith.constant 0 : i32
      %add3A_131 = arith.addi %add3A_130, %mul3A_129 : i32
      %mul3A_132 = arith.constant 2 : i32
      %mul3A_133 = arith.muli %add3A_131, %mul3A_132 : i32
      %add3A_134 = arith.addi %sub3A_22, %mul3A_133 : i32
      %add3A_135 = arith.constant 0 : i32
      %add3A_136 = arith.addi %add3A_134, %add3A_135 : i32
      %add3A_137 = arith.constant 1 : i32
      %add3A_138 = arith.addi %add3A_136, %add3A_137 : i32
      %add3A_139 = arith.constant 40 : i32
      %add3A_140 = arith.addi %sub3A_22, %add3A_139 : i32
      %sub3A_141 = arith.constant 1 : i32
      %sub3A_142 = arith.subi %add3A_140, %sub3A_141 : i32
      %min3A = arith.minsi %add3A_138, %sub3A_142 : i32
      %dma_start3A_143 = arith.constant 1 : i32
      %dma_start3A_144 = arith.constant 0 : i32
      %dma_start3A_145 = arith.constant 0 : i32
      %dma_start3A_146 = tpu.memref_slice %arg7[%dma_start3A_143, %dma_start3A_144, %dma_start3A_145] : memref<2x128x128xf32, #tpu.memory_space<vmem>> -> memref<1x128x128xf32, #tpu.memory_space<vmem>>
      %dma_start3A_147 = tpu.memref_squeeze %dma_start3A_146 : memref<1x128x128xf32, #tpu.memory_space<vmem>> -> memref<128x128xf32, #tpu.memory_space<vmem>>
      %dma_start3A_148 = arith.constant 0 : i32
      %dma_start3A_149 = tpu.memref_slice %arg5[%min3A, %dma_start3A_148] : memref<48x128xi32, #tpu.memory_space<vmem>> -> memref<1x128xi32, #tpu.memory_space<vmem>>
      %dma_start3A_150 = tpu.memref_squeeze %dma_start3A_149 : memref<1x128xi32, #tpu.memory_space<vmem>> -> memref<128xi32, #tpu.memory_space<vmem>>
      %dma_start3A_151 = arith.constant 0 : i32
      %dma_start3A_152 = arith.constant 0 : i32
      %dma_start3A_153 = tpu.memref_slice %arg2[%arg0, %dma_start3A_151, %dma_start3A_152] : memref<2x10240x128xf32, #tpu.memory_space<hbm>> -> memref<1x10240x128xf32, #tpu.memory_space<hbm>>
      %dma_start3A_154 = tpu.memref_squeeze %dma_start3A_153 : memref<1x10240x128xf32, #tpu.memory_space<hbm>> -> memref<10240x128xf32, #tpu.memory_space<hbm>>
      %dma_start3A_155 = arith.constant 0 : i32
      %dma_start3A_156 = arith.constant 0 : i32
      %dma_start3A_157 = tpu.memref_slice %dma_start3A_154[%dma_start3A_155, %dma_start3A_156] : memref<10240x128xf32, #tpu.memory_space<hbm>> -> memref<10240x128xf32, #tpu.memory_space<hbm>>
      tpu.enqueue_indirect_dma source(%dma_start3A_157 : memref<10240x128xf32, #tpu.memory_space<hbm>>) target(%dma_start3A_147 : memref<128x128xf32, #tpu.memory_space<vmem>>) offsets(%dma_start3A_150 : memref<128xi32, #tpu.memory_space<vmem>>) semaphore(%arg9 : memref<!tpu.dma_semaphore, #tpu.memory_space<semaphore_mem>>)
      %dma_wait3A_158 = arith.constant 0 : i32
      %dma_wait3A_159 = arith.constant 0 : i32
      %dma_wait3A_160 = arith.constant 0 : i32
      %dma_wait3A_161 = tpu.memref_slice %arg7[%dma_wait3A_158, %dma_wait3A_159, %dma_wait3A_160] : memref<2x128x128xf32, #tpu.memory_space<vmem>> -> memref<1x128x128xf32, #tpu.memory_space<vmem>>
      %dma_wait3A_162 = tpu.memref_squeeze %dma_wait3A_161 : memref<1x128x128xf32, #tpu.memory_space<vmem>> -> memref<128x128xf32, #tpu.memory_space<vmem>>
      %dma_wait3A_163 = arith.constant 0 : i32
      %dma_wait3A_164 = tpu.memref_slice %arg5[%add3A_136, %dma_wait3A_163] : memref<48x128xi32, #tpu.memory_space<vmem>> -> memref<1x128xi32, #tpu.memory_space<vmem>>
      %dma_wait3A_165 = tpu.memref_squeeze %dma_wait3A_164 : memref<1x128xi32, #tpu.memory_space<vmem>> -> memref<128xi32, #tpu.memory_space<vmem>>
      %dma_wait3A_166 = arith.constant 0 : i32
      %dma_wait3A_167 = arith.constant 0 : i32
      %dma_wait3A_168 = tpu.memref_slice %arg2[%arg0, %dma_wait3A_166, %dma_wait3A_167] : memref<2x10240x128xf32, #tpu.memory_space<hbm>> -> memref<1x10240x128xf32, #tpu.memory_space<hbm>>
      %dma_wait3A_169 = tpu.memref_squeeze %dma_wait3A_168 : memref<1x10240x128xf32, #tpu.memory_space<hbm>> -> memref<10240x128xf32, #tpu.memory_space<hbm>>
      %dma_wait3A_170 = arith.constant 0 : i32
      %dma_wait3A_171 = arith.constant 0 : i32
      %dma_wait3A_172 = tpu.memref_slice %dma_wait3A_169[%dma_wait3A_170, %dma_wait3A_171] : memref<10240x128xf32, #tpu.memory_space<hbm>> -> memref<10240x128xf32, #tpu.memory_space<hbm>>
      tpu.wait_indirect_dma semaphore(%arg8 : memref<!tpu.dma_semaphore, #tpu.memory_space<semaphore_mem>>) src(%dma_wait3A_172 : memref<10240x128xf32, #tpu.memory_space<hbm>>) dst(%dma_wait3A_162 : memref<128x128xf32, #tpu.memory_space<vmem>>)
      %run_scoped3A_173 = arith.constant 0 : i32
      "tpu.region"() ({
        %run_scoped3A_217 = tpu.sem_alloc : memref<!tpu.dma_semaphore, #tpu.memory_space<semaphore_mem>>
        %dma_start3A_218 = arith.constant 0 : i32
        %dma_start3A_219 = arith.constant 0 : i32
        %dma_start3A_220 = tpu.memref_slice %arg7[%run_scoped3A_173, %dma_start3A_218, %dma_start3A_219] : memref<2x128x128xf32, #tpu.memory_space<vmem>> -> memref<1x128x128xf32, #tpu.memory_space<vmem>>
        %dma_start3A_221 = tpu.memref_squeeze %dma_start3A_220 : memref<1x128x128xf32, #tpu.memory_space<vmem>> -> memref<128x128xf32, #tpu.memory_space<vmem>>
        %dma_start3A_222 = arith.constant 0 : i32
        %dma_start3A_223 = tpu.memref_slice %arg6[%add3A_136, %dma_start3A_222] : memref<48x128xi32, #tpu.memory_space<vmem>> -> memref<1x128xi32, #tpu.memory_space<vmem>>
        %dma_start3A_224 = tpu.memref_squeeze %dma_start3A_223 : memref<1x128xi32, #tpu.memory_space<vmem>> -> memref<128xi32, #tpu.memory_space<vmem>>
        %dma_start3A_225 = arith.constant 0 : i32
        %dma_start3A_226 = arith.constant 0 : i32
        %dma_start3A_227 = tpu.memref_slice %arg10[%dma_start3A_225, %dma_start3A_226] : memref<10240x128xf32, #tpu.memory_space<vmem_shared>> -> memref<10240x128xf32, #tpu.memory_space<vmem_shared>>
        tpu.enqueue_indirect_dma source(%dma_start3A_221 : memref<128x128xf32, #tpu.memory_space<vmem>>) target(%dma_start3A_227 : memref<10240x128xf32, #tpu.memory_space<vmem_shared>>) offsets(%dma_start3A_224 : memref<128xi32, #tpu.memory_space<vmem>>) semaphore(%run_scoped3A_217 : memref<!tpu.dma_semaphore, #tpu.memory_space<semaphore_mem>>) {add = true}
        %dma_wait3A_228 = arith.constant 0 : i32
        %dma_wait3A_229 = arith.constant 0 : i32
        %dma_wait3A_230 = tpu.memref_slice %arg7[%run_scoped3A_173, %dma_wait3A_228, %dma_wait3A_229] : memref<2x128x128xf32, #tpu.memory_space<vmem>> -> memref<1x128x128xf32, #tpu.memory_space<vmem>>
        %dma_wait3A_231 = tpu.memref_squeeze %dma_wait3A_230 : memref<1x128x128xf32, #tpu.memory_space<vmem>> -> memref<128x128xf32, #tpu.memory_space<vmem>>
        %dma_wait3A_232 = arith.constant 0 : i32
        %dma_wait3A_233 = tpu.memref_slice %arg6[%add3A_136, %dma_wait3A_232] : memref<48x128xi32, #tpu.memory_space<vmem>> -> memref<1x128xi32, #tpu.memory_space<vmem>>
        %dma_wait3A_234 = tpu.memref_squeeze %dma_wait3A_233 : memref<1x128xi32, #tpu.memory_space<vmem>> -> memref<128xi32, #tpu.memory_space<vmem>>
        %dma_wait3A_235 = arith.constant 0 : i32
        %dma_wait3A_236 = arith.constant 0 : i32
        %dma_wait3A_237 = tpu.memref_slice %arg10[%dma_wait3A_235, %dma_wait3A_236] : memref<10240x128xf32, #tpu.memory_space<vmem_shared>> -> memref<10240x128xf32, #tpu.memory_space<vmem_shared>>
        tpu.wait_indirect_dma semaphore(%run_scoped3A_217 : memref<!tpu.dma_semaphore, #tpu.memory_space<semaphore_mem>>) src(%dma_wait3A_231 : memref<128x128xf32, #tpu.memory_space<vmem>>) dst(%dma_wait3A_237 : memref<10240x128xf32, #tpu.memory_space<vmem_shared>>)
        tpu.yield
      }) : () -> ()
      %mul3A_174 = arith.constant 2 : i32
      %mul3A_175 = arith.muli %add3A_131, %mul3A_174 : i32
      %add3A_176 = arith.addi %sub3A_22, %mul3A_175 : i32
      %add3A_177 = arith.constant 1 : i32
      %add3A_178 = arith.addi %add3A_176, %add3A_177 : i32
      %add3A_179 = arith.constant 1 : i32
      %add3A_180 = arith.addi %add3A_178, %add3A_179 : i32
      %add3A_181 = arith.constant 40 : i32
      %add3A_182 = arith.addi %sub3A_22, %add3A_181 : i32
      %sub3A_183 = arith.constant 1 : i32
      %sub3A_184 = arith.subi %add3A_182, %sub3A_183 : i32
      %min3A_185 = arith.minsi %add3A_180, %sub3A_184 : i32
      %dma_start3A_186 = arith.constant 0 : i32
      %dma_start3A_187 = arith.constant 0 : i32
      %dma_start3A_188 = arith.constant 0 : i32
      %dma_start3A_189 = tpu.memref_slice %arg7[%dma_start3A_186, %dma_start3A_187, %dma_start3A_188] : memref<2x128x128xf32, #tpu.memory_space<vmem>> -> memref<1x128x128xf32, #tpu.memory_space<vmem>>
      %dma_start3A_190 = tpu.memref_squeeze %dma_start3A_189 : memref<1x128x128xf32, #tpu.memory_space<vmem>> -> memref<128x128xf32, #tpu.memory_space<vmem>>
      %dma_start3A_191 = arith.constant 0 : i32
      %dma_start3A_192 = tpu.memref_slice %arg5[%min3A_185, %dma_start3A_191] : memref<48x128xi32, #tpu.memory_space<vmem>> -> memref<1x128xi32, #tpu.memory_space<vmem>>
      %dma_start3A_193 = tpu.memref_squeeze %dma_start3A_192 : memref<1x128xi32, #tpu.memory_space<vmem>> -> memref<128xi32, #tpu.memory_space<vmem>>
      %dma_start3A_194 = arith.constant 0 : i32
      %dma_start3A_195 = arith.constant 0 : i32
      %dma_start3A_196 = tpu.memref_slice %arg2[%arg0, %dma_start3A_194, %dma_start3A_195] : memref<2x10240x128xf32, #tpu.memory_space<hbm>> -> memref<1x10240x128xf32, #tpu.memory_space<hbm>>
      %dma_start3A_197 = tpu.memref_squeeze %dma_start3A_196 : memref<1x10240x128xf32, #tpu.memory_space<hbm>> -> memref<10240x128xf32, #tpu.memory_space<hbm>>
      %dma_start3A_198 = arith.constant 0 : i32
      %dma_start3A_199 = arith.constant 0 : i32
      %dma_start3A_200 = tpu.memref_slice %dma_start3A_197[%dma_start3A_198, %dma_start3A_199] : memref<10240x128xf32, #tpu.memory_space<hbm>> -> memref<10240x128xf32, #tpu.memory_space<hbm>>
      tpu.enqueue_indirect_dma source(%dma_start3A_200 : memref<10240x128xf32, #tpu.memory_space<hbm>>) target(%dma_start3A_190 : memref<128x128xf32, #tpu.memory_space<vmem>>) offsets(%dma_start3A_193 : memref<128xi32, #tpu.memory_space<vmem>>) semaphore(%arg8 : memref<!tpu.dma_semaphore, #tpu.memory_space<semaphore_mem>>)
      %dma_wait3A_201 = arith.constant 1 : i32
      %dma_wait3A_202 = arith.constant 0 : i32
      %dma_wait3A_203 = arith.constant 0 : i32
      %dma_wait3A_204 = tpu.memref_slice %arg7[%dma_wait3A_201, %dma_wait3A_202, %dma_wait3A_203] : memref<2x128x128xf32, #tpu.memory_space<vmem>> -> memref<1x128x128xf32, #tpu.memory_space<vmem>>
      %dma_wait3A_205 = tpu.memref_squeeze %dma_wait3A_204 : memref<1x128x128xf32, #tpu.memory_space<vmem>> -> memref<128x128xf32, #tpu.memory_space<vmem>>
      %dma_wait3A_206 = arith.constant 0 : i32
      %dma_wait3A_207 = tpu.memref_slice %arg5[%add3A_178, %dma_wait3A_206] : memref<48x128xi32, #tpu.memory_space<vmem>> -> memref<1x128xi32, #tpu.memory_space<vmem>>
      %dma_wait3A_208 = tpu.memref_squeeze %dma_wait3A_207 : memref<1x128xi32, #tpu.memory_space<vmem>> -> memref<128xi32, #tpu.memory_space<vmem>>
      %dma_wait3A_209 = arith.constant 0 : i32
      %dma_wait3A_210 = arith.constant 0 : i32
      %dma_wait3A_211 = tpu.memref_slice %arg2[%arg0, %dma_wait3A_209, %dma_wait3A_210] : memref<2x10240x128xf32, #tpu.memory_space<hbm>> -> memref<1x10240x128xf32, #tpu.memory_space<hbm>>
      %dma_wait3A_212 = tpu.memref_squeeze %dma_wait3A_211 : memref<1x10240x128xf32, #tpu.memory_space<hbm>> -> memref<10240x128xf32, #tpu.memory_space<hbm>>
      %dma_wait3A_213 = arith.constant 0 : i32
      %dma_wait3A_214 = arith.constant 0 : i32
      %dma_wait3A_215 = tpu.memref_slice %dma_wait3A_212[%dma_wait3A_213, %dma_wait3A_214] : memref<10240x128xf32, #tpu.memory_space<hbm>> -> memref<10240x128xf32, #tpu.memory_space<hbm>>
      tpu.wait_indirect_dma semaphore(%arg9 : memref<!tpu.dma_semaphore, #tpu.memory_space<semaphore_mem>>) src(%dma_wait3A_215 : memref<10240x128xf32, #tpu.memory_space<hbm>>) dst(%dma_wait3A_205 : memref<128x128xf32, #tpu.memory_space<vmem>>)
      %run_scoped3A_216 = arith.constant 1 : i32
      "tpu.region"() ({
        %run_scoped3A_217 = tpu.sem_alloc : memref<!tpu.dma_semaphore, #tpu.memory_space<semaphore_mem>>
        %dma_start3A_218 = arith.constant 0 : i32
        %dma_start3A_219 = arith.constant 0 : i32
        %dma_start3A_220 = tpu.memref_slice %arg7[%run_scoped3A_216, %dma_start3A_218, %dma_start3A_219] : memref<2x128x128xf32, #tpu.memory_space<vmem>> -> memref<1x128x128xf32, #tpu.memory_space<vmem>>
        %dma_start3A_221 = tpu.memref_squeeze %dma_start3A_220 : memref<1x128x128xf32, #tpu.memory_space<vmem>> -> memref<128x128xf32, #tpu.memory_space<vmem>>
        %dma_start3A_222 = arith.constant 0 : i32
        %dma_start3A_223 = tpu.memref_slice %arg6[%add3A_178, %dma_start3A_222] : memref<48x128xi32, #tpu.memory_space<vmem>> -> memref<1x128xi32, #tpu.memory_space<vmem>>
        %dma_start3A_224 = tpu.memref_squeeze %dma_start3A_223 : memref<1x128xi32, #tpu.memory_space<vmem>> -> memref<128xi32, #tpu.memory_space<vmem>>
        %dma_start3A_225 = arith.constant 0 : i32
        %dma_start3A_226 = arith.constant 0 : i32
        %dma_start3A_227 = tpu.memref_slice %arg10[%dma_start3A_225, %dma_start3A_226] : memref<10240x128xf32, #tpu.memory_space<vmem_shared>> -> memref<10240x128xf32, #tpu.memory_space<vmem_shared>>
        tpu.enqueue_indirect_dma source(%dma_start3A_221 : memref<128x128xf32, #tpu.memory_space<vmem>>) target(%dma_start3A_227 : memref<10240x128xf32, #tpu.memory_space<vmem_shared>>) offsets(%dma_start3A_224 : memref<128xi32, #tpu.memory_space<vmem>>) semaphore(%run_scoped3A_217 : memref<!tpu.dma_semaphore, #tpu.memory_space<semaphore_mem>>) {add = true}
        %dma_wait3A_228 = arith.constant 0 : i32
        %dma_wait3A_229 = arith.constant 0 : i32
        %dma_wait3A_230 = tpu.memref_slice %arg7[%run_scoped3A_216, %dma_wait3A_228, %dma_wait3A_229] : memref<2x128x128xf32, #tpu.memory_space<vmem>> -> memref<1x128x128xf32, #tpu.memory_space<vmem>>
        %dma_wait3A_231 = tpu.memref_squeeze %dma_wait3A_230 : memref<1x128x128xf32, #tpu.memory_space<vmem>> -> memref<128x128xf32, #tpu.memory_space<vmem>>
        %dma_wait3A_232 = arith.constant 0 : i32
        %dma_wait3A_233 = tpu.memref_slice %arg6[%add3A_178, %dma_wait3A_232] : memref<48x128xi32, #tpu.memory_space<vmem>> -> memref<1x128xi32, #tpu.memory_space<vmem>>
        %dma_wait3A_234 = tpu.memref_squeeze %dma_wait3A_233 : memref<1x128xi32, #tpu.memory_space<vmem>> -> memref<128xi32, #tpu.memory_space<vmem>>
        %dma_wait3A_235 = arith.constant 0 : i32
        %dma_wait3A_236 = arith.constant 0 : i32
        %dma_wait3A_237 = tpu.memref_slice %arg10[%dma_wait3A_235, %dma_wait3A_236] : memref<10240x128xf32, #tpu.memory_space<vmem_shared>> -> memref<10240x128xf32, #tpu.memory_space<vmem_shared>>
        tpu.wait_indirect_dma semaphore(%run_scoped3A_217 : memref<!tpu.dma_semaphore, #tpu.memory_space<semaphore_mem>>) src(%dma_wait3A_231 : memref<128x128xf32, #tpu.memory_space<vmem>>) dst(%dma_wait3A_237 : memref<10240x128xf32, #tpu.memory_space<vmem_shared>>)
        tpu.yield
      }) : () -> ()
    }
    %scan3A_41 = arith.constant 20 : i32
    %dma_wait3A = arith.constant 0 : i32
    %dma_wait3A_42 = arith.constant 0 : i32
    %dma_wait3A_43 = arith.constant 0 : i32
    %dma_wait3A_44 = tpu.memref_slice %arg7[%dma_wait3A, %dma_wait3A_42, %dma_wait3A_43] : memref<2x128x128xf32, #tpu.memory_space<vmem>> -> memref<1x128x128xf32, #tpu.memory_space<vmem>>
    %dma_wait3A_45 = tpu.memref_squeeze %dma_wait3A_44 : memref<1x128x128xf32, #tpu.memory_space<vmem>> -> memref<128x128xf32, #tpu.memory_space<vmem>>
    %dma_wait3A_46 = arith.constant 0 : i32
    %dma_wait3A_47 = tpu.memref_slice %arg5[%sub3A_22, %dma_wait3A_46] : memref<48x128xi32, #tpu.memory_space<vmem>> -> memref<1x128xi32, #tpu.memory_space<vmem>>
    %dma_wait3A_48 = tpu.memref_squeeze %dma_wait3A_47 : memref<1x128xi32, #tpu.memory_space<vmem>> -> memref<128xi32, #tpu.memory_space<vmem>>
    %dma_wait3A_49 = arith.constant 0 : i32
    %dma_wait3A_50 = arith.constant 0 : i32
    %dma_wait3A_51 = tpu.memref_slice %arg2[%arg0, %dma_wait3A_49, %dma_wait3A_50] : memref<2x10240x128xf32, #tpu.memory_space<hbm>> -> memref<1x10240x128xf32, #tpu.memory_space<hbm>>
    %dma_wait3A_52 = tpu.memref_squeeze %dma_wait3A_51 : memref<1x10240x128xf32, #tpu.memory_space<hbm>> -> memref<10240x128xf32, #tpu.memory_space<hbm>>
    %dma_wait3A_53 = arith.constant 0 : i32
    %dma_wait3A_54 = arith.constant 0 : i32
    %dma_wait3A_55 = tpu.memref_slice %dma_wait3A_52[%dma_wait3A_53, %dma_wait3A_54] : memref<10240x128xf32, #tpu.memory_space<hbm>> -> memref<10240x128xf32, #tpu.memory_space<hbm>>
    tpu.wait_indirect_dma semaphore(%arg8 : memref<!tpu.dma_semaphore, #tpu.memory_space<semaphore_mem>>) src(%dma_wait3A_55 : memref<10240x128xf32, #tpu.memory_space<hbm>>) dst(%dma_wait3A_45 : memref<128x128xf32, #tpu.memory_space<vmem>>)
    %mul3A_56 = arith.constant 78 : i32
    %mul3A_57 = arith.muli %arg1, %mul3A_56 : i32
    %add3A = arith.constant 40 : i32
    %add3A_58 = arith.addi %mul3A_57, %add3A : i32
    %jit3A_59 = arith.constant 8 : i32
    %div3A_60 = arith.divsi %add3A_58, %jit3A_59 : i32
    %sign3A_61 = arith.constant 0 : i32
    %sign3A_62 = arith.cmpi sgt, %add3A_58, %sign3A_61 : i32
    %sign3A_63 = arith.extui %sign3A_62 : i1 to i32
    %sign3A_64 = arith.constant 0 : i32
    %sign3A_65 = arith.cmpi slt, %add3A_58, %sign3A_64 : i32
    %sign3A_66 = arith.extui %sign3A_65 : i1 to i32
    %sign3A_67 = arith.subi %sign3A_63, %sign3A_66 : i32
    %sign3A_68 = arith.constant 0 : i32
    %sign3A_69 = arith.cmpi sgt, %jit3A_59, %sign3A_68 : i32
    %sign3A_70 = arith.extui %sign3A_69 : i1 to i32
    %sign3A_71 = arith.constant 0 : i32
    %sign3A_72 = arith.cmpi slt, %jit3A_59, %sign3A_71 : i32
    %sign3A_73 = arith.extui %sign3A_72 : i1 to i32
    %sign3A_74 = arith.subi %sign3A_70, %sign3A_73 : i32
    %ne3A_75 = arith.cmpi ne, %sign3A_67, %sign3A_74 : i32
    %rem3A_76 = arith.remsi %add3A_58, %jit3A_59 : i32
    %ne3A_77 = arith.constant 0 : i32
    %ne3A_78 = arith.cmpi ne, %rem3A_76, %ne3A_77 : i32
    %and3A_79 = arith.andi %ne3A_75, %ne3A_78 : i1
    %sub3A_80 = arith.constant 1 : i32
    %sub3A_81 = arith.subi %div3A_60, %sub3A_80 : i32
    %select_n3A_82 = arith.select %and3A_79, %sub3A_81, %div3A_60 : i32
    %mul3A_83 = arith.constant 8 : i32
    %mul3A_84 = arith.muli %select_n3A_82, %mul3A_83 : i32
    %multiple_of3A_85 = tpu.assume_multiple %mul3A_84, 8 : i32
    %sub3A_86 = arith.subi %add3A_58, %multiple_of3A_85 : i32
    %run_scoped3A_87 = arith.constant 0 : i32
    "tpu.region"() ({
      %run_scoped3A_127 = tpu.sem_alloc : memref<!tpu.dma_semaphore, #tpu.memory_space<semaphore_mem>>
      %dma_start3A_128 = arith.constant 0 : i32
      %dma_start3A_129 = tpu.memref_slice %arg3[%run_scoped3A_87, %multiple_of3A_85, %dma_start3A_128] : memref<2x1280x128xi32, #tpu.memory_space<hbm>> -> memref<1x48x128xi32, #tpu.memory_space<hbm>>
      %dma_start3A_130 = tpu.memref_squeeze %dma_start3A_129 : memref<1x48x128xi32, #tpu.memory_space<hbm>> -> memref<48x128xi32, #tpu.memory_space<hbm>>
      %dma_start3A_131 = arith.constant 0 : i32
      %dma_start3A_132 = tpu.memref_slice %arg3[%run_scoped3A_87, %multiple_of3A_85, %dma_start3A_131] : memref<2x1280x128xi32, #tpu.memory_space<hbm>> -> memref<1x48x128xi32, #tpu.memory_space<hbm>>
      %dma_start3A_133 = tpu.memref_squeeze %dma_start3A_132 : memref<1x48x128xi32, #tpu.memory_space<hbm>> -> memref<48x128xi32, #tpu.memory_space<hbm>>
      tpu.enqueue_dma source(%dma_start3A_133 : memref<48x128xi32, #tpu.memory_space<hbm>>) target(%arg5 : memref<48x128xi32, #tpu.memory_space<vmem>>) target_semaphore(%run_scoped3A_127 : memref<!tpu.dma_semaphore, #tpu.memory_space<semaphore_mem>>)
      %dma_wait3A_134 = arith.constant 0 : i32
      %dma_wait3A_135 = tpu.memref_slice %arg3[%run_scoped3A_87, %multiple_of3A_85, %dma_wait3A_134] : memref<2x1280x128xi32, #tpu.memory_space<hbm>> -> memref<1x48x128xi32, #tpu.memory_space<hbm>>
      %dma_wait3A_136 = tpu.memref_squeeze %dma_wait3A_135 : memref<1x48x128xi32, #tpu.memory_space<hbm>> -> memref<48x128xi32, #tpu.memory_space<hbm>>
      %dma_wait3A_137 = arith.constant 0 : i32
      %dma_wait3A_138 = tpu.memref_slice %arg3[%run_scoped3A_87, %multiple_of3A_85, %dma_wait3A_137] : memref<2x1280x128xi32, #tpu.memory_space<hbm>> -> memref<1x48x128xi32, #tpu.memory_space<hbm>>
      %dma_wait3A_139 = tpu.memref_squeeze %dma_wait3A_138 : memref<1x48x128xi32, #tpu.memory_space<hbm>> -> memref<48x128xi32, #tpu.memory_space<hbm>>
      tpu.wait_dma2 semaphore(%run_scoped3A_127 : memref<!tpu.dma_semaphore, #tpu.memory_space<semaphore_mem>>) src(%dma_wait3A_139 : memref<48x128xi32, #tpu.memory_space<hbm>>) dst(%arg5 : memref<48x128xi32, #tpu.memory_space<vmem>>)
      tpu.yield
    }) : () -> ()
    %run_scoped3A_88 = arith.constant 1 : i32
    "tpu.region"() ({
      %run_scoped3A_127 = tpu.sem_alloc : memref<!tpu.dma_semaphore, #tpu.memory_space<semaphore_mem>>
      %dma_start3A_128 = arith.constant 0 : i32
      %dma_start3A_129 = tpu.memref_slice %arg3[%run_scoped3A_88, %multiple_of3A_85, %dma_start3A_128] : memref<2x1280x128xi32, #tpu.memory_space<hbm>> -> memref<1x48x128xi32, #tpu.memory_space<hbm>>
      %dma_start3A_130 = tpu.memref_squeeze %dma_start3A_129 : memref<1x48x128xi32, #tpu.memory_space<hbm>> -> memref<48x128xi32, #tpu.memory_space<hbm>>
      %dma_start3A_131 = arith.constant 0 : i32
      %dma_start3A_132 = tpu.memref_slice %arg3[%run_scoped3A_88, %multiple_of3A_85, %dma_start3A_131] : memref<2x1280x128xi32, #tpu.memory_space<hbm>> -> memref<1x48x128xi32, #tpu.memory_space<hbm>>
      %dma_start3A_133 = tpu.memref_squeeze %dma_start3A_132 : memref<1x48x128xi32, #tpu.memory_space<hbm>> -> memref<48x128xi32, #tpu.memory_space<hbm>>
      tpu.enqueue_dma source(%dma_start3A_133 : memref<48x128xi32, #tpu.memory_space<hbm>>) target(%arg6 : memref<48x128xi32, #tpu.memory_space<vmem>>) target_semaphore(%run_scoped3A_127 : memref<!tpu.dma_semaphore, #tpu.memory_space<semaphore_mem>>)
      %dma_wait3A_134 = arith.constant 0 : i32
      %dma_wait3A_135 = tpu.memref_slice %arg3[%run_scoped3A_88, %multiple_of3A_85, %dma_wait3A_134] : memref<2x1280x128xi32, #tpu.memory_space<hbm>> -> memref<1x48x128xi32, #tpu.memory_space<hbm>>
      %dma_wait3A_136 = tpu.memref_squeeze %dma_wait3A_135 : memref<1x48x128xi32, #tpu.memory_space<hbm>> -> memref<48x128xi32, #tpu.memory_space<hbm>>
      %dma_wait3A_137 = arith.constant 0 : i32
      %dma_wait3A_138 = tpu.memref_slice %arg3[%run_scoped3A_88, %multiple_of3A_85, %dma_wait3A_137] : memref<2x1280x128xi32, #tpu.memory_space<hbm>> -> memref<1x48x128xi32, #tpu.memory_space<hbm>>
      %dma_wait3A_139 = tpu.memref_squeeze %dma_wait3A_138 : memref<1x48x128xi32, #tpu.memory_space<hbm>> -> memref<48x128xi32, #tpu.memory_space<hbm>>
      tpu.wait_dma2 semaphore(%run_scoped3A_127 : memref<!tpu.dma_semaphore, #tpu.memory_space<semaphore_mem>>) src(%dma_wait3A_139 : memref<48x128xi32, #tpu.memory_space<hbm>>) dst(%arg6 : memref<48x128xi32, #tpu.memory_space<vmem>>)
      tpu.yield
    }) : () -> ()
    %dma_start3A_89 = arith.constant 0 : i32
    %dma_start3A_90 = arith.constant 0 : i32
    %dma_start3A_91 = arith.constant 0 : i32
    %dma_start3A_92 = tpu.memref_slice %arg7[%dma_start3A_89, %dma_start3A_90, %dma_start3A_91] : memref<2x128x128xf32, #tpu.memory_space<vmem>> -> memref<1x128x128xf32, #tpu.memory_space<vmem>>
    %dma_start3A_93 = tpu.memref_squeeze %dma_start3A_92 : memref<1x128x128xf32, #tpu.memory_space<vmem>> -> memref<128x128xf32, #tpu.memory_space<vmem>>
    %dma_start3A_94 = arith.constant 0 : i32
    %dma_start3A_95 = tpu.memref_slice %arg5[%sub3A_86, %dma_start3A_94] : memref<48x128xi32, #tpu.memory_space<vmem>> -> memref<1x128xi32, #tpu.memory_space<vmem>>
    %dma_start3A_96 = tpu.memref_squeeze %dma_start3A_95 : memref<1x128xi32, #tpu.memory_space<vmem>> -> memref<128xi32, #tpu.memory_space<vmem>>
    %dma_start3A_97 = arith.constant 0 : i32
    %dma_start3A_98 = arith.constant 0 : i32
    %dma_start3A_99 = tpu.memref_slice %arg2[%arg0, %dma_start3A_97, %dma_start3A_98] : memref<2x10240x128xf32, #tpu.memory_space<hbm>> -> memref<1x10240x128xf32, #tpu.memory_space<hbm>>
    %dma_start3A_100 = tpu.memref_squeeze %dma_start3A_99 : memref<1x10240x128xf32, #tpu.memory_space<hbm>> -> memref<10240x128xf32, #tpu.memory_space<hbm>>
    %dma_start3A_101 = arith.constant 0 : i32
    %dma_start3A_102 = arith.constant 0 : i32
    %dma_start3A_103 = tpu.memref_slice %dma_start3A_100[%dma_start3A_101, %dma_start3A_102] : memref<10240x128xf32, #tpu.memory_space<hbm>> -> memref<10240x128xf32, #tpu.memory_space<hbm>>
    tpu.enqueue_indirect_dma source(%dma_start3A_103 : memref<10240x128xf32, #tpu.memory_space<hbm>>) target(%dma_start3A_93 : memref<128x128xf32, #tpu.memory_space<vmem>>) offsets(%dma_start3A_96 : memref<128xi32, #tpu.memory_space<vmem>>) semaphore(%arg8 : memref<!tpu.dma_semaphore, #tpu.memory_space<semaphore_mem>>)
    %scan3A_104 = arith.constant 0 : i32
    %scan3A_105 = arith.constant 19 : i32
    %scan3A_106 = arith.addi %scan3A_104, %scan3A_105 : i32
    %scan3A_107 = arith.constant 1 : i32
    scf.for %scan3A_127 = %scan3A_104 to %scan3A_106 step %scan3A_107  : i32 {
      %mul3A_128 = arith.constant 1 : i32
      %mul3A_129 = arith.muli %scan3A_127, %mul3A_128 : i32
      %add3A_130 = arith.constant 0 : i32
      %add3A_131 = arith.addi %add3A_130, %mul3A_129 : i32
      %mul3A_132 = arith.constant 2 : i32
      %mul3A_133 = arith.muli %add3A_131, %mul3A_132 : i32
      %add3A_134 = arith.addi %sub3A_86, %mul3A_133 : i32
      %add3A_135 = arith.constant 0 : i32
      %add3A_136 = arith.addi %add3A_134, %add3A_135 : i32
      %add3A_137 = arith.constant 1 : i32
      %add3A_138 = arith.addi %add3A_136, %add3A_137 : i32
      %add3A_139 = arith.constant 38 : i32
      %add3A_140 = arith.addi %sub3A_86, %add3A_139 : i32
      %sub3A_141 = arith.constant 1 : i32
      %sub3A_142 = arith.subi %add3A_140, %sub3A_141 : i32
      %min3A = arith.minsi %add3A_138, %sub3A_142 : i32
      %dma_start3A_143 = arith.constant 1 : i32
      %dma_start3A_144 = arith.constant 0 : i32
      %dma_start3A_145 = arith.constant 0 : i32
      %dma_start3A_146 = tpu.memref_slice %arg7[%dma_start3A_143, %dma_start3A_144, %dma_start3A_145] : memref<2x128x128xf32, #tpu.memory_space<vmem>> -> memref<1x128x128xf32, #tpu.memory_space<vmem>>
      %dma_start3A_147 = tpu.memref_squeeze %dma_start3A_146 : memref<1x128x128xf32, #tpu.memory_space<vmem>> -> memref<128x128xf32, #tpu.memory_space<vmem>>
      %dma_start3A_148 = arith.constant 0 : i32
      %dma_start3A_149 = tpu.memref_slice %arg5[%min3A, %dma_start3A_148] : memref<48x128xi32, #tpu.memory_space<vmem>> -> memref<1x128xi32, #tpu.memory_space<vmem>>
      %dma_start3A_150 = tpu.memref_squeeze %dma_start3A_149 : memref<1x128xi32, #tpu.memory_space<vmem>> -> memref<128xi32, #tpu.memory_space<vmem>>
      %dma_start3A_151 = arith.constant 0 : i32
      %dma_start3A_152 = arith.constant 0 : i32
      %dma_start3A_153 = tpu.memref_slice %arg2[%arg0, %dma_start3A_151, %dma_start3A_152] : memref<2x10240x128xf32, #tpu.memory_space<hbm>> -> memref<1x10240x128xf32, #tpu.memory_space<hbm>>
      %dma_start3A_154 = tpu.memref_squeeze %dma_start3A_153 : memref<1x10240x128xf32, #tpu.memory_space<hbm>> -> memref<10240x128xf32, #tpu.memory_space<hbm>>
      %dma_start3A_155 = arith.constant 0 : i32
      %dma_start3A_156 = arith.constant 0 : i32
      %dma_start3A_157 = tpu.memref_slice %dma_start3A_154[%dma_start3A_155, %dma_start3A_156] : memref<10240x128xf32, #tpu.memory_space<hbm>> -> memref<10240x128xf32, #tpu.memory_space<hbm>>
      tpu.enqueue_indirect_dma source(%dma_start3A_157 : memref<10240x128xf32, #tpu.memory_space<hbm>>) target(%dma_start3A_147 : memref<128x128xf32, #tpu.memory_space<vmem>>) offsets(%dma_start3A_150 : memref<128xi32, #tpu.memory_space<vmem>>) semaphore(%arg9 : memref<!tpu.dma_semaphore, #tpu.memory_space<semaphore_mem>>)
      %dma_wait3A_158 = arith.constant 0 : i32
      %dma_wait3A_159 = arith.constant 0 : i32
      %dma_wait3A_160 = arith.constant 0 : i32
      %dma_wait3A_161 = tpu.memref_slice %arg7[%dma_wait3A_158, %dma_wait3A_159, %dma_wait3A_160] : memref<2x128x128xf32, #tpu.memory_space<vmem>> -> memref<1x128x128xf32, #tpu.memory_space<vmem>>
      %dma_wait3A_162 = tpu.memref_squeeze %dma_wait3A_161 : memref<1x128x128xf32, #tpu.memory_space<vmem>> -> memref<128x128xf32, #tpu.memory_space<vmem>>
      %dma_wait3A_163 = arith.constant 0 : i32
      %dma_wait3A_164 = tpu.memref_slice %arg5[%add3A_136, %dma_wait3A_163] : memref<48x128xi32, #tpu.memory_space<vmem>> -> memref<1x128xi32, #tpu.memory_space<vmem>>
      %dma_wait3A_165 = tpu.memref_squeeze %dma_wait3A_164 : memref<1x128xi32, #tpu.memory_space<vmem>> -> memref<128xi32, #tpu.memory_space<vmem>>
      %dma_wait3A_166 = arith.constant 0 : i32
      %dma_wait3A_167 = arith.constant 0 : i32
      %dma_wait3A_168 = tpu.memref_slice %arg2[%arg0, %dma_wait3A_166, %dma_wait3A_167] : memref<2x10240x128xf32, #tpu.memory_space<hbm>> -> memref<1x10240x128xf32, #tpu.memory_space<hbm>>
      %dma_wait3A_169 = tpu.memref_squeeze %dma_wait3A_168 : memref<1x10240x128xf32, #tpu.memory_space<hbm>> -> memref<10240x128xf32, #tpu.memory_space<hbm>>
      %dma_wait3A_170 = arith.constant 0 : i32
      %dma_wait3A_171 = arith.constant 0 : i32
      %dma_wait3A_172 = tpu.memref_slice %dma_wait3A_169[%dma_wait3A_170, %dma_wait3A_171] : memref<10240x128xf32, #tpu.memory_space<hbm>> -> memref<10240x128xf32, #tpu.memory_space<hbm>>
      tpu.wait_indirect_dma semaphore(%arg8 : memref<!tpu.dma_semaphore, #tpu.memory_space<semaphore_mem>>) src(%dma_wait3A_172 : memref<10240x128xf32, #tpu.memory_space<hbm>>) dst(%dma_wait3A_162 : memref<128x128xf32, #tpu.memory_space<vmem>>)
      %run_scoped3A_173 = arith.constant 0 : i32
      "tpu.region"() ({
        %run_scoped3A_217 = tpu.sem_alloc : memref<!tpu.dma_semaphore, #tpu.memory_space<semaphore_mem>>
        %dma_start3A_218 = arith.constant 0 : i32
        %dma_start3A_219 = arith.constant 0 : i32
        %dma_start3A_220 = tpu.memref_slice %arg7[%run_scoped3A_173, %dma_start3A_218, %dma_start3A_219] : memref<2x128x128xf32, #tpu.memory_space<vmem>> -> memref<1x128x128xf32, #tpu.memory_space<vmem>>
        %dma_start3A_221 = tpu.memref_squeeze %dma_start3A_220 : memref<1x128x128xf32, #tpu.memory_space<vmem>> -> memref<128x128xf32, #tpu.memory_space<vmem>>
        %dma_start3A_222 = arith.constant 0 : i32
        %dma_start3A_223 = tpu.memref_slice %arg6[%add3A_136, %dma_start3A_222] : memref<48x128xi32, #tpu.memory_space<vmem>> -> memref<1x128xi32, #tpu.memory_space<vmem>>
        %dma_start3A_224 = tpu.memref_squeeze %dma_start3A_223 : memref<1x128xi32, #tpu.memory_space<vmem>> -> memref<128xi32, #tpu.memory_space<vmem>>
        %dma_start3A_225 = arith.constant 0 : i32
        %dma_start3A_226 = arith.constant 0 : i32
        %dma_start3A_227 = tpu.memref_slice %arg10[%dma_start3A_225, %dma_start3A_226] : memref<10240x128xf32, #tpu.memory_space<vmem_shared>> -> memref<10240x128xf32, #tpu.memory_space<vmem_shared>>
        tpu.enqueue_indirect_dma source(%dma_start3A_221 : memref<128x128xf32, #tpu.memory_space<vmem>>) target(%dma_start3A_227 : memref<10240x128xf32, #tpu.memory_space<vmem_shared>>) offsets(%dma_start3A_224 : memref<128xi32, #tpu.memory_space<vmem>>) semaphore(%run_scoped3A_217 : memref<!tpu.dma_semaphore, #tpu.memory_space<semaphore_mem>>) {add = true}
        %dma_wait3A_228 = arith.constant 0 : i32
        %dma_wait3A_229 = arith.constant 0 : i32
        %dma_wait3A_230 = tpu.memref_slice %arg7[%run_scoped3A_173, %dma_wait3A_228, %dma_wait3A_229] : memref<2x128x128xf32, #tpu.memory_space<vmem>> -> memref<1x128x128xf32, #tpu.memory_space<vmem>>
        %dma_wait3A_231 = tpu.memref_squeeze %dma_wait3A_230 : memref<1x128x128xf32, #tpu.memory_space<vmem>> -> memref<128x128xf32, #tpu.memory_space<vmem>>
        %dma_wait3A_232 = arith.constant 0 : i32
        %dma_wait3A_233 = tpu.memref_slice %arg6[%add3A_136, %dma_wait3A_232] : memref<48x128xi32, #tpu.memory_space<vmem>> -> memref<1x128xi32, #tpu.memory_space<vmem>>
        %dma_wait3A_234 = tpu.memref_squeeze %dma_wait3A_233 : memref<1x128xi32, #tpu.memory_space<vmem>> -> memref<128xi32, #tpu.memory_space<vmem>>
        %dma_wait3A_235 = arith.constant 0 : i32
        %dma_wait3A_236 = arith.constant 0 : i32
        %dma_wait3A_237 = tpu.memref_slice %arg10[%dma_wait3A_235, %dma_wait3A_236] : memref<10240x128xf32, #tpu.memory_space<vmem_shared>> -> memref<10240x128xf32, #tpu.memory_space<vmem_shared>>
        tpu.wait_indirect_dma semaphore(%run_scoped3A_217 : memref<!tpu.dma_semaphore, #tpu.memory_space<semaphore_mem>>) src(%dma_wait3A_231 : memref<128x128xf32, #tpu.memory_space<vmem>>) dst(%dma_wait3A_237 : memref<10240x128xf32, #tpu.memory_space<vmem_shared>>)
        tpu.yield
      }) : () -> ()
      %mul3A_174 = arith.constant 2 : i32
      %mul3A_175 = arith.muli %add3A_131, %mul3A_174 : i32
      %add3A_176 = arith.addi %sub3A_86, %mul3A_175 : i32
      %add3A_177 = arith.constant 1 : i32
      %add3A_178 = arith.addi %add3A_176, %add3A_177 : i32
      %add3A_179 = arith.constant 1 : i32
      %add3A_180 = arith.addi %add3A_178, %add3A_179 : i32
      %add3A_181 = arith.constant 38 : i32
      %add3A_182 = arith.addi %sub3A_86, %add3A_181 : i32
      %sub3A_183 = arith.constant 1 : i32
      %sub3A_184 = arith.subi %add3A_182, %sub3A_183 : i32
      %min3A_185 = arith.minsi %add3A_180, %sub3A_184 : i32
      %dma_start3A_186 = arith.constant 0 : i32
      %dma_start3A_187 = arith.constant 0 : i32
      %dma_start3A_188 = arith.constant 0 : i32
      %dma_start3A_189 = tpu.memref_slice %arg7[%dma_start3A_186, %dma_start3A_187, %dma_start3A_188] : memref<2x128x128xf32, #tpu.memory_space<vmem>> -> memref<1x128x128xf32, #tpu.memory_space<vmem>>
      %dma_start3A_190 = tpu.memref_squeeze %dma_start3A_189 : memref<1x128x128xf32, #tpu.memory_space<vmem>> -> memref<128x128xf32, #tpu.memory_space<vmem>>
      %dma_start3A_191 = arith.constant 0 : i32
      %dma_start3A_192 = tpu.memref_slice %arg5[%min3A_185, %dma_start3A_191] : memref<48x128xi32, #tpu.memory_space<vmem>> -> memref<1x128xi32, #tpu.memory_space<vmem>>
      %dma_start3A_193 = tpu.memref_squeeze %dma_start3A_192 : memref<1x128xi32, #tpu.memory_space<vmem>> -> memref<128xi32, #tpu.memory_space<vmem>>
      %dma_start3A_194 = arith.constant 0 : i32
      %dma_start3A_195 = arith.constant 0 : i32
      %dma_start3A_196 = tpu.memref_slice %arg2[%arg0, %dma_start3A_194, %dma_start3A_195] : memref<2x10240x128xf32, #tpu.memory_space<hbm>> -> memref<1x10240x128xf32, #tpu.memory_space<hbm>>
      %dma_start3A_197 = tpu.memref_squeeze %dma_start3A_196 : memref<1x10240x128xf32, #tpu.memory_space<hbm>> -> memref<10240x128xf32, #tpu.memory_space<hbm>>
      %dma_start3A_198 = arith.constant 0 : i32
      %dma_start3A_199 = arith.constant 0 : i32
      %dma_start3A_200 = tpu.memref_slice %dma_start3A_197[%dma_start3A_198, %dma_start3A_199] : memref<10240x128xf32, #tpu.memory_space<hbm>> -> memref<10240x128xf32, #tpu.memory_space<hbm>>
      tpu.enqueue_indirect_dma source(%dma_start3A_200 : memref<10240x128xf32, #tpu.memory_space<hbm>>) target(%dma_start3A_190 : memref<128x128xf32, #tpu.memory_space<vmem>>) offsets(%dma_start3A_193 : memref<128xi32, #tpu.memory_space<vmem>>) semaphore(%arg8 : memref<!tpu.dma_semaphore, #tpu.memory_space<semaphore_mem>>)
      %dma_wait3A_201 = arith.constant 1 : i32
      %dma_wait3A_202 = arith.constant 0 : i32
      %dma_wait3A_203 = arith.constant 0 : i32
      %dma_wait3A_204 = tpu.memref_slice %arg7[%dma_wait3A_201, %dma_wait3A_202, %dma_wait3A_203] : memref<2x128x128xf32, #tpu.memory_space<vmem>> -> memref<1x128x128xf32, #tpu.memory_space<vmem>>
      %dma_wait3A_205 = tpu.memref_squeeze %dma_wait3A_204 : memref<1x128x128xf32, #tpu.memory_space<vmem>> -> memref<128x128xf32, #tpu.memory_space<vmem>>
      %dma_wait3A_206 = arith.constant 0 : i32
      %dma_wait3A_207 = tpu.memref_slice %arg5[%add3A_178, %dma_wait3A_206] : memref<48x128xi32, #tpu.memory_space<vmem>> -> memref<1x128xi32, #tpu.memory_space<vmem>>
      %dma_wait3A_208 = tpu.memref_squeeze %dma_wait3A_207 : memref<1x128xi32, #tpu.memory_space<vmem>> -> memref<128xi32, #tpu.memory_space<vmem>>
      %dma_wait3A_209 = arith.constant 0 : i32
      %dma_wait3A_210 = arith.constant 0 : i32
      %dma_wait3A_211 = tpu.memref_slice %arg2[%arg0, %dma_wait3A_209, %dma_wait3A_210] : memref<2x10240x128xf32, #tpu.memory_space<hbm>> -> memref<1x10240x128xf32, #tpu.memory_space<hbm>>
      %dma_wait3A_212 = tpu.memref_squeeze %dma_wait3A_211 : memref<1x10240x128xf32, #tpu.memory_space<hbm>> -> memref<10240x128xf32, #tpu.memory_space<hbm>>
      %dma_wait3A_213 = arith.constant 0 : i32
      %dma_wait3A_214 = arith.constant 0 : i32
      %dma_wait3A_215 = tpu.memref_slice %dma_wait3A_212[%dma_wait3A_213, %dma_wait3A_214] : memref<10240x128xf32, #tpu.memory_space<hbm>> -> memref<10240x128xf32, #tpu.memory_space<hbm>>
      tpu.wait_indirect_dma semaphore(%arg9 : memref<!tpu.dma_semaphore, #tpu.memory_space<semaphore_mem>>) src(%dma_wait3A_215 : memref<10240x128xf32, #tpu.memory_space<hbm>>) dst(%dma_wait3A_205 : memref<128x128xf32, #tpu.memory_space<vmem>>)
      %run_scoped3A_216 = arith.constant 1 : i32
      "tpu.region"() ({
        %run_scoped3A_217 = tpu.sem_alloc : memref<!tpu.dma_semaphore, #tpu.memory_space<semaphore_mem>>
        %dma_start3A_218 = arith.constant 0 : i32
        %dma_start3A_219 = arith.constant 0 : i32
        %dma_start3A_220 = tpu.memref_slice %arg7[%run_scoped3A_216, %dma_start3A_218, %dma_start3A_219] : memref<2x128x128xf32, #tpu.memory_space<vmem>> -> memref<1x128x128xf32, #tpu.memory_space<vmem>>
        %dma_start3A_221 = tpu.memref_squeeze %dma_start3A_220 : memref<1x128x128xf32, #tpu.memory_space<vmem>> -> memref<128x128xf32, #tpu.memory_space<vmem>>
        %dma_start3A_222 = arith.constant 0 : i32
        %dma_start3A_223 = tpu.memref_slice %arg6[%add3A_178, %dma_start3A_222] : memref<48x128xi32, #tpu.memory_space<vmem>> -> memref<1x128xi32, #tpu.memory_space<vmem>>
        %dma_start3A_224 = tpu.memref_squeeze %dma_start3A_223 : memref<1x128xi32, #tpu.memory_space<vmem>> -> memref<128xi32, #tpu.memory_space<vmem>>
        %dma_start3A_225 = arith.constant 0 : i32
        %dma_start3A_226 = arith.constant 0 : i32
        %dma_start3A_227 = tpu.memref_slice %arg10[%dma_start3A_225, %dma_start3A_226] : memref<10240x128xf32, #tpu.memory_space<vmem_shared>> -> memref<10240x128xf32, #tpu.memory_space<vmem_shared>>
        tpu.enqueue_indirect_dma source(%dma_start3A_221 : memref<128x128xf32, #tpu.memory_space<vmem>>) target(%dma_start3A_227 : memref<10240x128xf32, #tpu.memory_space<vmem_shared>>) offsets(%dma_start3A_224 : memref<128xi32, #tpu.memory_space<vmem>>) semaphore(%run_scoped3A_217 : memref<!tpu.dma_semaphore, #tpu.memory_space<semaphore_mem>>) {add = true}
        %dma_wait3A_228 = arith.constant 0 : i32
        %dma_wait3A_229 = arith.constant 0 : i32
        %dma_wait3A_230 = tpu.memref_slice %arg7[%run_scoped3A_216, %dma_wait3A_228, %dma_wait3A_229] : memref<2x128x128xf32, #tpu.memory_space<vmem>> -> memref<1x128x128xf32, #tpu.memory_space<vmem>>
        %dma_wait3A_231 = tpu.memref_squeeze %dma_wait3A_230 : memref<1x128x128xf32, #tpu.memory_space<vmem>> -> memref<128x128xf32, #tpu.memory_space<vmem>>
        %dma_wait3A_232 = arith.constant 0 : i32
        %dma_wait3A_233 = tpu.memref_slice %arg6[%add3A_178, %dma_wait3A_232] : memref<48x128xi32, #tpu.memory_space<vmem>> -> memref<1x128xi32, #tpu.memory_space<vmem>>
        %dma_wait3A_234 = tpu.memref_squeeze %dma_wait3A_233 : memref<1x128xi32, #tpu.memory_space<vmem>> -> memref<128xi32, #tpu.memory_space<vmem>>
        %dma_wait3A_235 = arith.constant 0 : i32
        %dma_wait3A_236 = arith.constant 0 : i32
        %dma_wait3A_237 = tpu.memref_slice %arg10[%dma_wait3A_235, %dma_wait3A_236] : memref<10240x128xf32, #tpu.memory_space<vmem_shared>> -> memref<10240x128xf32, #tpu.memory_space<vmem_shared>>
        tpu.wait_indirect_dma semaphore(%run_scoped3A_217 : memref<!tpu.dma_semaphore, #tpu.memory_space<semaphore_mem>>) src(%dma_wait3A_231 : memref<128x128xf32, #tpu.memory_space<vmem>>) dst(%dma_wait3A_237 : memref<10240x128xf32, #tpu.memory_space<vmem_shared>>)
        tpu.yield
      }) : () -> ()
    }
    %scan3A_108 = arith.constant 19 : i32
    %dma_wait3A_109 = arith.constant 0 : i32
    %dma_wait3A_110 = arith.constant 0 : i32
    %dma_wait3A_111 = arith.constant 0 : i32
    %dma_wait3A_112 = tpu.memref_slice %arg7[%dma_wait3A_109, %dma_wait3A_110, %dma_wait3A_111] : memref<2x128x128xf32, #tpu.memory_space<vmem>> -> memref<1x128x128xf32, #tpu.memory_space<vmem>>
    %dma_wait3A_113 = tpu.memref_squeeze %dma_wait3A_112 : memref<1x128x128xf32, #tpu.memory_space<vmem>> -> memref<128x128xf32, #tpu.memory_space<vmem>>
    %dma_wait3A_114 = arith.constant 0 : i32
    %dma_wait3A_115 = tpu.memref_slice %arg5[%sub3A_86, %dma_wait3A_114] : memref<48x128xi32, #tpu.memory_space<vmem>> -> memref<1x128xi32, #tpu.memory_space<vmem>>
    %dma_wait3A_116 = tpu.memref_squeeze %dma_wait3A_115 : memref<1x128xi32, #tpu.memory_space<vmem>> -> memref<128xi32, #tpu.memory_space<vmem>>
    %dma_wait3A_117 = arith.constant 0 : i32
    %dma_wait3A_118 = arith.constant 0 : i32
    %dma_wait3A_119 = tpu.memref_slice %arg2[%arg0, %dma_wait3A_117, %dma_wait3A_118] : memref<2x10240x128xf32, #tpu.memory_space<hbm>> -> memref<1x10240x128xf32, #tpu.memory_space<hbm>>
    %dma_wait3A_120 = tpu.memref_squeeze %dma_wait3A_119 : memref<1x10240x128xf32, #tpu.memory_space<hbm>> -> memref<10240x128xf32, #tpu.memory_space<hbm>>
    %dma_wait3A_121 = arith.constant 0 : i32
    %dma_wait3A_122 = arith.constant 0 : i32
    %dma_wait3A_123 = tpu.memref_slice %dma_wait3A_120[%dma_wait3A_121, %dma_wait3A_122] : memref<10240x128xf32, #tpu.memory_space<hbm>> -> memref<10240x128xf32, #tpu.memory_space<hbm>>
    tpu.wait_indirect_dma semaphore(%arg8 : memref<!tpu.dma_semaphore, #tpu.memory_space<semaphore_mem>>) src(%dma_wait3A_123 : memref<10240x128xf32, #tpu.memory_space<hbm>>) dst(%dma_wait3A_113 : memref<128x128xf32, #tpu.memory_space<vmem>>)
    %lt3A = arith.constant 2 : i32
    %lt3A_124 = arith.cmpi slt, %arg1, %lt3A : i32
    %convert_element_type3A = arith.extui %lt3A_124 : i1 to i32
    %cond3A = arith.constant 0 : i32
    %cond3A_125 = arith.cmpi ne, %convert_element_type3A, %cond3A : i32
    scf.if %cond3A_125 {
      %run_scoped3A_127 = arith.constant 0 : i32
      "tpu.region"() ({
        %run_scoped3A_160 = tpu.sem_alloc : memref<!tpu.dma_semaphore, #tpu.memory_space<semaphore_mem>>
        %dma_start3A_161 = arith.constant 0 : i32
        %dma_start3A_162 = arith.constant 0 : i32
        %dma_start3A_163 = tpu.memref_slice %arg5[%dma_start3A_161, %dma_start3A_162] : memref<48x128xi32, #tpu.memory_space<vmem>> -> memref<8x128xi32, #tpu.memory_space<vmem>>
        %dma_start3A_164 = arith.constant 1248 : i32
        %dma_start3A_165 = arith.constant 0 : i32
        %dma_start3A_166 = tpu.memref_slice %arg3[%run_scoped3A_127, %dma_start3A_164, %dma_start3A_165] : memref<2x1280x128xi32, #tpu.memory_space<hbm>> -> memref<1x8x128xi32, #tpu.memory_space<hbm>>
        %dma_start3A_167 = tpu.memref_squeeze %dma_start3A_166 : memref<1x8x128xi32, #tpu.memory_space<hbm>> -> memref<8x128xi32, #tpu.memory_space<hbm>>
        %dma_start3A_168 = arith.constant 0 : i32
        %dma_start3A_169 = arith.constant 0 : i32
        %dma_start3A_170 = tpu.memref_slice %arg5[%dma_start3A_168, %dma_start3A_169] : memref<48x128xi32, #tpu.memory_space<vmem>> -> memref<8x128xi32, #tpu.memory_space<vmem>>
        %dma_start3A_171 = arith.constant 1248 : i32
        %dma_start3A_172 = arith.constant 0 : i32
        %dma_start3A_173 = tpu.memref_slice %arg3[%run_scoped3A_127, %dma_start3A_171, %dma_start3A_172] : memref<2x1280x128xi32, #tpu.memory_space<hbm>> -> memref<1x8x128xi32, #tpu.memory_space<hbm>>
        %dma_start3A_174 = tpu.memref_squeeze %dma_start3A_173 : memref<1x8x128xi32, #tpu.memory_space<hbm>> -> memref<8x128xi32, #tpu.memory_space<hbm>>
        tpu.enqueue_dma source(%dma_start3A_174 : memref<8x128xi32, #tpu.memory_space<hbm>>) target(%dma_start3A_170 : memref<8x128xi32, #tpu.memory_space<vmem>>) target_semaphore(%run_scoped3A_160 : memref<!tpu.dma_semaphore, #tpu.memory_space<semaphore_mem>>)
        %dma_wait3A_175 = arith.constant 0 : i32
        %dma_wait3A_176 = arith.constant 0 : i32
        %dma_wait3A_177 = tpu.memref_slice %arg5[%dma_wait3A_175, %dma_wait3A_176] : memref<48x128xi32, #tpu.memory_space<vmem>> -> memref<8x128xi32, #tpu.memory_space<vmem>>
        %dma_wait3A_178 = arith.constant 1248 : i32
        %dma_wait3A_179 = arith.constant 0 : i32
        %dma_wait3A_180 = tpu.memref_slice %arg3[%run_scoped3A_127, %dma_wait3A_178, %dma_wait3A_179] : memref<2x1280x128xi32, #tpu.memory_space<hbm>> -> memref<1x8x128xi32, #tpu.memory_space<hbm>>
        %dma_wait3A_181 = tpu.memref_squeeze %dma_wait3A_180 : memref<1x8x128xi32, #tpu.memory_space<hbm>> -> memref<8x128xi32, #tpu.memory_space<hbm>>
        %dma_wait3A_182 = arith.constant 0 : i32
        %dma_wait3A_183 = arith.constant 0 : i32
        %dma_wait3A_184 = tpu.memref_slice %arg5[%dma_wait3A_182, %dma_wait3A_183] : memref<48x128xi32, #tpu.memory_space<vmem>> -> memref<8x128xi32, #tpu.memory_space<vmem>>
        %dma_wait3A_185 = arith.constant 1248 : i32
        %dma_wait3A_186 = arith.constant 0 : i32
        %dma_wait3A_187 = tpu.memref_slice %arg3[%run_scoped3A_127, %dma_wait3A_185, %dma_wait3A_186] : memref<2x1280x128xi32, #tpu.memory_space<hbm>> -> memref<1x8x128xi32, #tpu.memory_space<hbm>>
        %dma_wait3A_188 = tpu.memref_squeeze %dma_wait3A_187 : memref<1x8x128xi32, #tpu.memory_space<hbm>> -> memref<8x128xi32, #tpu.memory_space<hbm>>
        tpu.wait_dma2 semaphore(%run_scoped3A_160 : memref<!tpu.dma_semaphore, #tpu.memory_space<semaphore_mem>>) src(%dma_wait3A_188 : memref<8x128xi32, #tpu.memory_space<hbm>>) dst(%dma_wait3A_184 : memref<8x128xi32, #tpu.memory_space<vmem>>)
        tpu.yield
      }) : () -> ()
      %run_scoped3A_128 = arith.constant 1 : i32
      "tpu.region"() ({
        %run_scoped3A_160 = tpu.sem_alloc : memref<!tpu.dma_semaphore, #tpu.memory_space<semaphore_mem>>
        %dma_start3A_161 = arith.constant 0 : i32
        %dma_start3A_162 = arith.constant 0 : i32
        %dma_start3A_163 = tpu.memref_slice %arg6[%dma_start3A_161, %dma_start3A_162] : memref<48x128xi32, #tpu.memory_space<vmem>> -> memref<8x128xi32, #tpu.memory_space<vmem>>
        %dma_start3A_164 = arith.constant 1248 : i32
        %dma_start3A_165 = arith.constant 0 : i32
        %dma_start3A_166 = tpu.memref_slice %arg3[%run_scoped3A_128, %dma_start3A_164, %dma_start3A_165] : memref<2x1280x128xi32, #tpu.memory_space<hbm>> -> memref<1x8x128xi32, #tpu.memory_space<hbm>>
        %dma_start3A_167 = tpu.memref_squeeze %dma_start3A_166 : memref<1x8x128xi32, #tpu.memory_space<hbm>> -> memref<8x128xi32, #tpu.memory_space<hbm>>
        %dma_start3A_168 = arith.constant 0 : i32
        %dma_start3A_169 = arith.constant 0 : i32
        %dma_start3A_170 = tpu.memref_slice %arg6[%dma_start3A_168, %dma_start3A_169] : memref<48x128xi32, #tpu.memory_space<vmem>> -> memref<8x128xi32, #tpu.memory_space<vmem>>
        %dma_start3A_171 = arith.constant 1248 : i32
        %dma_start3A_172 = arith.constant 0 : i32
        %dma_start3A_173 = tpu.memref_slice %arg3[%run_scoped3A_128, %dma_start3A_171, %dma_start3A_172] : memref<2x1280x128xi32, #tpu.memory_space<hbm>> -> memref<1x8x128xi32, #tpu.memory_space<hbm>>
        %dma_start3A_174 = tpu.memref_squeeze %dma_start3A_173 : memref<1x8x128xi32, #tpu.memory_space<hbm>> -> memref<8x128xi32, #tpu.memory_space<hbm>>
        tpu.enqueue_dma source(%dma_start3A_174 : memref<8x128xi32, #tpu.memory_space<hbm>>) target(%dma_start3A_170 : memref<8x128xi32, #tpu.memory_space<vmem>>) target_semaphore(%run_scoped3A_160 : memref<!tpu.dma_semaphore, #tpu.memory_space<semaphore_mem>>)
        %dma_wait3A_175 = arith.constant 0 : i32
        %dma_wait3A_176 = arith.constant 0 : i32
        %dma_wait3A_177 = tpu.memref_slice %arg6[%dma_wait3A_175, %dma_wait3A_176] : memref<48x128xi32, #tpu.memory_space<vmem>> -> memref<8x128xi32, #tpu.memory_space<vmem>>
        %dma_wait3A_178 = arith.constant 1248 : i32
        %dma_wait3A_179 = arith.constant 0 : i32
        %dma_wait3A_180 = tpu.memref_slice %arg3[%run_scoped3A_128, %dma_wait3A_178, %dma_wait3A_179] : memref<2x1280x128xi32, #tpu.memory_space<hbm>> -> memref<1x8x128xi32, #tpu.memory_space<hbm>>
        %dma_wait3A_181 = tpu.memref_squeeze %dma_wait3A_180 : memref<1x8x128xi32, #tpu.memory_space<hbm>> -> memref<8x128xi32, #tpu.memory_space<hbm>>
        %dma_wait3A_182 = arith.constant 0 : i32
        %dma_wait3A_183 = arith.constant 0 : i32
        %dma_wait3A_184 = tpu.memref_slice %arg6[%dma_wait3A_182, %dma_wait3A_183] : memref<48x128xi32, #tpu.memory_space<vmem>> -> memref<8x128xi32, #tpu.memory_space<vmem>>
        %dma_wait3A_185 = arith.constant 1248 : i32
        %dma_wait3A_186 = arith.constant 0 : i32
        %dma_wait3A_187 = tpu.memref_slice %arg3[%run_scoped3A_128, %dma_wait3A_185, %dma_wait3A_186] : memref<2x1280x128xi32, #tpu.memory_space<hbm>> -> memref<1x8x128xi32, #tpu.memory_space<hbm>>
        %dma_wait3A_188 = tpu.memref_squeeze %dma_wait3A_187 : memref<1x8x128xi32, #tpu.memory_space<hbm>> -> memref<8x128xi32, #tpu.memory_space<hbm>>
        tpu.wait_dma2 semaphore(%run_scoped3A_160 : memref<!tpu.dma_semaphore, #tpu.memory_space<semaphore_mem>>) src(%dma_wait3A_188 : memref<8x128xi32, #tpu.memory_space<hbm>>) dst(%dma_wait3A_184 : memref<8x128xi32, #tpu.memory_space<vmem>>)
        tpu.yield
      }) : () -> ()
      %dma_start3A_129 = arith.constant 0 : i32
      %dma_start3A_130 = arith.constant 0 : i32
      %dma_start3A_131 = arith.constant 0 : i32
      %dma_start3A_132 = tpu.memref_slice %arg7[%dma_start3A_129, %dma_start3A_130, %dma_start3A_131] : memref<2x128x128xf32, #tpu.memory_space<vmem>> -> memref<1x128x128xf32, #tpu.memory_space<vmem>>
      %dma_start3A_133 = tpu.memref_squeeze %dma_start3A_132 : memref<1x128x128xf32, #tpu.memory_space<vmem>> -> memref<128x128xf32, #tpu.memory_space<vmem>>
      %dma_start3A_134 = arith.constant 0 : i32
      %dma_start3A_135 = tpu.memref_slice %arg5[%arg1, %dma_start3A_134] : memref<48x128xi32, #tpu.memory_space<vmem>> -> memref<1x128xi32, #tpu.memory_space<vmem>>
      %dma_start3A_136 = tpu.memref_squeeze %dma_start3A_135 : memref<1x128xi32, #tpu.memory_space<vmem>> -> memref<128xi32, #tpu.memory_space<vmem>>
      %dma_start3A_137 = arith.constant 0 : i32
      %dma_start3A_138 = arith.constant 0 : i32
      %dma_start3A_139 = tpu.memref_slice %arg2[%arg0, %dma_start3A_137, %dma_start3A_138] : memref<2x10240x128xf32, #tpu.memory_space<hbm>> -> memref<1x10240x128xf32, #tpu.memory_space<hbm>>
      %dma_start3A_140 = tpu.memref_squeeze %dma_start3A_139 : memref<1x10240x128xf32, #tpu.memory_space<hbm>> -> memref<10240x128xf32, #tpu.memory_space<hbm>>
      %dma_start3A_141 = arith.constant 0 : i32
      %dma_start3A_142 = arith.constant 0 : i32
      %dma_start3A_143 = tpu.memref_slice %dma_start3A_140[%dma_start3A_141, %dma_start3A_142] : memref<10240x128xf32, #tpu.memory_space<hbm>> -> memref<10240x128xf32, #tpu.memory_space<hbm>>
      tpu.enqueue_indirect_dma source(%dma_start3A_143 : memref<10240x128xf32, #tpu.memory_space<hbm>>) target(%dma_start3A_133 : memref<128x128xf32, #tpu.memory_space<vmem>>) offsets(%dma_start3A_136 : memref<128xi32, #tpu.memory_space<vmem>>) semaphore(%arg8 : memref<!tpu.dma_semaphore, #tpu.memory_space<semaphore_mem>>)
      %dma_wait3A_144 = arith.constant 0 : i32
      %dma_wait3A_145 = arith.constant 0 : i32
      %dma_wait3A_146 = arith.constant 0 : i32
      %dma_wait3A_147 = tpu.memref_slice %arg7[%dma_wait3A_144, %dma_wait3A_145, %dma_wait3A_146] : memref<2x128x128xf32, #tpu.memory_space<vmem>> -> memref<1x128x128xf32, #tpu.memory_space<vmem>>
      %dma_wait3A_148 = tpu.memref_squeeze %dma_wait3A_147 : memref<1x128x128xf32, #tpu.memory_space<vmem>> -> memref<128x128xf32, #tpu.memory_space<vmem>>
      %dma_wait3A_149 = arith.constant 0 : i32
      %dma_wait3A_150 = tpu.memref_slice %arg5[%arg1, %dma_wait3A_149] : memref<48x128xi32, #tpu.memory_space<vmem>> -> memref<1x128xi32, #tpu.memory_space<vmem>>
      %dma_wait3A_151 = tpu.memref_squeeze %dma_wait3A_150 : memref<1x128xi32, #tpu.memory_space<vmem>> -> memref<128xi32, #tpu.memory_space<vmem>>
      %dma_wait3A_152 = arith.constant 0 : i32
      %dma_wait3A_153 = arith.constant 0 : i32
      %dma_wait3A_154 = tpu.memref_slice %arg2[%arg0, %dma_wait3A_152, %dma_wait3A_153] : memref<2x10240x128xf32, #tpu.memory_space<hbm>> -> memref<1x10240x128xf32, #tpu.memory_space<hbm>>
      %dma_wait3A_155 = tpu.memref_squeeze %dma_wait3A_154 : memref<1x10240x128xf32, #tpu.memory_space<hbm>> -> memref<10240x128xf32, #tpu.memory_space<hbm>>
      %dma_wait3A_156 = arith.constant 0 : i32
      %dma_wait3A_157 = arith.constant 0 : i32
      %dma_wait3A_158 = tpu.memref_slice %dma_wait3A_155[%dma_wait3A_156, %dma_wait3A_157] : memref<10240x128xf32, #tpu.memory_space<hbm>> -> memref<10240x128xf32, #tpu.memory_space<hbm>>
      tpu.wait_indirect_dma semaphore(%arg8 : memref<!tpu.dma_semaphore, #tpu.memory_space<semaphore_mem>>) src(%dma_wait3A_158 : memref<10240x128xf32, #tpu.memory_space<hbm>>) dst(%dma_wait3A_148 : memref<128x128xf32, #tpu.memory_space<vmem>>)
      %run_scoped3A_159 = arith.constant 0 : i32
      "tpu.region"() ({
        %run_scoped3A_160 = tpu.sem_alloc : memref<!tpu.dma_semaphore, #tpu.memory_space<semaphore_mem>>
        %dma_start3A_161 = arith.constant 0 : i32
        %dma_start3A_162 = arith.constant 0 : i32
        %dma_start3A_163 = tpu.memref_slice %arg7[%run_scoped3A_159, %dma_start3A_161, %dma_start3A_162] : memref<2x128x128xf32, #tpu.memory_space<vmem>> -> memref<1x128x128xf32, #tpu.memory_space<vmem>>
        %dma_start3A_164 = tpu.memref_squeeze %dma_start3A_163 : memref<1x128x128xf32, #tpu.memory_space<vmem>> -> memref<128x128xf32, #tpu.memory_space<vmem>>
        %dma_start3A_165 = arith.constant 0 : i32
        %dma_start3A_166 = tpu.memref_slice %arg6[%arg1, %dma_start3A_165] : memref<48x128xi32, #tpu.memory_space<vmem>> -> memref<1x128xi32, #tpu.memory_space<vmem>>
        %dma_start3A_167 = tpu.memref_squeeze %dma_start3A_166 : memref<1x128xi32, #tpu.memory_space<vmem>> -> memref<128xi32, #tpu.memory_space<vmem>>
        %dma_start3A_168 = arith.constant 0 : i32
        %dma_start3A_169 = arith.constant 0 : i32
        %dma_start3A_170 = tpu.memref_slice %arg10[%dma_start3A_168, %dma_start3A_169] : memref<10240x128xf32, #tpu.memory_space<vmem_shared>> -> memref<10240x128xf32, #tpu.memory_space<vmem_shared>>
        tpu.enqueue_indirect_dma source(%dma_start3A_164 : memref<128x128xf32, #tpu.memory_space<vmem>>) target(%dma_start3A_170 : memref<10240x128xf32, #tpu.memory_space<vmem_shared>>) offsets(%dma_start3A_167 : memref<128xi32, #tpu.memory_space<vmem>>) semaphore(%run_scoped3A_160 : memref<!tpu.dma_semaphore, #tpu.memory_space<semaphore_mem>>) {add = true}
        %dma_wait3A_171 = arith.constant 0 : i32
        %dma_wait3A_172 = arith.constant 0 : i32
        %dma_wait3A_173 = tpu.memref_slice %arg7[%run_scoped3A_159, %dma_wait3A_171, %dma_wait3A_172] : memref<2x128x128xf32, #tpu.memory_space<vmem>> -> memref<1x128x128xf32, #tpu.memory_space<vmem>>
        %dma_wait3A_174 = tpu.memref_squeeze %dma_wait3A_173 : memref<1x128x128xf32, #tpu.memory_space<vmem>> -> memref<128x128xf32, #tpu.memory_space<vmem>>
        %dma_wait3A_175 = arith.constant 0 : i32
        %dma_wait3A_176 = tpu.memref_slice %arg6[%arg1, %dma_wait3A_175] : memref<48x128xi32, #tpu.memory_space<vmem>> -> memref<1x128xi32, #tpu.memory_space<vmem>>
        %dma_wait3A_177 = tpu.memref_squeeze %dma_wait3A_176 : memref<1x128xi32, #tpu.memory_space<vmem>> -> memref<128xi32, #tpu.memory_space<vmem>>
        %dma_wait3A_178 = arith.constant 0 : i32
        %dma_wait3A_179 = arith.constant 0 : i32
        %dma_wait3A_180 = tpu.memref_slice %arg10[%dma_wait3A_178, %dma_wait3A_179] : memref<10240x128xf32, #tpu.memory_space<vmem_shared>> -> memref<10240x128xf32, #tpu.memory_space<vmem_shared>>
        tpu.wait_indirect_dma semaphore(%run_scoped3A_160 : memref<!tpu.dma_semaphore, #tpu.memory_space<semaphore_mem>>) src(%dma_wait3A_174 : memref<128x128xf32, #tpu.memory_space<vmem>>) dst(%dma_wait3A_180 : memref<10240x128xf32, #tpu.memory_space<vmem_shared>>)
        tpu.yield
      }) : () -> ()
    } else {
    }
    %barrier3A_126 = arith.constant 0 : index
    tpu.barrier barrier_id(%barrier3A_126)
    "tpu.region"() ({
      %run_scoped3A_127 = tpu.sem_alloc : memref<!tpu.dma_semaphore, #tpu.memory_space<semaphore_mem>>
      %dma_start3A_128 = arith.constant 0 : i32
      %dma_start3A_129 = tpu.memref_slice %arg4[%arg0, %multiple_of3A, %dma_start3A_128] : memref<2x10240x128xf32, #tpu.memory_space<hbm>> -> memref<1x640x128xf32, #tpu.memory_space<hbm>>
      %dma_start3A_130 = tpu.memref_squeeze %dma_start3A_129 : memref<1x640x128xf32, #tpu.memory_space<hbm>> -> memref<640x128xf32, #tpu.memory_space<hbm>>
      %dma_start3A_131 = arith.constant 0 : i32
      %dma_start3A_132 = tpu.memref_slice %arg10[%multiple_of3A, %dma_start3A_131] : memref<10240x128xf32, #tpu.memory_space<vmem_shared>> -> memref<640x128xf32, #tpu.memory_space<vmem_shared>>
      tpu.enqueue_dma source(%dma_start3A_132 : memref<640x128xf32, #tpu.memory_space<vmem_shared>>) target(%dma_start3A_130 : memref<640x128xf32, #tpu.memory_space<hbm>>) target_semaphore(%run_scoped3A_127 : memref<!tpu.dma_semaphore, #tpu.memory_space<semaphore_mem>>)
      %dma_wait3A_133 = arith.constant 0 : i32
      %dma_wait3A_134 = tpu.memref_slice %arg4[%arg0, %multiple_of3A, %dma_wait3A_133] : memref<2x10240x128xf32, #tpu.memory_space<hbm>> -> memref<1x640x128xf32, #tpu.memory_space<hbm>>
      %dma_wait3A_135 = tpu.memref_squeeze %dma_wait3A_134 : memref<1x640x128xf32, #tpu.memory_space<hbm>> -> memref<640x128xf32, #tpu.memory_space<hbm>>
      %dma_wait3A_136 = arith.constant 0 : i32
      %dma_wait3A_137 = tpu.memref_slice %arg10[%multiple_of3A, %dma_wait3A_136] : memref<10240x128xf32, #tpu.memory_space<vmem_shared>> -> memref<640x128xf32, #tpu.memory_space<vmem_shared>>
      tpu.wait_dma2 semaphore(%run_scoped3A_127 : memref<!tpu.dma_semaphore, #tpu.memory_space<semaphore_mem>>) src(%dma_wait3A_137 : memref<640x128xf32, #tpu.memory_space<vmem_shared>>) dst(%dma_wait3A_135 : memref<640x128xf32, #tpu.memory_space<hbm>>)
      tpu.yield
    }) : () -> ()
    return
  }
}

#map = affine_map<(d0, d1) -> (0, 0, 0)>
#map1 = affine_map<(d0, d1) -> (0)>
module attributes {stable_mosaic.version = 14 : i64} {
  func.func @k(%arg0: i32, %arg1: i32, %arg2: memref<2x1280x128xi32, #tpu.memory_space<hbm>>, %arg3: memref<10240xf32, #tpu.memory_space<hbm>>, %arg4: memref<10240xf32, #tpu.memory_space<hbm>>, %arg5: memref<88x128xi32, #tpu.memory_space<vmem>>, %arg6: memref<128xf32, #tpu.memory_space<vmem>>, %arg7: memref<!tpu.dma_semaphore, #tpu.memory_space<semaphore_mem>>, %arg8: memref<10368xf32, #tpu.memory_space<vmem_shared>>) attributes {dimension_semantics = [#tpu.dimension_semantics<core_parallel>, #tpu.dimension_semantics<subcore_parallel>], iteration_bounds = array<i64: 2, 16>, scalar_prefetch = 0 : i64, scratch_operands = 4 : i64, tpu.core_type = #tpu.core_type<sc_vector_subcore>, window_params = [{transform_indices = #map}, {transform_indices = #map1}, {transform_indices = #map1}]} {
    %mul3A = arith.constant 5120 : i32
    %mul3A_0 = arith.muli %arg0, %mul3A : i32
    %add3A = arith.constant 5120 : i32
    %add3A_1 = arith.addi %mul3A_0, %add3A : i32
    %broadcast_in_dim3A = arith.constant 1.000000e+00 : f32
    %broadcast_in_dim3A_2 = vector.broadcast %broadcast_in_dim3A : f32 to vector<16xf32>
    %swap3A = arith.constant 0 : index
    %swap3A_3 = tpu.vector_load %arg6[%swap3A] {strides = array<i32>} : memref<128xf32, #tpu.memory_space<vmem>>, vector<16xf32>,
    tpu.vector_store %arg6[%swap3A], %broadcast_in_dim3A_2 {strides = array<i32>} : memref<128xf32, #tpu.memory_space<vmem>>, vector<16xf32>,
    %broadcast_in_dim3A_4 = arith.constant 1.000000e+00 : f32
    %broadcast_in_dim3A_5 = vector.broadcast %broadcast_in_dim3A_4 : f32 to vector<16xf32>
    %swap3A_6 = arith.constant 16 : index
    %swap3A_7 = tpu.vector_load %arg6[%swap3A_6] {strides = array<i32>} : memref<128xf32, #tpu.memory_space<vmem>>, vector<16xf32>,
    tpu.vector_store %arg6[%swap3A_6], %broadcast_in_dim3A_5 {strides = array<i32>} : memref<128xf32, #tpu.memory_space<vmem>>, vector<16xf32>,
    %broadcast_in_dim3A_8 = arith.constant 1.000000e+00 : f32
    %broadcast_in_dim3A_9 = vector.broadcast %broadcast_in_dim3A_8 : f32 to vector<16xf32>
    %swap3A_10 = arith.constant 32 : index
    %swap3A_11 = tpu.vector_load %arg6[%swap3A_10] {strides = array<i32>} : memref<128xf32, #tpu.memory_space<vmem>>, vector<16xf32>,
    tpu.vector_store %arg6[%swap3A_10], %broadcast_in_dim3A_9 {strides = array<i32>} : memref<128xf32, #tpu.memory_space<vmem>>, vector<16xf32>,
    %broadcast_in_dim3A_12 = arith.constant 1.000000e+00 : f32
    %broadcast_in_dim3A_13 = vector.broadcast %broadcast_in_dim3A_12 : f32 to vector<16xf32>
    %swap3A_14 = arith.constant 48 : index
    %swap3A_15 = tpu.vector_load %arg6[%swap3A_14] {strides = array<i32>} : memref<128xf32, #tpu.memory_space<vmem>>, vector<16xf32>,
    tpu.vector_store %arg6[%swap3A_14], %broadcast_in_dim3A_13 {strides = array<i32>} : memref<128xf32, #tpu.memory_space<vmem>>, vector<16xf32>,
    %broadcast_in_dim3A_16 = arith.constant 1.000000e+00 : f32
    %broadcast_in_dim3A_17 = vector.broadcast %broadcast_in_dim3A_16 : f32 to vector<16xf32>
    %swap3A_18 = arith.constant 64 : index
    %swap3A_19 = tpu.vector_load %arg6[%swap3A_18] {strides = array<i32>} : memref<128xf32, #tpu.memory_space<vmem>>, vector<16xf32>,
    tpu.vector_store %arg6[%swap3A_18], %broadcast_in_dim3A_17 {strides = array<i32>} : memref<128xf32, #tpu.memory_space<vmem>>, vector<16xf32>,
    %broadcast_in_dim3A_20 = arith.constant 1.000000e+00 : f32
    %broadcast_in_dim3A_21 = vector.broadcast %broadcast_in_dim3A_20 : f32 to vector<16xf32>
    %swap3A_22 = arith.constant 80 : index
    %swap3A_23 = tpu.vector_load %arg6[%swap3A_22] {strides = array<i32>} : memref<128xf32, #tpu.memory_space<vmem>>, vector<16xf32>,
    tpu.vector_store %arg6[%swap3A_22], %broadcast_in_dim3A_21 {strides = array<i32>} : memref<128xf32, #tpu.memory_space<vmem>>, vector<16xf32>,
    %broadcast_in_dim3A_24 = arith.constant 1.000000e+00 : f32
    %broadcast_in_dim3A_25 = vector.broadcast %broadcast_in_dim3A_24 : f32 to vector<16xf32>
    %swap3A_26 = arith.constant 96 : index
    %swap3A_27 = tpu.vector_load %arg6[%swap3A_26] {strides = array<i32>} : memref<128xf32, #tpu.memory_space<vmem>>, vector<16xf32>,
    tpu.vector_store %arg6[%swap3A_26], %broadcast_in_dim3A_25 {strides = array<i32>} : memref<128xf32, #tpu.memory_space<vmem>>, vector<16xf32>,
    %broadcast_in_dim3A_28 = arith.constant 1.000000e+00 : f32
    %broadcast_in_dim3A_29 = vector.broadcast %broadcast_in_dim3A_28 : f32 to vector<16xf32>
    %swap3A_30 = arith.constant 112 : index
    %swap3A_31 = tpu.vector_load %arg6[%swap3A_30] {strides = array<i32>} : memref<128xf32, #tpu.memory_space<vmem>>, vector<16xf32>,
    tpu.vector_store %arg6[%swap3A_30], %broadcast_in_dim3A_29 {strides = array<i32>} : memref<128xf32, #tpu.memory_space<vmem>>, vector<16xf32>,
    %mul3A_32 = arith.constant 640 : i32
    %mul3A_33 = arith.muli %arg1, %mul3A_32 : i32
    %multiple_of3A = tpu.assume_multiple %mul3A_33, 8 : i32
    "tpu.region"() ({
      %run_scoped3A_78 = tpu.sem_alloc : memref<!tpu.dma_semaphore, #tpu.memory_space<semaphore_mem>>
      %dma_start3A = tpu.memref_slice %arg8[%multiple_of3A] : memref<10368xf32, #tpu.memory_space<vmem_shared>> -> memref<640xf32, #tpu.memory_space<vmem_shared>>
      %dma_start3A_79 = tpu.memref_slice %arg3[%multiple_of3A] : memref<10240xf32, #tpu.memory_space<hbm>> -> memref<640xf32, #tpu.memory_space<hbm>>
      tpu.enqueue_dma source(%dma_start3A_79 : memref<640xf32, #tpu.memory_space<hbm>>) target(%dma_start3A : memref<640xf32, #tpu.memory_space<vmem_shared>>) target_semaphore(%run_scoped3A_78 : memref<!tpu.dma_semaphore, #tpu.memory_space<semaphore_mem>>)
      %dma_wait3A = tpu.memref_slice %arg8[%multiple_of3A] : memref<10368xf32, #tpu.memory_space<vmem_shared>> -> memref<640xf32, #tpu.memory_space<vmem_shared>>
      %dma_wait3A_80 = tpu.memref_slice %arg3[%multiple_of3A] : memref<10240xf32, #tpu.memory_space<hbm>> -> memref<640xf32, #tpu.memory_space<hbm>>
      tpu.wait_dma2 semaphore(%run_scoped3A_78 : memref<!tpu.dma_semaphore, #tpu.memory_space<semaphore_mem>>) src(%dma_wait3A_80 : memref<640xf32, #tpu.memory_space<hbm>>) dst(%dma_wait3A : memref<640xf32, #tpu.memory_space<vmem_shared>>)
      tpu.yield
    }) : () -> ()
    %mul3A_34 = arith.constant 78 : i32
    %mul3A_35 = arith.muli %arg1, %mul3A_34 : i32
    %jit3A = arith.constant 8 : i32
    %div3A = arith.divsi %mul3A_35, %jit3A : i32
    %sign3A = arith.constant 0 : i32
    %sign3A_36 = arith.cmpi sgt, %mul3A_35, %sign3A : i32
    %sign3A_37 = arith.extui %sign3A_36 : i1 to i32
    %sign3A_38 = arith.constant 0 : i32
    %sign3A_39 = arith.cmpi slt, %mul3A_35, %sign3A_38 : i32
    %sign3A_40 = arith.extui %sign3A_39 : i1 to i32
    %sign3A_41 = arith.subi %sign3A_37, %sign3A_40 : i32
    %sign3A_42 = arith.constant 0 : i32
    %sign3A_43 = arith.cmpi sgt, %jit3A, %sign3A_42 : i32
    %sign3A_44 = arith.extui %sign3A_43 : i1 to i32
    %sign3A_45 = arith.constant 0 : i32
    %sign3A_46 = arith.cmpi slt, %jit3A, %sign3A_45 : i32
    %sign3A_47 = arith.extui %sign3A_46 : i1 to i32
    %sign3A_48 = arith.subi %sign3A_44, %sign3A_47 : i32
    %ne3A = arith.cmpi ne, %sign3A_41, %sign3A_48 : i32
    %rem3A = arith.remsi %mul3A_35, %jit3A : i32
    %ne3A_49 = arith.constant 0 : i32
    %ne3A_50 = arith.cmpi ne, %rem3A, %ne3A_49 : i32
    %and3A = arith.andi %ne3A, %ne3A_50 : i1
    %sub3A = arith.constant 1 : i32
    %sub3A_51 = arith.subi %div3A, %sub3A : i32
    %select_n3A = arith.select %and3A, %sub3A_51, %div3A : i32
    %mul3A_52 = arith.constant 8 : i32
    %mul3A_53 = arith.muli %select_n3A, %mul3A_52 : i32
    %multiple_of3A_54 = tpu.assume_multiple %mul3A_53, 8 : i32
    %sub3A_55 = arith.subi %mul3A_35, %multiple_of3A_54 : i32
    %run_scoped3A = arith.constant 1 : i32
    "tpu.region"() ({
      %run_scoped3A_78 = tpu.sem_alloc : memref<!tpu.dma_semaphore, #tpu.memory_space<semaphore_mem>>
      %dma_start3A = arith.constant 0 : i32
      %dma_start3A_79 = tpu.memref_slice %arg2[%run_scoped3A, %multiple_of3A_54, %dma_start3A] : memref<2x1280x128xi32, #tpu.memory_space<hbm>> -> memref<1x88x128xi32, #tpu.memory_space<hbm>>
      %dma_start3A_80 = tpu.memref_squeeze %dma_start3A_79 : memref<1x88x128xi32, #tpu.memory_space<hbm>> -> memref<88x128xi32, #tpu.memory_space<hbm>>
      %dma_start3A_81 = arith.constant 0 : i32
      %dma_start3A_82 = tpu.memref_slice %arg2[%run_scoped3A, %multiple_of3A_54, %dma_start3A_81] : memref<2x1280x128xi32, #tpu.memory_space<hbm>> -> memref<1x88x128xi32, #tpu.memory_space<hbm>>
      %dma_start3A_83 = tpu.memref_squeeze %dma_start3A_82 : memref<1x88x128xi32, #tpu.memory_space<hbm>> -> memref<88x128xi32, #tpu.memory_space<hbm>>
      tpu.enqueue_dma source(%dma_start3A_83 : memref<88x128xi32, #tpu.memory_space<hbm>>) target(%arg5 : memref<88x128xi32, #tpu.memory_space<vmem>>) target_semaphore(%run_scoped3A_78 : memref<!tpu.dma_semaphore, #tpu.memory_space<semaphore_mem>>)
      %dma_wait3A = arith.constant 0 : i32
      %dma_wait3A_84 = tpu.memref_slice %arg2[%run_scoped3A, %multiple_of3A_54, %dma_wait3A] : memref<2x1280x128xi32, #tpu.memory_space<hbm>> -> memref<1x88x128xi32, #tpu.memory_space<hbm>>
      %dma_wait3A_85 = tpu.memref_squeeze %dma_wait3A_84 : memref<1x88x128xi32, #tpu.memory_space<hbm>> -> memref<88x128xi32, #tpu.memory_space<hbm>>
      %dma_wait3A_86 = arith.constant 0 : i32
      %dma_wait3A_87 = tpu.memref_slice %arg2[%run_scoped3A, %multiple_of3A_54, %dma_wait3A_86] : memref<2x1280x128xi32, #tpu.memory_space<hbm>> -> memref<1x88x128xi32, #tpu.memory_space<hbm>>
      %dma_wait3A_88 = tpu.memref_squeeze %dma_wait3A_87 : memref<1x88x128xi32, #tpu.memory_space<hbm>> -> memref<88x128xi32, #tpu.memory_space<hbm>>
      tpu.wait_dma2 semaphore(%run_scoped3A_78 : memref<!tpu.dma_semaphore, #tpu.memory_space<semaphore_mem>>) src(%dma_wait3A_88 : memref<88x128xi32, #tpu.memory_space<hbm>>) dst(%arg5 : memref<88x128xi32, #tpu.memory_space<vmem>>)
      tpu.yield
    }) : () -> ()
    %barrier3A = arith.constant 0 : index
    tpu.barrier barrier_id(%barrier3A)
    %scan3A = arith.constant 0 : i32
    %scan3A_56 = arith.constant 78 : i32
    %scan3A_57 = arith.addi %scan3A, %scan3A_56 : i32
    %scan3A_58 = arith.constant 1 : i32
    scf.for %scan3A_78 = %scan3A to %scan3A_57 step %scan3A_58  : i32 {
      %mul3A_79 = arith.constant 1 : i32
      %mul3A_80 = arith.muli %scan3A_78, %mul3A_79 : i32
      %add3A_81 = arith.constant 0 : i32
      %add3A_82 = arith.addi %add3A_81, %mul3A_80 : i32
      %add3A_83 = arith.addi %sub3A_55, %add3A_82 : i32
      %get3A = arith.index_cast %add3A_83 : i32 to index
      %get3A_84 = arith.constant 0 : index
      %get3A_85 = tpu.vector_load %arg5[%get3A, %get3A_84] {strides = array<i32>} : memref<88x128xi32, #tpu.memory_space<vmem>>, vector<16xi32>,
      %ge3A = vector.broadcast %mul3A_0 : i32 to vector<16xi32>
      %ge3A_86 = arith.cmpi sge, %get3A_85, %ge3A : vector<16xi32>
      %lt3A_87 = vector.broadcast %add3A_1 : i32 to vector<16xi32>
      %lt3A_88 = arith.cmpi slt, %get3A_85, %lt3A_87 : vector<16xi32>
      %and3A_89 = arith.andi %ge3A_86, %lt3A_88 : vector<16xi1>
      %jit3A_90 = arith.constant 10240 : i32
      %broadcast_in_dim3A_91 = vector.broadcast %jit3A_90 : i32 to vector<16xi32>
      %select_n3A_92 = arith.select %and3A_89, %get3A_85, %broadcast_in_dim3A_91 : vector<16xi1>, vector<16xi32>
      %swap3A_93 = arith.index_cast %add3A_83 : i32 to index
      %swap3A_94 = arith.constant 0 : index
      %swap3A_95 = tpu.vector_load %arg5[%swap3A_93, %swap3A_94] {strides = array<i32>} : memref<88x128xi32, #tpu.memory_space<vmem>>, vector<16xi32>,
      tpu.vector_store %arg5[%swap3A_93, %swap3A_94], %select_n3A_92 {strides = array<i32>} : memref<88x128xi32, #tpu.memory_space<vmem>>, vector<16xi32>,
      %get3A_96 = arith.index_cast %add3A_83 : i32 to index
      %get3A_97 = arith.constant 16 : index
      %get3A_98 = tpu.vector_load %arg5[%get3A_96, %get3A_97] {strides = array<i32>} : memref<88x128xi32, #tpu.memory_space<vmem>>, vector<16xi32>,
      %ge3A_99 = vector.broadcast %mul3A_0 : i32 to vector<16xi32>
      %ge3A_100 = arith.cmpi sge, %get3A_98, %ge3A_99 : vector<16xi32>
      %lt3A_101 = vector.broadcast %add3A_1 : i32 to vector<16xi32>
      %lt3A_102 = arith.cmpi slt, %get3A_98, %lt3A_101 : vector<16xi32>
      %and3A_103 = arith.andi %ge3A_100, %lt3A_102 : vector<16xi1>
      %jit3A_104 = arith.constant 10240 : i32
      %broadcast_in_dim3A_105 = vector.broadcast %jit3A_104 : i32 to vector<16xi32>
      %select_n3A_106 = arith.select %and3A_103, %get3A_98, %broadcast_in_dim3A_105 : vector<16xi1>, vector<16xi32>
      %swap3A_107 = arith.index_cast %add3A_83 : i32 to index
      %swap3A_108 = arith.constant 16 : index
      %swap3A_109 = tpu.vector_load %arg5[%swap3A_107, %swap3A_108] {strides = array<i32>} : memref<88x128xi32, #tpu.memory_space<vmem>>, vector<16xi32>,
      tpu.vector_store %arg5[%swap3A_107, %swap3A_108], %select_n3A_106 {strides = array<i32>} : memref<88x128xi32, #tpu.memory_space<vmem>>, vector<16xi32>,
      %get3A_110 = arith.index_cast %add3A_83 : i32 to index
      %get3A_111 = arith.constant 32 : index
      %get3A_112 = tpu.vector_load %arg5[%get3A_110, %get3A_111] {strides = array<i32>} : memref<88x128xi32, #tpu.memory_space<vmem>>, vector<16xi32>,
      %ge3A_113 = vector.broadcast %mul3A_0 : i32 to vector<16xi32>
      %ge3A_114 = arith.cmpi sge, %get3A_112, %ge3A_113 : vector<16xi32>
      %lt3A_115 = vector.broadcast %add3A_1 : i32 to vector<16xi32>
      %lt3A_116 = arith.cmpi slt, %get3A_112, %lt3A_115 : vector<16xi32>
      %and3A_117 = arith.andi %ge3A_114, %lt3A_116 : vector<16xi1>
      %jit3A_118 = arith.constant 10240 : i32
      %broadcast_in_dim3A_119 = vector.broadcast %jit3A_118 : i32 to vector<16xi32>
      %select_n3A_120 = arith.select %and3A_117, %get3A_112, %broadcast_in_dim3A_119 : vector<16xi1>, vector<16xi32>
      %swap3A_121 = arith.index_cast %add3A_83 : i32 to index
      %swap3A_122 = arith.constant 32 : index
      %swap3A_123 = tpu.vector_load %arg5[%swap3A_121, %swap3A_122] {strides = array<i32>} : memref<88x128xi32, #tpu.memory_space<vmem>>, vector<16xi32>,
      tpu.vector_store %arg5[%swap3A_121, %swap3A_122], %select_n3A_120 {strides = array<i32>} : memref<88x128xi32, #tpu.memory_space<vmem>>, vector<16xi32>,
      %get3A_124 = arith.index_cast %add3A_83 : i32 to index
      %get3A_125 = arith.constant 48 : index
      %get3A_126 = tpu.vector_load %arg5[%get3A_124, %get3A_125] {strides = array<i32>} : memref<88x128xi32, #tpu.memory_space<vmem>>, vector<16xi32>,
      %ge3A_127 = vector.broadcast %mul3A_0 : i32 to vector<16xi32>
      %ge3A_128 = arith.cmpi sge, %get3A_126, %ge3A_127 : vector<16xi32>
      %lt3A_129 = vector.broadcast %add3A_1 : i32 to vector<16xi32>
      %lt3A_130 = arith.cmpi slt, %get3A_126, %lt3A_129 : vector<16xi32>
      %and3A_131 = arith.andi %ge3A_128, %lt3A_130 : vector<16xi1>
      %jit3A_132 = arith.constant 10240 : i32
      %broadcast_in_dim3A_133 = vector.broadcast %jit3A_132 : i32 to vector<16xi32>
      %select_n3A_134 = arith.select %and3A_131, %get3A_126, %broadcast_in_dim3A_133 : vector<16xi1>, vector<16xi32>
      %swap3A_135 = arith.index_cast %add3A_83 : i32 to index
      %swap3A_136 = arith.constant 48 : index
      %swap3A_137 = tpu.vector_load %arg5[%swap3A_135, %swap3A_136] {strides = array<i32>} : memref<88x128xi32, #tpu.memory_space<vmem>>, vector<16xi32>,
      tpu.vector_store %arg5[%swap3A_135, %swap3A_136], %select_n3A_134 {strides = array<i32>} : memref<88x128xi32, #tpu.memory_space<vmem>>, vector<16xi32>,
      %get3A_138 = arith.index_cast %add3A_83 : i32 to index
      %get3A_139 = arith.constant 64 : index
      %get3A_140 = tpu.vector_load %arg5[%get3A_138, %get3A_139] {strides = array<i32>} : memref<88x128xi32, #tpu.memory_space<vmem>>, vector<16xi32>,
      %ge3A_141 = vector.broadcast %mul3A_0 : i32 to vector<16xi32>
      %ge3A_142 = arith.cmpi sge, %get3A_140, %ge3A_141 : vector<16xi32>
      %lt3A_143 = vector.broadcast %add3A_1 : i32 to vector<16xi32>
      %lt3A_144 = arith.cmpi slt, %get3A_140, %lt3A_143 : vector<16xi32>
      %and3A_145 = arith.andi %ge3A_142, %lt3A_144 : vector<16xi1>
      %jit3A_146 = arith.constant 10240 : i32
      %broadcast_in_dim3A_147 = vector.broadcast %jit3A_146 : i32 to vector<16xi32>
      %select_n3A_148 = arith.select %and3A_145, %get3A_140, %broadcast_in_dim3A_147 : vector<16xi1>, vector<16xi32>
      %swap3A_149 = arith.index_cast %add3A_83 : i32 to index
      %swap3A_150 = arith.constant 64 : index
      %swap3A_151 = tpu.vector_load %arg5[%swap3A_149, %swap3A_150] {strides = array<i32>} : memref<88x128xi32, #tpu.memory_space<vmem>>, vector<16xi32>,
      tpu.vector_store %arg5[%swap3A_149, %swap3A_150], %select_n3A_148 {strides = array<i32>} : memref<88x128xi32, #tpu.memory_space<vmem>>, vector<16xi32>,
      %get3A_152 = arith.index_cast %add3A_83 : i32 to index
      %get3A_153 = arith.constant 80 : index
      %get3A_154 = tpu.vector_load %arg5[%get3A_152, %get3A_153] {strides = array<i32>} : memref<88x128xi32, #tpu.memory_space<vmem>>, vector<16xi32>,
      %ge3A_155 = vector.broadcast %mul3A_0 : i32 to vector<16xi32>
      %ge3A_156 = arith.cmpi sge, %get3A_154, %ge3A_155 : vector<16xi32>
      %lt3A_157 = vector.broadcast %add3A_1 : i32 to vector<16xi32>
      %lt3A_158 = arith.cmpi slt, %get3A_154, %lt3A_157 : vector<16xi32>
      %and3A_159 = arith.andi %ge3A_156, %lt3A_158 : vector<16xi1>
      %jit3A_160 = arith.constant 10240 : i32
      %broadcast_in_dim3A_161 = vector.broadcast %jit3A_160 : i32 to vector<16xi32>
      %select_n3A_162 = arith.select %and3A_159, %get3A_154, %broadcast_in_dim3A_161 : vector<16xi1>, vector<16xi32>
      %swap3A_163 = arith.index_cast %add3A_83 : i32 to index
      %swap3A_164 = arith.constant 80 : index
      %swap3A_165 = tpu.vector_load %arg5[%swap3A_163, %swap3A_164] {strides = array<i32>} : memref<88x128xi32, #tpu.memory_space<vmem>>, vector<16xi32>,
      tpu.vector_store %arg5[%swap3A_163, %swap3A_164], %select_n3A_162 {strides = array<i32>} : memref<88x128xi32, #tpu.memory_space<vmem>>, vector<16xi32>,
      %get3A_166 = arith.index_cast %add3A_83 : i32 to index
      %get3A_167 = arith.constant 96 : index
      %get3A_168 = tpu.vector_load %arg5[%get3A_166, %get3A_167] {strides = array<i32>} : memref<88x128xi32, #tpu.memory_space<vmem>>, vector<16xi32>,
      %ge3A_169 = vector.broadcast %mul3A_0 : i32 to vector<16xi32>
      %ge3A_170 = arith.cmpi sge, %get3A_168, %ge3A_169 : vector<16xi32>
      %lt3A_171 = vector.broadcast %add3A_1 : i32 to vector<16xi32>
      %lt3A_172 = arith.cmpi slt, %get3A_168, %lt3A_171 : vector<16xi32>
      %and3A_173 = arith.andi %ge3A_170, %lt3A_172 : vector<16xi1>
      %jit3A_174 = arith.constant 10240 : i32
      %broadcast_in_dim3A_175 = vector.broadcast %jit3A_174 : i32 to vector<16xi32>
      %select_n3A_176 = arith.select %and3A_173, %get3A_168, %broadcast_in_dim3A_175 : vector<16xi1>, vector<16xi32>
      %swap3A_177 = arith.index_cast %add3A_83 : i32 to index
      %swap3A_178 = arith.constant 96 : index
      %swap3A_179 = tpu.vector_load %arg5[%swap3A_177, %swap3A_178] {strides = array<i32>} : memref<88x128xi32, #tpu.memory_space<vmem>>, vector<16xi32>,
      tpu.vector_store %arg5[%swap3A_177, %swap3A_178], %select_n3A_176 {strides = array<i32>} : memref<88x128xi32, #tpu.memory_space<vmem>>, vector<16xi32>,
      %get3A_180 = arith.index_cast %add3A_83 : i32 to index
      %get3A_181 = arith.constant 112 : index
      %get3A_182 = tpu.vector_load %arg5[%get3A_180, %get3A_181] {strides = array<i32>} : memref<88x128xi32, #tpu.memory_space<vmem>>, vector<16xi32>,
      %ge3A_183 = vector.broadcast %mul3A_0 : i32 to vector<16xi32>
      %ge3A_184 = arith.cmpi sge, %get3A_182, %ge3A_183 : vector<16xi32>
      %lt3A_185 = vector.broadcast %add3A_1 : i32 to vector<16xi32>
      %lt3A_186 = arith.cmpi slt, %get3A_182, %lt3A_185 : vector<16xi32>
      %and3A_187 = arith.andi %ge3A_184, %lt3A_186 : vector<16xi1>
      %jit3A_188 = arith.constant 10240 : i32
      %broadcast_in_dim3A_189 = vector.broadcast %jit3A_188 : i32 to vector<16xi32>
      %select_n3A_190 = arith.select %and3A_187, %get3A_182, %broadcast_in_dim3A_189 : vector<16xi1>, vector<16xi32>
      %swap3A_191 = arith.index_cast %add3A_83 : i32 to index
      %swap3A_192 = arith.constant 112 : index
      %swap3A_193 = tpu.vector_load %arg5[%swap3A_191, %swap3A_192] {strides = array<i32>} : memref<88x128xi32, #tpu.memory_space<vmem>>, vector<16xi32>,
      tpu.vector_store %arg5[%swap3A_191, %swap3A_192], %select_n3A_190 {strides = array<i32>} : memref<88x128xi32, #tpu.memory_space<vmem>>, vector<16xi32>,
    }
    %scan3A_59 = arith.constant 78 : i32
    %scan3A_60 = arith.constant 0 : i32
    %scan3A_61 = arith.constant 78 : i32
    %scan3A_62 = arith.addi %scan3A_60, %scan3A_61 : i32
    %scan3A_63 = arith.constant 1 : i32
    scf.for %scan3A_78 = %scan3A_60 to %scan3A_62 step %scan3A_63  : i32 {
      %mul3A_79 = arith.constant 1 : i32
      %mul3A_80 = arith.muli %scan3A_78, %mul3A_79 : i32
      %add3A_81 = arith.constant 0 : i32
      %add3A_82 = arith.addi %add3A_81, %mul3A_80 : i32
      %add3A_83 = arith.addi %sub3A_55, %add3A_82 : i32
      %dma_start3A = arith.constant 0 : i32
      %dma_start3A_84 = tpu.memref_slice %arg5[%add3A_83, %dma_start3A] : memref<88x128xi32, #tpu.memory_space<vmem>> -> memref<1x128xi32, #tpu.memory_space<vmem>>
      %dma_start3A_85 = tpu.memref_squeeze %dma_start3A_84 : memref<1x128xi32, #tpu.memory_space<vmem>> -> memref<128xi32, #tpu.memory_space<vmem>>
      %dma_start3A_86 = arith.constant 0 : i32
      %dma_start3A_87 = tpu.memref_slice %arg8[%dma_start3A_86] : memref<10368xf32, #tpu.memory_space<vmem_shared>> -> memref<10368xf32, #tpu.memory_space<vmem_shared>>
      tpu.enqueue_indirect_dma source(%arg6 : memref<128xf32, #tpu.memory_space<vmem>>) target(%dma_start3A_87 : memref<10368xf32, #tpu.memory_space<vmem_shared>>) offsets(%dma_start3A_85 : memref<128xi32, #tpu.memory_space<vmem>>) semaphore(%arg7 : memref<!tpu.dma_semaphore, #tpu.memory_space<semaphore_mem>>) {add = true}
    }
    %scan3A_64 = arith.constant 78 : i32
    %scan3A_65 = arith.constant 0 : i32
    %scan3A_66 = arith.constant 78 : i32
    %scan3A_67 = arith.addi %scan3A_65, %scan3A_66 : i32
    %scan3A_68 = arith.constant 1 : i32
    scf.for %scan3A_78 = %scan3A_65 to %scan3A_67 step %scan3A_68  : i32 {
      %mul3A_79 = arith.constant 1 : i32
      %mul3A_80 = arith.muli %scan3A_78, %mul3A_79 : i32
      %add3A_81 = arith.constant 0 : i32
      %add3A_82 = arith.addi %add3A_81, %mul3A_80 : i32
      %dma_wait3A = arith.constant 0 : i32
      %dma_wait3A_83 = tpu.memref_slice %arg5[%sub3A_55, %dma_wait3A] : memref<88x128xi32, #tpu.memory_space<vmem>> -> memref<1x128xi32, #tpu.memory_space<vmem>>
      %dma_wait3A_84 = tpu.memref_squeeze %dma_wait3A_83 : memref<1x128xi32, #tpu.memory_space<vmem>> -> memref<128xi32, #tpu.memory_space<vmem>>
      %dma_wait3A_85 = arith.constant 0 : i32
      %dma_wait3A_86 = tpu.memref_slice %arg8[%dma_wait3A_85] : memref<10368xf32, #tpu.memory_space<vmem_shared>> -> memref<10368xf32, #tpu.memory_space<vmem_shared>>
      tpu.wait_indirect_dma semaphore(%arg7 : memref<!tpu.dma_semaphore, #tpu.memory_space<semaphore_mem>>) src(%arg6 : memref<128xf32, #tpu.memory_space<vmem>>) dst(%dma_wait3A_86 : memref<10368xf32, #tpu.memory_space<vmem_shared>>)
    }
    %scan3A_69 = arith.constant 78 : i32
    %lt3A = arith.constant 2 : i32
    %lt3A_70 = arith.cmpi slt, %arg1, %lt3A : i32
    %convert_element_type3A = arith.extui %lt3A_70 : i1 to i32
    %cond3A = arith.constant 0 : i32
    %cond3A_71 = arith.cmpi ne, %convert_element_type3A, %cond3A : i32
    scf.if %cond3A_71 {
      %run_scoped3A_78 = arith.constant 1 : i32
      "tpu.region"() ({
        %run_scoped3A_197 = tpu.sem_alloc : memref<!tpu.dma_semaphore, #tpu.memory_space<semaphore_mem>>
        %dma_start3A_198 = arith.constant 0 : i32
        %dma_start3A_199 = arith.constant 0 : i32
        %dma_start3A_200 = tpu.memref_slice %arg5[%dma_start3A_198, %dma_start3A_199] : memref<88x128xi32, #tpu.memory_space<vmem>> -> memref<8x128xi32, #tpu.memory_space<vmem>>
        %dma_start3A_201 = arith.constant 1248 : i32
        %dma_start3A_202 = arith.constant 0 : i32
        %dma_start3A_203 = tpu.memref_slice %arg2[%run_scoped3A_78, %dma_start3A_201, %dma_start3A_202] : memref<2x1280x128xi32, #tpu.memory_space<hbm>> -> memref<1x8x128xi32, #tpu.memory_space<hbm>>
        %dma_start3A_204 = tpu.memref_squeeze %dma_start3A_203 : memref<1x8x128xi32, #tpu.memory_space<hbm>> -> memref<8x128xi32, #tpu.memory_space<hbm>>
        %dma_start3A_205 = arith.constant 0 : i32
        %dma_start3A_206 = arith.constant 0 : i32
        %dma_start3A_207 = tpu.memref_slice %arg5[%dma_start3A_205, %dma_start3A_206] : memref<88x128xi32, #tpu.memory_space<vmem>> -> memref<8x128xi32, #tpu.memory_space<vmem>>
        %dma_start3A_208 = arith.constant 1248 : i32
        %dma_start3A_209 = arith.constant 0 : i32
        %dma_start3A_210 = tpu.memref_slice %arg2[%run_scoped3A_78, %dma_start3A_208, %dma_start3A_209] : memref<2x1280x128xi32, #tpu.memory_space<hbm>> -> memref<1x8x128xi32, #tpu.memory_space<hbm>>
        %dma_start3A_211 = tpu.memref_squeeze %dma_start3A_210 : memref<1x8x128xi32, #tpu.memory_space<hbm>> -> memref<8x128xi32, #tpu.memory_space<hbm>>
        tpu.enqueue_dma source(%dma_start3A_211 : memref<8x128xi32, #tpu.memory_space<hbm>>) target(%dma_start3A_207 : memref<8x128xi32, #tpu.memory_space<vmem>>) target_semaphore(%run_scoped3A_197 : memref<!tpu.dma_semaphore, #tpu.memory_space<semaphore_mem>>)
        %dma_wait3A_212 = arith.constant 0 : i32
        %dma_wait3A_213 = arith.constant 0 : i32
        %dma_wait3A_214 = tpu.memref_slice %arg5[%dma_wait3A_212, %dma_wait3A_213] : memref<88x128xi32, #tpu.memory_space<vmem>> -> memref<8x128xi32, #tpu.memory_space<vmem>>
        %dma_wait3A_215 = arith.constant 1248 : i32
        %dma_wait3A_216 = arith.constant 0 : i32
        %dma_wait3A_217 = tpu.memref_slice %arg2[%run_scoped3A_78, %dma_wait3A_215, %dma_wait3A_216] : memref<2x1280x128xi32, #tpu.memory_space<hbm>> -> memref<1x8x128xi32, #tpu.memory_space<hbm>>
        %dma_wait3A_218 = tpu.memref_squeeze %dma_wait3A_217 : memref<1x8x128xi32, #tpu.memory_space<hbm>> -> memref<8x128xi32, #tpu.memory_space<hbm>>
        %dma_wait3A_219 = arith.constant 0 : i32
        %dma_wait3A_220 = arith.constant 0 : i32
        %dma_wait3A_221 = tpu.memref_slice %arg5[%dma_wait3A_219, %dma_wait3A_220] : memref<88x128xi32, #tpu.memory_space<vmem>> -> memref<8x128xi32, #tpu.memory_space<vmem>>
        %dma_wait3A_222 = arith.constant 1248 : i32
        %dma_wait3A_223 = arith.constant 0 : i32
        %dma_wait3A_224 = tpu.memref_slice %arg2[%run_scoped3A_78, %dma_wait3A_222, %dma_wait3A_223] : memref<2x1280x128xi32, #tpu.memory_space<hbm>> -> memref<1x8x128xi32, #tpu.memory_space<hbm>>
        %dma_wait3A_225 = tpu.memref_squeeze %dma_wait3A_224 : memref<1x8x128xi32, #tpu.memory_space<hbm>> -> memref<8x128xi32, #tpu.memory_space<hbm>>
        tpu.wait_dma2 semaphore(%run_scoped3A_197 : memref<!tpu.dma_semaphore, #tpu.memory_space<semaphore_mem>>) src(%dma_wait3A_225 : memref<8x128xi32, #tpu.memory_space<hbm>>) dst(%dma_wait3A_221 : memref<8x128xi32, #tpu.memory_space<vmem>>)
        tpu.yield
      }) : () -> ()
      %get3A = arith.index_cast %arg1 : i32 to index
      %get3A_79 = arith.constant 0 : index
      %get3A_80 = tpu.vector_load %arg5[%get3A, %get3A_79] {strides = array<i32>} : memref<88x128xi32, #tpu.memory_space<vmem>>, vector<16xi32>,
      %ge3A = vector.broadcast %mul3A_0 : i32 to vector<16xi32>
      %ge3A_81 = arith.cmpi sge, %get3A_80, %ge3A : vector<16xi32>
      %lt3A_82 = vector.broadcast %add3A_1 : i32 to vector<16xi32>
      %lt3A_83 = arith.cmpi slt, %get3A_80, %lt3A_82 : vector<16xi32>
      %and3A_84 = arith.andi %ge3A_81, %lt3A_83 : vector<16xi1>
      %jit3A_85 = arith.constant 10240 : i32
      %broadcast_in_dim3A_86 = vector.broadcast %jit3A_85 : i32 to vector<16xi32>
      %select_n3A_87 = arith.select %and3A_84, %get3A_80, %broadcast_in_dim3A_86 : vector<16xi1>, vector<16xi32>
      %swap3A_88 = arith.index_cast %arg1 : i32 to index
      %swap3A_89 = arith.constant 0 : index
      %swap3A_90 = tpu.vector_load %arg5[%swap3A_88, %swap3A_89] {strides = array<i32>} : memref<88x128xi32, #tpu.memory_space<vmem>>, vector<16xi32>,
      tpu.vector_store %arg5[%swap3A_88, %swap3A_89], %select_n3A_87 {strides = array<i32>} : memref<88x128xi32, #tpu.memory_space<vmem>>, vector<16xi32>,
      %get3A_91 = arith.index_cast %arg1 : i32 to index
      %get3A_92 = arith.constant 16 : index
      %get3A_93 = tpu.vector_load %arg5[%get3A_91, %get3A_92] {strides = array<i32>} : memref<88x128xi32, #tpu.memory_space<vmem>>, vector<16xi32>,
      %ge3A_94 = vector.broadcast %mul3A_0 : i32 to vector<16xi32>
      %ge3A_95 = arith.cmpi sge, %get3A_93, %ge3A_94 : vector<16xi32>
      %lt3A_96 = vector.broadcast %add3A_1 : i32 to vector<16xi32>
      %lt3A_97 = arith.cmpi slt, %get3A_93, %lt3A_96 : vector<16xi32>
      %and3A_98 = arith.andi %ge3A_95, %lt3A_97 : vector<16xi1>
      %jit3A_99 = arith.constant 10240 : i32
      %broadcast_in_dim3A_100 = vector.broadcast %jit3A_99 : i32 to vector<16xi32>
      %select_n3A_101 = arith.select %and3A_98, %get3A_93, %broadcast_in_dim3A_100 : vector<16xi1>, vector<16xi32>
      %swap3A_102 = arith.index_cast %arg1 : i32 to index
      %swap3A_103 = arith.constant 16 : index
      %swap3A_104 = tpu.vector_load %arg5[%swap3A_102, %swap3A_103] {strides = array<i32>} : memref<88x128xi32, #tpu.memory_space<vmem>>, vector<16xi32>,
      tpu.vector_store %arg5[%swap3A_102, %swap3A_103], %select_n3A_101 {strides = array<i32>} : memref<88x128xi32, #tpu.memory_space<vmem>>, vector<16xi32>,
      %get3A_105 = arith.index_cast %arg1 : i32 to index
      %get3A_106 = arith.constant 32 : index
      %get3A_107 = tpu.vector_load %arg5[%get3A_105, %get3A_106] {strides = array<i32>} : memref<88x128xi32, #tpu.memory_space<vmem>>, vector<16xi32>,
      %ge3A_108 = vector.broadcast %mul3A_0 : i32 to vector<16xi32>
      %ge3A_109 = arith.cmpi sge, %get3A_107, %ge3A_108 : vector<16xi32>
      %lt3A_110 = vector.broadcast %add3A_1 : i32 to vector<16xi32>
      %lt3A_111 = arith.cmpi slt, %get3A_107, %lt3A_110 : vector<16xi32>
      %and3A_112 = arith.andi %ge3A_109, %lt3A_111 : vector<16xi1>
      %jit3A_113 = arith.constant 10240 : i32
      %broadcast_in_dim3A_114 = vector.broadcast %jit3A_113 : i32 to vector<16xi32>
      %select_n3A_115 = arith.select %and3A_112, %get3A_107, %broadcast_in_dim3A_114 : vector<16xi1>, vector<16xi32>
      %swap3A_116 = arith.index_cast %arg1 : i32 to index
      %swap3A_117 = arith.constant 32 : index
      %swap3A_118 = tpu.vector_load %arg5[%swap3A_116, %swap3A_117] {strides = array<i32>} : memref<88x128xi32, #tpu.memory_space<vmem>>, vector<16xi32>,
      tpu.vector_store %arg5[%swap3A_116, %swap3A_117], %select_n3A_115 {strides = array<i32>} : memref<88x128xi32, #tpu.memory_space<vmem>>, vector<16xi32>,
      %get3A_119 = arith.index_cast %arg1 : i32 to index
      %get3A_120 = arith.constant 48 : index
      %get3A_121 = tpu.vector_load %arg5[%get3A_119, %get3A_120] {strides = array<i32>} : memref<88x128xi32, #tpu.memory_space<vmem>>, vector<16xi32>,
      %ge3A_122 = vector.broadcast %mul3A_0 : i32 to vector<16xi32>
      %ge3A_123 = arith.cmpi sge, %get3A_121, %ge3A_122 : vector<16xi32>
      %lt3A_124 = vector.broadcast %add3A_1 : i32 to vector<16xi32>
      %lt3A_125 = arith.cmpi slt, %get3A_121, %lt3A_124 : vector<16xi32>
      %and3A_126 = arith.andi %ge3A_123, %lt3A_125 : vector<16xi1>
      %jit3A_127 = arith.constant 10240 : i32
      %broadcast_in_dim3A_128 = vector.broadcast %jit3A_127 : i32 to vector<16xi32>
      %select_n3A_129 = arith.select %and3A_126, %get3A_121, %broadcast_in_dim3A_128 : vector<16xi1>, vector<16xi32>
      %swap3A_130 = arith.index_cast %arg1 : i32 to index
      %swap3A_131 = arith.constant 48 : index
      %swap3A_132 = tpu.vector_load %arg5[%swap3A_130, %swap3A_131] {strides = array<i32>} : memref<88x128xi32, #tpu.memory_space<vmem>>, vector<16xi32>,
      tpu.vector_store %arg5[%swap3A_130, %swap3A_131], %select_n3A_129 {strides = array<i32>} : memref<88x128xi32, #tpu.memory_space<vmem>>, vector<16xi32>,
      %get3A_133 = arith.index_cast %arg1 : i32 to index
      %get3A_134 = arith.constant 64 : index
      %get3A_135 = tpu.vector_load %arg5[%get3A_133, %get3A_134] {strides = array<i32>} : memref<88x128xi32, #tpu.memory_space<vmem>>, vector<16xi32>,
      %ge3A_136 = vector.broadcast %mul3A_0 : i32 to vector<16xi32>
      %ge3A_137 = arith.cmpi sge, %get3A_135, %ge3A_136 : vector<16xi32>
      %lt3A_138 = vector.broadcast %add3A_1 : i32 to vector<16xi32>
      %lt3A_139 = arith.cmpi slt, %get3A_135, %lt3A_138 : vector<16xi32>
      %and3A_140 = arith.andi %ge3A_137, %lt3A_139 : vector<16xi1>
      %jit3A_141 = arith.constant 10240 : i32
      %broadcast_in_dim3A_142 = vector.broadcast %jit3A_141 : i32 to vector<16xi32>
      %select_n3A_143 = arith.select %and3A_140, %get3A_135, %broadcast_in_dim3A_142 : vector<16xi1>, vector<16xi32>
      %swap3A_144 = arith.index_cast %arg1 : i32 to index
      %swap3A_145 = arith.constant 64 : index
      %swap3A_146 = tpu.vector_load %arg5[%swap3A_144, %swap3A_145] {strides = array<i32>} : memref<88x128xi32, #tpu.memory_space<vmem>>, vector<16xi32>,
      tpu.vector_store %arg5[%swap3A_144, %swap3A_145], %select_n3A_143 {strides = array<i32>} : memref<88x128xi32, #tpu.memory_space<vmem>>, vector<16xi32>,
      %get3A_147 = arith.index_cast %arg1 : i32 to index
      %get3A_148 = arith.constant 80 : index
      %get3A_149 = tpu.vector_load %arg5[%get3A_147, %get3A_148] {strides = array<i32>} : memref<88x128xi32, #tpu.memory_space<vmem>>, vector<16xi32>,
      %ge3A_150 = vector.broadcast %mul3A_0 : i32 to vector<16xi32>
      %ge3A_151 = arith.cmpi sge, %get3A_149, %ge3A_150 : vector<16xi32>
      %lt3A_152 = vector.broadcast %add3A_1 : i32 to vector<16xi32>
      %lt3A_153 = arith.cmpi slt, %get3A_149, %lt3A_152 : vector<16xi32>
      %and3A_154 = arith.andi %ge3A_151, %lt3A_153 : vector<16xi1>
      %jit3A_155 = arith.constant 10240 : i32
      %broadcast_in_dim3A_156 = vector.broadcast %jit3A_155 : i32 to vector<16xi32>
      %select_n3A_157 = arith.select %and3A_154, %get3A_149, %broadcast_in_dim3A_156 : vector<16xi1>, vector<16xi32>
      %swap3A_158 = arith.index_cast %arg1 : i32 to index
      %swap3A_159 = arith.constant 80 : index
      %swap3A_160 = tpu.vector_load %arg5[%swap3A_158, %swap3A_159] {strides = array<i32>} : memref<88x128xi32, #tpu.memory_space<vmem>>, vector<16xi32>,
      tpu.vector_store %arg5[%swap3A_158, %swap3A_159], %select_n3A_157 {strides = array<i32>} : memref<88x128xi32, #tpu.memory_space<vmem>>, vector<16xi32>,
      %get3A_161 = arith.index_cast %arg1 : i32 to index
      %get3A_162 = arith.constant 96 : index
      %get3A_163 = tpu.vector_load %arg5[%get3A_161, %get3A_162] {strides = array<i32>} : memref<88x128xi32, #tpu.memory_space<vmem>>, vector<16xi32>,
      %ge3A_164 = vector.broadcast %mul3A_0 : i32 to vector<16xi32>
      %ge3A_165 = arith.cmpi sge, %get3A_163, %ge3A_164 : vector<16xi32>
      %lt3A_166 = vector.broadcast %add3A_1 : i32 to vector<16xi32>
      %lt3A_167 = arith.cmpi slt, %get3A_163, %lt3A_166 : vector<16xi32>
      %and3A_168 = arith.andi %ge3A_165, %lt3A_167 : vector<16xi1>
      %jit3A_169 = arith.constant 10240 : i32
      %broadcast_in_dim3A_170 = vector.broadcast %jit3A_169 : i32 to vector<16xi32>
      %select_n3A_171 = arith.select %and3A_168, %get3A_163, %broadcast_in_dim3A_170 : vector<16xi1>, vector<16xi32>
      %swap3A_172 = arith.index_cast %arg1 : i32 to index
      %swap3A_173 = arith.constant 96 : index
      %swap3A_174 = tpu.vector_load %arg5[%swap3A_172, %swap3A_173] {strides = array<i32>} : memref<88x128xi32, #tpu.memory_space<vmem>>, vector<16xi32>,
      tpu.vector_store %arg5[%swap3A_172, %swap3A_173], %select_n3A_171 {strides = array<i32>} : memref<88x128xi32, #tpu.memory_space<vmem>>, vector<16xi32>,
      %get3A_175 = arith.index_cast %arg1 : i32 to index
      %get3A_176 = arith.constant 112 : index
      %get3A_177 = tpu.vector_load %arg5[%get3A_175, %get3A_176] {strides = array<i32>} : memref<88x128xi32, #tpu.memory_space<vmem>>, vector<16xi32>,
      %ge3A_178 = vector.broadcast %mul3A_0 : i32 to vector<16xi32>
      %ge3A_179 = arith.cmpi sge, %get3A_177, %ge3A_178 : vector<16xi32>
      %lt3A_180 = vector.broadcast %add3A_1 : i32 to vector<16xi32>
      %lt3A_181 = arith.cmpi slt, %get3A_177, %lt3A_180 : vector<16xi32>
      %and3A_182 = arith.andi %ge3A_179, %lt3A_181 : vector<16xi1>
      %jit3A_183 = arith.constant 10240 : i32
      %broadcast_in_dim3A_184 = vector.broadcast %jit3A_183 : i32 to vector<16xi32>
      %select_n3A_185 = arith.select %and3A_182, %get3A_177, %broadcast_in_dim3A_184 : vector<16xi1>, vector<16xi32>
      %swap3A_186 = arith.index_cast %arg1 : i32 to index
      %swap3A_187 = arith.constant 112 : index
      %swap3A_188 = tpu.vector_load %arg5[%swap3A_186, %swap3A_187] {strides = array<i32>} : memref<88x128xi32, #tpu.memory_space<vmem>>, vector<16xi32>,
      tpu.vector_store %arg5[%swap3A_186, %swap3A_187], %select_n3A_185 {strides = array<i32>} : memref<88x128xi32, #tpu.memory_space<vmem>>, vector<16xi32>,
      %dma_start3A = arith.constant 0 : i32
      %dma_start3A_189 = tpu.memref_slice %arg5[%arg1, %dma_start3A] : memref<88x128xi32, #tpu.memory_space<vmem>> -> memref<1x128xi32, #tpu.memory_space<vmem>>
      %dma_start3A_190 = tpu.memref_squeeze %dma_start3A_189 : memref<1x128xi32, #tpu.memory_space<vmem>> -> memref<128xi32, #tpu.memory_space<vmem>>
      %dma_start3A_191 = arith.constant 0 : i32
      %dma_start3A_192 = tpu.memref_slice %arg8[%dma_start3A_191] : memref<10368xf32, #tpu.memory_space<vmem_shared>> -> memref<10368xf32, #tpu.memory_space<vmem_shared>>
      tpu.enqueue_indirect_dma source(%arg6 : memref<128xf32, #tpu.memory_space<vmem>>) target(%dma_start3A_192 : memref<10368xf32, #tpu.memory_space<vmem_shared>>) offsets(%dma_start3A_190 : memref<128xi32, #tpu.memory_space<vmem>>) semaphore(%arg7 : memref<!tpu.dma_semaphore, #tpu.memory_space<semaphore_mem>>) {add = true}
      %dma_wait3A = arith.constant 0 : i32
      %dma_wait3A_193 = tpu.memref_slice %arg5[%arg1, %dma_wait3A] : memref<88x128xi32, #tpu.memory_space<vmem>> -> memref<1x128xi32, #tpu.memory_space<vmem>>
      %dma_wait3A_194 = tpu.memref_squeeze %dma_wait3A_193 : memref<1x128xi32, #tpu.memory_space<vmem>> -> memref<128xi32, #tpu.memory_space<vmem>>
      %dma_wait3A_195 = arith.constant 0 : i32
      %dma_wait3A_196 = tpu.memref_slice %arg8[%dma_wait3A_195] : memref<10368xf32, #tpu.memory_space<vmem_shared>> -> memref<10368xf32, #tpu.memory_space<vmem_shared>>
      tpu.wait_indirect_dma semaphore(%arg7 : memref<!tpu.dma_semaphore, #tpu.memory_space<semaphore_mem>>) src(%arg6 : memref<128xf32, #tpu.memory_space<vmem>>) dst(%dma_wait3A_196 : memref<10368xf32, #tpu.memory_space<vmem_shared>>)
    } else {
    }
    %barrier3A_72 = arith.constant 0 : index
    tpu.barrier barrier_id(%barrier3A_72)
    %lt3A_73 = arith.constant 8 : i32
    %lt3A_74 = arith.cmpi slt, %arg1, %lt3A_73 : i32
    %convert_element_type3A_75 = arith.extui %lt3A_74 : i1 to i32
    %cond3A_76 = arith.constant 0 : i32
    %cond3A_77 = arith.cmpi ne, %convert_element_type3A_75, %cond3A_76 : i32
    scf.if %cond3A_77 {
      %mul3A_78 = arith.constant 640 : i32
      %mul3A_79 = arith.muli %arg1, %mul3A_78 : i32
      %add3A_80 = arith.addi %mul3A_0, %mul3A_79 : i32
      %multiple_of3A_81 = tpu.assume_multiple %add3A_80, 8 : i32
      "tpu.region"() ({
        %run_scoped3A_82 = tpu.sem_alloc : memref<!tpu.dma_semaphore, #tpu.memory_space<semaphore_mem>>
        %dma_start3A = tpu.memref_slice %arg4[%multiple_of3A_81] : memref<10240xf32, #tpu.memory_space<hbm>> -> memref<640xf32, #tpu.memory_space<hbm>>
        %dma_start3A_83 = tpu.memref_slice %arg8[%multiple_of3A_81] : memref<10368xf32, #tpu.memory_space<vmem_shared>> -> memref<640xf32, #tpu.memory_space<vmem_shared>>
        tpu.enqueue_dma source(%dma_start3A_83 : memref<640xf32, #tpu.memory_space<vmem_shared>>) target(%dma_start3A : memref<640xf32, #tpu.memory_space<hbm>>) target_semaphore(%run_scoped3A_82 : memref<!tpu.dma_semaphore, #tpu.memory_space<semaphore_mem>>)
        %dma_wait3A = tpu.memref_slice %arg4[%multiple_of3A_81] : memref<10240xf32, #tpu.memory_space<hbm>> -> memref<640xf32, #tpu.memory_space<hbm>>
        %dma_wait3A_84 = tpu.memref_slice %arg8[%multiple_of3A_81] : memref<10368xf32, #tpu.memory_space<vmem_shared>> -> memref<640xf32, #tpu.memory_space<vmem_shared>>
        tpu.wait_dma2 semaphore(%run_scoped3A_82 : memref<!tpu.dma_semaphore, #tpu.memory_space<semaphore_mem>>) src(%dma_wait3A_84 : memref<640xf32, #tpu.memory_space<vmem_shared>>) dst(%dma_wait3A : memref<640xf32, #tpu.memory_space<hbm>>)
        tpu.yield
      }) : () -> ()
    } else {
    }
    return
  }
}

#map = affine_map<(d0, d1) -> (0, 0, 0)>
module attributes {stable_mosaic.version = 14 : i64} {
  func.func @k(%arg0: i32, %arg1: i32, %arg2: memref<2x10240x128xf32, #tpu.memory_space<hbm>>, %arg3: memref<2x1280x128xi32, #tpu.memory_space<hbm>>, %arg4: memref<2x10240x128xf32, #tpu.memory_space<hbm>>, %arg5: memref<48x128xi32, #tpu.memory_space<vmem>>, %arg6: memref<48x128xi32, #tpu.memory_space<vmem>>, %arg7: memref<2x128x128xf32, #tpu.memory_space<vmem>>, %arg8: memref<!tpu.dma_semaphore, #tpu.memory_space<semaphore_mem>>, %arg9: memref<!tpu.dma_semaphore, #tpu.memory_space<semaphore_mem>>, %arg10: memref<10240x128xf32, #tpu.memory_space<vmem_shared>>) attributes {dimension_semantics = [#tpu.dimension_semantics<core_parallel>, #tpu.dimension_semantics<subcore_parallel>], iteration_bounds = array<i64: 2, 16>, scalar_prefetch = 0 : i64, scratch_operands = 6 : i64, tpu.core_type = #tpu.core_type<sc_vector_subcore>, window_params = [{transform_indices = #map}, {transform_indices = #map}, {transform_indices = #map}]} {
    %mul3A = arith.constant 640 : i32
    %mul3A_0 = arith.muli %arg1, %mul3A : i32
    %multiple_of3A = tpu.assume_multiple %mul3A_0, 8 : i32
    "tpu.region"() ({
      %run_scoped3A_127 = tpu.sem_alloc : memref<!tpu.dma_semaphore, #tpu.memory_space<semaphore_mem>>
      %dma_start3A_128 = arith.constant 0 : i32
      %dma_start3A_129 = tpu.memref_slice %arg10[%multiple_of3A, %dma_start3A_128] : memref<10240x128xf32, #tpu.memory_space<vmem_shared>> -> memref<640x128xf32, #tpu.memory_space<vmem_shared>>
      %dma_start3A_130 = arith.constant 0 : i32
      %dma_start3A_131 = tpu.memref_slice %arg2[%arg0, %multiple_of3A, %dma_start3A_130] : memref<2x10240x128xf32, #tpu.memory_space<hbm>> -> memref<1x640x128xf32, #tpu.memory_space<hbm>>
      %dma_start3A_132 = tpu.memref_squeeze %dma_start3A_131 : memref<1x640x128xf32, #tpu.memory_space<hbm>> -> memref<640x128xf32, #tpu.memory_space<hbm>>
      tpu.enqueue_dma source(%dma_start3A_132 : memref<640x128xf32, #tpu.memory_space<hbm>>) target(%dma_start3A_129 : memref<640x128xf32, #tpu.memory_space<vmem_shared>>) target_semaphore(%run_scoped3A_127 : memref<!tpu.dma_semaphore, #tpu.memory_space<semaphore_mem>>)
      %dma_wait3A_133 = arith.constant 0 : i32
      %dma_wait3A_134 = tpu.memref_slice %arg10[%multiple_of3A, %dma_wait3A_133] : memref<10240x128xf32, #tpu.memory_space<vmem_shared>> -> memref<640x128xf32, #tpu.memory_space<vmem_shared>>
      %dma_wait3A_135 = arith.constant 0 : i32
      %dma_wait3A_136 = tpu.memref_slice %arg2[%arg0, %multiple_of3A, %dma_wait3A_135] : memref<2x10240x128xf32, #tpu.memory_space<hbm>> -> memref<1x640x128xf32, #tpu.memory_space<hbm>>
      %dma_wait3A_137 = tpu.memref_squeeze %dma_wait3A_136 : memref<1x640x128xf32, #tpu.memory_space<hbm>> -> memref<640x128xf32, #tpu.memory_space<hbm>>
      tpu.wait_dma2 semaphore(%run_scoped3A_127 : memref<!tpu.dma_semaphore, #tpu.memory_space<semaphore_mem>>) src(%dma_wait3A_137 : memref<640x128xf32, #tpu.memory_space<hbm>>) dst(%dma_wait3A_134 : memref<640x128xf32, #tpu.memory_space<vmem_shared>>)
      tpu.yield
    }) : () -> ()
    %barrier3A = arith.constant 0 : index
    tpu.barrier barrier_id(%barrier3A)
    %mul3A_1 = arith.constant 78 : i32
    %mul3A_2 = arith.muli %arg1, %mul3A_1 : i32
    %jit3A = arith.constant 8 : i32
    %div3A = arith.divsi %mul3A_2, %jit3A : i32
    %sign3A = arith.constant 0 : i32
    %sign3A_3 = arith.cmpi sgt, %mul3A_2, %sign3A : i32
    %sign3A_4 = arith.extui %sign3A_3 : i1 to i32
    %sign3A_5 = arith.constant 0 : i32
    %sign3A_6 = arith.cmpi slt, %mul3A_2, %sign3A_5 : i32
    %sign3A_7 = arith.extui %sign3A_6 : i1 to i32
    %sign3A_8 = arith.subi %sign3A_4, %sign3A_7 : i32
    %sign3A_9 = arith.constant 0 : i32
    %sign3A_10 = arith.cmpi sgt, %jit3A, %sign3A_9 : i32
    %sign3A_11 = arith.extui %sign3A_10 : i1 to i32
    %sign3A_12 = arith.constant 0 : i32
    %sign3A_13 = arith.cmpi slt, %jit3A, %sign3A_12 : i32
    %sign3A_14 = arith.extui %sign3A_13 : i1 to i32
    %sign3A_15 = arith.subi %sign3A_11, %sign3A_14 : i32
    %ne3A = arith.cmpi ne, %sign3A_8, %sign3A_15 : i32
    %rem3A = arith.remsi %mul3A_2, %jit3A : i32
    %ne3A_16 = arith.constant 0 : i32
    %ne3A_17 = arith.cmpi ne, %rem3A, %ne3A_16 : i32
    %and3A = arith.andi %ne3A, %ne3A_17 : i1
    %sub3A = arith.constant 1 : i32
    %sub3A_18 = arith.subi %div3A, %sub3A : i32
    %select_n3A = arith.select %and3A, %sub3A_18, %div3A : i32
    %mul3A_19 = arith.constant 8 : i32
    %mul3A_20 = arith.muli %select_n3A, %mul3A_19 : i32
    %multiple_of3A_21 = tpu.assume_multiple %mul3A_20, 8 : i32
    %sub3A_22 = arith.subi %mul3A_2, %multiple_of3A_21 : i32
    %run_scoped3A = arith.constant 0 : i32
    "tpu.region"() ({
      %run_scoped3A_127 = tpu.sem_alloc : memref<!tpu.dma_semaphore, #tpu.memory_space<semaphore_mem>>
      %dma_start3A_128 = arith.constant 0 : i32
      %dma_start3A_129 = tpu.memref_slice %arg3[%run_scoped3A, %multiple_of3A_21, %dma_start3A_128] : memref<2x1280x128xi32, #tpu.memory_space<hbm>> -> memref<1x48x128xi32, #tpu.memory_space<hbm>>
      %dma_start3A_130 = tpu.memref_squeeze %dma_start3A_129 : memref<1x48x128xi32, #tpu.memory_space<hbm>> -> memref<48x128xi32, #tpu.memory_space<hbm>>
      %dma_start3A_131 = arith.constant 0 : i32
      %dma_start3A_132 = tpu.memref_slice %arg3[%run_scoped3A, %multiple_of3A_21, %dma_start3A_131] : memref<2x1280x128xi32, #tpu.memory_space<hbm>> -> memref<1x48x128xi32, #tpu.memory_space<hbm>>
      %dma_start3A_133 = tpu.memref_squeeze %dma_start3A_132 : memref<1x48x128xi32, #tpu.memory_space<hbm>> -> memref<48x128xi32, #tpu.memory_space<hbm>>
      tpu.enqueue_dma source(%dma_start3A_133 : memref<48x128xi32, #tpu.memory_space<hbm>>) target(%arg5 : memref<48x128xi32, #tpu.memory_space<vmem>>) target_semaphore(%run_scoped3A_127 : memref<!tpu.dma_semaphore, #tpu.memory_space<semaphore_mem>>)
      %dma_wait3A_134 = arith.constant 0 : i32
      %dma_wait3A_135 = tpu.memref_slice %arg3[%run_scoped3A, %multiple_of3A_21, %dma_wait3A_134] : memref<2x1280x128xi32, #tpu.memory_space<hbm>> -> memref<1x48x128xi32, #tpu.memory_space<hbm>>
      %dma_wait3A_136 = tpu.memref_squeeze %dma_wait3A_135 : memref<1x48x128xi32, #tpu.memory_space<hbm>> -> memref<48x128xi32, #tpu.memory_space<hbm>>
      %dma_wait3A_137 = arith.constant 0 : i32
      %dma_wait3A_138 = tpu.memref_slice %arg3[%run_scoped3A, %multiple_of3A_21, %dma_wait3A_137] : memref<2x1280x128xi32, #tpu.memory_space<hbm>> -> memref<1x48x128xi32, #tpu.memory_space<hbm>>
      %dma_wait3A_139 = tpu.memref_squeeze %dma_wait3A_138 : memref<1x48x128xi32, #tpu.memory_space<hbm>> -> memref<48x128xi32, #tpu.memory_space<hbm>>
      tpu.wait_dma2 semaphore(%run_scoped3A_127 : memref<!tpu.dma_semaphore, #tpu.memory_space<semaphore_mem>>) src(%dma_wait3A_139 : memref<48x128xi32, #tpu.memory_space<hbm>>) dst(%arg5 : memref<48x128xi32, #tpu.memory_space<vmem>>)
      tpu.yield
    }) : () -> ()
    %run_scoped3A_23 = arith.constant 1 : i32
    "tpu.region"() ({
      %run_scoped3A_127 = tpu.sem_alloc : memref<!tpu.dma_semaphore, #tpu.memory_space<semaphore_mem>>
      %dma_start3A_128 = arith.constant 0 : i32
      %dma_start3A_129 = tpu.memref_slice %arg3[%run_scoped3A_23, %multiple_of3A_21, %dma_start3A_128] : memref<2x1280x128xi32, #tpu.memory_space<hbm>> -> memref<1x48x128xi32, #tpu.memory_space<hbm>>
      %dma_start3A_130 = tpu.memref_squeeze %dma_start3A_129 : memref<1x48x128xi32, #tpu.memory_space<hbm>> -> memref<48x128xi32, #tpu.memory_space<hbm>>
      %dma_start3A_131 = arith.constant 0 : i32
      %dma_start3A_132 = tpu.memref_slice %arg3[%run_scoped3A_23, %multiple_of3A_21, %dma_start3A_131] : memref<2x1280x128xi32, #tpu.memory_space<hbm>> -> memref<1x48x128xi32, #tpu.memory_space<hbm>>
      %dma_start3A_133 = tpu.memref_squeeze %dma_start3A_132 : memref<1x48x128xi32, #tpu.memory_space<hbm>> -> memref<48x128xi32, #tpu.memory_space<hbm>>
      tpu.enqueue_dma source(%dma_start3A_133 : memref<48x128xi32, #tpu.memory_space<hbm>>) target(%arg6 : memref<48x128xi32, #tpu.memory_space<vmem>>) target_semaphore(%run_scoped3A_127 : memref<!tpu.dma_semaphore, #tpu.memory_space<semaphore_mem>>)
      %dma_wait3A_134 = arith.constant 0 : i32
      %dma_wait3A_135 = tpu.memref_slice %arg3[%run_scoped3A_23, %multiple_of3A_21, %dma_wait3A_134] : memref<2x1280x128xi32, #tpu.memory_space<hbm>> -> memref<1x48x128xi32, #tpu.memory_space<hbm>>
      %dma_wait3A_136 = tpu.memref_squeeze %dma_wait3A_135 : memref<1x48x128xi32, #tpu.memory_space<hbm>> -> memref<48x128xi32, #tpu.memory_space<hbm>>
      %dma_wait3A_137 = arith.constant 0 : i32
      %dma_wait3A_138 = tpu.memref_slice %arg3[%run_scoped3A_23, %multiple_of3A_21, %dma_wait3A_137] : memref<2x1280x128xi32, #tpu.memory_space<hbm>> -> memref<1x48x128xi32, #tpu.memory_space<hbm>>
      %dma_wait3A_139 = tpu.memref_squeeze %dma_wait3A_138 : memref<1x48x128xi32, #tpu.memory_space<hbm>> -> memref<48x128xi32, #tpu.memory_space<hbm>>
      tpu.wait_dma2 semaphore(%run_scoped3A_127 : memref<!tpu.dma_semaphore, #tpu.memory_space<semaphore_mem>>) src(%dma_wait3A_139 : memref<48x128xi32, #tpu.memory_space<hbm>>) dst(%arg6 : memref<48x128xi32, #tpu.memory_space<vmem>>)
      tpu.yield
    }) : () -> ()
    %dma_start3A = arith.constant 0 : i32
    %dma_start3A_24 = arith.constant 0 : i32
    %dma_start3A_25 = arith.constant 0 : i32
    %dma_start3A_26 = tpu.memref_slice %arg7[%dma_start3A, %dma_start3A_24, %dma_start3A_25] : memref<2x128x128xf32, #tpu.memory_space<vmem>> -> memref<1x128x128xf32, #tpu.memory_space<vmem>>
    %dma_start3A_27 = tpu.memref_squeeze %dma_start3A_26 : memref<1x128x128xf32, #tpu.memory_space<vmem>> -> memref<128x128xf32, #tpu.memory_space<vmem>>
    %dma_start3A_28 = arith.constant 0 : i32
    %dma_start3A_29 = tpu.memref_slice %arg5[%sub3A_22, %dma_start3A_28] : memref<48x128xi32, #tpu.memory_space<vmem>> -> memref<1x128xi32, #tpu.memory_space<vmem>>
    %dma_start3A_30 = tpu.memref_squeeze %dma_start3A_29 : memref<1x128xi32, #tpu.memory_space<vmem>> -> memref<128xi32, #tpu.memory_space<vmem>>
    %dma_start3A_31 = arith.constant 0 : i32
    %dma_start3A_32 = arith.constant 0 : i32
    %dma_start3A_33 = tpu.memref_slice %arg2[%arg0, %dma_start3A_31, %dma_start3A_32] : memref<2x10240x128xf32, #tpu.memory_space<hbm>> -> memref<1x10240x128xf32, #tpu.memory_space<hbm>>
    %dma_start3A_34 = tpu.memref_squeeze %dma_start3A_33 : memref<1x10240x128xf32, #tpu.memory_space<hbm>> -> memref<10240x128xf32, #tpu.memory_space<hbm>>
    %dma_start3A_35 = arith.constant 0 : i32
    %dma_start3A_36 = arith.constant 0 : i32
    %dma_start3A_37 = tpu.memref_slice %dma_start3A_34[%dma_start3A_35, %dma_start3A_36] : memref<10240x128xf32, #tpu.memory_space<hbm>> -> memref<10240x128xf32, #tpu.memory_space<hbm>>
    tpu.enqueue_indirect_dma source(%dma_start3A_37 : memref<10240x128xf32, #tpu.memory_space<hbm>>) target(%dma_start3A_27 : memref<128x128xf32, #tpu.memory_space<vmem>>) offsets(%dma_start3A_30 : memref<128xi32, #tpu.memory_space<vmem>>) semaphore(%arg8 : memref<!tpu.dma_semaphore, #tpu.memory_space<semaphore_mem>>)
    %scan3A = arith.constant 0 : i32
    %scan3A_38 = arith.constant 20 : i32
    %scan3A_39 = arith.addi %scan3A, %scan3A_38 : i32
    %scan3A_40 = arith.constant 1 : i32
    scf.for %scan3A_127 = %scan3A to %scan3A_39 step %scan3A_40  : i32 {
      %mul3A_128 = arith.constant 1 : i32
      %mul3A_129 = arith.muli %scan3A_127, %mul3A_128 : i32
      %add3A_130 = arith.constant 0 : i32
      %add3A_131 = arith.addi %add3A_130, %mul3A_129 : i32
      %mul3A_132 = arith.constant 2 : i32
      %mul3A_133 = arith.muli %add3A_131, %mul3A_132 : i32
      %add3A_134 = arith.addi %sub3A_22, %mul3A_133 : i32
      %add3A_135 = arith.constant 0 : i32
      %add3A_136 = arith.addi %add3A_134, %add3A_135 : i32
      %add3A_137 = arith.constant 1 : i32
      %add3A_138 = arith.addi %add3A_136, %add3A_137 : i32
      %add3A_139 = arith.constant 40 : i32
      %add3A_140 = arith.addi %sub3A_22, %add3A_139 : i32
      %sub3A_141 = arith.constant 1 : i32
      %sub3A_142 = arith.subi %add3A_140, %sub3A_141 : i32
      %min3A = arith.minsi %add3A_138, %sub3A_142 : i32
      %dma_start3A_143 = arith.constant 1 : i32
      %dma_start3A_144 = arith.constant 0 : i32
      %dma_start3A_145 = arith.constant 0 : i32
      %dma_start3A_146 = tpu.memref_slice %arg7[%dma_start3A_143, %dma_start3A_144, %dma_start3A_145] : memref<2x128x128xf32, #tpu.memory_space<vmem>> -> memref<1x128x128xf32, #tpu.memory_space<vmem>>
      %dma_start3A_147 = tpu.memref_squeeze %dma_start3A_146 : memref<1x128x128xf32, #tpu.memory_space<vmem>> -> memref<128x128xf32, #tpu.memory_space<vmem>>
      %dma_start3A_148 = arith.constant 0 : i32
      %dma_start3A_149 = tpu.memref_slice %arg5[%min3A, %dma_start3A_148] : memref<48x128xi32, #tpu.memory_space<vmem>> -> memref<1x128xi32, #tpu.memory_space<vmem>>
      %dma_start3A_150 = tpu.memref_squeeze %dma_start3A_149 : memref<1x128xi32, #tpu.memory_space<vmem>> -> memref<128xi32, #tpu.memory_space<vmem>>
      %dma_start3A_151 = arith.constant 0 : i32
      %dma_start3A_152 = arith.constant 0 : i32
      %dma_start3A_153 = tpu.memref_slice %arg2[%arg0, %dma_start3A_151, %dma_start3A_152] : memref<2x10240x128xf32, #tpu.memory_space<hbm>> -> memref<1x10240x128xf32, #tpu.memory_space<hbm>>
      %dma_start3A_154 = tpu.memref_squeeze %dma_start3A_153 : memref<1x10240x128xf32, #tpu.memory_space<hbm>> -> memref<10240x128xf32, #tpu.memory_space<hbm>>
      %dma_start3A_155 = arith.constant 0 : i32
      %dma_start3A_156 = arith.constant 0 : i32
      %dma_start3A_157 = tpu.memref_slice %dma_start3A_154[%dma_start3A_155, %dma_start3A_156] : memref<10240x128xf32, #tpu.memory_space<hbm>> -> memref<10240x128xf32, #tpu.memory_space<hbm>>
      tpu.enqueue_indirect_dma source(%dma_start3A_157 : memref<10240x128xf32, #tpu.memory_space<hbm>>) target(%dma_start3A_147 : memref<128x128xf32, #tpu.memory_space<vmem>>) offsets(%dma_start3A_150 : memref<128xi32, #tpu.memory_space<vmem>>) semaphore(%arg9 : memref<!tpu.dma_semaphore, #tpu.memory_space<semaphore_mem>>)
      %dma_wait3A_158 = arith.constant 0 : i32
      %dma_wait3A_159 = arith.constant 0 : i32
      %dma_wait3A_160 = arith.constant 0 : i32
      %dma_wait3A_161 = tpu.memref_slice %arg7[%dma_wait3A_158, %dma_wait3A_159, %dma_wait3A_160] : memref<2x128x128xf32, #tpu.memory_space<vmem>> -> memref<1x128x128xf32, #tpu.memory_space<vmem>>
      %dma_wait3A_162 = tpu.memref_squeeze %dma_wait3A_161 : memref<1x128x128xf32, #tpu.memory_space<vmem>> -> memref<128x128xf32, #tpu.memory_space<vmem>>
      %dma_wait3A_163 = arith.constant 0 : i32
      %dma_wait3A_164 = tpu.memref_slice %arg5[%add3A_136, %dma_wait3A_163] : memref<48x128xi32, #tpu.memory_space<vmem>> -> memref<1x128xi32, #tpu.memory_space<vmem>>
      %dma_wait3A_165 = tpu.memref_squeeze %dma_wait3A_164 : memref<1x128xi32, #tpu.memory_space<vmem>> -> memref<128xi32, #tpu.memory_space<vmem>>
      %dma_wait3A_166 = arith.constant 0 : i32
      %dma_wait3A_167 = arith.constant 0 : i32
      %dma_wait3A_168 = tpu.memref_slice %arg2[%arg0, %dma_wait3A_166, %dma_wait3A_167] : memref<2x10240x128xf32, #tpu.memory_space<hbm>> -> memref<1x10240x128xf32, #tpu.memory_space<hbm>>
      %dma_wait3A_169 = tpu.memref_squeeze %dma_wait3A_168 : memref<1x10240x128xf32, #tpu.memory_space<hbm>> -> memref<10240x128xf32, #tpu.memory_space<hbm>>
      %dma_wait3A_170 = arith.constant 0 : i32
      %dma_wait3A_171 = arith.constant 0 : i32
      %dma_wait3A_172 = tpu.memref_slice %dma_wait3A_169[%dma_wait3A_170, %dma_wait3A_171] : memref<10240x128xf32, #tpu.memory_space<hbm>> -> memref<10240x128xf32, #tpu.memory_space<hbm>>
      tpu.wait_indirect_dma semaphore(%arg8 : memref<!tpu.dma_semaphore, #tpu.memory_space<semaphore_mem>>) src(%dma_wait3A_172 : memref<10240x128xf32, #tpu.memory_space<hbm>>) dst(%dma_wait3A_162 : memref<128x128xf32, #tpu.memory_space<vmem>>)
      %run_scoped3A_173 = arith.constant 0 : i32
      "tpu.region"() ({
        %run_scoped3A_217 = tpu.sem_alloc : memref<!tpu.dma_semaphore, #tpu.memory_space<semaphore_mem>>
        %dma_start3A_218 = arith.constant 0 : i32
        %dma_start3A_219 = arith.constant 0 : i32
        %dma_start3A_220 = tpu.memref_slice %arg7[%run_scoped3A_173, %dma_start3A_218, %dma_start3A_219] : memref<2x128x128xf32, #tpu.memory_space<vmem>> -> memref<1x128x128xf32, #tpu.memory_space<vmem>>
        %dma_start3A_221 = tpu.memref_squeeze %dma_start3A_220 : memref<1x128x128xf32, #tpu.memory_space<vmem>> -> memref<128x128xf32, #tpu.memory_space<vmem>>
        %dma_start3A_222 = arith.constant 0 : i32
        %dma_start3A_223 = tpu.memref_slice %arg6[%add3A_136, %dma_start3A_222] : memref<48x128xi32, #tpu.memory_space<vmem>> -> memref<1x128xi32, #tpu.memory_space<vmem>>
        %dma_start3A_224 = tpu.memref_squeeze %dma_start3A_223 : memref<1x128xi32, #tpu.memory_space<vmem>> -> memref<128xi32, #tpu.memory_space<vmem>>
        %dma_start3A_225 = arith.constant 0 : i32
        %dma_start3A_226 = arith.constant 0 : i32
        %dma_start3A_227 = tpu.memref_slice %arg10[%dma_start3A_225, %dma_start3A_226] : memref<10240x128xf32, #tpu.memory_space<vmem_shared>> -> memref<10240x128xf32, #tpu.memory_space<vmem_shared>>
        tpu.enqueue_indirect_dma source(%dma_start3A_221 : memref<128x128xf32, #tpu.memory_space<vmem>>) target(%dma_start3A_227 : memref<10240x128xf32, #tpu.memory_space<vmem_shared>>) offsets(%dma_start3A_224 : memref<128xi32, #tpu.memory_space<vmem>>) semaphore(%run_scoped3A_217 : memref<!tpu.dma_semaphore, #tpu.memory_space<semaphore_mem>>) {add = true}
        %dma_wait3A_228 = arith.constant 0 : i32
        %dma_wait3A_229 = arith.constant 0 : i32
        %dma_wait3A_230 = tpu.memref_slice %arg7[%run_scoped3A_173, %dma_wait3A_228, %dma_wait3A_229] : memref<2x128x128xf32, #tpu.memory_space<vmem>> -> memref<1x128x128xf32, #tpu.memory_space<vmem>>
        %dma_wait3A_231 = tpu.memref_squeeze %dma_wait3A_230 : memref<1x128x128xf32, #tpu.memory_space<vmem>> -> memref<128x128xf32, #tpu.memory_space<vmem>>
        %dma_wait3A_232 = arith.constant 0 : i32
        %dma_wait3A_233 = tpu.memref_slice %arg6[%add3A_136, %dma_wait3A_232] : memref<48x128xi32, #tpu.memory_space<vmem>> -> memref<1x128xi32, #tpu.memory_space<vmem>>
        %dma_wait3A_234 = tpu.memref_squeeze %dma_wait3A_233 : memref<1x128xi32, #tpu.memory_space<vmem>> -> memref<128xi32, #tpu.memory_space<vmem>>
        %dma_wait3A_235 = arith.constant 0 : i32
        %dma_wait3A_236 = arith.constant 0 : i32
        %dma_wait3A_237 = tpu.memref_slice %arg10[%dma_wait3A_235, %dma_wait3A_236] : memref<10240x128xf32, #tpu.memory_space<vmem_shared>> -> memref<10240x128xf32, #tpu.memory_space<vmem_shared>>
        tpu.wait_indirect_dma semaphore(%run_scoped3A_217 : memref<!tpu.dma_semaphore, #tpu.memory_space<semaphore_mem>>) src(%dma_wait3A_231 : memref<128x128xf32, #tpu.memory_space<vmem>>) dst(%dma_wait3A_237 : memref<10240x128xf32, #tpu.memory_space<vmem_shared>>)
        tpu.yield
      }) : () -> ()
      %mul3A_174 = arith.constant 2 : i32
      %mul3A_175 = arith.muli %add3A_131, %mul3A_174 : i32
      %add3A_176 = arith.addi %sub3A_22, %mul3A_175 : i32
      %add3A_177 = arith.constant 1 : i32
      %add3A_178 = arith.addi %add3A_176, %add3A_177 : i32
      %add3A_179 = arith.constant 1 : i32
      %add3A_180 = arith.addi %add3A_178, %add3A_179 : i32
      %add3A_181 = arith.constant 40 : i32
      %add3A_182 = arith.addi %sub3A_22, %add3A_181 : i32
      %sub3A_183 = arith.constant 1 : i32
      %sub3A_184 = arith.subi %add3A_182, %sub3A_183 : i32
      %min3A_185 = arith.minsi %add3A_180, %sub3A_184 : i32
      %dma_start3A_186 = arith.constant 0 : i32
      %dma_start3A_187 = arith.constant 0 : i32
      %dma_start3A_188 = arith.constant 0 : i32
      %dma_start3A_189 = tpu.memref_slice %arg7[%dma_start3A_186, %dma_start3A_187, %dma_start3A_188] : memref<2x128x128xf32, #tpu.memory_space<vmem>> -> memref<1x128x128xf32, #tpu.memory_space<vmem>>
      %dma_start3A_190 = tpu.memref_squeeze %dma_start3A_189 : memref<1x128x128xf32, #tpu.memory_space<vmem>> -> memref<128x128xf32, #tpu.memory_space<vmem>>
      %dma_start3A_191 = arith.constant 0 : i32
      %dma_start3A_192 = tpu.memref_slice %arg5[%min3A_185, %dma_start3A_191] : memref<48x128xi32, #tpu.memory_space<vmem>> -> memref<1x128xi32, #tpu.memory_space<vmem>>
      %dma_start3A_193 = tpu.memref_squeeze %dma_start3A_192 : memref<1x128xi32, #tpu.memory_space<vmem>> -> memref<128xi32, #tpu.memory_space<vmem>>
      %dma_start3A_194 = arith.constant 0 : i32
      %dma_start3A_195 = arith.constant 0 : i32
      %dma_start3A_196 = tpu.memref_slice %arg2[%arg0, %dma_start3A_194, %dma_start3A_195] : memref<2x10240x128xf32, #tpu.memory_space<hbm>> -> memref<1x10240x128xf32, #tpu.memory_space<hbm>>
      %dma_start3A_197 = tpu.memref_squeeze %dma_start3A_196 : memref<1x10240x128xf32, #tpu.memory_space<hbm>> -> memref<10240x128xf32, #tpu.memory_space<hbm>>
      %dma_start3A_198 = arith.constant 0 : i32
      %dma_start3A_199 = arith.constant 0 : i32
      %dma_start3A_200 = tpu.memref_slice %dma_start3A_197[%dma_start3A_198, %dma_start3A_199] : memref<10240x128xf32, #tpu.memory_space<hbm>> -> memref<10240x128xf32, #tpu.memory_space<hbm>>
      tpu.enqueue_indirect_dma source(%dma_start3A_200 : memref<10240x128xf32, #tpu.memory_space<hbm>>) target(%dma_start3A_190 : memref<128x128xf32, #tpu.memory_space<vmem>>) offsets(%dma_start3A_193 : memref<128xi32, #tpu.memory_space<vmem>>) semaphore(%arg8 : memref<!tpu.dma_semaphore, #tpu.memory_space<semaphore_mem>>)
      %dma_wait3A_201 = arith.constant 1 : i32
      %dma_wait3A_202 = arith.constant 0 : i32
      %dma_wait3A_203 = arith.constant 0 : i32
      %dma_wait3A_204 = tpu.memref_slice %arg7[%dma_wait3A_201, %dma_wait3A_202, %dma_wait3A_203] : memref<2x128x128xf32, #tpu.memory_space<vmem>> -> memref<1x128x128xf32, #tpu.memory_space<vmem>>
      %dma_wait3A_205 = tpu.memref_squeeze %dma_wait3A_204 : memref<1x128x128xf32, #tpu.memory_space<vmem>> -> memref<128x128xf32, #tpu.memory_space<vmem>>
      %dma_wait3A_206 = arith.constant 0 : i32
      %dma_wait3A_207 = tpu.memref_slice %arg5[%add3A_178, %dma_wait3A_206] : memref<48x128xi32, #tpu.memory_space<vmem>> -> memref<1x128xi32, #tpu.memory_space<vmem>>
      %dma_wait3A_208 = tpu.memref_squeeze %dma_wait3A_207 : memref<1x128xi32, #tpu.memory_space<vmem>> -> memref<128xi32, #tpu.memory_space<vmem>>
      %dma_wait3A_209 = arith.constant 0 : i32
      %dma_wait3A_210 = arith.constant 0 : i32
      %dma_wait3A_211 = tpu.memref_slice %arg2[%arg0, %dma_wait3A_209, %dma_wait3A_210] : memref<2x10240x128xf32, #tpu.memory_space<hbm>> -> memref<1x10240x128xf32, #tpu.memory_space<hbm>>
      %dma_wait3A_212 = tpu.memref_squeeze %dma_wait3A_211 : memref<1x10240x128xf32, #tpu.memory_space<hbm>> -> memref<10240x128xf32, #tpu.memory_space<hbm>>
      %dma_wait3A_213 = arith.constant 0 : i32
      %dma_wait3A_214 = arith.constant 0 : i32
      %dma_wait3A_215 = tpu.memref_slice %dma_wait3A_212[%dma_wait3A_213, %dma_wait3A_214] : memref<10240x128xf32, #tpu.memory_space<hbm>> -> memref<10240x128xf32, #tpu.memory_space<hbm>>
      tpu.wait_indirect_dma semaphore(%arg9 : memref<!tpu.dma_semaphore, #tpu.memory_space<semaphore_mem>>) src(%dma_wait3A_215 : memref<10240x128xf32, #tpu.memory_space<hbm>>) dst(%dma_wait3A_205 : memref<128x128xf32, #tpu.memory_space<vmem>>)
      %run_scoped3A_216 = arith.constant 1 : i32
      "tpu.region"() ({
        %run_scoped3A_217 = tpu.sem_alloc : memref<!tpu.dma_semaphore, #tpu.memory_space<semaphore_mem>>
        %dma_start3A_218 = arith.constant 0 : i32
        %dma_start3A_219 = arith.constant 0 : i32
        %dma_start3A_220 = tpu.memref_slice %arg7[%run_scoped3A_216, %dma_start3A_218, %dma_start3A_219] : memref<2x128x128xf32, #tpu.memory_space<vmem>> -> memref<1x128x128xf32, #tpu.memory_space<vmem>>
        %dma_start3A_221 = tpu.memref_squeeze %dma_start3A_220 : memref<1x128x128xf32, #tpu.memory_space<vmem>> -> memref<128x128xf32, #tpu.memory_space<vmem>>
        %dma_start3A_222 = arith.constant 0 : i32
        %dma_start3A_223 = tpu.memref_slice %arg6[%add3A_178, %dma_start3A_222] : memref<48x128xi32, #tpu.memory_space<vmem>> -> memref<1x128xi32, #tpu.memory_space<vmem>>
        %dma_start3A_224 = tpu.memref_squeeze %dma_start3A_223 : memref<1x128xi32, #tpu.memory_space<vmem>> -> memref<128xi32, #tpu.memory_space<vmem>>
        %dma_start3A_225 = arith.constant 0 : i32
        %dma_start3A_226 = arith.constant 0 : i32
        %dma_start3A_227 = tpu.memref_slice %arg10[%dma_start3A_225, %dma_start3A_226] : memref<10240x128xf32, #tpu.memory_space<vmem_shared>> -> memref<10240x128xf32, #tpu.memory_space<vmem_shared>>
        tpu.enqueue_indirect_dma source(%dma_start3A_221 : memref<128x128xf32, #tpu.memory_space<vmem>>) target(%dma_start3A_227 : memref<10240x128xf32, #tpu.memory_space<vmem_shared>>) offsets(%dma_start3A_224 : memref<128xi32, #tpu.memory_space<vmem>>) semaphore(%run_scoped3A_217 : memref<!tpu.dma_semaphore, #tpu.memory_space<semaphore_mem>>) {add = true}
        %dma_wait3A_228 = arith.constant 0 : i32
        %dma_wait3A_229 = arith.constant 0 : i32
        %dma_wait3A_230 = tpu.memref_slice %arg7[%run_scoped3A_216, %dma_wait3A_228, %dma_wait3A_229] : memref<2x128x128xf32, #tpu.memory_space<vmem>> -> memref<1x128x128xf32, #tpu.memory_space<vmem>>
        %dma_wait3A_231 = tpu.memref_squeeze %dma_wait3A_230 : memref<1x128x128xf32, #tpu.memory_space<vmem>> -> memref<128x128xf32, #tpu.memory_space<vmem>>
        %dma_wait3A_232 = arith.constant 0 : i32
        %dma_wait3A_233 = tpu.memref_slice %arg6[%add3A_178, %dma_wait3A_232] : memref<48x128xi32, #tpu.memory_space<vmem>> -> memref<1x128xi32, #tpu.memory_space<vmem>>
        %dma_wait3A_234 = tpu.memref_squeeze %dma_wait3A_233 : memref<1x128xi32, #tpu.memory_space<vmem>> -> memref<128xi32, #tpu.memory_space<vmem>>
        %dma_wait3A_235 = arith.constant 0 : i32
        %dma_wait3A_236 = arith.constant 0 : i32
        %dma_wait3A_237 = tpu.memref_slice %arg10[%dma_wait3A_235, %dma_wait3A_236] : memref<10240x128xf32, #tpu.memory_space<vmem_shared>> -> memref<10240x128xf32, #tpu.memory_space<vmem_shared>>
        tpu.wait_indirect_dma semaphore(%run_scoped3A_217 : memref<!tpu.dma_semaphore, #tpu.memory_space<semaphore_mem>>) src(%dma_wait3A_231 : memref<128x128xf32, #tpu.memory_space<vmem>>) dst(%dma_wait3A_237 : memref<10240x128xf32, #tpu.memory_space<vmem_shared>>)
        tpu.yield
      }) : () -> ()
    }
    %scan3A_41 = arith.constant 20 : i32
    %dma_wait3A = arith.constant 0 : i32
    %dma_wait3A_42 = arith.constant 0 : i32
    %dma_wait3A_43 = arith.constant 0 : i32
    %dma_wait3A_44 = tpu.memref_slice %arg7[%dma_wait3A, %dma_wait3A_42, %dma_wait3A_43] : memref<2x128x128xf32, #tpu.memory_space<vmem>> -> memref<1x128x128xf32, #tpu.memory_space<vmem>>
    %dma_wait3A_45 = tpu.memref_squeeze %dma_wait3A_44 : memref<1x128x128xf32, #tpu.memory_space<vmem>> -> memref<128x128xf32, #tpu.memory_space<vmem>>
    %dma_wait3A_46 = arith.constant 0 : i32
    %dma_wait3A_47 = tpu.memref_slice %arg5[%sub3A_22, %dma_wait3A_46] : memref<48x128xi32, #tpu.memory_space<vmem>> -> memref<1x128xi32, #tpu.memory_space<vmem>>
    %dma_wait3A_48 = tpu.memref_squeeze %dma_wait3A_47 : memref<1x128xi32, #tpu.memory_space<vmem>> -> memref<128xi32, #tpu.memory_space<vmem>>
    %dma_wait3A_49 = arith.constant 0 : i32
    %dma_wait3A_50 = arith.constant 0 : i32
    %dma_wait3A_51 = tpu.memref_slice %arg2[%arg0, %dma_wait3A_49, %dma_wait3A_50] : memref<2x10240x128xf32, #tpu.memory_space<hbm>> -> memref<1x10240x128xf32, #tpu.memory_space<hbm>>
    %dma_wait3A_52 = tpu.memref_squeeze %dma_wait3A_51 : memref<1x10240x128xf32, #tpu.memory_space<hbm>> -> memref<10240x128xf32, #tpu.memory_space<hbm>>
    %dma_wait3A_53 = arith.constant 0 : i32
    %dma_wait3A_54 = arith.constant 0 : i32
    %dma_wait3A_55 = tpu.memref_slice %dma_wait3A_52[%dma_wait3A_53, %dma_wait3A_54] : memref<10240x128xf32, #tpu.memory_space<hbm>> -> memref<10240x128xf32, #tpu.memory_space<hbm>>
    tpu.wait_indirect_dma semaphore(%arg8 : memref<!tpu.dma_semaphore, #tpu.memory_space<semaphore_mem>>) src(%dma_wait3A_55 : memref<10240x128xf32, #tpu.memory_space<hbm>>) dst(%dma_wait3A_45 : memref<128x128xf32, #tpu.memory_space<vmem>>)
    %mul3A_56 = arith.constant 78 : i32
    %mul3A_57 = arith.muli %arg1, %mul3A_56 : i32
    %add3A = arith.constant 40 : i32
    %add3A_58 = arith.addi %mul3A_57, %add3A : i32
    %jit3A_59 = arith.constant 8 : i32
    %div3A_60 = arith.divsi %add3A_58, %jit3A_59 : i32
    %sign3A_61 = arith.constant 0 : i32
    %sign3A_62 = arith.cmpi sgt, %add3A_58, %sign3A_61 : i32
    %sign3A_63 = arith.extui %sign3A_62 : i1 to i32
    %sign3A_64 = arith.constant 0 : i32
    %sign3A_65 = arith.cmpi slt, %add3A_58, %sign3A_64 : i32
    %sign3A_66 = arith.extui %sign3A_65 : i1 to i32
    %sign3A_67 = arith.subi %sign3A_63, %sign3A_66 : i32
    %sign3A_68 = arith.constant 0 : i32
    %sign3A_69 = arith.cmpi sgt, %jit3A_59, %sign3A_68 : i32
    %sign3A_70 = arith.extui %sign3A_69 : i1 to i32
    %sign3A_71 = arith.constant 0 : i32
    %sign3A_72 = arith.cmpi slt, %jit3A_59, %sign3A_71 : i32
    %sign3A_73 = arith.extui %sign3A_72 : i1 to i32
    %sign3A_74 = arith.subi %sign3A_70, %sign3A_73 : i32
    %ne3A_75 = arith.cmpi ne, %sign3A_67, %sign3A_74 : i32
    %rem3A_76 = arith.remsi %add3A_58, %jit3A_59 : i32
    %ne3A_77 = arith.constant 0 : i32
    %ne3A_78 = arith.cmpi ne, %rem3A_76, %ne3A_77 : i32
    %and3A_79 = arith.andi %ne3A_75, %ne3A_78 : i1
    %sub3A_80 = arith.constant 1 : i32
    %sub3A_81 = arith.subi %div3A_60, %sub3A_80 : i32
    %select_n3A_82 = arith.select %and3A_79, %sub3A_81, %div3A_60 : i32
    %mul3A_83 = arith.constant 8 : i32
    %mul3A_84 = arith.muli %select_n3A_82, %mul3A_83 : i32
    %multiple_of3A_85 = tpu.assume_multiple %mul3A_84, 8 : i32
    %sub3A_86 = arith.subi %add3A_58, %multiple_of3A_85 : i32
    %run_scoped3A_87 = arith.constant 0 : i32
    "tpu.region"() ({
      %run_scoped3A_127 = tpu.sem_alloc : memref<!tpu.dma_semaphore, #tpu.memory_space<semaphore_mem>>
      %dma_start3A_128 = arith.constant 0 : i32
      %dma_start3A_129 = tpu.memref_slice %arg3[%run_scoped3A_87, %multiple_of3A_85, %dma_start3A_128] : memref<2x1280x128xi32, #tpu.memory_space<hbm>> -> memref<1x48x128xi32, #tpu.memory_space<hbm>>
      %dma_start3A_130 = tpu.memref_squeeze %dma_start3A_129 : memref<1x48x128xi32, #tpu.memory_space<hbm>> -> memref<48x128xi32, #tpu.memory_space<hbm>>
      %dma_start3A_131 = arith.constant 0 : i32
      %dma_start3A_132 = tpu.memref_slice %arg3[%run_scoped3A_87, %multiple_of3A_85, %dma_start3A_131] : memref<2x1280x128xi32, #tpu.memory_space<hbm>> -> memref<1x48x128xi32, #tpu.memory_space<hbm>>
      %dma_start3A_133 = tpu.memref_squeeze %dma_start3A_132 : memref<1x48x128xi32, #tpu.memory_space<hbm>> -> memref<48x128xi32, #tpu.memory_space<hbm>>
      tpu.enqueue_dma source(%dma_start3A_133 : memref<48x128xi32, #tpu.memory_space<hbm>>) target(%arg5 : memref<48x128xi32, #tpu.memory_space<vmem>>) target_semaphore(%run_scoped3A_127 : memref<!tpu.dma_semaphore, #tpu.memory_space<semaphore_mem>>)
      %dma_wait3A_134 = arith.constant 0 : i32
      %dma_wait3A_135 = tpu.memref_slice %arg3[%run_scoped3A_87, %multiple_of3A_85, %dma_wait3A_134] : memref<2x1280x128xi32, #tpu.memory_space<hbm>> -> memref<1x48x128xi32, #tpu.memory_space<hbm>>
      %dma_wait3A_136 = tpu.memref_squeeze %dma_wait3A_135 : memref<1x48x128xi32, #tpu.memory_space<hbm>> -> memref<48x128xi32, #tpu.memory_space<hbm>>
      %dma_wait3A_137 = arith.constant 0 : i32
      %dma_wait3A_138 = tpu.memref_slice %arg3[%run_scoped3A_87, %multiple_of3A_85, %dma_wait3A_137] : memref<2x1280x128xi32, #tpu.memory_space<hbm>> -> memref<1x48x128xi32, #tpu.memory_space<hbm>>
      %dma_wait3A_139 = tpu.memref_squeeze %dma_wait3A_138 : memref<1x48x128xi32, #tpu.memory_space<hbm>> -> memref<48x128xi32, #tpu.memory_space<hbm>>
      tpu.wait_dma2 semaphore(%run_scoped3A_127 : memref<!tpu.dma_semaphore, #tpu.memory_space<semaphore_mem>>) src(%dma_wait3A_139 : memref<48x128xi32, #tpu.memory_space<hbm>>) dst(%arg5 : memref<48x128xi32, #tpu.memory_space<vmem>>)
      tpu.yield
    }) : () -> ()
    %run_scoped3A_88 = arith.constant 1 : i32
    "tpu.region"() ({
      %run_scoped3A_127 = tpu.sem_alloc : memref<!tpu.dma_semaphore, #tpu.memory_space<semaphore_mem>>
      %dma_start3A_128 = arith.constant 0 : i32
      %dma_start3A_129 = tpu.memref_slice %arg3[%run_scoped3A_88, %multiple_of3A_85, %dma_start3A_128] : memref<2x1280x128xi32, #tpu.memory_space<hbm>> -> memref<1x48x128xi32, #tpu.memory_space<hbm>>
      %dma_start3A_130 = tpu.memref_squeeze %dma_start3A_129 : memref<1x48x128xi32, #tpu.memory_space<hbm>> -> memref<48x128xi32, #tpu.memory_space<hbm>>
      %dma_start3A_131 = arith.constant 0 : i32
      %dma_start3A_132 = tpu.memref_slice %arg3[%run_scoped3A_88, %multiple_of3A_85, %dma_start3A_131] : memref<2x1280x128xi32, #tpu.memory_space<hbm>> -> memref<1x48x128xi32, #tpu.memory_space<hbm>>
      %dma_start3A_133 = tpu.memref_squeeze %dma_start3A_132 : memref<1x48x128xi32, #tpu.memory_space<hbm>> -> memref<48x128xi32, #tpu.memory_space<hbm>>
      tpu.enqueue_dma source(%dma_start3A_133 : memref<48x128xi32, #tpu.memory_space<hbm>>) target(%arg6 : memref<48x128xi32, #tpu.memory_space<vmem>>) target_semaphore(%run_scoped3A_127 : memref<!tpu.dma_semaphore, #tpu.memory_space<semaphore_mem>>)
      %dma_wait3A_134 = arith.constant 0 : i32
      %dma_wait3A_135 = tpu.memref_slice %arg3[%run_scoped3A_88, %multiple_of3A_85, %dma_wait3A_134] : memref<2x1280x128xi32, #tpu.memory_space<hbm>> -> memref<1x48x128xi32, #tpu.memory_space<hbm>>
      %dma_wait3A_136 = tpu.memref_squeeze %dma_wait3A_135 : memref<1x48x128xi32, #tpu.memory_space<hbm>> -> memref<48x128xi32, #tpu.memory_space<hbm>>
      %dma_wait3A_137 = arith.constant 0 : i32
      %dma_wait3A_138 = tpu.memref_slice %arg3[%run_scoped3A_88, %multiple_of3A_85, %dma_wait3A_137] : memref<2x1280x128xi32, #tpu.memory_space<hbm>> -> memref<1x48x128xi32, #tpu.memory_space<hbm>>
      %dma_wait3A_139 = tpu.memref_squeeze %dma_wait3A_138 : memref<1x48x128xi32, #tpu.memory_space<hbm>> -> memref<48x128xi32, #tpu.memory_space<hbm>>
      tpu.wait_dma2 semaphore(%run_scoped3A_127 : memref<!tpu.dma_semaphore, #tpu.memory_space<semaphore_mem>>) src(%dma_wait3A_139 : memref<48x128xi32, #tpu.memory_space<hbm>>) dst(%arg6 : memref<48x128xi32, #tpu.memory_space<vmem>>)
      tpu.yield
    }) : () -> ()
    %dma_start3A_89 = arith.constant 0 : i32
    %dma_start3A_90 = arith.constant 0 : i32
    %dma_start3A_91 = arith.constant 0 : i32
    %dma_start3A_92 = tpu.memref_slice %arg7[%dma_start3A_89, %dma_start3A_90, %dma_start3A_91] : memref<2x128x128xf32, #tpu.memory_space<vmem>> -> memref<1x128x128xf32, #tpu.memory_space<vmem>>
    %dma_start3A_93 = tpu.memref_squeeze %dma_start3A_92 : memref<1x128x128xf32, #tpu.memory_space<vmem>> -> memref<128x128xf32, #tpu.memory_space<vmem>>
    %dma_start3A_94 = arith.constant 0 : i32
    %dma_start3A_95 = tpu.memref_slice %arg5[%sub3A_86, %dma_start3A_94] : memref<48x128xi32, #tpu.memory_space<vmem>> -> memref<1x128xi32, #tpu.memory_space<vmem>>
    %dma_start3A_96 = tpu.memref_squeeze %dma_start3A_95 : memref<1x128xi32, #tpu.memory_space<vmem>> -> memref<128xi32, #tpu.memory_space<vmem>>
    %dma_start3A_97 = arith.constant 0 : i32
    %dma_start3A_98 = arith.constant 0 : i32
    %dma_start3A_99 = tpu.memref_slice %arg2[%arg0, %dma_start3A_97, %dma_start3A_98] : memref<2x10240x128xf32, #tpu.memory_space<hbm>> -> memref<1x10240x128xf32, #tpu.memory_space<hbm>>
    %dma_start3A_100 = tpu.memref_squeeze %dma_start3A_99 : memref<1x10240x128xf32, #tpu.memory_space<hbm>> -> memref<10240x128xf32, #tpu.memory_space<hbm>>
    %dma_start3A_101 = arith.constant 0 : i32
    %dma_start3A_102 = arith.constant 0 : i32
    %dma_start3A_103 = tpu.memref_slice %dma_start3A_100[%dma_start3A_101, %dma_start3A_102] : memref<10240x128xf32, #tpu.memory_space<hbm>> -> memref<10240x128xf32, #tpu.memory_space<hbm>>
    tpu.enqueue_indirect_dma source(%dma_start3A_103 : memref<10240x128xf32, #tpu.memory_space<hbm>>) target(%dma_start3A_93 : memref<128x128xf32, #tpu.memory_space<vmem>>) offsets(%dma_start3A_96 : memref<128xi32, #tpu.memory_space<vmem>>) semaphore(%arg8 : memref<!tpu.dma_semaphore, #tpu.memory_space<semaphore_mem>>)
    %scan3A_104 = arith.constant 0 : i32
    %scan3A_105 = arith.constant 19 : i32
    %scan3A_106 = arith.addi %scan3A_104, %scan3A_105 : i32
    %scan3A_107 = arith.constant 1 : i32
    scf.for %scan3A_127 = %scan3A_104 to %scan3A_106 step %scan3A_107  : i32 {
      %mul3A_128 = arith.constant 1 : i32
      %mul3A_129 = arith.muli %scan3A_127, %mul3A_128 : i32
      %add3A_130 = arith.constant 0 : i32
      %add3A_131 = arith.addi %add3A_130, %mul3A_129 : i32
      %mul3A_132 = arith.constant 2 : i32
      %mul3A_133 = arith.muli %add3A_131, %mul3A_132 : i32
      %add3A_134 = arith.addi %sub3A_86, %mul3A_133 : i32
      %add3A_135 = arith.constant 0 : i32
      %add3A_136 = arith.addi %add3A_134, %add3A_135 : i32
      %add3A_137 = arith.constant 1 : i32
      %add3A_138 = arith.addi %add3A_136, %add3A_137 : i32
      %add3A_139 = arith.constant 38 : i32
      %add3A_140 = arith.addi %sub3A_86, %add3A_139 : i32
      %sub3A_141 = arith.constant 1 : i32
      %sub3A_142 = arith.subi %add3A_140, %sub3A_141 : i32
      %min3A = arith.minsi %add3A_138, %sub3A_142 : i32
      %dma_start3A_143 = arith.constant 1 : i32
      %dma_start3A_144 = arith.constant 0 : i32
      %dma_start3A_145 = arith.constant 0 : i32
      %dma_start3A_146 = tpu.memref_slice %arg7[%dma_start3A_143, %dma_start3A_144, %dma_start3A_145] : memref<2x128x128xf32, #tpu.memory_space<vmem>> -> memref<1x128x128xf32, #tpu.memory_space<vmem>>
      %dma_start3A_147 = tpu.memref_squeeze %dma_start3A_146 : memref<1x128x128xf32, #tpu.memory_space<vmem>> -> memref<128x128xf32, #tpu.memory_space<vmem>>
      %dma_start3A_148 = arith.constant 0 : i32
      %dma_start3A_149 = tpu.memref_slice %arg5[%min3A, %dma_start3A_148] : memref<48x128xi32, #tpu.memory_space<vmem>> -> memref<1x128xi32, #tpu.memory_space<vmem>>
      %dma_start3A_150 = tpu.memref_squeeze %dma_start3A_149 : memref<1x128xi32, #tpu.memory_space<vmem>> -> memref<128xi32, #tpu.memory_space<vmem>>
      %dma_start3A_151 = arith.constant 0 : i32
      %dma_start3A_152 = arith.constant 0 : i32
      %dma_start3A_153 = tpu.memref_slice %arg2[%arg0, %dma_start3A_151, %dma_start3A_152] : memref<2x10240x128xf32, #tpu.memory_space<hbm>> -> memref<1x10240x128xf32, #tpu.memory_space<hbm>>
      %dma_start3A_154 = tpu.memref_squeeze %dma_start3A_153 : memref<1x10240x128xf32, #tpu.memory_space<hbm>> -> memref<10240x128xf32, #tpu.memory_space<hbm>>
      %dma_start3A_155 = arith.constant 0 : i32
      %dma_start3A_156 = arith.constant 0 : i32
      %dma_start3A_157 = tpu.memref_slice %dma_start3A_154[%dma_start3A_155, %dma_start3A_156] : memref<10240x128xf32, #tpu.memory_space<hbm>> -> memref<10240x128xf32, #tpu.memory_space<hbm>>
      tpu.enqueue_indirect_dma source(%dma_start3A_157 : memref<10240x128xf32, #tpu.memory_space<hbm>>) target(%dma_start3A_147 : memref<128x128xf32, #tpu.memory_space<vmem>>) offsets(%dma_start3A_150 : memref<128xi32, #tpu.memory_space<vmem>>) semaphore(%arg9 : memref<!tpu.dma_semaphore, #tpu.memory_space<semaphore_mem>>)
      %dma_wait3A_158 = arith.constant 0 : i32
      %dma_wait3A_159 = arith.constant 0 : i32
      %dma_wait3A_160 = arith.constant 0 : i32
      %dma_wait3A_161 = tpu.memref_slice %arg7[%dma_wait3A_158, %dma_wait3A_159, %dma_wait3A_160] : memref<2x128x128xf32, #tpu.memory_space<vmem>> -> memref<1x128x128xf32, #tpu.memory_space<vmem>>
      %dma_wait3A_162 = tpu.memref_squeeze %dma_wait3A_161 : memref<1x128x128xf32, #tpu.memory_space<vmem>> -> memref<128x128xf32, #tpu.memory_space<vmem>>
      %dma_wait3A_163 = arith.constant 0 : i32
      %dma_wait3A_164 = tpu.memref_slice %arg5[%add3A_136, %dma_wait3A_163] : memref<48x128xi32, #tpu.memory_space<vmem>> -> memref<1x128xi32, #tpu.memory_space<vmem>>
      %dma_wait3A_165 = tpu.memref_squeeze %dma_wait3A_164 : memref<1x128xi32, #tpu.memory_space<vmem>> -> memref<128xi32, #tpu.memory_space<vmem>>
      %dma_wait3A_166 = arith.constant 0 : i32
      %dma_wait3A_167 = arith.constant 0 : i32
      %dma_wait3A_168 = tpu.memref_slice %arg2[%arg0, %dma_wait3A_166, %dma_wait3A_167] : memref<2x10240x128xf32, #tpu.memory_space<hbm>> -> memref<1x10240x128xf32, #tpu.memory_space<hbm>>
      %dma_wait3A_169 = tpu.memref_squeeze %dma_wait3A_168 : memref<1x10240x128xf32, #tpu.memory_space<hbm>> -> memref<10240x128xf32, #tpu.memory_space<hbm>>
      %dma_wait3A_170 = arith.constant 0 : i32
      %dma_wait3A_171 = arith.constant 0 : i32
      %dma_wait3A_172 = tpu.memref_slice %dma_wait3A_169[%dma_wait3A_170, %dma_wait3A_171] : memref<10240x128xf32, #tpu.memory_space<hbm>> -> memref<10240x128xf32, #tpu.memory_space<hbm>>
      tpu.wait_indirect_dma semaphore(%arg8 : memref<!tpu.dma_semaphore, #tpu.memory_space<semaphore_mem>>) src(%dma_wait3A_172 : memref<10240x128xf32, #tpu.memory_space<hbm>>) dst(%dma_wait3A_162 : memref<128x128xf32, #tpu.memory_space<vmem>>)
      %run_scoped3A_173 = arith.constant 0 : i32
      "tpu.region"() ({
        %run_scoped3A_217 = tpu.sem_alloc : memref<!tpu.dma_semaphore, #tpu.memory_space<semaphore_mem>>
        %dma_start3A_218 = arith.constant 0 : i32
        %dma_start3A_219 = arith.constant 0 : i32
        %dma_start3A_220 = tpu.memref_slice %arg7[%run_scoped3A_173, %dma_start3A_218, %dma_start3A_219] : memref<2x128x128xf32, #tpu.memory_space<vmem>> -> memref<1x128x128xf32, #tpu.memory_space<vmem>>
        %dma_start3A_221 = tpu.memref_squeeze %dma_start3A_220 : memref<1x128x128xf32, #tpu.memory_space<vmem>> -> memref<128x128xf32, #tpu.memory_space<vmem>>
        %dma_start3A_222 = arith.constant 0 : i32
        %dma_start3A_223 = tpu.memref_slice %arg6[%add3A_136, %dma_start3A_222] : memref<48x128xi32, #tpu.memory_space<vmem>> -> memref<1x128xi32, #tpu.memory_space<vmem>>
        %dma_start3A_224 = tpu.memref_squeeze %dma_start3A_223 : memref<1x128xi32, #tpu.memory_space<vmem>> -> memref<128xi32, #tpu.memory_space<vmem>>
        %dma_start3A_225 = arith.constant 0 : i32
        %dma_start3A_226 = arith.constant 0 : i32
        %dma_start3A_227 = tpu.memref_slice %arg10[%dma_start3A_225, %dma_start3A_226] : memref<10240x128xf32, #tpu.memory_space<vmem_shared>> -> memref<10240x128xf32, #tpu.memory_space<vmem_shared>>
        tpu.enqueue_indirect_dma source(%dma_start3A_221 : memref<128x128xf32, #tpu.memory_space<vmem>>) target(%dma_start3A_227 : memref<10240x128xf32, #tpu.memory_space<vmem_shared>>) offsets(%dma_start3A_224 : memref<128xi32, #tpu.memory_space<vmem>>) semaphore(%run_scoped3A_217 : memref<!tpu.dma_semaphore, #tpu.memory_space<semaphore_mem>>) {add = true}
        %dma_wait3A_228 = arith.constant 0 : i32
        %dma_wait3A_229 = arith.constant 0 : i32
        %dma_wait3A_230 = tpu.memref_slice %arg7[%run_scoped3A_173, %dma_wait3A_228, %dma_wait3A_229] : memref<2x128x128xf32, #tpu.memory_space<vmem>> -> memref<1x128x128xf32, #tpu.memory_space<vmem>>
        %dma_wait3A_231 = tpu.memref_squeeze %dma_wait3A_230 : memref<1x128x128xf32, #tpu.memory_space<vmem>> -> memref<128x128xf32, #tpu.memory_space<vmem>>
        %dma_wait3A_232 = arith.constant 0 : i32
        %dma_wait3A_233 = tpu.memref_slice %arg6[%add3A_136, %dma_wait3A_232] : memref<48x128xi32, #tpu.memory_space<vmem>> -> memref<1x128xi32, #tpu.memory_space<vmem>>
        %dma_wait3A_234 = tpu.memref_squeeze %dma_wait3A_233 : memref<1x128xi32, #tpu.memory_space<vmem>> -> memref<128xi32, #tpu.memory_space<vmem>>
        %dma_wait3A_235 = arith.constant 0 : i32
        %dma_wait3A_236 = arith.constant 0 : i32
        %dma_wait3A_237 = tpu.memref_slice %arg10[%dma_wait3A_235, %dma_wait3A_236] : memref<10240x128xf32, #tpu.memory_space<vmem_shared>> -> memref<10240x128xf32, #tpu.memory_space<vmem_shared>>
        tpu.wait_indirect_dma semaphore(%run_scoped3A_217 : memref<!tpu.dma_semaphore, #tpu.memory_space<semaphore_mem>>) src(%dma_wait3A_231 : memref<128x128xf32, #tpu.memory_space<vmem>>) dst(%dma_wait3A_237 : memref<10240x128xf32, #tpu.memory_space<vmem_shared>>)
        tpu.yield
      }) : () -> ()
      %mul3A_174 = arith.constant 2 : i32
      %mul3A_175 = arith.muli %add3A_131, %mul3A_174 : i32
      %add3A_176 = arith.addi %sub3A_86, %mul3A_175 : i32
      %add3A_177 = arith.constant 1 : i32
      %add3A_178 = arith.addi %add3A_176, %add3A_177 : i32
      %add3A_179 = arith.constant 1 : i32
      %add3A_180 = arith.addi %add3A_178, %add3A_179 : i32
      %add3A_181 = arith.constant 38 : i32
      %add3A_182 = arith.addi %sub3A_86, %add3A_181 : i32
      %sub3A_183 = arith.constant 1 : i32
      %sub3A_184 = arith.subi %add3A_182, %sub3A_183 : i32
      %min3A_185 = arith.minsi %add3A_180, %sub3A_184 : i32
      %dma_start3A_186 = arith.constant 0 : i32
      %dma_start3A_187 = arith.constant 0 : i32
      %dma_start3A_188 = arith.constant 0 : i32
      %dma_start3A_189 = tpu.memref_slice %arg7[%dma_start3A_186, %dma_start3A_187, %dma_start3A_188] : memref<2x128x128xf32, #tpu.memory_space<vmem>> -> memref<1x128x128xf32, #tpu.memory_space<vmem>>
      %dma_start3A_190 = tpu.memref_squeeze %dma_start3A_189 : memref<1x128x128xf32, #tpu.memory_space<vmem>> -> memref<128x128xf32, #tpu.memory_space<vmem>>
      %dma_start3A_191 = arith.constant 0 : i32
      %dma_start3A_192 = tpu.memref_slice %arg5[%min3A_185, %dma_start3A_191] : memref<48x128xi32, #tpu.memory_space<vmem>> -> memref<1x128xi32, #tpu.memory_space<vmem>>
      %dma_start3A_193 = tpu.memref_squeeze %dma_start3A_192 : memref<1x128xi32, #tpu.memory_space<vmem>> -> memref<128xi32, #tpu.memory_space<vmem>>
      %dma_start3A_194 = arith.constant 0 : i32
      %dma_start3A_195 = arith.constant 0 : i32
      %dma_start3A_196 = tpu.memref_slice %arg2[%arg0, %dma_start3A_194, %dma_start3A_195] : memref<2x10240x128xf32, #tpu.memory_space<hbm>> -> memref<1x10240x128xf32, #tpu.memory_space<hbm>>
      %dma_start3A_197 = tpu.memref_squeeze %dma_start3A_196 : memref<1x10240x128xf32, #tpu.memory_space<hbm>> -> memref<10240x128xf32, #tpu.memory_space<hbm>>
      %dma_start3A_198 = arith.constant 0 : i32
      %dma_start3A_199 = arith.constant 0 : i32
      %dma_start3A_200 = tpu.memref_slice %dma_start3A_197[%dma_start3A_198, %dma_start3A_199] : memref<10240x128xf32, #tpu.memory_space<hbm>> -> memref<10240x128xf32, #tpu.memory_space<hbm>>
      tpu.enqueue_indirect_dma source(%dma_start3A_200 : memref<10240x128xf32, #tpu.memory_space<hbm>>) target(%dma_start3A_190 : memref<128x128xf32, #tpu.memory_space<vmem>>) offsets(%dma_start3A_193 : memref<128xi32, #tpu.memory_space<vmem>>) semaphore(%arg8 : memref<!tpu.dma_semaphore, #tpu.memory_space<semaphore_mem>>)
      %dma_wait3A_201 = arith.constant 1 : i32
      %dma_wait3A_202 = arith.constant 0 : i32
      %dma_wait3A_203 = arith.constant 0 : i32
      %dma_wait3A_204 = tpu.memref_slice %arg7[%dma_wait3A_201, %dma_wait3A_202, %dma_wait3A_203] : memref<2x128x128xf32, #tpu.memory_space<vmem>> -> memref<1x128x128xf32, #tpu.memory_space<vmem>>
      %dma_wait3A_205 = tpu.memref_squeeze %dma_wait3A_204 : memref<1x128x128xf32, #tpu.memory_space<vmem>> -> memref<128x128xf32, #tpu.memory_space<vmem>>
      %dma_wait3A_206 = arith.constant 0 : i32
      %dma_wait3A_207 = tpu.memref_slice %arg5[%add3A_178, %dma_wait3A_206] : memref<48x128xi32, #tpu.memory_space<vmem>> -> memref<1x128xi32, #tpu.memory_space<vmem>>
      %dma_wait3A_208 = tpu.memref_squeeze %dma_wait3A_207 : memref<1x128xi32, #tpu.memory_space<vmem>> -> memref<128xi32, #tpu.memory_space<vmem>>
      %dma_wait3A_209 = arith.constant 0 : i32
      %dma_wait3A_210 = arith.constant 0 : i32
      %dma_wait3A_211 = tpu.memref_slice %arg2[%arg0, %dma_wait3A_209, %dma_wait3A_210] : memref<2x10240x128xf32, #tpu.memory_space<hbm>> -> memref<1x10240x128xf32, #tpu.memory_space<hbm>>
      %dma_wait3A_212 = tpu.memref_squeeze %dma_wait3A_211 : memref<1x10240x128xf32, #tpu.memory_space<hbm>> -> memref<10240x128xf32, #tpu.memory_space<hbm>>
      %dma_wait3A_213 = arith.constant 0 : i32
      %dma_wait3A_214 = arith.constant 0 : i32
      %dma_wait3A_215 = tpu.memref_slice %dma_wait3A_212[%dma_wait3A_213, %dma_wait3A_214] : memref<10240x128xf32, #tpu.memory_space<hbm>> -> memref<10240x128xf32, #tpu.memory_space<hbm>>
      tpu.wait_indirect_dma semaphore(%arg9 : memref<!tpu.dma_semaphore, #tpu.memory_space<semaphore_mem>>) src(%dma_wait3A_215 : memref<10240x128xf32, #tpu.memory_space<hbm>>) dst(%dma_wait3A_205 : memref<128x128xf32, #tpu.memory_space<vmem>>)
      %run_scoped3A_216 = arith.constant 1 : i32
      "tpu.region"() ({
        %run_scoped3A_217 = tpu.sem_alloc : memref<!tpu.dma_semaphore, #tpu.memory_space<semaphore_mem>>
        %dma_start3A_218 = arith.constant 0 : i32
        %dma_start3A_219 = arith.constant 0 : i32
        %dma_start3A_220 = tpu.memref_slice %arg7[%run_scoped3A_216, %dma_start3A_218, %dma_start3A_219] : memref<2x128x128xf32, #tpu.memory_space<vmem>> -> memref<1x128x128xf32, #tpu.memory_space<vmem>>
        %dma_start3A_221 = tpu.memref_squeeze %dma_start3A_220 : memref<1x128x128xf32, #tpu.memory_space<vmem>> -> memref<128x128xf32, #tpu.memory_space<vmem>>
        %dma_start3A_222 = arith.constant 0 : i32
        %dma_start3A_223 = tpu.memref_slice %arg6[%add3A_178, %dma_start3A_222] : memref<48x128xi32, #tpu.memory_space<vmem>> -> memref<1x128xi32, #tpu.memory_space<vmem>>
        %dma_start3A_224 = tpu.memref_squeeze %dma_start3A_223 : memref<1x128xi32, #tpu.memory_space<vmem>> -> memref<128xi32, #tpu.memory_space<vmem>>
        %dma_start3A_225 = arith.constant 0 : i32
        %dma_start3A_226 = arith.constant 0 : i32
        %dma_start3A_227 = tpu.memref_slice %arg10[%dma_start3A_225, %dma_start3A_226] : memref<10240x128xf32, #tpu.memory_space<vmem_shared>> -> memref<10240x128xf32, #tpu.memory_space<vmem_shared>>
        tpu.enqueue_indirect_dma source(%dma_start3A_221 : memref<128x128xf32, #tpu.memory_space<vmem>>) target(%dma_start3A_227 : memref<10240x128xf32, #tpu.memory_space<vmem_shared>>) offsets(%dma_start3A_224 : memref<128xi32, #tpu.memory_space<vmem>>) semaphore(%run_scoped3A_217 : memref<!tpu.dma_semaphore, #tpu.memory_space<semaphore_mem>>) {add = true}
        %dma_wait3A_228 = arith.constant 0 : i32
        %dma_wait3A_229 = arith.constant 0 : i32
        %dma_wait3A_230 = tpu.memref_slice %arg7[%run_scoped3A_216, %dma_wait3A_228, %dma_wait3A_229] : memref<2x128x128xf32, #tpu.memory_space<vmem>> -> memref<1x128x128xf32, #tpu.memory_space<vmem>>
        %dma_wait3A_231 = tpu.memref_squeeze %dma_wait3A_230 : memref<1x128x128xf32, #tpu.memory_space<vmem>> -> memref<128x128xf32, #tpu.memory_space<vmem>>
        %dma_wait3A_232 = arith.constant 0 : i32
        %dma_wait3A_233 = tpu.memref_slice %arg6[%add3A_178, %dma_wait3A_232] : memref<48x128xi32, #tpu.memory_space<vmem>> -> memref<1x128xi32, #tpu.memory_space<vmem>>
        %dma_wait3A_234 = tpu.memref_squeeze %dma_wait3A_233 : memref<1x128xi32, #tpu.memory_space<vmem>> -> memref<128xi32, #tpu.memory_space<vmem>>
        %dma_wait3A_235 = arith.constant 0 : i32
        %dma_wait3A_236 = arith.constant 0 : i32
        %dma_wait3A_237 = tpu.memref_slice %arg10[%dma_wait3A_235, %dma_wait3A_236] : memref<10240x128xf32, #tpu.memory_space<vmem_shared>> -> memref<10240x128xf32, #tpu.memory_space<vmem_shared>>
        tpu.wait_indirect_dma semaphore(%run_scoped3A_217 : memref<!tpu.dma_semaphore, #tpu.memory_space<semaphore_mem>>) src(%dma_wait3A_231 : memref<128x128xf32, #tpu.memory_space<vmem>>) dst(%dma_wait3A_237 : memref<10240x128xf32, #tpu.memory_space<vmem_shared>>)
        tpu.yield
      }) : () -> ()
    }
    %scan3A_108 = arith.constant 19 : i32
    %dma_wait3A_109 = arith.constant 0 : i32
    %dma_wait3A_110 = arith.constant 0 : i32
    %dma_wait3A_111 = arith.constant 0 : i32
    %dma_wait3A_112 = tpu.memref_slice %arg7[%dma_wait3A_109, %dma_wait3A_110, %dma_wait3A_111] : memref<2x128x128xf32, #tpu.memory_space<vmem>> -> memref<1x128x128xf32, #tpu.memory_space<vmem>>
    %dma_wait3A_113 = tpu.memref_squeeze %dma_wait3A_112 : memref<1x128x128xf32, #tpu.memory_space<vmem>> -> memref<128x128xf32, #tpu.memory_space<vmem>>
    %dma_wait3A_114 = arith.constant 0 : i32
    %dma_wait3A_115 = tpu.memref_slice %arg5[%sub3A_86, %dma_wait3A_114] : memref<48x128xi32, #tpu.memory_space<vmem>> -> memref<1x128xi32, #tpu.memory_space<vmem>>
    %dma_wait3A_116 = tpu.memref_squeeze %dma_wait3A_115 : memref<1x128xi32, #tpu.memory_space<vmem>> -> memref<128xi32, #tpu.memory_space<vmem>>
    %dma_wait3A_117 = arith.constant 0 : i32
    %dma_wait3A_118 = arith.constant 0 : i32
    %dma_wait3A_119 = tpu.memref_slice %arg2[%arg0, %dma_wait3A_117, %dma_wait3A_118] : memref<2x10240x128xf32, #tpu.memory_space<hbm>> -> memref<1x10240x128xf32, #tpu.memory_space<hbm>>
    %dma_wait3A_120 = tpu.memref_squeeze %dma_wait3A_119 : memref<1x10240x128xf32, #tpu.memory_space<hbm>> -> memref<10240x128xf32, #tpu.memory_space<hbm>>
    %dma_wait3A_121 = arith.constant 0 : i32
    %dma_wait3A_122 = arith.constant 0 : i32
    %dma_wait3A_123 = tpu.memref_slice %dma_wait3A_120[%dma_wait3A_121, %dma_wait3A_122] : memref<10240x128xf32, #tpu.memory_space<hbm>> -> memref<10240x128xf32, #tpu.memory_space<hbm>>
    tpu.wait_indirect_dma semaphore(%arg8 : memref<!tpu.dma_semaphore, #tpu.memory_space<semaphore_mem>>) src(%dma_wait3A_123 : memref<10240x128xf32, #tpu.memory_space<hbm>>) dst(%dma_wait3A_113 : memref<128x128xf32, #tpu.memory_space<vmem>>)
    %lt3A = arith.constant 2 : i32
    %lt3A_124 = arith.cmpi slt, %arg1, %lt3A : i32
    %convert_element_type3A = arith.extui %lt3A_124 : i1 to i32
    %cond3A = arith.constant 0 : i32
    %cond3A_125 = arith.cmpi ne, %convert_element_type3A, %cond3A : i32
    scf.if %cond3A_125 {
      %run_scoped3A_127 = arith.constant 0 : i32
      "tpu.region"() ({
        %run_scoped3A_160 = tpu.sem_alloc : memref<!tpu.dma_semaphore, #tpu.memory_space<semaphore_mem>>
        %dma_start3A_161 = arith.constant 0 : i32
        %dma_start3A_162 = arith.constant 0 : i32
        %dma_start3A_163 = tpu.memref_slice %arg5[%dma_start3A_161, %dma_start3A_162] : memref<48x128xi32, #tpu.memory_space<vmem>> -> memref<8x128xi32, #tpu.memory_space<vmem>>
        %dma_start3A_164 = arith.constant 1248 : i32
        %dma_start3A_165 = arith.constant 0 : i32
        %dma_start3A_166 = tpu.memref_slice %arg3[%run_scoped3A_127, %dma_start3A_164, %dma_start3A_165] : memref<2x1280x128xi32, #tpu.memory_space<hbm>> -> memref<1x8x128xi32, #tpu.memory_space<hbm>>
        %dma_start3A_167 = tpu.memref_squeeze %dma_start3A_166 : memref<1x8x128xi32, #tpu.memory_space<hbm>> -> memref<8x128xi32, #tpu.memory_space<hbm>>
        %dma_start3A_168 = arith.constant 0 : i32
        %dma_start3A_169 = arith.constant 0 : i32
        %dma_start3A_170 = tpu.memref_slice %arg5[%dma_start3A_168, %dma_start3A_169] : memref<48x128xi32, #tpu.memory_space<vmem>> -> memref<8x128xi32, #tpu.memory_space<vmem>>
        %dma_start3A_171 = arith.constant 1248 : i32
        %dma_start3A_172 = arith.constant 0 : i32
        %dma_start3A_173 = tpu.memref_slice %arg3[%run_scoped3A_127, %dma_start3A_171, %dma_start3A_172] : memref<2x1280x128xi32, #tpu.memory_space<hbm>> -> memref<1x8x128xi32, #tpu.memory_space<hbm>>
        %dma_start3A_174 = tpu.memref_squeeze %dma_start3A_173 : memref<1x8x128xi32, #tpu.memory_space<hbm>> -> memref<8x128xi32, #tpu.memory_space<hbm>>
        tpu.enqueue_dma source(%dma_start3A_174 : memref<8x128xi32, #tpu.memory_space<hbm>>) target(%dma_start3A_170 : memref<8x128xi32, #tpu.memory_space<vmem>>) target_semaphore(%run_scoped3A_160 : memref<!tpu.dma_semaphore, #tpu.memory_space<semaphore_mem>>)
        %dma_wait3A_175 = arith.constant 0 : i32
        %dma_wait3A_176 = arith.constant 0 : i32
        %dma_wait3A_177 = tpu.memref_slice %arg5[%dma_wait3A_175, %dma_wait3A_176] : memref<48x128xi32, #tpu.memory_space<vmem>> -> memref<8x128xi32, #tpu.memory_space<vmem>>
        %dma_wait3A_178 = arith.constant 1248 : i32
        %dma_wait3A_179 = arith.constant 0 : i32
        %dma_wait3A_180 = tpu.memref_slice %arg3[%run_scoped3A_127, %dma_wait3A_178, %dma_wait3A_179] : memref<2x1280x128xi32, #tpu.memory_space<hbm>> -> memref<1x8x128xi32, #tpu.memory_space<hbm>>
        %dma_wait3A_181 = tpu.memref_squeeze %dma_wait3A_180 : memref<1x8x128xi32, #tpu.memory_space<hbm>> -> memref<8x128xi32, #tpu.memory_space<hbm>>
        %dma_wait3A_182 = arith.constant 0 : i32
        %dma_wait3A_183 = arith.constant 0 : i32
        %dma_wait3A_184 = tpu.memref_slice %arg5[%dma_wait3A_182, %dma_wait3A_183] : memref<48x128xi32, #tpu.memory_space<vmem>> -> memref<8x128xi32, #tpu.memory_space<vmem>>
        %dma_wait3A_185 = arith.constant 1248 : i32
        %dma_wait3A_186 = arith.constant 0 : i32
        %dma_wait3A_187 = tpu.memref_slice %arg3[%run_scoped3A_127, %dma_wait3A_185, %dma_wait3A_186] : memref<2x1280x128xi32, #tpu.memory_space<hbm>> -> memref<1x8x128xi32, #tpu.memory_space<hbm>>
        %dma_wait3A_188 = tpu.memref_squeeze %dma_wait3A_187 : memref<1x8x128xi32, #tpu.memory_space<hbm>> -> memref<8x128xi32, #tpu.memory_space<hbm>>
        tpu.wait_dma2 semaphore(%run_scoped3A_160 : memref<!tpu.dma_semaphore, #tpu.memory_space<semaphore_mem>>) src(%dma_wait3A_188 : memref<8x128xi32, #tpu.memory_space<hbm>>) dst(%dma_wait3A_184 : memref<8x128xi32, #tpu.memory_space<vmem>>)
        tpu.yield
      }) : () -> ()
      %run_scoped3A_128 = arith.constant 1 : i32
      "tpu.region"() ({
        %run_scoped3A_160 = tpu.sem_alloc : memref<!tpu.dma_semaphore, #tpu.memory_space<semaphore_mem>>
        %dma_start3A_161 = arith.constant 0 : i32
        %dma_start3A_162 = arith.constant 0 : i32
        %dma_start3A_163 = tpu.memref_slice %arg6[%dma_start3A_161, %dma_start3A_162] : memref<48x128xi32, #tpu.memory_space<vmem>> -> memref<8x128xi32, #tpu.memory_space<vmem>>
        %dma_start3A_164 = arith.constant 1248 : i32
        %dma_start3A_165 = arith.constant 0 : i32
        %dma_start3A_166 = tpu.memref_slice %arg3[%run_scoped3A_128, %dma_start3A_164, %dma_start3A_165] : memref<2x1280x128xi32, #tpu.memory_space<hbm>> -> memref<1x8x128xi32, #tpu.memory_space<hbm>>
        %dma_start3A_167 = tpu.memref_squeeze %dma_start3A_166 : memref<1x8x128xi32, #tpu.memory_space<hbm>> -> memref<8x128xi32, #tpu.memory_space<hbm>>
        %dma_start3A_168 = arith.constant 0 : i32
        %dma_start3A_169 = arith.constant 0 : i32
        %dma_start3A_170 = tpu.memref_slice %arg6[%dma_start3A_168, %dma_start3A_169] : memref<48x128xi32, #tpu.memory_space<vmem>> -> memref<8x128xi32, #tpu.memory_space<vmem>>
        %dma_start3A_171 = arith.constant 1248 : i32
        %dma_start3A_172 = arith.constant 0 : i32
        %dma_start3A_173 = tpu.memref_slice %arg3[%run_scoped3A_128, %dma_start3A_171, %dma_start3A_172] : memref<2x1280x128xi32, #tpu.memory_space<hbm>> -> memref<1x8x128xi32, #tpu.memory_space<hbm>>
        %dma_start3A_174 = tpu.memref_squeeze %dma_start3A_173 : memref<1x8x128xi32, #tpu.memory_space<hbm>> -> memref<8x128xi32, #tpu.memory_space<hbm>>
        tpu.enqueue_dma source(%dma_start3A_174 : memref<8x128xi32, #tpu.memory_space<hbm>>) target(%dma_start3A_170 : memref<8x128xi32, #tpu.memory_space<vmem>>) target_semaphore(%run_scoped3A_160 : memref<!tpu.dma_semaphore, #tpu.memory_space<semaphore_mem>>)
        %dma_wait3A_175 = arith.constant 0 : i32
        %dma_wait3A_176 = arith.constant 0 : i32
        %dma_wait3A_177 = tpu.memref_slice %arg6[%dma_wait3A_175, %dma_wait3A_176] : memref<48x128xi32, #tpu.memory_space<vmem>> -> memref<8x128xi32, #tpu.memory_space<vmem>>
        %dma_wait3A_178 = arith.constant 1248 : i32
        %dma_wait3A_179 = arith.constant 0 : i32
        %dma_wait3A_180 = tpu.memref_slice %arg3[%run_scoped3A_128, %dma_wait3A_178, %dma_wait3A_179] : memref<2x1280x128xi32, #tpu.memory_space<hbm>> -> memref<1x8x128xi32, #tpu.memory_space<hbm>>
        %dma_wait3A_181 = tpu.memref_squeeze %dma_wait3A_180 : memref<1x8x128xi32, #tpu.memory_space<hbm>> -> memref<8x128xi32, #tpu.memory_space<hbm>>
        %dma_wait3A_182 = arith.constant 0 : i32
        %dma_wait3A_183 = arith.constant 0 : i32
        %dma_wait3A_184 = tpu.memref_slice %arg6[%dma_wait3A_182, %dma_wait3A_183] : memref<48x128xi32, #tpu.memory_space<vmem>> -> memref<8x128xi32, #tpu.memory_space<vmem>>
        %dma_wait3A_185 = arith.constant 1248 : i32
        %dma_wait3A_186 = arith.constant 0 : i32
        %dma_wait3A_187 = tpu.memref_slice %arg3[%run_scoped3A_128, %dma_wait3A_185, %dma_wait3A_186] : memref<2x1280x128xi32, #tpu.memory_space<hbm>> -> memref<1x8x128xi32, #tpu.memory_space<hbm>>
        %dma_wait3A_188 = tpu.memref_squeeze %dma_wait3A_187 : memref<1x8x128xi32, #tpu.memory_space<hbm>> -> memref<8x128xi32, #tpu.memory_space<hbm>>
        tpu.wait_dma2 semaphore(%run_scoped3A_160 : memref<!tpu.dma_semaphore, #tpu.memory_space<semaphore_mem>>) src(%dma_wait3A_188 : memref<8x128xi32, #tpu.memory_space<hbm>>) dst(%dma_wait3A_184 : memref<8x128xi32, #tpu.memory_space<vmem>>)
        tpu.yield
      }) : () -> ()
      %dma_start3A_129 = arith.constant 0 : i32
      %dma_start3A_130 = arith.constant 0 : i32
      %dma_start3A_131 = arith.constant 0 : i32
      %dma_start3A_132 = tpu.memref_slice %arg7[%dma_start3A_129, %dma_start3A_130, %dma_start3A_131] : memref<2x128x128xf32, #tpu.memory_space<vmem>> -> memref<1x128x128xf32, #tpu.memory_space<vmem>>
      %dma_start3A_133 = tpu.memref_squeeze %dma_start3A_132 : memref<1x128x128xf32, #tpu.memory_space<vmem>> -> memref<128x128xf32, #tpu.memory_space<vmem>>
      %dma_start3A_134 = arith.constant 0 : i32
      %dma_start3A_135 = tpu.memref_slice %arg5[%arg1, %dma_start3A_134] : memref<48x128xi32, #tpu.memory_space<vmem>> -> memref<1x128xi32, #tpu.memory_space<vmem>>
      %dma_start3A_136 = tpu.memref_squeeze %dma_start3A_135 : memref<1x128xi32, #tpu.memory_space<vmem>> -> memref<128xi32, #tpu.memory_space<vmem>>
      %dma_start3A_137 = arith.constant 0 : i32
      %dma_start3A_138 = arith.constant 0 : i32
      %dma_start3A_139 = tpu.memref_slice %arg2[%arg0, %dma_start3A_137, %dma_start3A_138] : memref<2x10240x128xf32, #tpu.memory_space<hbm>> -> memref<1x10240x128xf32, #tpu.memory_space<hbm>>
      %dma_start3A_140 = tpu.memref_squeeze %dma_start3A_139 : memref<1x10240x128xf32, #tpu.memory_space<hbm>> -> memref<10240x128xf32, #tpu.memory_space<hbm>>
      %dma_start3A_141 = arith.constant 0 : i32
      %dma_start3A_142 = arith.constant 0 : i32
      %dma_start3A_143 = tpu.memref_slice %dma_start3A_140[%dma_start3A_141, %dma_start3A_142] : memref<10240x128xf32, #tpu.memory_space<hbm>> -> memref<10240x128xf32, #tpu.memory_space<hbm>>
      tpu.enqueue_indirect_dma source(%dma_start3A_143 : memref<10240x128xf32, #tpu.memory_space<hbm>>) target(%dma_start3A_133 : memref<128x128xf32, #tpu.memory_space<vmem>>) offsets(%dma_start3A_136 : memref<128xi32, #tpu.memory_space<vmem>>) semaphore(%arg8 : memref<!tpu.dma_semaphore, #tpu.memory_space<semaphore_mem>>)
      %dma_wait3A_144 = arith.constant 0 : i32
      %dma_wait3A_145 = arith.constant 0 : i32
      %dma_wait3A_146 = arith.constant 0 : i32
      %dma_wait3A_147 = tpu.memref_slice %arg7[%dma_wait3A_144, %dma_wait3A_145, %dma_wait3A_146] : memref<2x128x128xf32, #tpu.memory_space<vmem>> -> memref<1x128x128xf32, #tpu.memory_space<vmem>>
      %dma_wait3A_148 = tpu.memref_squeeze %dma_wait3A_147 : memref<1x128x128xf32, #tpu.memory_space<vmem>> -> memref<128x128xf32, #tpu.memory_space<vmem>>
      %dma_wait3A_149 = arith.constant 0 : i32
      %dma_wait3A_150 = tpu.memref_slice %arg5[%arg1, %dma_wait3A_149] : memref<48x128xi32, #tpu.memory_space<vmem>> -> memref<1x128xi32, #tpu.memory_space<vmem>>
      %dma_wait3A_151 = tpu.memref_squeeze %dma_wait3A_150 : memref<1x128xi32, #tpu.memory_space<vmem>> -> memref<128xi32, #tpu.memory_space<vmem>>
      %dma_wait3A_152 = arith.constant 0 : i32
      %dma_wait3A_153 = arith.constant 0 : i32
      %dma_wait3A_154 = tpu.memref_slice %arg2[%arg0, %dma_wait3A_152, %dma_wait3A_153] : memref<2x10240x128xf32, #tpu.memory_space<hbm>> -> memref<1x10240x128xf32, #tpu.memory_space<hbm>>
      %dma_wait3A_155 = tpu.memref_squeeze %dma_wait3A_154 : memref<1x10240x128xf32, #tpu.memory_space<hbm>> -> memref<10240x128xf32, #tpu.memory_space<hbm>>
      %dma_wait3A_156 = arith.constant 0 : i32
      %dma_wait3A_157 = arith.constant 0 : i32
      %dma_wait3A_158 = tpu.memref_slice %dma_wait3A_155[%dma_wait3A_156, %dma_wait3A_157] : memref<10240x128xf32, #tpu.memory_space<hbm>> -> memref<10240x128xf32, #tpu.memory_space<hbm>>
      tpu.wait_indirect_dma semaphore(%arg8 : memref<!tpu.dma_semaphore, #tpu.memory_space<semaphore_mem>>) src(%dma_wait3A_158 : memref<10240x128xf32, #tpu.memory_space<hbm>>) dst(%dma_wait3A_148 : memref<128x128xf32, #tpu.memory_space<vmem>>)
      %run_scoped3A_159 = arith.constant 0 : i32
      "tpu.region"() ({
        %run_scoped3A_160 = tpu.sem_alloc : memref<!tpu.dma_semaphore, #tpu.memory_space<semaphore_mem>>
        %dma_start3A_161 = arith.constant 0 : i32
        %dma_start3A_162 = arith.constant 0 : i32
        %dma_start3A_163 = tpu.memref_slice %arg7[%run_scoped3A_159, %dma_start3A_161, %dma_start3A_162] : memref<2x128x128xf32, #tpu.memory_space<vmem>> -> memref<1x128x128xf32, #tpu.memory_space<vmem>>
        %dma_start3A_164 = tpu.memref_squeeze %dma_start3A_163 : memref<1x128x128xf32, #tpu.memory_space<vmem>> -> memref<128x128xf32, #tpu.memory_space<vmem>>
        %dma_start3A_165 = arith.constant 0 : i32
        %dma_start3A_166 = tpu.memref_slice %arg6[%arg1, %dma_start3A_165] : memref<48x128xi32, #tpu.memory_space<vmem>> -> memref<1x128xi32, #tpu.memory_space<vmem>>
        %dma_start3A_167 = tpu.memref_squeeze %dma_start3A_166 : memref<1x128xi32, #tpu.memory_space<vmem>> -> memref<128xi32, #tpu.memory_space<vmem>>
        %dma_start3A_168 = arith.constant 0 : i32
        %dma_start3A_169 = arith.constant 0 : i32
        %dma_start3A_170 = tpu.memref_slice %arg10[%dma_start3A_168, %dma_start3A_169] : memref<10240x128xf32, #tpu.memory_space<vmem_shared>> -> memref<10240x128xf32, #tpu.memory_space<vmem_shared>>
        tpu.enqueue_indirect_dma source(%dma_start3A_164 : memref<128x128xf32, #tpu.memory_space<vmem>>) target(%dma_start3A_170 : memref<10240x128xf32, #tpu.memory_space<vmem_shared>>) offsets(%dma_start3A_167 : memref<128xi32, #tpu.memory_space<vmem>>) semaphore(%run_scoped3A_160 : memref<!tpu.dma_semaphore, #tpu.memory_space<semaphore_mem>>) {add = true}
        %dma_wait3A_171 = arith.constant 0 : i32
        %dma_wait3A_172 = arith.constant 0 : i32
        %dma_wait3A_173 = tpu.memref_slice %arg7[%run_scoped3A_159, %dma_wait3A_171, %dma_wait3A_172] : memref<2x128x128xf32, #tpu.memory_space<vmem>> -> memref<1x128x128xf32, #tpu.memory_space<vmem>>
        %dma_wait3A_174 = tpu.memref_squeeze %dma_wait3A_173 : memref<1x128x128xf32, #tpu.memory_space<vmem>> -> memref<128x128xf32, #tpu.memory_space<vmem>>
        %dma_wait3A_175 = arith.constant 0 : i32
        %dma_wait3A_176 = tpu.memref_slice %arg6[%arg1, %dma_wait3A_175] : memref<48x128xi32, #tpu.memory_space<vmem>> -> memref<1x128xi32, #tpu.memory_space<vmem>>
        %dma_wait3A_177 = tpu.memref_squeeze %dma_wait3A_176 : memref<1x128xi32, #tpu.memory_space<vmem>> -> memref<128xi32, #tpu.memory_space<vmem>>
        %dma_wait3A_178 = arith.constant 0 : i32
        %dma_wait3A_179 = arith.constant 0 : i32
        %dma_wait3A_180 = tpu.memref_slice %arg10[%dma_wait3A_178, %dma_wait3A_179] : memref<10240x128xf32, #tpu.memory_space<vmem_shared>> -> memref<10240x128xf32, #tpu.memory_space<vmem_shared>>
        tpu.wait_indirect_dma semaphore(%run_scoped3A_160 : memref<!tpu.dma_semaphore, #tpu.memory_space<semaphore_mem>>) src(%dma_wait3A_174 : memref<128x128xf32, #tpu.memory_space<vmem>>) dst(%dma_wait3A_180 : memref<10240x128xf32, #tpu.memory_space<vmem_shared>>)
        tpu.yield
      }) : () -> ()
    } else {
    }
    %barrier3A_126 = arith.constant 0 : index
    tpu.barrier barrier_id(%barrier3A_126)
    "tpu.region"() ({
      %run_scoped3A_127 = tpu.sem_alloc : memref<!tpu.dma_semaphore, #tpu.memory_space<semaphore_mem>>
      %dma_start3A_128 = arith.constant 0 : i32
      %dma_start3A_129 = tpu.memref_slice %arg4[%arg0, %multiple_of3A, %dma_start3A_128] : memref<2x10240x128xf32, #tpu.memory_space<hbm>> -> memref<1x640x128xf32, #tpu.memory_space<hbm>>
      %dma_start3A_130 = tpu.memref_squeeze %dma_start3A_129 : memref<1x640x128xf32, #tpu.memory_space<hbm>> -> memref<640x128xf32, #tpu.memory_space<hbm>>
      %dma_start3A_131 = arith.constant 0 : i32
      %dma_start3A_132 = tpu.memref_slice %arg10[%multiple_of3A, %dma_start3A_131] : memref<10240x128xf32, #tpu.memory_space<vmem_shared>> -> memref<640x128xf32, #tpu.memory_space<vmem_shared>>
      tpu.enqueue_dma source(%dma_start3A_132 : memref<640x128xf32, #tpu.memory_space<vmem_shared>>) target(%dma_start3A_130 : memref<640x128xf32, #tpu.memory_space<hbm>>) target_semaphore(%run_scoped3A_127 : memref<!tpu.dma_semaphore, #tpu.memory_space<semaphore_mem>>)
      %dma_wait3A_133 = arith.constant 0 : i32
      %dma_wait3A_134 = tpu.memref_slice %arg4[%arg0, %multiple_of3A, %dma_wait3A_133] : memref<2x10240x128xf32, #tpu.memory_space<hbm>> -> memref<1x640x128xf32, #tpu.memory_space<hbm>>
      %dma_wait3A_135 = tpu.memref_squeeze %dma_wait3A_134 : memref<1x640x128xf32, #tpu.memory_space<hbm>> -> memref<640x128xf32, #tpu.memory_space<hbm>>
      %dma_wait3A_136 = arith.constant 0 : i32
      %dma_wait3A_137 = tpu.memref_slice %arg10[%multiple_of3A, %dma_wait3A_136] : memref<10240x128xf32, #tpu.memory_space<vmem_shared>> -> memref<640x128xf32, #tpu.memory_space<vmem_shared>>
      tpu.wait_dma2 semaphore(%run_scoped3A_127 : memref<!tpu.dma_semaphore, #tpu.memory_space<semaphore_mem>>) src(%dma_wait3A_137 : memref<640x128xf32, #tpu.memory_space<vmem_shared>>) dst(%dma_wait3A_135 : memref<640x128xf32, #tpu.memory_space<hbm>>)
      tpu.yield
    }) : () -> ()
    return
  }
}

#map = affine_map<(d0, d1) -> (0)>
#map1 = affine_map<(d0, d1) -> (0, 0, 0)>
#map2 = affine_map<(d0, d1) -> (0, 0)>
module attributes {stable_mosaic.version = 14 : i64} {
  func.func @k(%arg0: i32, %arg1: i32, %arg2: memref<10000xf32, #tpu.memory_space<hbm>>, %arg3: memref<10000xf32, #tpu.memory_space<hbm>>, %arg4: memref<10240xf32, #tpu.memory_space<hbm>>, %arg5: memref<2x1280x128xi32, #tpu.memory_space<hbm>>, %arg6: memref<10240xf32, #tpu.memory_space<hbm>>, %arg7: memref<2x10240xf32, #tpu.memory_space<hbm>>, %arg8: memref<48x128xi32, #tpu.memory_space<vmem>>, %arg9: memref<48x128xi32, #tpu.memory_space<vmem>>, %arg10: memref<48x128xf32, #tpu.memory_space<vmem>>, %arg11: memref<10000xf32, #tpu.memory_space<vmem>>, %arg12: memref<10000xf32, #tpu.memory_space<vmem>>, %arg13: memref<10240xf32, #tpu.memory_space<vmem>>, %arg14: memref<!tpu.dma_semaphore, #tpu.memory_space<semaphore_mem>>, %arg15: memref<10240xf32, #tpu.memory_space<vmem_shared>>) attributes {dimension_semantics = [#tpu.dimension_semantics<core_parallel>, #tpu.dimension_semantics<subcore_parallel>], iteration_bounds = array<i64: 2, 16>, scalar_prefetch = 0 : i64, scratch_operands = 8 : i64, tpu.core_type = #tpu.core_type<sc_vector_subcore>, window_params = [{transform_indices = #map}, {transform_indices = #map}, {transform_indices = #map}, {transform_indices = #map1}, {transform_indices = #map}, {transform_indices = #map2}]} {
    "tpu.region"() ({
      %run_scoped3A_43 = tpu.sem_alloc : memref<!tpu.dma_semaphore, #tpu.memory_space<semaphore_mem>>
      tpu.enqueue_dma source(%arg2 : memref<10000xf32, #tpu.memory_space<hbm>>) target(%arg11 : memref<10000xf32, #tpu.memory_space<vmem>>) target_semaphore(%run_scoped3A_43 : memref<!tpu.dma_semaphore, #tpu.memory_space<semaphore_mem>>)
      tpu.wait_dma2 semaphore(%run_scoped3A_43 : memref<!tpu.dma_semaphore, #tpu.memory_space<semaphore_mem>>) src(%arg2 : memref<10000xf32, #tpu.memory_space<hbm>>) dst(%arg11 : memref<10000xf32, #tpu.memory_space<vmem>>)
      tpu.yield
    }) : () -> ()
    "tpu.region"() ({
      %run_scoped3A_43 = tpu.sem_alloc : memref<!tpu.dma_semaphore, #tpu.memory_space<semaphore_mem>>
      tpu.enqueue_dma source(%arg3 : memref<10000xf32, #tpu.memory_space<hbm>>) target(%arg12 : memref<10000xf32, #tpu.memory_space<vmem>>) target_semaphore(%run_scoped3A_43 : memref<!tpu.dma_semaphore, #tpu.memory_space<semaphore_mem>>)
      tpu.wait_dma2 semaphore(%run_scoped3A_43 : memref<!tpu.dma_semaphore, #tpu.memory_space<semaphore_mem>>) src(%arg3 : memref<10000xf32, #tpu.memory_space<hbm>>) dst(%arg12 : memref<10000xf32, #tpu.memory_space<vmem>>)
      tpu.yield
    }) : () -> ()
    "tpu.region"() ({
      %run_scoped3A_43 = tpu.sem_alloc : memref<!tpu.dma_semaphore, #tpu.memory_space<semaphore_mem>>
      tpu.enqueue_dma source(%arg4 : memref<10240xf32, #tpu.memory_space<hbm>>) target(%arg13 : memref<10240xf32, #tpu.memory_space<vmem>>) target_semaphore(%run_scoped3A_43 : memref<!tpu.dma_semaphore, #tpu.memory_space<semaphore_mem>>)
      tpu.wait_dma2 semaphore(%run_scoped3A_43 : memref<!tpu.dma_semaphore, #tpu.memory_space<semaphore_mem>>) src(%arg4 : memref<10240xf32, #tpu.memory_space<hbm>>) dst(%arg13 : memref<10240xf32, #tpu.memory_space<vmem>>)
      tpu.yield
    }) : () -> ()
    %mul3A = arith.constant 640 : i32
    %mul3A_0 = arith.muli %arg1, %mul3A : i32
    %multiple_of3A = tpu.assume_multiple %mul3A_0, 8 : i32
    "tpu.region"() ({
      %run_scoped3A_43 = tpu.sem_alloc : memref<!tpu.dma_semaphore, #tpu.memory_space<semaphore_mem>>
      %dma_start3A = tpu.memref_slice %arg15[%multiple_of3A] : memref<10240xf32, #tpu.memory_space<vmem_shared>> -> memref<640xf32, #tpu.memory_space<vmem_shared>>
      %dma_start3A_44 = tpu.memref_slice %arg6[%multiple_of3A] : memref<10240xf32, #tpu.memory_space<hbm>> -> memref<640xf32, #tpu.memory_space<hbm>>
      tpu.enqueue_dma source(%dma_start3A_44 : memref<640xf32, #tpu.memory_space<hbm>>) target(%dma_start3A : memref<640xf32, #tpu.memory_space<vmem_shared>>) target_semaphore(%run_scoped3A_43 : memref<!tpu.dma_semaphore, #tpu.memory_space<semaphore_mem>>)
      %dma_wait3A = tpu.memref_slice %arg15[%multiple_of3A] : memref<10240xf32, #tpu.memory_space<vmem_shared>> -> memref<640xf32, #tpu.memory_space<vmem_shared>>
      %dma_wait3A_45 = tpu.memref_slice %arg6[%multiple_of3A] : memref<10240xf32, #tpu.memory_space<hbm>> -> memref<640xf32, #tpu.memory_space<hbm>>
      tpu.wait_dma2 semaphore(%run_scoped3A_43 : memref<!tpu.dma_semaphore, #tpu.memory_space<semaphore_mem>>) src(%dma_wait3A_45 : memref<640xf32, #tpu.memory_space<hbm>>) dst(%dma_wait3A : memref<640xf32, #tpu.memory_space<vmem_shared>>)
      tpu.yield
    }) : () -> ()
    %mul3A_1 = arith.constant 625 : i32
    %mul3A_2 = arith.muli %arg0, %mul3A_1 : i32
    %mul3A_3 = arith.constant 39 : i32
    %mul3A_4 = arith.muli %arg1, %mul3A_3 : i32
    %add3A = arith.addi %mul3A_2, %mul3A_4 : i32
    %jit3A = arith.constant 8 : i32
    %div3A = arith.divsi %add3A, %jit3A : i32
    %sign3A = arith.constant 0 : i32
    %sign3A_5 = arith.cmpi sgt, %add3A, %sign3A : i32
    %sign3A_6 = arith.extui %sign3A_5 : i1 to i32
    %sign3A_7 = arith.constant 0 : i32
    %sign3A_8 = arith.cmpi slt, %add3A, %sign3A_7 : i32
    %sign3A_9 = arith.extui %sign3A_8 : i1 to i32
    %sign3A_10 = arith.subi %sign3A_6, %sign3A_9 : i32
    %sign3A_11 = arith.constant 0 : i32
    %sign3A_12 = arith.cmpi sgt, %jit3A, %sign3A_11 : i32
    %sign3A_13 = arith.extui %sign3A_12 : i1 to i32
    %sign3A_14 = arith.constant 0 : i32
    %sign3A_15 = arith.cmpi slt, %jit3A, %sign3A_14 : i32
    %sign3A_16 = arith.extui %sign3A_15 : i1 to i32
    %sign3A_17 = arith.subi %sign3A_13, %sign3A_16 : i32
    %ne3A = arith.cmpi ne, %sign3A_10, %sign3A_17 : i32
    %rem3A = arith.remsi %add3A, %jit3A : i32
    %ne3A_18 = arith.constant 0 : i32
    %ne3A_19 = arith.cmpi ne, %rem3A, %ne3A_18 : i32
    %and3A = arith.andi %ne3A, %ne3A_19 : i1
    %sub3A = arith.constant 1 : i32
    %sub3A_20 = arith.subi %div3A, %sub3A : i32
    %select_n3A = arith.select %and3A, %sub3A_20, %div3A : i32
    %mul3A_21 = arith.constant 8 : i32
    %mul3A_22 = arith.muli %select_n3A, %mul3A_21 : i32
    %multiple_of3A_23 = tpu.assume_multiple %mul3A_22, 8 : i32
    %sub3A_24 = arith.subi %add3A, %multiple_of3A_23 : i32
    %run_scoped3A = arith.constant 0 : i32
    "tpu.region"() ({
      %run_scoped3A_43 = tpu.sem_alloc : memref<!tpu.dma_semaphore, #tpu.memory_space<semaphore_mem>>
      %dma_start3A = arith.constant 0 : i32
      %dma_start3A_44 = tpu.memref_slice %arg5[%run_scoped3A, %multiple_of3A_23, %dma_start3A] : memref<2x1280x128xi32, #tpu.memory_space<hbm>> -> memref<1x48x128xi32, #tpu.memory_space<hbm>>
      %dma_start3A_45 = tpu.memref_squeeze %dma_start3A_44 : memref<1x48x128xi32, #tpu.memory_space<hbm>> -> memref<48x128xi32, #tpu.memory_space<hbm>>
      %dma_start3A_46 = arith.constant 0 : i32
      %dma_start3A_47 = tpu.memref_slice %arg5[%run_scoped3A, %multiple_of3A_23, %dma_start3A_46] : memref<2x1280x128xi32, #tpu.memory_space<hbm>> -> memref<1x48x128xi32, #tpu.memory_space<hbm>>
      %dma_start3A_48 = tpu.memref_squeeze %dma_start3A_47 : memref<1x48x128xi32, #tpu.memory_space<hbm>> -> memref<48x128xi32, #tpu.memory_space<hbm>>
      tpu.enqueue_dma source(%dma_start3A_48 : memref<48x128xi32, #tpu.memory_space<hbm>>) target(%arg8 : memref<48x128xi32, #tpu.memory_space<vmem>>) target_semaphore(%run_scoped3A_43 : memref<!tpu.dma_semaphore, #tpu.memory_space<semaphore_mem>>)
      %dma_wait3A = arith.constant 0 : i32
      %dma_wait3A_49 = tpu.memref_slice %arg5[%run_scoped3A, %multiple_of3A_23, %dma_wait3A] : memref<2x1280x128xi32, #tpu.memory_space<hbm>> -> memref<1x48x128xi32, #tpu.memory_space<hbm>>
      %dma_wait3A_50 = tpu.memref_squeeze %dma_wait3A_49 : memref<1x48x128xi32, #tpu.memory_space<hbm>> -> memref<48x128xi32, #tpu.memory_space<hbm>>
      %dma_wait3A_51 = arith.constant 0 : i32
      %dma_wait3A_52 = tpu.memref_slice %arg5[%run_scoped3A, %multiple_of3A_23, %dma_wait3A_51] : memref<2x1280x128xi32, #tpu.memory_space<hbm>> -> memref<1x48x128xi32, #tpu.memory_space<hbm>>
      %dma_wait3A_53 = tpu.memref_squeeze %dma_wait3A_52 : memref<1x48x128xi32, #tpu.memory_space<hbm>> -> memref<48x128xi32, #tpu.memory_space<hbm>>
      tpu.wait_dma2 semaphore(%run_scoped3A_43 : memref<!tpu.dma_semaphore, #tpu.memory_space<semaphore_mem>>) src(%dma_wait3A_53 : memref<48x128xi32, #tpu.memory_space<hbm>>) dst(%arg8 : memref<48x128xi32, #tpu.memory_space<vmem>>)
      tpu.yield
    }) : () -> ()
    %run_scoped3A_25 = arith.constant 1 : i32
    "tpu.region"() ({
      %run_scoped3A_43 = tpu.sem_alloc : memref<!tpu.dma_semaphore, #tpu.memory_space<semaphore_mem>>
      %dma_start3A = arith.constant 0 : i32
      %dma_start3A_44 = tpu.memref_slice %arg5[%run_scoped3A_25, %multiple_of3A_23, %dma_start3A] : memref<2x1280x128xi32, #tpu.memory_space<hbm>> -> memref<1x48x128xi32, #tpu.memory_space<hbm>>
      %dma_start3A_45 = tpu.memref_squeeze %dma_start3A_44 : memref<1x48x128xi32, #tpu.memory_space<hbm>> -> memref<48x128xi32, #tpu.memory_space<hbm>>
      %dma_start3A_46 = arith.constant 0 : i32
      %dma_start3A_47 = tpu.memref_slice %arg5[%run_scoped3A_25, %multiple_of3A_23, %dma_start3A_46] : memref<2x1280x128xi32, #tpu.memory_space<hbm>> -> memref<1x48x128xi32, #tpu.memory_space<hbm>>
      %dma_start3A_48 = tpu.memref_squeeze %dma_start3A_47 : memref<1x48x128xi32, #tpu.memory_space<hbm>> -> memref<48x128xi32, #tpu.memory_space<hbm>>
      tpu.enqueue_dma source(%dma_start3A_48 : memref<48x128xi32, #tpu.memory_space<hbm>>) target(%arg9 : memref<48x128xi32, #tpu.memory_space<vmem>>) target_semaphore(%run_scoped3A_43 : memref<!tpu.dma_semaphore, #tpu.memory_space<semaphore_mem>>)
      %dma_wait3A = arith.constant 0 : i32
      %dma_wait3A_49 = tpu.memref_slice %arg5[%run_scoped3A_25, %multiple_of3A_23, %dma_wait3A] : memref<2x1280x128xi32, #tpu.memory_space<hbm>> -> memref<1x48x128xi32, #tpu.memory_space<hbm>>
      %dma_wait3A_50 = tpu.memref_squeeze %dma_wait3A_49 : memref<1x48x128xi32, #tpu.memory_space<hbm>> -> memref<48x128xi32, #tpu.memory_space<hbm>>
      %dma_wait3A_51 = arith.constant 0 : i32
      %dma_wait3A_52 = tpu.memref_slice %arg5[%run_scoped3A_25, %multiple_of3A_23, %dma_wait3A_51] : memref<2x1280x128xi32, #tpu.memory_space<hbm>> -> memref<1x48x128xi32, #tpu.memory_space<hbm>>
      %dma_wait3A_53 = tpu.memref_squeeze %dma_wait3A_52 : memref<1x48x128xi32, #tpu.memory_space<hbm>> -> memref<48x128xi32, #tpu.memory_space<hbm>>
      tpu.wait_dma2 semaphore(%run_scoped3A_43 : memref<!tpu.dma_semaphore, #tpu.memory_space<semaphore_mem>>) src(%dma_wait3A_53 : memref<48x128xi32, #tpu.memory_space<hbm>>) dst(%arg9 : memref<48x128xi32, #tpu.memory_space<vmem>>)
      tpu.yield
    }) : () -> ()
    %barrier3A = arith.constant 0 : index
    tpu.barrier barrier_id(%barrier3A)
    %scan3A = arith.constant 0 : i32
    %scan3A_26 = arith.constant 39 : i32
    %scan3A_27 = arith.addi %scan3A, %scan3A_26 : i32
    %scan3A_28 = arith.constant 1 : i32
    scf.for %scan3A_43 = %scan3A to %scan3A_27 step %scan3A_28  : i32 {
      %mul3A_44 = arith.constant 1 : i32
      %mul3A_45 = arith.muli %scan3A_43, %mul3A_44 : i32
      %add3A_46 = arith.constant 0 : i32
      %add3A_47 = arith.addi %add3A_46, %mul3A_45 : i32
      %add3A_48 = arith.addi %sub3A_24, %add3A_47 : i32
      %get3A = arith.index_cast %add3A_48 : i32 to index
      %get3A_49 = arith.constant 0 : index
      %get3A_50 = tpu.vector_load %arg8[%get3A, %get3A_49] {strides = array<i32>} : memref<48x128xi32, #tpu.memory_space<vmem>>, vector<16xi32>,
      %get3A_51 = arith.index_cast %add3A_48 : i32 to index
      %get3A_52 = arith.constant 0 : index
      %get3A_53 = tpu.vector_load %arg9[%get3A_51, %get3A_52] {strides = array<i32>} : memref<48x128xi32, #tpu.memory_space<vmem>>, vector<16xi32>,
      %gather3A = tpu.vector_load_idx %arg11[%get3A_50] : memref<10000xf32, #tpu.memory_space<vmem>>[vector<16xi32>], vector<16xf32>,
      %gather3A_54 = tpu.vector_load_idx %arg12[%get3A_53] : memref<10000xf32, #tpu.memory_space<vmem>>[vector<16xi32>], vector<16xf32>,
      %gather3A_55 = tpu.vector_load_idx %arg13[%get3A_50] : memref<10240xf32, #tpu.memory_space<vmem>>[vector<16xi32>], vector<16xf32>,
      %add3A_56 = arith.addf %gather3A, %gather3A_54 : vector<16xf32>
      %mul3A_57 = arith.mulf %add3A_56, %gather3A_55 : vector<16xf32>
      %swap3A = arith.index_cast %add3A_48 : i32 to index
      %swap3A_58 = arith.constant 0 : index
      %swap3A_59 = tpu.vector_load %arg10[%swap3A, %swap3A_58] {strides = array<i32>} : memref<48x128xf32, #tpu.memory_space<vmem>>, vector<16xf32>,
      tpu.vector_store %arg10[%swap3A, %swap3A_58], %mul3A_57 {strides = array<i32>} : memref<48x128xf32, #tpu.memory_space<vmem>>, vector<16xf32>,
      %get3A_60 = arith.index_cast %add3A_48 : i32 to index
      %get3A_61 = arith.constant 16 : index
      %get3A_62 = tpu.vector_load %arg8[%get3A_60, %get3A_61] {strides = array<i32>} : memref<48x128xi32, #tpu.memory_space<vmem>>, vector<16xi32>,
      %get3A_63 = arith.index_cast %add3A_48 : i32 to index
      %get3A_64 = arith.constant 16 : index
      %get3A_65 = tpu.vector_load %arg9[%get3A_63, %get3A_64] {strides = array<i32>} : memref<48x128xi32, #tpu.memory_space<vmem>>, vector<16xi32>,
      %gather3A_66 = tpu.vector_load_idx %arg11[%get3A_62] : memref<10000xf32, #tpu.memory_space<vmem>>[vector<16xi32>], vector<16xf32>,
      %gather3A_67 = tpu.vector_load_idx %arg12[%get3A_65] : memref<10000xf32, #tpu.memory_space<vmem>>[vector<16xi32>], vector<16xf32>,
      %gather3A_68 = tpu.vector_load_idx %arg13[%get3A_62] : memref<10240xf32, #tpu.memory_space<vmem>>[vector<16xi32>], vector<16xf32>,
      %add3A_69 = arith.addf %gather3A_66, %gather3A_67 : vector<16xf32>
      %mul3A_70 = arith.mulf %add3A_69, %gather3A_68 : vector<16xf32>
      %swap3A_71 = arith.index_cast %add3A_48 : i32 to index
      %swap3A_72 = arith.constant 16 : index
      %swap3A_73 = tpu.vector_load %arg10[%swap3A_71, %swap3A_72] {strides = array<i32>} : memref<48x128xf32, #tpu.memory_space<vmem>>, vector<16xf32>,
      tpu.vector_store %arg10[%swap3A_71, %swap3A_72], %mul3A_70 {strides = array<i32>} : memref<48x128xf32, #tpu.memory_space<vmem>>, vector<16xf32>,
      %get3A_74 = arith.index_cast %add3A_48 : i32 to index
      %get3A_75 = arith.constant 32 : index
      %get3A_76 = tpu.vector_load %arg8[%get3A_74, %get3A_75] {strides = array<i32>} : memref<48x128xi32, #tpu.memory_space<vmem>>, vector<16xi32>,
      %get3A_77 = arith.index_cast %add3A_48 : i32 to index
      %get3A_78 = arith.constant 32 : index
      %get3A_79 = tpu.vector_load %arg9[%get3A_77, %get3A_78] {strides = array<i32>} : memref<48x128xi32, #tpu.memory_space<vmem>>, vector<16xi32>,
      %gather3A_80 = tpu.vector_load_idx %arg11[%get3A_76] : memref<10000xf32, #tpu.memory_space<vmem>>[vector<16xi32>], vector<16xf32>,
      %gather3A_81 = tpu.vector_load_idx %arg12[%get3A_79] : memref<10000xf32, #tpu.memory_space<vmem>>[vector<16xi32>], vector<16xf32>,
      %gather3A_82 = tpu.vector_load_idx %arg13[%get3A_76] : memref<10240xf32, #tpu.memory_space<vmem>>[vector<16xi32>], vector<16xf32>,
      %add3A_83 = arith.addf %gather3A_80, %gather3A_81 : vector<16xf32>
      %mul3A_84 = arith.mulf %add3A_83, %gather3A_82 : vector<16xf32>
      %swap3A_85 = arith.index_cast %add3A_48 : i32 to index
      %swap3A_86 = arith.constant 32 : index
      %swap3A_87 = tpu.vector_load %arg10[%swap3A_85, %swap3A_86] {strides = array<i32>} : memref<48x128xf32, #tpu.memory_space<vmem>>, vector<16xf32>,
      tpu.vector_store %arg10[%swap3A_85, %swap3A_86], %mul3A_84 {strides = array<i32>} : memref<48x128xf32, #tpu.memory_space<vmem>>, vector<16xf32>,
      %get3A_88 = arith.index_cast %add3A_48 : i32 to index
      %get3A_89 = arith.constant 48 : index
      %get3A_90 = tpu.vector_load %arg8[%get3A_88, %get3A_89] {strides = array<i32>} : memref<48x128xi32, #tpu.memory_space<vmem>>, vector<16xi32>,
      %get3A_91 = arith.index_cast %add3A_48 : i32 to index
      %get3A_92 = arith.constant 48 : index
      %get3A_93 = tpu.vector_load %arg9[%get3A_91, %get3A_92] {strides = array<i32>} : memref<48x128xi32, #tpu.memory_space<vmem>>, vector<16xi32>,
      %gather3A_94 = tpu.vector_load_idx %arg11[%get3A_90] : memref<10000xf32, #tpu.memory_space<vmem>>[vector<16xi32>], vector<16xf32>,
      %gather3A_95 = tpu.vector_load_idx %arg12[%get3A_93] : memref<10000xf32, #tpu.memory_space<vmem>>[vector<16xi32>], vector<16xf32>,
      %gather3A_96 = tpu.vector_load_idx %arg13[%get3A_90] : memref<10240xf32, #tpu.memory_space<vmem>>[vector<16xi32>], vector<16xf32>,
      %add3A_97 = arith.addf %gather3A_94, %gather3A_95 : vector<16xf32>
      %mul3A_98 = arith.mulf %add3A_97, %gather3A_96 : vector<16xf32>
      %swap3A_99 = arith.index_cast %add3A_48 : i32 to index
      %swap3A_100 = arith.constant 48 : index
      %swap3A_101 = tpu.vector_load %arg10[%swap3A_99, %swap3A_100] {strides = array<i32>} : memref<48x128xf32, #tpu.memory_space<vmem>>, vector<16xf32>,
      tpu.vector_store %arg10[%swap3A_99, %swap3A_100], %mul3A_98 {strides = array<i32>} : memref<48x128xf32, #tpu.memory_space<vmem>>, vector<16xf32>,
      %get3A_102 = arith.index_cast %add3A_48 : i32 to index
      %get3A_103 = arith.constant 64 : index
      %get3A_104 = tpu.vector_load %arg8[%get3A_102, %get3A_103] {strides = array<i32>} : memref<48x128xi32, #tpu.memory_space<vmem>>, vector<16xi32>,
      %get3A_105 = arith.index_cast %add3A_48 : i32 to index
      %get3A_106 = arith.constant 64 : index
      %get3A_107 = tpu.vector_load %arg9[%get3A_105, %get3A_106] {strides = array<i32>} : memref<48x128xi32, #tpu.memory_space<vmem>>, vector<16xi32>,
      %gather3A_108 = tpu.vector_load_idx %arg11[%get3A_104] : memref<10000xf32, #tpu.memory_space<vmem>>[vector<16xi32>], vector<16xf32>,
      %gather3A_109 = tpu.vector_load_idx %arg12[%get3A_107] : memref<10000xf32, #tpu.memory_space<vmem>>[vector<16xi32>], vector<16xf32>,
      %gather3A_110 = tpu.vector_load_idx %arg13[%get3A_104] : memref<10240xf32, #tpu.memory_space<vmem>>[vector<16xi32>], vector<16xf32>,
      %add3A_111 = arith.addf %gather3A_108, %gather3A_109 : vector<16xf32>
      %mul3A_112 = arith.mulf %add3A_111, %gather3A_110 : vector<16xf32>
      %swap3A_113 = arith.index_cast %add3A_48 : i32 to index
      %swap3A_114 = arith.constant 64 : index
      %swap3A_115 = tpu.vector_load %arg10[%swap3A_113, %swap3A_114] {strides = array<i32>} : memref<48x128xf32, #tpu.memory_space<vmem>>, vector<16xf32>,
      tpu.vector_store %arg10[%swap3A_113, %swap3A_114], %mul3A_112 {strides = array<i32>} : memref<48x128xf32, #tpu.memory_space<vmem>>, vector<16xf32>,
      %get3A_116 = arith.index_cast %add3A_48 : i32 to index
      %get3A_117 = arith.constant 80 : index
      %get3A_118 = tpu.vector_load %arg8[%get3A_116, %get3A_117] {strides = array<i32>} : memref<48x128xi32, #tpu.memory_space<vmem>>, vector<16xi32>,
      %get3A_119 = arith.index_cast %add3A_48 : i32 to index
      %get3A_120 = arith.constant 80 : index
      %get3A_121 = tpu.vector_load %arg9[%get3A_119, %get3A_120] {strides = array<i32>} : memref<48x128xi32, #tpu.memory_space<vmem>>, vector<16xi32>,
      %gather3A_122 = tpu.vector_load_idx %arg11[%get3A_118] : memref<10000xf32, #tpu.memory_space<vmem>>[vector<16xi32>], vector<16xf32>,
      %gather3A_123 = tpu.vector_load_idx %arg12[%get3A_121] : memref<10000xf32, #tpu.memory_space<vmem>>[vector<16xi32>], vector<16xf32>,
      %gather3A_124 = tpu.vector_load_idx %arg13[%get3A_118] : memref<10240xf32, #tpu.memory_space<vmem>>[vector<16xi32>], vector<16xf32>,
      %add3A_125 = arith.addf %gather3A_122, %gather3A_123 : vector<16xf32>
      %mul3A_126 = arith.mulf %add3A_125, %gather3A_124 : vector<16xf32>
      %swap3A_127 = arith.index_cast %add3A_48 : i32 to index
      %swap3A_128 = arith.constant 80 : index
      %swap3A_129 = tpu.vector_load %arg10[%swap3A_127, %swap3A_128] {strides = array<i32>} : memref<48x128xf32, #tpu.memory_space<vmem>>, vector<16xf32>,
      tpu.vector_store %arg10[%swap3A_127, %swap3A_128], %mul3A_126 {strides = array<i32>} : memref<48x128xf32, #tpu.memory_space<vmem>>, vector<16xf32>,
      %get3A_130 = arith.index_cast %add3A_48 : i32 to index
      %get3A_131 = arith.constant 96 : index
      %get3A_132 = tpu.vector_load %arg8[%get3A_130, %get3A_131] {strides = array<i32>} : memref<48x128xi32, #tpu.memory_space<vmem>>, vector<16xi32>,
      %get3A_133 = arith.index_cast %add3A_48 : i32 to index
      %get3A_134 = arith.constant 96 : index
      %get3A_135 = tpu.vector_load %arg9[%get3A_133, %get3A_134] {strides = array<i32>} : memref<48x128xi32, #tpu.memory_space<vmem>>, vector<16xi32>,
      %gather3A_136 = tpu.vector_load_idx %arg11[%get3A_132] : memref<10000xf32, #tpu.memory_space<vmem>>[vector<16xi32>], vector<16xf32>,
      %gather3A_137 = tpu.vector_load_idx %arg12[%get3A_135] : memref<10000xf32, #tpu.memory_space<vmem>>[vector<16xi32>], vector<16xf32>,
      %gather3A_138 = tpu.vector_load_idx %arg13[%get3A_132] : memref<10240xf32, #tpu.memory_space<vmem>>[vector<16xi32>], vector<16xf32>,
      %add3A_139 = arith.addf %gather3A_136, %gather3A_137 : vector<16xf32>
      %mul3A_140 = arith.mulf %add3A_139, %gather3A_138 : vector<16xf32>
      %swap3A_141 = arith.index_cast %add3A_48 : i32 to index
      %swap3A_142 = arith.constant 96 : index
      %swap3A_143 = tpu.vector_load %arg10[%swap3A_141, %swap3A_142] {strides = array<i32>} : memref<48x128xf32, #tpu.memory_space<vmem>>, vector<16xf32>,
      tpu.vector_store %arg10[%swap3A_141, %swap3A_142], %mul3A_140 {strides = array<i32>} : memref<48x128xf32, #tpu.memory_space<vmem>>, vector<16xf32>,
      %get3A_144 = arith.index_cast %add3A_48 : i32 to index
      %get3A_145 = arith.constant 112 : index
      %get3A_146 = tpu.vector_load %arg8[%get3A_144, %get3A_145] {strides = array<i32>} : memref<48x128xi32, #tpu.memory_space<vmem>>, vector<16xi32>,
      %get3A_147 = arith.index_cast %add3A_48 : i32 to index
      %get3A_148 = arith.constant 112 : index
      %get3A_149 = tpu.vector_load %arg9[%get3A_147, %get3A_148] {strides = array<i32>} : memref<48x128xi32, #tpu.memory_space<vmem>>, vector<16xi32>,
      %gather3A_150 = tpu.vector_load_idx %arg11[%get3A_146] : memref<10000xf32, #tpu.memory_space<vmem>>[vector<16xi32>], vector<16xf32>,
      %gather3A_151 = tpu.vector_load_idx %arg12[%get3A_149] : memref<10000xf32, #tpu.memory_space<vmem>>[vector<16xi32>], vector<16xf32>,
      %gather3A_152 = tpu.vector_load_idx %arg13[%get3A_146] : memref<10240xf32, #tpu.memory_space<vmem>>[vector<16xi32>], vector<16xf32>,
      %add3A_153 = arith.addf %gather3A_150, %gather3A_151 : vector<16xf32>
      %mul3A_154 = arith.mulf %add3A_153, %gather3A_152 : vector<16xf32>
      %swap3A_155 = arith.index_cast %add3A_48 : i32 to index
      %swap3A_156 = arith.constant 112 : index
      %swap3A_157 = tpu.vector_load %arg10[%swap3A_155, %swap3A_156] {strides = array<i32>} : memref<48x128xf32, #tpu.memory_space<vmem>>, vector<16xf32>,
      tpu.vector_store %arg10[%swap3A_155, %swap3A_156], %mul3A_154 {strides = array<i32>} : memref<48x128xf32, #tpu.memory_space<vmem>>, vector<16xf32>,
    }
    %scan3A_29 = arith.constant 39 : i32
    %scan3A_30 = arith.constant 0 : i32
    %scan3A_31 = arith.constant 39 : i32
    %scan3A_32 = arith.addi %scan3A_30, %scan3A_31 : i32
    %scan3A_33 = arith.constant 1 : i32
    scf.for %scan3A_43 = %scan3A_30 to %scan3A_32 step %scan3A_33  : i32 {
      %mul3A_44 = arith.constant 1 : i32
      %mul3A_45 = arith.muli %scan3A_43, %mul3A_44 : i32
      %add3A_46 = arith.constant 0 : i32
      %add3A_47 = arith.addi %add3A_46, %mul3A_45 : i32
      %add3A_48 = arith.addi %sub3A_24, %add3A_47 : i32
      %add3A_49 = arith.addi %sub3A_24, %add3A_47 : i32
      %dma_start3A = arith.constant 0 : i32
      %dma_start3A_50 = tpu.memref_slice %arg10[%add3A_48, %dma_start3A] : memref<48x128xf32, #tpu.memory_space<vmem>> -> memref<1x128xf32, #tpu.memory_space<vmem>>
      %dma_start3A_51 = tpu.memref_squeeze %dma_start3A_50 : memref<1x128xf32, #tpu.memory_space<vmem>> -> memref<128xf32, #tpu.memory_space<vmem>>
      %dma_start3A_52 = arith.constant 0 : i32
      %dma_start3A_53 = tpu.memref_slice %arg9[%add3A_49, %dma_start3A_52] : memref<48x128xi32, #tpu.memory_space<vmem>> -> memref<1x128xi32, #tpu.memory_space<vmem>>
      %dma_start3A_54 = tpu.memref_squeeze %dma_start3A_53 : memref<1x128xi32, #tpu.memory_space<vmem>> -> memref<128xi32, #tpu.memory_space<vmem>>
      %dma_start3A_55 = arith.constant 0 : i32
      %dma_start3A_56 = tpu.memref_slice %arg15[%dma_start3A_55] : memref<10240xf32, #tpu.memory_space<vmem_shared>> -> memref<10240xf32, #tpu.memory_space<vmem_shared>>
      tpu.enqueue_indirect_dma source(%dma_start3A_51 : memref<128xf32, #tpu.memory_space<vmem>>) target(%dma_start3A_56 : memref<10240xf32, #tpu.memory_space<vmem_shared>>) offsets(%dma_start3A_54 : memref<128xi32, #tpu.memory_space<vmem>>) semaphore(%arg14 : memref<!tpu.dma_semaphore, #tpu.memory_space<semaphore_mem>>) {add = true}
    }
    %scan3A_34 = arith.constant 39 : i32
    %scan3A_35 = arith.constant 0 : i32
    %scan3A_36 = arith.constant 39 : i32
    %scan3A_37 = arith.addi %scan3A_35, %scan3A_36 : i32
    %scan3A_38 = arith.constant 1 : i32
    scf.for %scan3A_43 = %scan3A_35 to %scan3A_37 step %scan3A_38  : i32 {
      %mul3A_44 = arith.constant 1 : i32
      %mul3A_45 = arith.muli %scan3A_43, %mul3A_44 : i32
      %add3A_46 = arith.constant 0 : i32
      %add3A_47 = arith.addi %add3A_46, %mul3A_45 : i32
      %dma_wait3A = arith.constant 0 : i32
      %dma_wait3A_48 = tpu.memref_slice %arg10[%sub3A_24, %dma_wait3A] : memref<48x128xf32, #tpu.memory_space<vmem>> -> memref<1x128xf32, #tpu.memory_space<vmem>>
      %dma_wait3A_49 = tpu.memref_squeeze %dma_wait3A_48 : memref<1x128xf32, #tpu.memory_space<vmem>> -> memref<128xf32, #tpu.memory_space<vmem>>
      %dma_wait3A_50 = arith.constant 0 : i32
      %dma_wait3A_51 = tpu.memref_slice %arg9[%sub3A_24, %dma_wait3A_50] : memref<48x128xi32, #tpu.memory_space<vmem>> -> memref<1x128xi32, #tpu.memory_space<vmem>>
      %dma_wait3A_52 = tpu.memref_squeeze %dma_wait3A_51 : memref<1x128xi32, #tpu.memory_space<vmem>> -> memref<128xi32, #tpu.memory_space<vmem>>
      %dma_wait3A_53 = arith.constant 0 : i32
      %dma_wait3A_54 = tpu.memref_slice %arg15[%dma_wait3A_53] : memref<10240xf32, #tpu.memory_space<vmem_shared>> -> memref<10240xf32, #tpu.memory_space<vmem_shared>>
      tpu.wait_indirect_dma semaphore(%arg14 : memref<!tpu.dma_semaphore, #tpu.memory_space<semaphore_mem>>) src(%dma_wait3A_49 : memref<128xf32, #tpu.memory_space<vmem>>) dst(%dma_wait3A_54 : memref<10240xf32, #tpu.memory_space<vmem_shared>>)
    }
    %scan3A_39 = arith.constant 39 : i32
    %eq3A = arith.constant 0 : i32
    %eq3A_40 = arith.cmpi eq, %arg1, %eq3A : i32
    %convert_element_type3A = arith.extui %eq3A_40 : i1 to i32
    %cond3A = arith.constant 0 : i32
    %cond3A_41 = arith.cmpi ne, %convert_element_type3A, %cond3A : i32
    scf.if %cond3A_41 {
      %mul3A_43 = arith.constant 625 : i32
      %mul3A_44 = arith.muli %arg0, %mul3A_43 : i32
      %add3A_45 = arith.constant 624 : i32
      %add3A_46 = arith.addi %mul3A_44, %add3A_45 : i32
      %jit3A_47 = arith.constant 8 : i32
      %div3A_48 = arith.divsi %add3A_46, %jit3A_47 : i32
      %sign3A_49 = arith.constant 0 : i32
      %sign3A_50 = arith.cmpi sgt, %add3A_46, %sign3A_49 : i32
      %sign3A_51 = arith.extui %sign3A_50 : i1 to i32
      %sign3A_52 = arith.constant 0 : i32
      %sign3A_53 = arith.cmpi slt, %add3A_46, %sign3A_52 : i32
      %sign3A_54 = arith.extui %sign3A_53 : i1 to i32
      %sign3A_55 = arith.subi %sign3A_51, %sign3A_54 : i32
      %sign3A_56 = arith.constant 0 : i32
      %sign3A_57 = arith.cmpi sgt, %jit3A_47, %sign3A_56 : i32
      %sign3A_58 = arith.extui %sign3A_57 : i1 to i32
      %sign3A_59 = arith.constant 0 : i32
      %sign3A_60 = arith.cmpi slt, %jit3A_47, %sign3A_59 : i32
      %sign3A_61 = arith.extui %sign3A_60 : i1 to i32
      %sign3A_62 = arith.subi %sign3A_58, %sign3A_61 : i32
      %ne3A_63 = arith.cmpi ne, %sign3A_55, %sign3A_62 : i32
      %rem3A_64 = arith.remsi %add3A_46, %jit3A_47 : i32
      %ne3A_65 = arith.constant 0 : i32
      %ne3A_66 = arith.cmpi ne, %rem3A_64, %ne3A_65 : i32
      %and3A_67 = arith.andi %ne3A_63, %ne3A_66 : i1
      %sub3A_68 = arith.constant 1 : i32
      %sub3A_69 = arith.subi %div3A_48, %sub3A_68 : i32
      %select_n3A_70 = arith.select %and3A_67, %sub3A_69, %div3A_48 : i32
      %mul3A_71 = arith.constant 8 : i32
      %mul3A_72 = arith.muli %select_n3A_70, %mul3A_71 : i32
      %multiple_of3A_73 = tpu.assume_multiple %mul3A_72, 8 : i32
      %sub3A_74 = arith.subi %add3A_46, %multiple_of3A_73 : i32
      %run_scoped3A_75 = arith.constant 0 : i32
      "tpu.region"() ({
        %run_scoped3A_200 = tpu.sem_alloc : memref<!tpu.dma_semaphore, #tpu.memory_space<semaphore_mem>>
        %dma_start3A_201 = arith.constant 0 : i32
        %dma_start3A_202 = arith.constant 0 : i32
        %dma_start3A_203 = tpu.memref_slice %arg8[%dma_start3A_201, %dma_start3A_202] : memref<48x128xi32, #tpu.memory_space<vmem>> -> memref<8x128xi32, #tpu.memory_space<vmem>>
        %dma_start3A_204 = arith.constant 0 : i32
        %dma_start3A_205 = tpu.memref_slice %arg5[%run_scoped3A_75, %multiple_of3A_73, %dma_start3A_204] : memref<2x1280x128xi32, #tpu.memory_space<hbm>> -> memref<1x8x128xi32, #tpu.memory_space<hbm>>
        %dma_start3A_206 = tpu.memref_squeeze %dma_start3A_205 : memref<1x8x128xi32, #tpu.memory_space<hbm>> -> memref<8x128xi32, #tpu.memory_space<hbm>>
        %dma_start3A_207 = arith.constant 0 : i32
        %dma_start3A_208 = arith.constant 0 : i32
        %dma_start3A_209 = tpu.memref_slice %arg8[%dma_start3A_207, %dma_start3A_208] : memref<48x128xi32, #tpu.memory_space<vmem>> -> memref<8x128xi32, #tpu.memory_space<vmem>>
        %dma_start3A_210 = arith.constant 0 : i32
        %dma_start3A_211 = tpu.memref_slice %arg5[%run_scoped3A_75, %multiple_of3A_73, %dma_start3A_210] : memref<2x1280x128xi32, #tpu.memory_space<hbm>> -> memref<1x8x128xi32, #tpu.memory_space<hbm>>
        %dma_start3A_212 = tpu.memref_squeeze %dma_start3A_211 : memref<1x8x128xi32, #tpu.memory_space<hbm>> -> memref<8x128xi32, #tpu.memory_space<hbm>>
        tpu.enqueue_dma source(%dma_start3A_212 : memref<8x128xi32, #tpu.memory_space<hbm>>) target(%dma_start3A_209 : memref<8x128xi32, #tpu.memory_space<vmem>>) target_semaphore(%run_scoped3A_200 : memref<!tpu.dma_semaphore, #tpu.memory_space<semaphore_mem>>)
        %dma_wait3A_213 = arith.constant 0 : i32
        %dma_wait3A_214 = arith.constant 0 : i32
        %dma_wait3A_215 = tpu.memref_slice %arg8[%dma_wait3A_213, %dma_wait3A_214] : memref<48x128xi32, #tpu.memory_space<vmem>> -> memref<8x128xi32, #tpu.memory_space<vmem>>
        %dma_wait3A_216 = arith.constant 0 : i32
        %dma_wait3A_217 = tpu.memref_slice %arg5[%run_scoped3A_75, %multiple_of3A_73, %dma_wait3A_216] : memref<2x1280x128xi32, #tpu.memory_space<hbm>> -> memref<1x8x128xi32, #tpu.memory_space<hbm>>
        %dma_wait3A_218 = tpu.memref_squeeze %dma_wait3A_217 : memref<1x8x128xi32, #tpu.memory_space<hbm>> -> memref<8x128xi32, #tpu.memory_space<hbm>>
        %dma_wait3A_219 = arith.constant 0 : i32
        %dma_wait3A_220 = arith.constant 0 : i32
        %dma_wait3A_221 = tpu.memref_slice %arg8[%dma_wait3A_219, %dma_wait3A_220] : memref<48x128xi32, #tpu.memory_space<vmem>> -> memref<8x128xi32, #tpu.memory_space<vmem>>
        %dma_wait3A_222 = arith.constant 0 : i32
        %dma_wait3A_223 = tpu.memref_slice %arg5[%run_scoped3A_75, %multiple_of3A_73, %dma_wait3A_222] : memref<2x1280x128xi32, #tpu.memory_space<hbm>> -> memref<1x8x128xi32, #tpu.memory_space<hbm>>
        %dma_wait3A_224 = tpu.memref_squeeze %dma_wait3A_223 : memref<1x8x128xi32, #tpu.memory_space<hbm>> -> memref<8x128xi32, #tpu.memory_space<hbm>>
        tpu.wait_dma2 semaphore(%run_scoped3A_200 : memref<!tpu.dma_semaphore, #tpu.memory_space<semaphore_mem>>) src(%dma_wait3A_224 : memref<8x128xi32, #tpu.memory_space<hbm>>) dst(%dma_wait3A_221 : memref<8x128xi32, #tpu.memory_space<vmem>>)
        tpu.yield
      }) : () -> ()
      %run_scoped3A_76 = arith.constant 1 : i32
      "tpu.region"() ({
        %run_scoped3A_200 = tpu.sem_alloc : memref<!tpu.dma_semaphore, #tpu.memory_space<semaphore_mem>>
        %dma_start3A_201 = arith.constant 0 : i32
        %dma_start3A_202 = arith.constant 0 : i32
        %dma_start3A_203 = tpu.memref_slice %arg9[%dma_start3A_201, %dma_start3A_202] : memref<48x128xi32, #tpu.memory_space<vmem>> -> memref<8x128xi32, #tpu.memory_space<vmem>>
        %dma_start3A_204 = arith.constant 0 : i32
        %dma_start3A_205 = tpu.memref_slice %arg5[%run_scoped3A_76, %multiple_of3A_73, %dma_start3A_204] : memref<2x1280x128xi32, #tpu.memory_space<hbm>> -> memref<1x8x128xi32, #tpu.memory_space<hbm>>
        %dma_start3A_206 = tpu.memref_squeeze %dma_start3A_205 : memref<1x8x128xi32, #tpu.memory_space<hbm>> -> memref<8x128xi32, #tpu.memory_space<hbm>>
        %dma_start3A_207 = arith.constant 0 : i32
        %dma_start3A_208 = arith.constant 0 : i32
        %dma_start3A_209 = tpu.memref_slice %arg9[%dma_start3A_207, %dma_start3A_208] : memref<48x128xi32, #tpu.memory_space<vmem>> -> memref<8x128xi32, #tpu.memory_space<vmem>>
        %dma_start3A_210 = arith.constant 0 : i32
        %dma_start3A_211 = tpu.memref_slice %arg5[%run_scoped3A_76, %multiple_of3A_73, %dma_start3A_210] : memref<2x1280x128xi32, #tpu.memory_space<hbm>> -> memref<1x8x128xi32, #tpu.memory_space<hbm>>
        %dma_start3A_212 = tpu.memref_squeeze %dma_start3A_211 : memref<1x8x128xi32, #tpu.memory_space<hbm>> -> memref<8x128xi32, #tpu.memory_space<hbm>>
        tpu.enqueue_dma source(%dma_start3A_212 : memref<8x128xi32, #tpu.memory_space<hbm>>) target(%dma_start3A_209 : memref<8x128xi32, #tpu.memory_space<vmem>>) target_semaphore(%run_scoped3A_200 : memref<!tpu.dma_semaphore, #tpu.memory_space<semaphore_mem>>)
        %dma_wait3A_213 = arith.constant 0 : i32
        %dma_wait3A_214 = arith.constant 0 : i32
        %dma_wait3A_215 = tpu.memref_slice %arg9[%dma_wait3A_213, %dma_wait3A_214] : memref<48x128xi32, #tpu.memory_space<vmem>> -> memref<8x128xi32, #tpu.memory_space<vmem>>
        %dma_wait3A_216 = arith.constant 0 : i32
        %dma_wait3A_217 = tpu.memref_slice %arg5[%run_scoped3A_76, %multiple_of3A_73, %dma_wait3A_216] : memref<2x1280x128xi32, #tpu.memory_space<hbm>> -> memref<1x8x128xi32, #tpu.memory_space<hbm>>
        %dma_wait3A_218 = tpu.memref_squeeze %dma_wait3A_217 : memref<1x8x128xi32, #tpu.memory_space<hbm>> -> memref<8x128xi32, #tpu.memory_space<hbm>>
        %dma_wait3A_219 = arith.constant 0 : i32
        %dma_wait3A_220 = arith.constant 0 : i32
        %dma_wait3A_221 = tpu.memref_slice %arg9[%dma_wait3A_219, %dma_wait3A_220] : memref<48x128xi32, #tpu.memory_space<vmem>> -> memref<8x128xi32, #tpu.memory_space<vmem>>
        %dma_wait3A_222 = arith.constant 0 : i32
        %dma_wait3A_223 = tpu.memref_slice %arg5[%run_scoped3A_76, %multiple_of3A_73, %dma_wait3A_222] : memref<2x1280x128xi32, #tpu.memory_space<hbm>> -> memref<1x8x128xi32, #tpu.memory_space<hbm>>
        %dma_wait3A_224 = tpu.memref_squeeze %dma_wait3A_223 : memref<1x8x128xi32, #tpu.memory_space<hbm>> -> memref<8x128xi32, #tpu.memory_space<hbm>>
        tpu.wait_dma2 semaphore(%run_scoped3A_200 : memref<!tpu.dma_semaphore, #tpu.memory_space<semaphore_mem>>) src(%dma_wait3A_224 : memref<8x128xi32, #tpu.memory_space<hbm>>) dst(%dma_wait3A_221 : memref<8x128xi32, #tpu.memory_space<vmem>>)
        tpu.yield
      }) : () -> ()
      %get3A = arith.index_cast %sub3A_74 : i32 to index
      %get3A_77 = arith.constant 0 : index
      %get3A_78 = tpu.vector_load %arg8[%get3A, %get3A_77] {strides = array<i32>} : memref<48x128xi32, #tpu.memory_space<vmem>>, vector<16xi32>,
      %get3A_79 = arith.index_cast %sub3A_74 : i32 to index
      %get3A_80 = arith.constant 0 : index
      %get3A_81 = tpu.vector_load %arg9[%get3A_79, %get3A_80] {strides = array<i32>} : memref<48x128xi32, #tpu.memory_space<vmem>>, vector<16xi32>,
      %gather3A = tpu.vector_load_idx %arg11[%get3A_78] : memref<10000xf32, #tpu.memory_space<vmem>>[vector<16xi32>], vector<16xf32>,
      %gather3A_82 = tpu.vector_load_idx %arg12[%get3A_81] : memref<10000xf32, #tpu.memory_space<vmem>>[vector<16xi32>], vector<16xf32>,
      %gather3A_83 = tpu.vector_load_idx %arg13[%get3A_78] : memref<10240xf32, #tpu.memory_space<vmem>>[vector<16xi32>], vector<16xf32>,
      %add3A_84 = arith.addf %gather3A, %gather3A_82 : vector<16xf32>
      %mul3A_85 = arith.mulf %add3A_84, %gather3A_83 : vector<16xf32>
      %swap3A = arith.index_cast %sub3A_74 : i32 to index
      %swap3A_86 = arith.constant 0 : index
      %swap3A_87 = tpu.vector_load %arg10[%swap3A, %swap3A_86] {strides = array<i32>} : memref<48x128xf32, #tpu.memory_space<vmem>>, vector<16xf32>,
      tpu.vector_store %arg10[%swap3A, %swap3A_86], %mul3A_85 {strides = array<i32>} : memref<48x128xf32, #tpu.memory_space<vmem>>, vector<16xf32>,
      %get3A_88 = arith.index_cast %sub3A_74 : i32 to index
      %get3A_89 = arith.constant 16 : index
      %get3A_90 = tpu.vector_load %arg8[%get3A_88, %get3A_89] {strides = array<i32>} : memref<48x128xi32, #tpu.memory_space<vmem>>, vector<16xi32>,
      %get3A_91 = arith.index_cast %sub3A_74 : i32 to index
      %get3A_92 = arith.constant 16 : index
      %get3A_93 = tpu.vector_load %arg9[%get3A_91, %get3A_92] {strides = array<i32>} : memref<48x128xi32, #tpu.memory_space<vmem>>, vector<16xi32>,
      %gather3A_94 = tpu.vector_load_idx %arg11[%get3A_90] : memref<10000xf32, #tpu.memory_space<vmem>>[vector<16xi32>], vector<16xf32>,
      %gather3A_95 = tpu.vector_load_idx %arg12[%get3A_93] : memref<10000xf32, #tpu.memory_space<vmem>>[vector<16xi32>], vector<16xf32>,
      %gather3A_96 = tpu.vector_load_idx %arg13[%get3A_90] : memref<10240xf32, #tpu.memory_space<vmem>>[vector<16xi32>], vector<16xf32>,
      %add3A_97 = arith.addf %gather3A_94, %gather3A_95 : vector<16xf32>
      %mul3A_98 = arith.mulf %add3A_97, %gather3A_96 : vector<16xf32>
      %swap3A_99 = arith.index_cast %sub3A_74 : i32 to index
      %swap3A_100 = arith.constant 16 : index
      %swap3A_101 = tpu.vector_load %arg10[%swap3A_99, %swap3A_100] {strides = array<i32>} : memref<48x128xf32, #tpu.memory_space<vmem>>, vector<16xf32>,
      tpu.vector_store %arg10[%swap3A_99, %swap3A_100], %mul3A_98 {strides = array<i32>} : memref<48x128xf32, #tpu.memory_space<vmem>>, vector<16xf32>,
      %get3A_102 = arith.index_cast %sub3A_74 : i32 to index
      %get3A_103 = arith.constant 32 : index
      %get3A_104 = tpu.vector_load %arg8[%get3A_102, %get3A_103] {strides = array<i32>} : memref<48x128xi32, #tpu.memory_space<vmem>>, vector<16xi32>,
      %get3A_105 = arith.index_cast %sub3A_74 : i32 to index
      %get3A_106 = arith.constant 32 : index
      %get3A_107 = tpu.vector_load %arg9[%get3A_105, %get3A_106] {strides = array<i32>} : memref<48x128xi32, #tpu.memory_space<vmem>>, vector<16xi32>,
      %gather3A_108 = tpu.vector_load_idx %arg11[%get3A_104] : memref<10000xf32, #tpu.memory_space<vmem>>[vector<16xi32>], vector<16xf32>,
      %gather3A_109 = tpu.vector_load_idx %arg12[%get3A_107] : memref<10000xf32, #tpu.memory_space<vmem>>[vector<16xi32>], vector<16xf32>,
      %gather3A_110 = tpu.vector_load_idx %arg13[%get3A_104] : memref<10240xf32, #tpu.memory_space<vmem>>[vector<16xi32>], vector<16xf32>,
      %add3A_111 = arith.addf %gather3A_108, %gather3A_109 : vector<16xf32>
      %mul3A_112 = arith.mulf %add3A_111, %gather3A_110 : vector<16xf32>
      %swap3A_113 = arith.index_cast %sub3A_74 : i32 to index
      %swap3A_114 = arith.constant 32 : index
      %swap3A_115 = tpu.vector_load %arg10[%swap3A_113, %swap3A_114] {strides = array<i32>} : memref<48x128xf32, #tpu.memory_space<vmem>>, vector<16xf32>,
      tpu.vector_store %arg10[%swap3A_113, %swap3A_114], %mul3A_112 {strides = array<i32>} : memref<48x128xf32, #tpu.memory_space<vmem>>, vector<16xf32>,
      %get3A_116 = arith.index_cast %sub3A_74 : i32 to index
      %get3A_117 = arith.constant 48 : index
      %get3A_118 = tpu.vector_load %arg8[%get3A_116, %get3A_117] {strides = array<i32>} : memref<48x128xi32, #tpu.memory_space<vmem>>, vector<16xi32>,
      %get3A_119 = arith.index_cast %sub3A_74 : i32 to index
      %get3A_120 = arith.constant 48 : index
      %get3A_121 = tpu.vector_load %arg9[%get3A_119, %get3A_120] {strides = array<i32>} : memref<48x128xi32, #tpu.memory_space<vmem>>, vector<16xi32>,
      %gather3A_122 = tpu.vector_load_idx %arg11[%get3A_118] : memref<10000xf32, #tpu.memory_space<vmem>>[vector<16xi32>], vector<16xf32>,
      %gather3A_123 = tpu.vector_load_idx %arg12[%get3A_121] : memref<10000xf32, #tpu.memory_space<vmem>>[vector<16xi32>], vector<16xf32>,
      %gather3A_124 = tpu.vector_load_idx %arg13[%get3A_118] : memref<10240xf32, #tpu.memory_space<vmem>>[vector<16xi32>], vector<16xf32>,
      %add3A_125 = arith.addf %gather3A_122, %gather3A_123 : vector<16xf32>
      %mul3A_126 = arith.mulf %add3A_125, %gather3A_124 : vector<16xf32>
      %swap3A_127 = arith.index_cast %sub3A_74 : i32 to index
      %swap3A_128 = arith.constant 48 : index
      %swap3A_129 = tpu.vector_load %arg10[%swap3A_127, %swap3A_128] {strides = array<i32>} : memref<48x128xf32, #tpu.memory_space<vmem>>, vector<16xf32>,
      tpu.vector_store %arg10[%swap3A_127, %swap3A_128], %mul3A_126 {strides = array<i32>} : memref<48x128xf32, #tpu.memory_space<vmem>>, vector<16xf32>,
      %get3A_130 = arith.index_cast %sub3A_74 : i32 to index
      %get3A_131 = arith.constant 64 : index
      %get3A_132 = tpu.vector_load %arg8[%get3A_130, %get3A_131] {strides = array<i32>} : memref<48x128xi32, #tpu.memory_space<vmem>>, vector<16xi32>,
      %get3A_133 = arith.index_cast %sub3A_74 : i32 to index
      %get3A_134 = arith.constant 64 : index
      %get3A_135 = tpu.vector_load %arg9[%get3A_133, %get3A_134] {strides = array<i32>} : memref<48x128xi32, #tpu.memory_space<vmem>>, vector<16xi32>,
      %gather3A_136 = tpu.vector_load_idx %arg11[%get3A_132] : memref<10000xf32, #tpu.memory_space<vmem>>[vector<16xi32>], vector<16xf32>,
      %gather3A_137 = tpu.vector_load_idx %arg12[%get3A_135] : memref<10000xf32, #tpu.memory_space<vmem>>[vector<16xi32>], vector<16xf32>,
      %gather3A_138 = tpu.vector_load_idx %arg13[%get3A_132] : memref<10240xf32, #tpu.memory_space<vmem>>[vector<16xi32>], vector<16xf32>,
      %add3A_139 = arith.addf %gather3A_136, %gather3A_137 : vector<16xf32>
      %mul3A_140 = arith.mulf %add3A_139, %gather3A_138 : vector<16xf32>
      %swap3A_141 = arith.index_cast %sub3A_74 : i32 to index
      %swap3A_142 = arith.constant 64 : index
      %swap3A_143 = tpu.vector_load %arg10[%swap3A_141, %swap3A_142] {strides = array<i32>} : memref<48x128xf32, #tpu.memory_space<vmem>>, vector<16xf32>,
      tpu.vector_store %arg10[%swap3A_141, %swap3A_142], %mul3A_140 {strides = array<i32>} : memref<48x128xf32, #tpu.memory_space<vmem>>, vector<16xf32>,
      %get3A_144 = arith.index_cast %sub3A_74 : i32 to index
      %get3A_145 = arith.constant 80 : index
      %get3A_146 = tpu.vector_load %arg8[%get3A_144, %get3A_145] {strides = array<i32>} : memref<48x128xi32, #tpu.memory_space<vmem>>, vector<16xi32>,
      %get3A_147 = arith.index_cast %sub3A_74 : i32 to index
      %get3A_148 = arith.constant 80 : index
      %get3A_149 = tpu.vector_load %arg9[%get3A_147, %get3A_148] {strides = array<i32>} : memref<48x128xi32, #tpu.memory_space<vmem>>, vector<16xi32>,
      %gather3A_150 = tpu.vector_load_idx %arg11[%get3A_146] : memref<10000xf32, #tpu.memory_space<vmem>>[vector<16xi32>], vector<16xf32>,
      %gather3A_151 = tpu.vector_load_idx %arg12[%get3A_149] : memref<10000xf32, #tpu.memory_space<vmem>>[vector<16xi32>], vector<16xf32>,
      %gather3A_152 = tpu.vector_load_idx %arg13[%get3A_146] : memref<10240xf32, #tpu.memory_space<vmem>>[vector<16xi32>], vector<16xf32>,
      %add3A_153 = arith.addf %gather3A_150, %gather3A_151 : vector<16xf32>
      %mul3A_154 = arith.mulf %add3A_153, %gather3A_152 : vector<16xf32>
      %swap3A_155 = arith.index_cast %sub3A_74 : i32 to index
      %swap3A_156 = arith.constant 80 : index
      %swap3A_157 = tpu.vector_load %arg10[%swap3A_155, %swap3A_156] {strides = array<i32>} : memref<48x128xf32, #tpu.memory_space<vmem>>, vector<16xf32>,
      tpu.vector_store %arg10[%swap3A_155, %swap3A_156], %mul3A_154 {strides = array<i32>} : memref<48x128xf32, #tpu.memory_space<vmem>>, vector<16xf32>,
      %get3A_158 = arith.index_cast %sub3A_74 : i32 to index
      %get3A_159 = arith.constant 96 : index
      %get3A_160 = tpu.vector_load %arg8[%get3A_158, %get3A_159] {strides = array<i32>} : memref<48x128xi32, #tpu.memory_space<vmem>>, vector<16xi32>,
      %get3A_161 = arith.index_cast %sub3A_74 : i32 to index
      %get3A_162 = arith.constant 96 : index
      %get3A_163 = tpu.vector_load %arg9[%get3A_161, %get3A_162] {strides = array<i32>} : memref<48x128xi32, #tpu.memory_space<vmem>>, vector<16xi32>,
      %gather3A_164 = tpu.vector_load_idx %arg11[%get3A_160] : memref<10000xf32, #tpu.memory_space<vmem>>[vector<16xi32>], vector<16xf32>,
      %gather3A_165 = tpu.vector_load_idx %arg12[%get3A_163] : memref<10000xf32, #tpu.memory_space<vmem>>[vector<16xi32>], vector<16xf32>,
      %gather3A_166 = tpu.vector_load_idx %arg13[%get3A_160] : memref<10240xf32, #tpu.memory_space<vmem>>[vector<16xi32>], vector<16xf32>,
      %add3A_167 = arith.addf %gather3A_164, %gather3A_165 : vector<16xf32>
      %mul3A_168 = arith.mulf %add3A_167, %gather3A_166 : vector<16xf32>
      %swap3A_169 = arith.index_cast %sub3A_74 : i32 to index
      %swap3A_170 = arith.constant 96 : index
      %swap3A_171 = tpu.vector_load %arg10[%swap3A_169, %swap3A_170] {strides = array<i32>} : memref<48x128xf32, #tpu.memory_space<vmem>>, vector<16xf32>,
      tpu.vector_store %arg10[%swap3A_169, %swap3A_170], %mul3A_168 {strides = array<i32>} : memref<48x128xf32, #tpu.memory_space<vmem>>, vector<16xf32>,
      %get3A_172 = arith.index_cast %sub3A_74 : i32 to index
      %get3A_173 = arith.constant 112 : index
      %get3A_174 = tpu.vector_load %arg8[%get3A_172, %get3A_173] {strides = array<i32>} : memref<48x128xi32, #tpu.memory_space<vmem>>, vector<16xi32>,
      %get3A_175 = arith.index_cast %sub3A_74 : i32 to index
      %get3A_176 = arith.constant 112 : index
      %get3A_177 = tpu.vector_load %arg9[%get3A_175, %get3A_176] {strides = array<i32>} : memref<48x128xi32, #tpu.memory_space<vmem>>, vector<16xi32>,
      %gather3A_178 = tpu.vector_load_idx %arg11[%get3A_174] : memref<10000xf32, #tpu.memory_space<vmem>>[vector<16xi32>], vector<16xf32>,
      %gather3A_179 = tpu.vector_load_idx %arg12[%get3A_177] : memref<10000xf32, #tpu.memory_space<vmem>>[vector<16xi32>], vector<16xf32>,
      %gather3A_180 = tpu.vector_load_idx %arg13[%get3A_174] : memref<10240xf32, #tpu.memory_space<vmem>>[vector<16xi32>], vector<16xf32>,
      %add3A_181 = arith.addf %gather3A_178, %gather3A_179 : vector<16xf32>
      %mul3A_182 = arith.mulf %add3A_181, %gather3A_180 : vector<16xf32>
      %swap3A_183 = arith.index_cast %sub3A_74 : i32 to index
      %swap3A_184 = arith.constant 112 : index
      %swap3A_185 = tpu.vector_load %arg10[%swap3A_183, %swap3A_184] {strides = array<i32>} : memref<48x128xf32, #tpu.memory_space<vmem>>, vector<16xf32>,
      tpu.vector_store %arg10[%swap3A_183, %swap3A_184], %mul3A_182 {strides = array<i32>} : memref<48x128xf32, #tpu.memory_space<vmem>>, vector<16xf32>,
      %dma_start3A = arith.constant 0 : i32
      %dma_start3A_186 = tpu.memref_slice %arg10[%sub3A_74, %dma_start3A] : memref<48x128xf32, #tpu.memory_space<vmem>> -> memref<1x128xf32, #tpu.memory_space<vmem>>
      %dma_start3A_187 = tpu.memref_squeeze %dma_start3A_186 : memref<1x128xf32, #tpu.memory_space<vmem>> -> memref<128xf32, #tpu.memory_space<vmem>>
      %dma_start3A_188 = arith.constant 0 : i32
      %dma_start3A_189 = tpu.memref_slice %arg9[%sub3A_74, %dma_start3A_188] : memref<48x128xi32, #tpu.memory_space<vmem>> -> memref<1x128xi32, #tpu.memory_space<vmem>>
      %dma_start3A_190 = tpu.memref_squeeze %dma_start3A_189 : memref<1x128xi32, #tpu.memory_space<vmem>> -> memref<128xi32, #tpu.memory_space<vmem>>
      %dma_start3A_191 = arith.constant 0 : i32
      %dma_start3A_192 = tpu.memref_slice %arg15[%dma_start3A_191] : memref<10240xf32, #tpu.memory_space<vmem_shared>> -> memref<10240xf32, #tpu.memory_space<vmem_shared>>
      tpu.enqueue_indirect_dma source(%dma_start3A_187 : memref<128xf32, #tpu.memory_space<vmem>>) target(%dma_start3A_192 : memref<10240xf32, #tpu.memory_space<vmem_shared>>) offsets(%dma_start3A_190 : memref<128xi32, #tpu.memory_space<vmem>>) semaphore(%arg14 : memref<!tpu.dma_semaphore, #tpu.memory_space<semaphore_mem>>) {add = true}
      %dma_wait3A = arith.constant 0 : i32
      %dma_wait3A_193 = tpu.memref_slice %arg10[%sub3A_74, %dma_wait3A] : memref<48x128xf32, #tpu.memory_space<vmem>> -> memref<1x128xf32, #tpu.memory_space<vmem>>
      %dma_wait3A_194 = tpu.memref_squeeze %dma_wait3A_193 : memref<1x128xf32, #tpu.memory_space<vmem>> -> memref<128xf32, #tpu.memory_space<vmem>>
      %dma_wait3A_195 = arith.constant 0 : i32
      %dma_wait3A_196 = tpu.memref_slice %arg9[%sub3A_74, %dma_wait3A_195] : memref<48x128xi32, #tpu.memory_space<vmem>> -> memref<1x128xi32, #tpu.memory_space<vmem>>
      %dma_wait3A_197 = tpu.memref_squeeze %dma_wait3A_196 : memref<1x128xi32, #tpu.memory_space<vmem>> -> memref<128xi32, #tpu.memory_space<vmem>>
      %dma_wait3A_198 = arith.constant 0 : i32
      %dma_wait3A_199 = tpu.memref_slice %arg15[%dma_wait3A_198] : memref<10240xf32, #tpu.memory_space<vmem_shared>> -> memref<10240xf32, #tpu.memory_space<vmem_shared>>
      tpu.wait_indirect_dma semaphore(%arg14 : memref<!tpu.dma_semaphore, #tpu.memory_space<semaphore_mem>>) src(%dma_wait3A_194 : memref<128xf32, #tpu.memory_space<vmem>>) dst(%dma_wait3A_199 : memref<10240xf32, #tpu.memory_space<vmem_shared>>)
    } else {
    }
    %barrier3A_42 = arith.constant 0 : index
    tpu.barrier barrier_id(%barrier3A_42)
    "tpu.region"() ({
      %run_scoped3A_43 = tpu.sem_alloc : memref<!tpu.dma_semaphore, #tpu.memory_space<semaphore_mem>>
      %dma_start3A = tpu.memref_slice %arg7[%arg0, %multiple_of3A] : memref<2x10240xf32, #tpu.memory_space<hbm>> -> memref<1x640xf32, #tpu.memory_space<hbm>>
      %dma_start3A_44 = tpu.memref_squeeze %dma_start3A : memref<1x640xf32, #tpu.memory_space<hbm>> -> memref<640xf32, #tpu.memory_space<hbm>>
      %dma_start3A_45 = tpu.memref_slice %arg15[%multiple_of3A] : memref<10240xf32, #tpu.memory_space<vmem_shared>> -> memref<640xf32, #tpu.memory_space<vmem_shared>>
      tpu.enqueue_dma source(%dma_start3A_45 : memref<640xf32, #tpu.memory_space<vmem_shared>>) target(%dma_start3A_44 : memref<640xf32, #tpu.memory_space<hbm>>) target_semaphore(%run_scoped3A_43 : memref<!tpu.dma_semaphore, #tpu.memory_space<semaphore_mem>>)
      %dma_wait3A = tpu.memref_slice %arg7[%arg0, %multiple_of3A] : memref<2x10240xf32, #tpu.memory_space<hbm>> -> memref<1x640xf32, #tpu.memory_space<hbm>>
      %dma_wait3A_46 = tpu.memref_squeeze %dma_wait3A : memref<1x640xf32, #tpu.memory_space<hbm>> -> memref<640xf32, #tpu.memory_space<hbm>>
      %dma_wait3A_47 = tpu.memref_slice %arg15[%multiple_of3A] : memref<10240xf32, #tpu.memory_space<vmem_shared>> -> memref<640xf32, #tpu.memory_space<vmem_shared>>
      tpu.wait_dma2 semaphore(%run_scoped3A_43 : memref<!tpu.dma_semaphore, #tpu.memory_space<semaphore_mem>>) src(%dma_wait3A_47 : memref<640xf32, #tpu.memory_space<vmem_shared>>) dst(%dma_wait3A_46 : memref<640xf32, #tpu.memory_space<hbm>>)
      tpu.yield
    }) : () -> ()
    return
  }
}

#map = affine_map<(d0, d1) -> (0)>
#map1 = affine_map<(d0, d1) -> (0, 0)>
#map2 = affine_map<(d0, d1) -> (0, 0, 0)>
module attributes {stable_mosaic.version = 14 : i64} {
  func.func @k(%arg0: i32, %arg1: i32, %arg2: memref<10000xf32, #tpu.memory_space<hbm>>, %arg3: memref<10000xf32, #tpu.memory_space<hbm>>, %arg4: memref<10240xf32, #tpu.memory_space<hbm>>, %arg5: memref<2x10240xf32, #tpu.memory_space<hbm>>, %arg6: memref<2x1280x128xi32, #tpu.memory_space<hbm>>, %arg7: memref<16xf32, #tpu.memory_space<hbm>>, %arg8: memref<160000xf32, #tpu.memory_space<hbm>>, %arg9: memref<48x128xi32, #tpu.memory_space<vmem>>, %arg10: memref<48x128xi32, #tpu.memory_space<vmem>>, %arg11: memref<4992xf32, #tpu.memory_space<vmem>>, %arg12: memref<128xf32, #tpu.memory_space<vmem>>, %arg13: memref<10000xf32, #tpu.memory_space<vmem>>, %arg14: memref<10000xf32, #tpu.memory_space<vmem>>, %arg15: memref<10240xf32, #tpu.memory_space<vmem>>, %arg16: memref<10240xf32, #tpu.memory_space<vmem>>, %arg17: memref<10240xf32, #tpu.memory_space<vmem>>, %arg18: memref<16xf32, #tpu.memory_space<vmem>>) attributes {dimension_semantics = [#tpu.dimension_semantics<core_parallel>, #tpu.dimension_semantics<subcore_parallel>], iteration_bounds = array<i64: 2, 16>, scalar_prefetch = 0 : i64, scratch_operands = 10 : i64, tpu.core_type = #tpu.core_type<sc_vector_subcore>, window_params = [{transform_indices = #map}, {transform_indices = #map}, {transform_indices = #map}, {transform_indices = #map1}, {transform_indices = #map2}, {transform_indices = #map}, {transform_indices = #map}]} {
    %mul3A = arith.constant 2 : i32
    %mul3A_0 = arith.muli %arg1, %mul3A : i32
    %add3A = arith.addi %mul3A_0, %arg0 : i32
    "tpu.region"() ({
      %run_scoped3A_40 = tpu.sem_alloc : memref<!tpu.dma_semaphore, #tpu.memory_space<semaphore_mem>>
      tpu.enqueue_dma source(%arg2 : memref<10000xf32, #tpu.memory_space<hbm>>) target(%arg13 : memref<10000xf32, #tpu.memory_space<vmem>>) target_semaphore(%run_scoped3A_40 : memref<!tpu.dma_semaphore, #tpu.memory_space<semaphore_mem>>)
      tpu.wait_dma2 semaphore(%run_scoped3A_40 : memref<!tpu.dma_semaphore, #tpu.memory_space<semaphore_mem>>) src(%arg2 : memref<10000xf32, #tpu.memory_space<hbm>>) dst(%arg13 : memref<10000xf32, #tpu.memory_space<vmem>>)
      tpu.yield
    }) : () -> ()
    "tpu.region"() ({
      %run_scoped3A_40 = tpu.sem_alloc : memref<!tpu.dma_semaphore, #tpu.memory_space<semaphore_mem>>
      tpu.enqueue_dma source(%arg3 : memref<10000xf32, #tpu.memory_space<hbm>>) target(%arg14 : memref<10000xf32, #tpu.memory_space<vmem>>) target_semaphore(%run_scoped3A_40 : memref<!tpu.dma_semaphore, #tpu.memory_space<semaphore_mem>>)
      tpu.wait_dma2 semaphore(%run_scoped3A_40 : memref<!tpu.dma_semaphore, #tpu.memory_space<semaphore_mem>>) src(%arg3 : memref<10000xf32, #tpu.memory_space<hbm>>) dst(%arg14 : memref<10000xf32, #tpu.memory_space<vmem>>)
      tpu.yield
    }) : () -> ()
    "tpu.region"() ({
      %run_scoped3A_40 = tpu.sem_alloc : memref<!tpu.dma_semaphore, #tpu.memory_space<semaphore_mem>>
      tpu.enqueue_dma source(%arg4 : memref<10240xf32, #tpu.memory_space<hbm>>) target(%arg15 : memref<10240xf32, #tpu.memory_space<vmem>>) target_semaphore(%run_scoped3A_40 : memref<!tpu.dma_semaphore, #tpu.memory_space<semaphore_mem>>)
      tpu.wait_dma2 semaphore(%run_scoped3A_40 : memref<!tpu.dma_semaphore, #tpu.memory_space<semaphore_mem>>) src(%arg4 : memref<10240xf32, #tpu.memory_space<hbm>>) dst(%arg15 : memref<10240xf32, #tpu.memory_space<vmem>>)
      tpu.yield
    }) : () -> ()
    %run_scoped3A = arith.constant 0 : i32
    "tpu.region"() ({
      %run_scoped3A_40 = tpu.sem_alloc : memref<!tpu.dma_semaphore, #tpu.memory_space<semaphore_mem>>
      %dma_start3A = arith.constant 0 : i32
      %dma_start3A_41 = tpu.memref_slice %arg5[%run_scoped3A, %dma_start3A] : memref<2x10240xf32, #tpu.memory_space<hbm>> -> memref<1x10240xf32, #tpu.memory_space<hbm>>
      %dma_start3A_42 = tpu.memref_squeeze %dma_start3A_41 : memref<1x10240xf32, #tpu.memory_space<hbm>> -> memref<10240xf32, #tpu.memory_space<hbm>>
      %dma_start3A_43 = arith.constant 0 : i32
      %dma_start3A_44 = tpu.memref_slice %arg5[%run_scoped3A, %dma_start3A_43] : memref<2x10240xf32, #tpu.memory_space<hbm>> -> memref<1x10240xf32, #tpu.memory_space<hbm>>
      %dma_start3A_45 = tpu.memref_squeeze %dma_start3A_44 : memref<1x10240xf32, #tpu.memory_space<hbm>> -> memref<10240xf32, #tpu.memory_space<hbm>>
      tpu.enqueue_dma source(%dma_start3A_45 : memref<10240xf32, #tpu.memory_space<hbm>>) target(%arg16 : memref<10240xf32, #tpu.memory_space<vmem>>) target_semaphore(%run_scoped3A_40 : memref<!tpu.dma_semaphore, #tpu.memory_space<semaphore_mem>>)
      %dma_wait3A = arith.constant 0 : i32
      %dma_wait3A_46 = tpu.memref_slice %arg5[%run_scoped3A, %dma_wait3A] : memref<2x10240xf32, #tpu.memory_space<hbm>> -> memref<1x10240xf32, #tpu.memory_space<hbm>>
      %dma_wait3A_47 = tpu.memref_squeeze %dma_wait3A_46 : memref<1x10240xf32, #tpu.memory_space<hbm>> -> memref<10240xf32, #tpu.memory_space<hbm>>
      %dma_wait3A_48 = arith.constant 0 : i32
      %dma_wait3A_49 = tpu.memref_slice %arg5[%run_scoped3A, %dma_wait3A_48] : memref<2x10240xf32, #tpu.memory_space<hbm>> -> memref<1x10240xf32, #tpu.memory_space<hbm>>
      %dma_wait3A_50 = tpu.memref_squeeze %dma_wait3A_49 : memref<1x10240xf32, #tpu.memory_space<hbm>> -> memref<10240xf32, #tpu.memory_space<hbm>>
      tpu.wait_dma2 semaphore(%run_scoped3A_40 : memref<!tpu.dma_semaphore, #tpu.memory_space<semaphore_mem>>) src(%dma_wait3A_50 : memref<10240xf32, #tpu.memory_space<hbm>>) dst(%arg16 : memref<10240xf32, #tpu.memory_space<vmem>>)
      tpu.yield
    }) : () -> ()
    %run_scoped3A_1 = arith.constant 1 : i32
    "tpu.region"() ({
      %run_scoped3A_40 = tpu.sem_alloc : memref<!tpu.dma_semaphore, #tpu.memory_space<semaphore_mem>>
      %dma_start3A = arith.constant 0 : i32
      %dma_start3A_41 = tpu.memref_slice %arg5[%run_scoped3A_1, %dma_start3A] : memref<2x10240xf32, #tpu.memory_space<hbm>> -> memref<1x10240xf32, #tpu.memory_space<hbm>>
      %dma_start3A_42 = tpu.memref_squeeze %dma_start3A_41 : memref<1x10240xf32, #tpu.memory_space<hbm>> -> memref<10240xf32, #tpu.memory_space<hbm>>
      %dma_start3A_43 = arith.constant 0 : i32
      %dma_start3A_44 = tpu.memref_slice %arg5[%run_scoped3A_1, %dma_start3A_43] : memref<2x10240xf32, #tpu.memory_space<hbm>> -> memref<1x10240xf32, #tpu.memory_space<hbm>>
      %dma_start3A_45 = tpu.memref_squeeze %dma_start3A_44 : memref<1x10240xf32, #tpu.memory_space<hbm>> -> memref<10240xf32, #tpu.memory_space<hbm>>
      tpu.enqueue_dma source(%dma_start3A_45 : memref<10240xf32, #tpu.memory_space<hbm>>) target(%arg17 : memref<10240xf32, #tpu.memory_space<vmem>>) target_semaphore(%run_scoped3A_40 : memref<!tpu.dma_semaphore, #tpu.memory_space<semaphore_mem>>)
      %dma_wait3A = arith.constant 0 : i32
      %dma_wait3A_46 = tpu.memref_slice %arg5[%run_scoped3A_1, %dma_wait3A] : memref<2x10240xf32, #tpu.memory_space<hbm>> -> memref<1x10240xf32, #tpu.memory_space<hbm>>
      %dma_wait3A_47 = tpu.memref_squeeze %dma_wait3A_46 : memref<1x10240xf32, #tpu.memory_space<hbm>> -> memref<10240xf32, #tpu.memory_space<hbm>>
      %dma_wait3A_48 = arith.constant 0 : i32
      %dma_wait3A_49 = tpu.memref_slice %arg5[%run_scoped3A_1, %dma_wait3A_48] : memref<2x10240xf32, #tpu.memory_space<hbm>> -> memref<1x10240xf32, #tpu.memory_space<hbm>>
      %dma_wait3A_50 = tpu.memref_squeeze %dma_wait3A_49 : memref<1x10240xf32, #tpu.memory_space<hbm>> -> memref<10240xf32, #tpu.memory_space<hbm>>
      tpu.wait_dma2 semaphore(%run_scoped3A_40 : memref<!tpu.dma_semaphore, #tpu.memory_space<semaphore_mem>>) src(%dma_wait3A_50 : memref<10240xf32, #tpu.memory_space<hbm>>) dst(%arg17 : memref<10240xf32, #tpu.memory_space<vmem>>)
      tpu.yield
    }) : () -> ()
    "tpu.region"() ({
      %run_scoped3A_40 = tpu.sem_alloc : memref<!tpu.dma_semaphore, #tpu.memory_space<semaphore_mem>>
      tpu.enqueue_dma source(%arg7 : memref<16xf32, #tpu.memory_space<hbm>>) target(%arg18 : memref<16xf32, #tpu.memory_space<vmem>>) target_semaphore(%run_scoped3A_40 : memref<!tpu.dma_semaphore, #tpu.memory_space<semaphore_mem>>)
      tpu.wait_dma2 semaphore(%run_scoped3A_40 : memref<!tpu.dma_semaphore, #tpu.memory_space<semaphore_mem>>) src(%arg7 : memref<16xf32, #tpu.memory_space<hbm>>) dst(%arg18 : memref<16xf32, #tpu.memory_space<vmem>>)
      tpu.yield
    }) : () -> ()
    %get3A = arith.constant 0 : index
    %get3A_2 = tpu.vector_load %arg18[%get3A] {strides = array<i32>} : memref<16xf32, #tpu.memory_space<vmem>>, vector<16xf32>,
    %mul3A_3 = arith.constant 39 : i32
    %mul3A_4 = arith.muli %add3A, %mul3A_3 : i32
    %jit3A = arith.constant 8 : i32
    %div3A = arith.divsi %mul3A_4, %jit3A : i32
    %sign3A = arith.constant 0 : i32
    %sign3A_5 = arith.cmpi sgt, %mul3A_4, %sign3A : i32
    %sign3A_6 = arith.extui %sign3A_5 : i1 to i32
    %sign3A_7 = arith.constant 0 : i32
    %sign3A_8 = arith.cmpi slt, %mul3A_4, %sign3A_7 : i32
    %sign3A_9 = arith.extui %sign3A_8 : i1 to i32
    %sign3A_10 = arith.subi %sign3A_6, %sign3A_9 : i32
    %sign3A_11 = arith.constant 0 : i32
    %sign3A_12 = arith.cmpi sgt, %jit3A, %sign3A_11 : i32
    %sign3A_13 = arith.extui %sign3A_12 : i1 to i32
    %sign3A_14 = arith.constant 0 : i32
    %sign3A_15 = arith.cmpi slt, %jit3A, %sign3A_14 : i32
    %sign3A_16 = arith.extui %sign3A_15 : i1 to i32
    %sign3A_17 = arith.subi %sign3A_13, %sign3A_16 : i32
    %ne3A = arith.cmpi ne, %sign3A_10, %sign3A_17 : i32
    %rem3A = arith.remsi %mul3A_4, %jit3A : i32
    %ne3A_18 = arith.constant 0 : i32
    %ne3A_19 = arith.cmpi ne, %rem3A, %ne3A_18 : i32
    %and3A = arith.andi %ne3A, %ne3A_19 : i1
    %sub3A = arith.constant 1 : i32
    %sub3A_20 = arith.subi %div3A, %sub3A : i32
    %select_n3A = arith.select %and3A, %sub3A_20, %div3A : i32
    %mul3A_21 = arith.constant 8 : i32
    %mul3A_22 = arith.muli %select_n3A, %mul3A_21 : i32
    %multiple_of3A = tpu.assume_multiple %mul3A_22, 8 : i32
    %sub3A_23 = arith.subi %mul3A_4, %multiple_of3A : i32
    %run_scoped3A_24 = arith.constant 0 : i32
    "tpu.region"() ({
      %run_scoped3A_40 = tpu.sem_alloc : memref<!tpu.dma_semaphore, #tpu.memory_space<semaphore_mem>>
      %dma_start3A = arith.constant 0 : i32
      %dma_start3A_41 = tpu.memref_slice %arg6[%run_scoped3A_24, %multiple_of3A, %dma_start3A] : memref<2x1280x128xi32, #tpu.memory_space<hbm>> -> memref<1x48x128xi32, #tpu.memory_space<hbm>>
      %dma_start3A_42 = tpu.memref_squeeze %dma_start3A_41 : memref<1x48x128xi32, #tpu.memory_space<hbm>> -> memref<48x128xi32, #tpu.memory_space<hbm>>
      %dma_start3A_43 = arith.constant 0 : i32
      %dma_start3A_44 = tpu.memref_slice %arg6[%run_scoped3A_24, %multiple_of3A, %dma_start3A_43] : memref<2x1280x128xi32, #tpu.memory_space<hbm>> -> memref<1x48x128xi32, #tpu.memory_space<hbm>>
      %dma_start3A_45 = tpu.memref_squeeze %dma_start3A_44 : memref<1x48x128xi32, #tpu.memory_space<hbm>> -> memref<48x128xi32, #tpu.memory_space<hbm>>
      tpu.enqueue_dma source(%dma_start3A_45 : memref<48x128xi32, #tpu.memory_space<hbm>>) target(%arg9 : memref<48x128xi32, #tpu.memory_space<vmem>>) target_semaphore(%run_scoped3A_40 : memref<!tpu.dma_semaphore, #tpu.memory_space<semaphore_mem>>)
      %dma_wait3A = arith.constant 0 : i32
      %dma_wait3A_46 = tpu.memref_slice %arg6[%run_scoped3A_24, %multiple_of3A, %dma_wait3A] : memref<2x1280x128xi32, #tpu.memory_space<hbm>> -> memref<1x48x128xi32, #tpu.memory_space<hbm>>
      %dma_wait3A_47 = tpu.memref_squeeze %dma_wait3A_46 : memref<1x48x128xi32, #tpu.memory_space<hbm>> -> memref<48x128xi32, #tpu.memory_space<hbm>>
      %dma_wait3A_48 = arith.constant 0 : i32
      %dma_wait3A_49 = tpu.memref_slice %arg6[%run_scoped3A_24, %multiple_of3A, %dma_wait3A_48] : memref<2x1280x128xi32, #tpu.memory_space<hbm>> -> memref<1x48x128xi32, #tpu.memory_space<hbm>>
      %dma_wait3A_50 = tpu.memref_squeeze %dma_wait3A_49 : memref<1x48x128xi32, #tpu.memory_space<hbm>> -> memref<48x128xi32, #tpu.memory_space<hbm>>
      tpu.wait_dma2 semaphore(%run_scoped3A_40 : memref<!tpu.dma_semaphore, #tpu.memory_space<semaphore_mem>>) src(%dma_wait3A_50 : memref<48x128xi32, #tpu.memory_space<hbm>>) dst(%arg9 : memref<48x128xi32, #tpu.memory_space<vmem>>)
      tpu.yield
    }) : () -> ()
    %run_scoped3A_25 = arith.constant 1 : i32
    "tpu.region"() ({
      %run_scoped3A_40 = tpu.sem_alloc : memref<!tpu.dma_semaphore, #tpu.memory_space<semaphore_mem>>
      %dma_start3A = arith.constant 0 : i32
      %dma_start3A_41 = tpu.memref_slice %arg6[%run_scoped3A_25, %multiple_of3A, %dma_start3A] : memref<2x1280x128xi32, #tpu.memory_space<hbm>> -> memref<1x48x128xi32, #tpu.memory_space<hbm>>
      %dma_start3A_42 = tpu.memref_squeeze %dma_start3A_41 : memref<1x48x128xi32, #tpu.memory_space<hbm>> -> memref<48x128xi32, #tpu.memory_space<hbm>>
      %dma_start3A_43 = arith.constant 0 : i32
      %dma_start3A_44 = tpu.memref_slice %arg6[%run_scoped3A_25, %multiple_of3A, %dma_start3A_43] : memref<2x1280x128xi32, #tpu.memory_space<hbm>> -> memref<1x48x128xi32, #tpu.memory_space<hbm>>
      %dma_start3A_45 = tpu.memref_squeeze %dma_start3A_44 : memref<1x48x128xi32, #tpu.memory_space<hbm>> -> memref<48x128xi32, #tpu.memory_space<hbm>>
      tpu.enqueue_dma source(%dma_start3A_45 : memref<48x128xi32, #tpu.memory_space<hbm>>) target(%arg10 : memref<48x128xi32, #tpu.memory_space<vmem>>) target_semaphore(%run_scoped3A_40 : memref<!tpu.dma_semaphore, #tpu.memory_space<semaphore_mem>>)
      %dma_wait3A = arith.constant 0 : i32
      %dma_wait3A_46 = tpu.memref_slice %arg6[%run_scoped3A_25, %multiple_of3A, %dma_wait3A] : memref<2x1280x128xi32, #tpu.memory_space<hbm>> -> memref<1x48x128xi32, #tpu.memory_space<hbm>>
      %dma_wait3A_47 = tpu.memref_squeeze %dma_wait3A_46 : memref<1x48x128xi32, #tpu.memory_space<hbm>> -> memref<48x128xi32, #tpu.memory_space<hbm>>
      %dma_wait3A_48 = arith.constant 0 : i32
      %dma_wait3A_49 = tpu.memref_slice %arg6[%run_scoped3A_25, %multiple_of3A, %dma_wait3A_48] : memref<2x1280x128xi32, #tpu.memory_space<hbm>> -> memref<1x48x128xi32, #tpu.memory_space<hbm>>
      %dma_wait3A_50 = tpu.memref_squeeze %dma_wait3A_49 : memref<1x48x128xi32, #tpu.memory_space<hbm>> -> memref<48x128xi32, #tpu.memory_space<hbm>>
      tpu.wait_dma2 semaphore(%run_scoped3A_40 : memref<!tpu.dma_semaphore, #tpu.memory_space<semaphore_mem>>) src(%dma_wait3A_50 : memref<48x128xi32, #tpu.memory_space<hbm>>) dst(%arg10 : memref<48x128xi32, #tpu.memory_space<vmem>>)
      tpu.yield
    }) : () -> ()
    %scan3A = arith.constant 0 : i32
    %scan3A_26 = arith.constant 640 : i32
    %scan3A_27 = arith.addi %scan3A, %scan3A_26 : i32
    %scan3A_28 = arith.constant 1 : i32
    scf.for %scan3A_40 = %scan3A to %scan3A_27 step %scan3A_28  : i32 {
      %mul3A_41 = arith.constant 1 : i32
      %mul3A_42 = arith.muli %scan3A_40, %mul3A_41 : i32
      %add3A_43 = arith.constant 0 : i32
      %add3A_44 = arith.addi %add3A_43, %mul3A_42 : i32
      %mul3A_45 = arith.constant 16 : i32
      %mul3A_46 = arith.muli %add3A_44, %mul3A_45 : i32
      %multiple_of3A_47 = tpu.assume_multiple %mul3A_46, 16 : i32
      %get3A_48 = arith.index_cast %multiple_of3A_47 : i32 to index
      %get3A_49 = tpu.vector_load %arg16[%get3A_48] {strides = array<i32>} : memref<10240xf32, #tpu.memory_space<vmem>>, vector<16xf32>,
      %get3A_50 = arith.index_cast %multiple_of3A_47 : i32 to index
      %get3A_51 = tpu.vector_load %arg17[%get3A_50] {strides = array<i32>} : memref<10240xf32, #tpu.memory_space<vmem>>, vector<16xf32>,
      %add3A_52 = arith.addf %get3A_49, %get3A_51 : vector<16xf32>
      %swap3A = arith.index_cast %multiple_of3A_47 : i32 to index
      %swap3A_53 = tpu.vector_load %arg16[%swap3A] {strides = array<i32>} : memref<10240xf32, #tpu.memory_space<vmem>>, vector<16xf32>,
      tpu.vector_store %arg16[%swap3A], %add3A_52 {strides = array<i32>} : memref<10240xf32, #tpu.memory_space<vmem>>, vector<16xf32>,
    }
    %scan3A_29 = arith.constant 640 : i32
    %scan3A_30 = arith.constant 0 : i32
    %scan3A_31 = arith.constant 39 : i32
    %scan3A_32 = arith.addi %scan3A_30, %scan3A_31 : i32
    %scan3A_33 = arith.constant 1 : i32
    scf.for %scan3A_40 = %scan3A_30 to %scan3A_32 step %scan3A_33  : i32 {
      %mul3A_41 = arith.constant 1 : i32
      %mul3A_42 = arith.muli %scan3A_40, %mul3A_41 : i32
      %add3A_43 = arith.constant 0 : i32
      %add3A_44 = arith.addi %add3A_43, %mul3A_42 : i32
      %add3A_45 = arith.addi %sub3A_23, %add3A_44 : i32
      %mul3A_46 = arith.constant 128 : i32
      %mul3A_47 = arith.muli %add3A_44, %mul3A_46 : i32
      %get3A_48 = arith.index_cast %add3A_45 : i32 to index
      %get3A_49 = arith.constant 0 : index
      %get3A_50 = tpu.vector_load %arg9[%get3A_48, %get3A_49] {strides = array<i32>} : memref<48x128xi32, #tpu.memory_space<vmem>>, vector<16xi32>,
      %get3A_51 = arith.index_cast %add3A_45 : i32 to index
      %get3A_52 = arith.constant 0 : index
      %get3A_53 = tpu.vector_load %arg10[%get3A_51, %get3A_52] {strides = array<i32>} : memref<48x128xi32, #tpu.memory_space<vmem>>, vector<16xi32>,
      %gather3A = tpu.vector_load_idx %arg13[%get3A_50] : memref<10000xf32, #tpu.memory_space<vmem>>[vector<16xi32>], vector<16xf32>,
      %gather3A_54 = tpu.vector_load_idx %arg14[%get3A_53] : memref<10000xf32, #tpu.memory_space<vmem>>[vector<16xi32>], vector<16xf32>,
      %gather3A_55 = tpu.vector_load_idx %arg15[%get3A_50] : memref<10240xf32, #tpu.memory_space<vmem>>[vector<16xi32>], vector<16xf32>,
      %gather3A_56 = tpu.vector_load_idx %arg16[%get3A_50] : memref<10240xf32, #tpu.memory_space<vmem>>[vector<16xi32>], vector<16xf32>,
      %add3A_57 = arith.addf %gather3A, %gather3A_54 : vector<16xf32>
      %mul3A_58 = arith.mulf %gather3A_55, %gather3A_56 : vector<16xf32>
      %mul3A_59 = arith.mulf %gather3A_55, %gather3A_55 : vector<16xf32>
      %mul3A_60 = arith.mulf %mul3A_59, %add3A_57 : vector<16xf32>
      %add3A_61 = arith.addf %mul3A_58, %mul3A_60 : vector<16xf32>
      %add3A_62 = arith.addf %add3A_61, %get3A_2 : vector<16xf32>
      %neg3A = arith.constant 0.000000e+00 : f32
      %neg3A_63 = vector.broadcast %neg3A : f32 to vector<16xf32>
      %neg3A_64 = arith.subf %neg3A_63, %add3A_62 : vector<16xf32>
      %exp3A = math.exp %neg3A_64 : vector<16xf32>
      %add3A_65 = arith.constant 1.000000e+00 : f32
      %add3A_66 = vector.broadcast %add3A_65 : f32 to vector<16xf32>
      %add3A_67 = arith.addf %add3A_66, %exp3A : vector<16xf32>
      %div3A_68 = arith.constant 1.000000e+00 : f32
      %div3A_69 = vector.broadcast %div3A_68 : f32 to vector<16xf32>
      %div3A_70 = arith.divf %div3A_69, %add3A_67 : vector<16xf32>
      %add3A_71 = arith.constant 0 : i32
      %add3A_72 = arith.addi %mul3A_47, %add3A_71 : i32
      %swap3A = arith.index_cast %add3A_72 : i32 to index
      %swap3A_73 = tpu.vector_load %arg11[%swap3A] {strides = array<i32>} : memref<4992xf32, #tpu.memory_space<vmem>>, vector<16xf32>,
      tpu.vector_store %arg11[%swap3A], %div3A_70 {strides = array<i32>} : memref<4992xf32, #tpu.memory_space<vmem>>, vector<16xf32>,
      %get3A_74 = arith.index_cast %add3A_45 : i32 to index
      %get3A_75 = arith.constant 16 : index
      %get3A_76 = tpu.vector_load %arg9[%get3A_74, %get3A_75] {strides = array<i32>} : memref<48x128xi32, #tpu.memory_space<vmem>>, vector<16xi32>,
      %get3A_77 = arith.index_cast %add3A_45 : i32 to index
      %get3A_78 = arith.constant 16 : index
      %get3A_79 = tpu.vector_load %arg10[%get3A_77, %get3A_78] {strides = array<i32>} : memref<48x128xi32, #tpu.memory_space<vmem>>, vector<16xi32>,
      %gather3A_80 = tpu.vector_load_idx %arg13[%get3A_76] : memref<10000xf32, #tpu.memory_space<vmem>>[vector<16xi32>], vector<16xf32>,
      %gather3A_81 = tpu.vector_load_idx %arg14[%get3A_79] : memref<10000xf32, #tpu.memory_space<vmem>>[vector<16xi32>], vector<16xf32>,
      %gather3A_82 = tpu.vector_load_idx %arg15[%get3A_76] : memref<10240xf32, #tpu.memory_space<vmem>>[vector<16xi32>], vector<16xf32>,
      %gather3A_83 = tpu.vector_load_idx %arg16[%get3A_76] : memref<10240xf32, #tpu.memory_space<vmem>>[vector<16xi32>], vector<16xf32>,
      %add3A_84 = arith.addf %gather3A_80, %gather3A_81 : vector<16xf32>
      %mul3A_85 = arith.mulf %gather3A_82, %gather3A_83 : vector<16xf32>
      %mul3A_86 = arith.mulf %gather3A_82, %gather3A_82 : vector<16xf32>
      %mul3A_87 = arith.mulf %mul3A_86, %add3A_84 : vector<16xf32>
      %add3A_88 = arith.addf %mul3A_85, %mul3A_87 : vector<16xf32>
      %add3A_89 = arith.addf %add3A_88, %get3A_2 : vector<16xf32>
      %neg3A_90 = arith.constant 0.000000e+00 : f32
      %neg3A_91 = vector.broadcast %neg3A_90 : f32 to vector<16xf32>
      %neg3A_92 = arith.subf %neg3A_91, %add3A_89 : vector<16xf32>
      %exp3A_93 = math.exp %neg3A_92 : vector<16xf32>
      %add3A_94 = arith.constant 1.000000e+00 : f32
      %add3A_95 = vector.broadcast %add3A_94 : f32 to vector<16xf32>
      %add3A_96 = arith.addf %add3A_95, %exp3A_93 : vector<16xf32>
      %div3A_97 = arith.constant 1.000000e+00 : f32
      %div3A_98 = vector.broadcast %div3A_97 : f32 to vector<16xf32>
      %div3A_99 = arith.divf %div3A_98, %add3A_96 : vector<16xf32>
      %add3A_100 = arith.constant 16 : i32
      %add3A_101 = arith.addi %mul3A_47, %add3A_100 : i32
      %swap3A_102 = arith.index_cast %add3A_101 : i32 to index
      %swap3A_103 = tpu.vector_load %arg11[%swap3A_102] {strides = array<i32>} : memref<4992xf32, #tpu.memory_space<vmem>>, vector<16xf32>,
      tpu.vector_store %arg11[%swap3A_102], %div3A_99 {strides = array<i32>} : memref<4992xf32, #tpu.memory_space<vmem>>, vector<16xf32>,
      %get3A_104 = arith.index_cast %add3A_45 : i32 to index
      %get3A_105 = arith.constant 32 : index
      %get3A_106 = tpu.vector_load %arg9[%get3A_104, %get3A_105] {strides = array<i32>} : memref<48x128xi32, #tpu.memory_space<vmem>>, vector<16xi32>,
      %get3A_107 = arith.index_cast %add3A_45 : i32 to index
      %get3A_108 = arith.constant 32 : index
      %get3A_109 = tpu.vector_load %arg10[%get3A_107, %get3A_108] {strides = array<i32>} : memref<48x128xi32, #tpu.memory_space<vmem>>, vector<16xi32>,
      %gather3A_110 = tpu.vector_load_idx %arg13[%get3A_106] : memref<10000xf32, #tpu.memory_space<vmem>>[vector<16xi32>], vector<16xf32>,
      %gather3A_111 = tpu.vector_load_idx %arg14[%get3A_109] : memref<10000xf32, #tpu.memory_space<vmem>>[vector<16xi32>], vector<16xf32>,
      %gather3A_112 = tpu.vector_load_idx %arg15[%get3A_106] : memref<10240xf32, #tpu.memory_space<vmem>>[vector<16xi32>], vector<16xf32>,
      %gather3A_113 = tpu.vector_load_idx %arg16[%get3A_106] : memref<10240xf32, #tpu.memory_space<vmem>>[vector<16xi32>], vector<16xf32>,
      %add3A_114 = arith.addf %gather3A_110, %gather3A_111 : vector<16xf32>
      %mul3A_115 = arith.mulf %gather3A_112, %gather3A_113 : vector<16xf32>
      %mul3A_116 = arith.mulf %gather3A_112, %gather3A_112 : vector<16xf32>
      %mul3A_117 = arith.mulf %mul3A_116, %add3A_114 : vector<16xf32>
      %add3A_118 = arith.addf %mul3A_115, %mul3A_117 : vector<16xf32>
      %add3A_119 = arith.addf %add3A_118, %get3A_2 : vector<16xf32>
      %neg3A_120 = arith.constant 0.000000e+00 : f32
      %neg3A_121 = vector.broadcast %neg3A_120 : f32 to vector<16xf32>
      %neg3A_122 = arith.subf %neg3A_121, %add3A_119 : vector<16xf32>
      %exp3A_123 = math.exp %neg3A_122 : vector<16xf32>
      %add3A_124 = arith.constant 1.000000e+00 : f32
      %add3A_125 = vector.broadcast %add3A_124 : f32 to vector<16xf32>
      %add3A_126 = arith.addf %add3A_125, %exp3A_123 : vector<16xf32>
      %div3A_127 = arith.constant 1.000000e+00 : f32
      %div3A_128 = vector.broadcast %div3A_127 : f32 to vector<16xf32>
      %div3A_129 = arith.divf %div3A_128, %add3A_126 : vector<16xf32>
      %add3A_130 = arith.constant 32 : i32
      %add3A_131 = arith.addi %mul3A_47, %add3A_130 : i32
      %swap3A_132 = arith.index_cast %add3A_131 : i32 to index
      %swap3A_133 = tpu.vector_load %arg11[%swap3A_132] {strides = array<i32>} : memref<4992xf32, #tpu.memory_space<vmem>>, vector<16xf32>,
      tpu.vector_store %arg11[%swap3A_132], %div3A_129 {strides = array<i32>} : memref<4992xf32, #tpu.memory_space<vmem>>, vector<16xf32>,
      %get3A_134 = arith.index_cast %add3A_45 : i32 to index
      %get3A_135 = arith.constant 48 : index
      %get3A_136 = tpu.vector_load %arg9[%get3A_134, %get3A_135] {strides = array<i32>} : memref<48x128xi32, #tpu.memory_space<vmem>>, vector<16xi32>,
      %get3A_137 = arith.index_cast %add3A_45 : i32 to index
      %get3A_138 = arith.constant 48 : index
      %get3A_139 = tpu.vector_load %arg10[%get3A_137, %get3A_138] {strides = array<i32>} : memref<48x128xi32, #tpu.memory_space<vmem>>, vector<16xi32>,
      %gather3A_140 = tpu.vector_load_idx %arg13[%get3A_136] : memref<10000xf32, #tpu.memory_space<vmem>>[vector<16xi32>], vector<16xf32>,
      %gather3A_141 = tpu.vector_load_idx %arg14[%get3A_139] : memref<10000xf32, #tpu.memory_space<vmem>>[vector<16xi32>], vector<16xf32>,
      %gather3A_142 = tpu.vector_load_idx %arg15[%get3A_136] : memref<10240xf32, #tpu.memory_space<vmem>>[vector<16xi32>], vector<16xf32>,
      %gather3A_143 = tpu.vector_load_idx %arg16[%get3A_136] : memref<10240xf32, #tpu.memory_space<vmem>>[vector<16xi32>], vector<16xf32>,
      %add3A_144 = arith.addf %gather3A_140, %gather3A_141 : vector<16xf32>
      %mul3A_145 = arith.mulf %gather3A_142, %gather3A_143 : vector<16xf32>
      %mul3A_146 = arith.mulf %gather3A_142, %gather3A_142 : vector<16xf32>
      %mul3A_147 = arith.mulf %mul3A_146, %add3A_144 : vector<16xf32>
      %add3A_148 = arith.addf %mul3A_145, %mul3A_147 : vector<16xf32>
      %add3A_149 = arith.addf %add3A_148, %get3A_2 : vector<16xf32>
      %neg3A_150 = arith.constant 0.000000e+00 : f32
      %neg3A_151 = vector.broadcast %neg3A_150 : f32 to vector<16xf32>
      %neg3A_152 = arith.subf %neg3A_151, %add3A_149 : vector<16xf32>
      %exp3A_153 = math.exp %neg3A_152 : vector<16xf32>
      %add3A_154 = arith.constant 1.000000e+00 : f32
      %add3A_155 = vector.broadcast %add3A_154 : f32 to vector<16xf32>
      %add3A_156 = arith.addf %add3A_155, %exp3A_153 : vector<16xf32>
      %div3A_157 = arith.constant 1.000000e+00 : f32
      %div3A_158 = vector.broadcast %div3A_157 : f32 to vector<16xf32>
      %div3A_159 = arith.divf %div3A_158, %add3A_156 : vector<16xf32>
      %add3A_160 = arith.constant 48 : i32
      %add3A_161 = arith.addi %mul3A_47, %add3A_160 : i32
      %swap3A_162 = arith.index_cast %add3A_161 : i32 to index
      %swap3A_163 = tpu.vector_load %arg11[%swap3A_162] {strides = array<i32>} : memref<4992xf32, #tpu.memory_space<vmem>>, vector<16xf32>,
      tpu.vector_store %arg11[%swap3A_162], %div3A_159 {strides = array<i32>} : memref<4992xf32, #tpu.memory_space<vmem>>, vector<16xf32>,
      %get3A_164 = arith.index_cast %add3A_45 : i32 to index
      %get3A_165 = arith.constant 64 : index
      %get3A_166 = tpu.vector_load %arg9[%get3A_164, %get3A_165] {strides = array<i32>} : memref<48x128xi32, #tpu.memory_space<vmem>>, vector<16xi32>,
      %get3A_167 = arith.index_cast %add3A_45 : i32 to index
      %get3A_168 = arith.constant 64 : index
      %get3A_169 = tpu.vector_load %arg10[%get3A_167, %get3A_168] {strides = array<i32>} : memref<48x128xi32, #tpu.memory_space<vmem>>, vector<16xi32>,
      %gather3A_170 = tpu.vector_load_idx %arg13[%get3A_166] : memref<10000xf32, #tpu.memory_space<vmem>>[vector<16xi32>], vector<16xf32>,
      %gather3A_171 = tpu.vector_load_idx %arg14[%get3A_169] : memref<10000xf32, #tpu.memory_space<vmem>>[vector<16xi32>], vector<16xf32>,
      %gather3A_172 = tpu.vector_load_idx %arg15[%get3A_166] : memref<10240xf32, #tpu.memory_space<vmem>>[vector<16xi32>], vector<16xf32>,
      %gather3A_173 = tpu.vector_load_idx %arg16[%get3A_166] : memref<10240xf32, #tpu.memory_space<vmem>>[vector<16xi32>], vector<16xf32>,
      %add3A_174 = arith.addf %gather3A_170, %gather3A_171 : vector<16xf32>
      %mul3A_175 = arith.mulf %gather3A_172, %gather3A_173 : vector<16xf32>
      %mul3A_176 = arith.mulf %gather3A_172, %gather3A_172 : vector<16xf32>
      %mul3A_177 = arith.mulf %mul3A_176, %add3A_174 : vector<16xf32>
      %add3A_178 = arith.addf %mul3A_175, %mul3A_177 : vector<16xf32>
      %add3A_179 = arith.addf %add3A_178, %get3A_2 : vector<16xf32>
      %neg3A_180 = arith.constant 0.000000e+00 : f32
      %neg3A_181 = vector.broadcast %neg3A_180 : f32 to vector<16xf32>
      %neg3A_182 = arith.subf %neg3A_181, %add3A_179 : vector<16xf32>
      %exp3A_183 = math.exp %neg3A_182 : vector<16xf32>
      %add3A_184 = arith.constant 1.000000e+00 : f32
      %add3A_185 = vector.broadcast %add3A_184 : f32 to vector<16xf32>
      %add3A_186 = arith.addf %add3A_185, %exp3A_183 : vector<16xf32>
      %div3A_187 = arith.constant 1.000000e+00 : f32
      %div3A_188 = vector.broadcast %div3A_187 : f32 to vector<16xf32>
      %div3A_189 = arith.divf %div3A_188, %add3A_186 : vector<16xf32>
      %add3A_190 = arith.constant 64 : i32
      %add3A_191 = arith.addi %mul3A_47, %add3A_190 : i32
      %swap3A_192 = arith.index_cast %add3A_191 : i32 to index
      %swap3A_193 = tpu.vector_load %arg11[%swap3A_192] {strides = array<i32>} : memref<4992xf32, #tpu.memory_space<vmem>>, vector<16xf32>,
      tpu.vector_store %arg11[%swap3A_192], %div3A_189 {strides = array<i32>} : memref<4992xf32, #tpu.memory_space<vmem>>, vector<16xf32>,
      %get3A_194 = arith.index_cast %add3A_45 : i32 to index
      %get3A_195 = arith.constant 80 : index
      %get3A_196 = tpu.vector_load %arg9[%get3A_194, %get3A_195] {strides = array<i32>} : memref<48x128xi32, #tpu.memory_space<vmem>>, vector<16xi32>,
      %get3A_197 = arith.index_cast %add3A_45 : i32 to index
      %get3A_198 = arith.constant 80 : index
      %get3A_199 = tpu.vector_load %arg10[%get3A_197, %get3A_198] {strides = array<i32>} : memref<48x128xi32, #tpu.memory_space<vmem>>, vector<16xi32>,
      %gather3A_200 = tpu.vector_load_idx %arg13[%get3A_196] : memref<10000xf32, #tpu.memory_space<vmem>>[vector<16xi32>], vector<16xf32>,
      %gather3A_201 = tpu.vector_load_idx %arg14[%get3A_199] : memref<10000xf32, #tpu.memory_space<vmem>>[vector<16xi32>], vector<16xf32>,
      %gather3A_202 = tpu.vector_load_idx %arg15[%get3A_196] : memref<10240xf32, #tpu.memory_space<vmem>>[vector<16xi32>], vector<16xf32>,
      %gather3A_203 = tpu.vector_load_idx %arg16[%get3A_196] : memref<10240xf32, #tpu.memory_space<vmem>>[vector<16xi32>], vector<16xf32>,
      %add3A_204 = arith.addf %gather3A_200, %gather3A_201 : vector<16xf32>
      %mul3A_205 = arith.mulf %gather3A_202, %gather3A_203 : vector<16xf32>
      %mul3A_206 = arith.mulf %gather3A_202, %gather3A_202 : vector<16xf32>
      %mul3A_207 = arith.mulf %mul3A_206, %add3A_204 : vector<16xf32>
      %add3A_208 = arith.addf %mul3A_205, %mul3A_207 : vector<16xf32>
      %add3A_209 = arith.addf %add3A_208, %get3A_2 : vector<16xf32>
      %neg3A_210 = arith.constant 0.000000e+00 : f32
      %neg3A_211 = vector.broadcast %neg3A_210 : f32 to vector<16xf32>
      %neg3A_212 = arith.subf %neg3A_211, %add3A_209 : vector<16xf32>
      %exp3A_213 = math.exp %neg3A_212 : vector<16xf32>
      %add3A_214 = arith.constant 1.000000e+00 : f32
      %add3A_215 = vector.broadcast %add3A_214 : f32 to vector<16xf32>
      %add3A_216 = arith.addf %add3A_215, %exp3A_213 : vector<16xf32>
      %div3A_217 = arith.constant 1.000000e+00 : f32
      %div3A_218 = vector.broadcast %div3A_217 : f32 to vector<16xf32>
      %div3A_219 = arith.divf %div3A_218, %add3A_216 : vector<16xf32>
      %add3A_220 = arith.constant 80 : i32
      %add3A_221 = arith.addi %mul3A_47, %add3A_220 : i32
      %swap3A_222 = arith.index_cast %add3A_221 : i32 to index
      %swap3A_223 = tpu.vector_load %arg11[%swap3A_222] {strides = array<i32>} : memref<4992xf32, #tpu.memory_space<vmem>>, vector<16xf32>,
      tpu.vector_store %arg11[%swap3A_222], %div3A_219 {strides = array<i32>} : memref<4992xf32, #tpu.memory_space<vmem>>, vector<16xf32>,
      %get3A_224 = arith.index_cast %add3A_45 : i32 to index
      %get3A_225 = arith.constant 96 : index
      %get3A_226 = tpu.vector_load %arg9[%get3A_224, %get3A_225] {strides = array<i32>} : memref<48x128xi32, #tpu.memory_space<vmem>>, vector<16xi32>,
      %get3A_227 = arith.index_cast %add3A_45 : i32 to index
      %get3A_228 = arith.constant 96 : index
      %get3A_229 = tpu.vector_load %arg10[%get3A_227, %get3A_228] {strides = array<i32>} : memref<48x128xi32, #tpu.memory_space<vmem>>, vector<16xi32>,
      %gather3A_230 = tpu.vector_load_idx %arg13[%get3A_226] : memref<10000xf32, #tpu.memory_space<vmem>>[vector<16xi32>], vector<16xf32>,
      %gather3A_231 = tpu.vector_load_idx %arg14[%get3A_229] : memref<10000xf32, #tpu.memory_space<vmem>>[vector<16xi32>], vector<16xf32>,
      %gather3A_232 = tpu.vector_load_idx %arg15[%get3A_226] : memref<10240xf32, #tpu.memory_space<vmem>>[vector<16xi32>], vector<16xf32>,
      %gather3A_233 = tpu.vector_load_idx %arg16[%get3A_226] : memref<10240xf32, #tpu.memory_space<vmem>>[vector<16xi32>], vector<16xf32>,
      %add3A_234 = arith.addf %gather3A_230, %gather3A_231 : vector<16xf32>
      %mul3A_235 = arith.mulf %gather3A_232, %gather3A_233 : vector<16xf32>
      %mul3A_236 = arith.mulf %gather3A_232, %gather3A_232 : vector<16xf32>
      %mul3A_237 = arith.mulf %mul3A_236, %add3A_234 : vector<16xf32>
      %add3A_238 = arith.addf %mul3A_235, %mul3A_237 : vector<16xf32>
      %add3A_239 = arith.addf %add3A_238, %get3A_2 : vector<16xf32>
      %neg3A_240 = arith.constant 0.000000e+00 : f32
      %neg3A_241 = vector.broadcast %neg3A_240 : f32 to vector<16xf32>
      %neg3A_242 = arith.subf %neg3A_241, %add3A_239 : vector<16xf32>
      %exp3A_243 = math.exp %neg3A_242 : vector<16xf32>
      %add3A_244 = arith.constant 1.000000e+00 : f32
      %add3A_245 = vector.broadcast %add3A_244 : f32 to vector<16xf32>
      %add3A_246 = arith.addf %add3A_245, %exp3A_243 : vector<16xf32>
      %div3A_247 = arith.constant 1.000000e+00 : f32
      %div3A_248 = vector.broadcast %div3A_247 : f32 to vector<16xf32>
      %div3A_249 = arith.divf %div3A_248, %add3A_246 : vector<16xf32>
      %add3A_250 = arith.constant 96 : i32
      %add3A_251 = arith.addi %mul3A_47, %add3A_250 : i32
      %swap3A_252 = arith.index_cast %add3A_251 : i32 to index
      %swap3A_253 = tpu.vector_load %arg11[%swap3A_252] {strides = array<i32>} : memref<4992xf32, #tpu.memory_space<vmem>>, vector<16xf32>,
      tpu.vector_store %arg11[%swap3A_252], %div3A_249 {strides = array<i32>} : memref<4992xf32, #tpu.memory_space<vmem>>, vector<16xf32>,
      %get3A_254 = arith.index_cast %add3A_45 : i32 to index
      %get3A_255 = arith.constant 112 : index
      %get3A_256 = tpu.vector_load %arg9[%get3A_254, %get3A_255] {strides = array<i32>} : memref<48x128xi32, #tpu.memory_space<vmem>>, vector<16xi32>,
      %get3A_257 = arith.index_cast %add3A_45 : i32 to index
      %get3A_258 = arith.constant 112 : index
      %get3A_259 = tpu.vector_load %arg10[%get3A_257, %get3A_258] {strides = array<i32>} : memref<48x128xi32, #tpu.memory_space<vmem>>, vector<16xi32>,
      %gather3A_260 = tpu.vector_load_idx %arg13[%get3A_256] : memref<10000xf32, #tpu.memory_space<vmem>>[vector<16xi32>], vector<16xf32>,
      %gather3A_261 = tpu.vector_load_idx %arg14[%get3A_259] : memref<10000xf32, #tpu.memory_space<vmem>>[vector<16xi32>], vector<16xf32>,
      %gather3A_262 = tpu.vector_load_idx %arg15[%get3A_256] : memref<10240xf32, #tpu.memory_space<vmem>>[vector<16xi32>], vector<16xf32>,
      %gather3A_263 = tpu.vector_load_idx %arg16[%get3A_256] : memref<10240xf32, #tpu.memory_space<vmem>>[vector<16xi32>], vector<16xf32>,
      %add3A_264 = arith.addf %gather3A_260, %gather3A_261 : vector<16xf32>
      %mul3A_265 = arith.mulf %gather3A_262, %gather3A_263 : vector<16xf32>
      %mul3A_266 = arith.mulf %gather3A_262, %gather3A_262 : vector<16xf32>
      %mul3A_267 = arith.mulf %mul3A_266, %add3A_264 : vector<16xf32>
      %add3A_268 = arith.addf %mul3A_265, %mul3A_267 : vector<16xf32>
      %add3A_269 = arith.addf %add3A_268, %get3A_2 : vector<16xf32>
      %neg3A_270 = arith.constant 0.000000e+00 : f32
      %neg3A_271 = vector.broadcast %neg3A_270 : f32 to vector<16xf32>
      %neg3A_272 = arith.subf %neg3A_271, %add3A_269 : vector<16xf32>
      %exp3A_273 = math.exp %neg3A_272 : vector<16xf32>
      %add3A_274 = arith.constant 1.000000e+00 : f32
      %add3A_275 = vector.broadcast %add3A_274 : f32 to vector<16xf32>
      %add3A_276 = arith.addf %add3A_275, %exp3A_273 : vector<16xf32>
      %div3A_277 = arith.constant 1.000000e+00 : f32
      %div3A_278 = vector.broadcast %div3A_277 : f32 to vector<16xf32>
      %div3A_279 = arith.divf %div3A_278, %add3A_276 : vector<16xf32>
      %add3A_280 = arith.constant 112 : i32
      %add3A_281 = arith.addi %mul3A_47, %add3A_280 : i32
      %swap3A_282 = arith.index_cast %add3A_281 : i32 to index
      %swap3A_283 = tpu.vector_load %arg11[%swap3A_282] {strides = array<i32>} : memref<4992xf32, #tpu.memory_space<vmem>>, vector<16xf32>,
      tpu.vector_store %arg11[%swap3A_282], %div3A_279 {strides = array<i32>} : memref<4992xf32, #tpu.memory_space<vmem>>, vector<16xf32>,
    }
    %scan3A_34 = arith.constant 39 : i32
    %mul3A_35 = arith.constant 4992 : i32
    %mul3A_36 = arith.muli %add3A, %mul3A_35 : i32
    %multiple_of3A_37 = tpu.assume_multiple %mul3A_36, 8 : i32
    "tpu.region"() ({
      %run_scoped3A_40 = tpu.sem_alloc : memref<!tpu.dma_semaphore, #tpu.memory_space<semaphore_mem>>
      %dma_start3A = tpu.memref_slice %arg8[%multiple_of3A_37] : memref<160000xf32, #tpu.memory_space<hbm>> -> memref<4992xf32, #tpu.memory_space<hbm>>
      %dma_start3A_41 = tpu.memref_slice %arg8[%multiple_of3A_37] : memref<160000xf32, #tpu.memory_space<hbm>> -> memref<4992xf32, #tpu.memory_space<hbm>>
      tpu.enqueue_dma source(%arg11 : memref<4992xf32, #tpu.memory_space<vmem>>) target(%dma_start3A_41 : memref<4992xf32, #tpu.memory_space<hbm>>) target_semaphore(%run_scoped3A_40 : memref<!tpu.dma_semaphore, #tpu.memory_space<semaphore_mem>>)
      %dma_wait3A = tpu.memref_slice %arg8[%multiple_of3A_37] : memref<160000xf32, #tpu.memory_space<hbm>> -> memref<4992xf32, #tpu.memory_space<hbm>>
      %dma_wait3A_42 = tpu.memref_slice %arg8[%multiple_of3A_37] : memref<160000xf32, #tpu.memory_space<hbm>> -> memref<4992xf32, #tpu.memory_space<hbm>>
      tpu.wait_dma2 semaphore(%run_scoped3A_40 : memref<!tpu.dma_semaphore, #tpu.memory_space<semaphore_mem>>) src(%arg11 : memref<4992xf32, #tpu.memory_space<vmem>>) dst(%dma_wait3A_42 : memref<4992xf32, #tpu.memory_space<hbm>>)
      tpu.yield
    }) : () -> ()
    %lt3A = arith.constant 2 : i32
    %lt3A_38 = arith.cmpi slt, %add3A, %lt3A : i32
    %convert_element_type3A = arith.extui %lt3A_38 : i1 to i32
    %cond3A = arith.constant 0 : i32
    %cond3A_39 = arith.cmpi ne, %convert_element_type3A, %cond3A : i32
    scf.if %cond3A_39 {
      %run_scoped3A_40 = arith.constant 0 : i32
      "tpu.region"() ({
        %run_scoped3A_266 = tpu.sem_alloc : memref<!tpu.dma_semaphore, #tpu.memory_space<semaphore_mem>>
        %dma_start3A = arith.constant 0 : i32
        %dma_start3A_267 = arith.constant 0 : i32
        %dma_start3A_268 = tpu.memref_slice %arg9[%dma_start3A, %dma_start3A_267] : memref<48x128xi32, #tpu.memory_space<vmem>> -> memref<8x128xi32, #tpu.memory_space<vmem>>
        %dma_start3A_269 = arith.constant 1248 : i32
        %dma_start3A_270 = arith.constant 0 : i32
        %dma_start3A_271 = tpu.memref_slice %arg6[%run_scoped3A_40, %dma_start3A_269, %dma_start3A_270] : memref<2x1280x128xi32, #tpu.memory_space<hbm>> -> memref<1x8x128xi32, #tpu.memory_space<hbm>>
        %dma_start3A_272 = tpu.memref_squeeze %dma_start3A_271 : memref<1x8x128xi32, #tpu.memory_space<hbm>> -> memref<8x128xi32, #tpu.memory_space<hbm>>
        %dma_start3A_273 = arith.constant 0 : i32
        %dma_start3A_274 = arith.constant 0 : i32
        %dma_start3A_275 = tpu.memref_slice %arg9[%dma_start3A_273, %dma_start3A_274] : memref<48x128xi32, #tpu.memory_space<vmem>> -> memref<8x128xi32, #tpu.memory_space<vmem>>
        %dma_start3A_276 = arith.constant 1248 : i32
        %dma_start3A_277 = arith.constant 0 : i32
        %dma_start3A_278 = tpu.memref_slice %arg6[%run_scoped3A_40, %dma_start3A_276, %dma_start3A_277] : memref<2x1280x128xi32, #tpu.memory_space<hbm>> -> memref<1x8x128xi32, #tpu.memory_space<hbm>>
        %dma_start3A_279 = tpu.memref_squeeze %dma_start3A_278 : memref<1x8x128xi32, #tpu.memory_space<hbm>> -> memref<8x128xi32, #tpu.memory_space<hbm>>
        tpu.enqueue_dma source(%dma_start3A_279 : memref<8x128xi32, #tpu.memory_space<hbm>>) target(%dma_start3A_275 : memref<8x128xi32, #tpu.memory_space<vmem>>) target_semaphore(%run_scoped3A_266 : memref<!tpu.dma_semaphore, #tpu.memory_space<semaphore_mem>>)
        %dma_wait3A = arith.constant 0 : i32
        %dma_wait3A_280 = arith.constant 0 : i32
        %dma_wait3A_281 = tpu.memref_slice %arg9[%dma_wait3A, %dma_wait3A_280] : memref<48x128xi32, #tpu.memory_space<vmem>> -> memref<8x128xi32, #tpu.memory_space<vmem>>
        %dma_wait3A_282 = arith.constant 1248 : i32
        %dma_wait3A_283 = arith.constant 0 : i32
        %dma_wait3A_284 = tpu.memref_slice %arg6[%run_scoped3A_40, %dma_wait3A_282, %dma_wait3A_283] : memref<2x1280x128xi32, #tpu.memory_space<hbm>> -> memref<1x8x128xi32, #tpu.memory_space<hbm>>
        %dma_wait3A_285 = tpu.memref_squeeze %dma_wait3A_284 : memref<1x8x128xi32, #tpu.memory_space<hbm>> -> memref<8x128xi32, #tpu.memory_space<hbm>>
        %dma_wait3A_286 = arith.constant 0 : i32
        %dma_wait3A_287 = arith.constant 0 : i32
        %dma_wait3A_288 = tpu.memref_slice %arg9[%dma_wait3A_286, %dma_wait3A_287] : memref<48x128xi32, #tpu.memory_space<vmem>> -> memref<8x128xi32, #tpu.memory_space<vmem>>
        %dma_wait3A_289 = arith.constant 1248 : i32
        %dma_wait3A_290 = arith.constant 0 : i32
        %dma_wait3A_291 = tpu.memref_slice %arg6[%run_scoped3A_40, %dma_wait3A_289, %dma_wait3A_290] : memref<2x1280x128xi32, #tpu.memory_space<hbm>> -> memref<1x8x128xi32, #tpu.memory_space<hbm>>
        %dma_wait3A_292 = tpu.memref_squeeze %dma_wait3A_291 : memref<1x8x128xi32, #tpu.memory_space<hbm>> -> memref<8x128xi32, #tpu.memory_space<hbm>>
        tpu.wait_dma2 semaphore(%run_scoped3A_266 : memref<!tpu.dma_semaphore, #tpu.memory_space<semaphore_mem>>) src(%dma_wait3A_292 : memref<8x128xi32, #tpu.memory_space<hbm>>) dst(%dma_wait3A_288 : memref<8x128xi32, #tpu.memory_space<vmem>>)
        tpu.yield
      }) : () -> ()
      %run_scoped3A_41 = arith.constant 1 : i32
      "tpu.region"() ({
        %run_scoped3A_266 = tpu.sem_alloc : memref<!tpu.dma_semaphore, #tpu.memory_space<semaphore_mem>>
        %dma_start3A = arith.constant 0 : i32
        %dma_start3A_267 = arith.constant 0 : i32
        %dma_start3A_268 = tpu.memref_slice %arg10[%dma_start3A, %dma_start3A_267] : memref<48x128xi32, #tpu.memory_space<vmem>> -> memref<8x128xi32, #tpu.memory_space<vmem>>
        %dma_start3A_269 = arith.constant 1248 : i32
        %dma_start3A_270 = arith.constant 0 : i32
        %dma_start3A_271 = tpu.memref_slice %arg6[%run_scoped3A_41, %dma_start3A_269, %dma_start3A_270] : memref<2x1280x128xi32, #tpu.memory_space<hbm>> -> memref<1x8x128xi32, #tpu.memory_space<hbm>>
        %dma_start3A_272 = tpu.memref_squeeze %dma_start3A_271 : memref<1x8x128xi32, #tpu.memory_space<hbm>> -> memref<8x128xi32, #tpu.memory_space<hbm>>
        %dma_start3A_273 = arith.constant 0 : i32
        %dma_start3A_274 = arith.constant 0 : i32
        %dma_start3A_275 = tpu.memref_slice %arg10[%dma_start3A_273, %dma_start3A_274] : memref<48x128xi32, #tpu.memory_space<vmem>> -> memref<8x128xi32, #tpu.memory_space<vmem>>
        %dma_start3A_276 = arith.constant 1248 : i32
        %dma_start3A_277 = arith.constant 0 : i32
        %dma_start3A_278 = tpu.memref_slice %arg6[%run_scoped3A_41, %dma_start3A_276, %dma_start3A_277] : memref<2x1280x128xi32, #tpu.memory_space<hbm>> -> memref<1x8x128xi32, #tpu.memory_space<hbm>>
        %dma_start3A_279 = tpu.memref_squeeze %dma_start3A_278 : memref<1x8x128xi32, #tpu.memory_space<hbm>> -> memref<8x128xi32, #tpu.memory_space<hbm>>
        tpu.enqueue_dma source(%dma_start3A_279 : memref<8x128xi32, #tpu.memory_space<hbm>>) target(%dma_start3A_275 : memref<8x128xi32, #tpu.memory_space<vmem>>) target_semaphore(%run_scoped3A_266 : memref<!tpu.dma_semaphore, #tpu.memory_space<semaphore_mem>>)
        %dma_wait3A = arith.constant 0 : i32
        %dma_wait3A_280 = arith.constant 0 : i32
        %dma_wait3A_281 = tpu.memref_slice %arg10[%dma_wait3A, %dma_wait3A_280] : memref<48x128xi32, #tpu.memory_space<vmem>> -> memref<8x128xi32, #tpu.memory_space<vmem>>
        %dma_wait3A_282 = arith.constant 1248 : i32
        %dma_wait3A_283 = arith.constant 0 : i32
        %dma_wait3A_284 = tpu.memref_slice %arg6[%run_scoped3A_41, %dma_wait3A_282, %dma_wait3A_283] : memref<2x1280x128xi32, #tpu.memory_space<hbm>> -> memref<1x8x128xi32, #tpu.memory_space<hbm>>
        %dma_wait3A_285 = tpu.memref_squeeze %dma_wait3A_284 : memref<1x8x128xi32, #tpu.memory_space<hbm>> -> memref<8x128xi32, #tpu.memory_space<hbm>>
        %dma_wait3A_286 = arith.constant 0 : i32
        %dma_wait3A_287 = arith.constant 0 : i32
        %dma_wait3A_288 = tpu.memref_slice %arg10[%dma_wait3A_286, %dma_wait3A_287] : memref<48x128xi32, #tpu.memory_space<vmem>> -> memref<8x128xi32, #tpu.memory_space<vmem>>
        %dma_wait3A_289 = arith.constant 1248 : i32
        %dma_wait3A_290 = arith.constant 0 : i32
        %dma_wait3A_291 = tpu.memref_slice %arg6[%run_scoped3A_41, %dma_wait3A_289, %dma_wait3A_290] : memref<2x1280x128xi32, #tpu.memory_space<hbm>> -> memref<1x8x128xi32, #tpu.memory_space<hbm>>
        %dma_wait3A_292 = tpu.memref_squeeze %dma_wait3A_291 : memref<1x8x128xi32, #tpu.memory_space<hbm>> -> memref<8x128xi32, #tpu.memory_space<hbm>>
        tpu.wait_dma2 semaphore(%run_scoped3A_266 : memref<!tpu.dma_semaphore, #tpu.memory_space<semaphore_mem>>) src(%dma_wait3A_292 : memref<8x128xi32, #tpu.memory_space<hbm>>) dst(%dma_wait3A_288 : memref<8x128xi32, #tpu.memory_space<vmem>>)
        tpu.yield
      }) : () -> ()
      %get3A_42 = arith.index_cast %add3A : i32 to index
      %get3A_43 = arith.constant 0 : index
      %get3A_44 = tpu.vector_load %arg9[%get3A_42, %get3A_43] {strides = array<i32>} : memref<48x128xi32, #tpu.memory_space<vmem>>, vector<16xi32>,
      %get3A_45 = arith.index_cast %add3A : i32 to index
      %get3A_46 = arith.constant 0 : index
      %get3A_47 = tpu.vector_load %arg10[%get3A_45, %get3A_46] {strides = array<i32>} : memref<48x128xi32, #tpu.memory_space<vmem>>, vector<16xi32>,
      %gather3A = tpu.vector_load_idx %arg13[%get3A_44] : memref<10000xf32, #tpu.memory_space<vmem>>[vector<16xi32>], vector<16xf32>,
      %gather3A_48 = tpu.vector_load_idx %arg14[%get3A_47] : memref<10000xf32, #tpu.memory_space<vmem>>[vector<16xi32>], vector<16xf32>,
      %gather3A_49 = tpu.vector_load_idx %arg15[%get3A_44] : memref<10240xf32, #tpu.memory_space<vmem>>[vector<16xi32>], vector<16xf32>,
      %gather3A_50 = tpu.vector_load_idx %arg16[%get3A_44] : memref<10240xf32, #tpu.memory_space<vmem>>[vector<16xi32>], vector<16xf32>,
      %add3A_51 = arith.addf %gather3A, %gather3A_48 : vector<16xf32>
      %mul3A_52 = arith.mulf %gather3A_49, %gather3A_50 : vector<16xf32>
      %mul3A_53 = arith.mulf %gather3A_49, %gather3A_49 : vector<16xf32>
      %mul3A_54 = arith.mulf %mul3A_53, %add3A_51 : vector<16xf32>
      %add3A_55 = arith.addf %mul3A_52, %mul3A_54 : vector<16xf32>
      %add3A_56 = arith.addf %add3A_55, %get3A_2 : vector<16xf32>
      %neg3A = arith.constant 0.000000e+00 : f32
      %neg3A_57 = vector.broadcast %neg3A : f32 to vector<16xf32>
      %neg3A_58 = arith.subf %neg3A_57, %add3A_56 : vector<16xf32>
      %exp3A = math.exp %neg3A_58 : vector<16xf32>
      %add3A_59 = arith.constant 1.000000e+00 : f32
      %add3A_60 = vector.broadcast %add3A_59 : f32 to vector<16xf32>
      %add3A_61 = arith.addf %add3A_60, %exp3A : vector<16xf32>
      %div3A_62 = arith.constant 1.000000e+00 : f32
      %div3A_63 = vector.broadcast %div3A_62 : f32 to vector<16xf32>
      %div3A_64 = arith.divf %div3A_63, %add3A_61 : vector<16xf32>
      %swap3A = arith.constant 0 : index
      %swap3A_65 = tpu.vector_load %arg12[%swap3A] {strides = array<i32>} : memref<128xf32, #tpu.memory_space<vmem>>, vector<16xf32>,
      tpu.vector_store %arg12[%swap3A], %div3A_64 {strides = array<i32>} : memref<128xf32, #tpu.memory_space<vmem>>, vector<16xf32>,
      %get3A_66 = arith.index_cast %add3A : i32 to index
      %get3A_67 = arith.constant 16 : index
      %get3A_68 = tpu.vector_load %arg9[%get3A_66, %get3A_67] {strides = array<i32>} : memref<48x128xi32, #tpu.memory_space<vmem>>, vector<16xi32>,
      %get3A_69 = arith.index_cast %add3A : i32 to index
      %get3A_70 = arith.constant 16 : index
      %get3A_71 = tpu.vector_load %arg10[%get3A_69, %get3A_70] {strides = array<i32>} : memref<48x128xi32, #tpu.memory_space<vmem>>, vector<16xi32>,
      %gather3A_72 = tpu.vector_load_idx %arg13[%get3A_68] : memref<10000xf32, #tpu.memory_space<vmem>>[vector<16xi32>], vector<16xf32>,
      %gather3A_73 = tpu.vector_load_idx %arg14[%get3A_71] : memref<10000xf32, #tpu.memory_space<vmem>>[vector<16xi32>], vector<16xf32>,
      %gather3A_74 = tpu.vector_load_idx %arg15[%get3A_68] : memref<10240xf32, #tpu.memory_space<vmem>>[vector<16xi32>], vector<16xf32>,
      %gather3A_75 = tpu.vector_load_idx %arg16[%get3A_68] : memref<10240xf32, #tpu.memory_space<vmem>>[vector<16xi32>], vector<16xf32>,
      %add3A_76 = arith.addf %gather3A_72, %gather3A_73 : vector<16xf32>
      %mul3A_77 = arith.mulf %gather3A_74, %gather3A_75 : vector<16xf32>
      %mul3A_78 = arith.mulf %gather3A_74, %gather3A_74 : vector<16xf32>
      %mul3A_79 = arith.mulf %mul3A_78, %add3A_76 : vector<16xf32>
      %add3A_80 = arith.addf %mul3A_77, %mul3A_79 : vector<16xf32>
      %add3A_81 = arith.addf %add3A_80, %get3A_2 : vector<16xf32>
      %neg3A_82 = arith.constant 0.000000e+00 : f32
      %neg3A_83 = vector.broadcast %neg3A_82 : f32 to vector<16xf32>
      %neg3A_84 = arith.subf %neg3A_83, %add3A_81 : vector<16xf32>
      %exp3A_85 = math.exp %neg3A_84 : vector<16xf32>
      %add3A_86 = arith.constant 1.000000e+00 : f32
      %add3A_87 = vector.broadcast %add3A_86 : f32 to vector<16xf32>
      %add3A_88 = arith.addf %add3A_87, %exp3A_85 : vector<16xf32>
      %div3A_89 = arith.constant 1.000000e+00 : f32
      %div3A_90 = vector.broadcast %div3A_89 : f32 to vector<16xf32>
      %div3A_91 = arith.divf %div3A_90, %add3A_88 : vector<16xf32>
      %swap3A_92 = arith.constant 16 : index
      %swap3A_93 = tpu.vector_load %arg12[%swap3A_92] {strides = array<i32>} : memref<128xf32, #tpu.memory_space<vmem>>, vector<16xf32>,
      tpu.vector_store %arg12[%swap3A_92], %div3A_91 {strides = array<i32>} : memref<128xf32, #tpu.memory_space<vmem>>, vector<16xf32>,
      %get3A_94 = arith.index_cast %add3A : i32 to index
      %get3A_95 = arith.constant 32 : index
      %get3A_96 = tpu.vector_load %arg9[%get3A_94, %get3A_95] {strides = array<i32>} : memref<48x128xi32, #tpu.memory_space<vmem>>, vector<16xi32>,
      %get3A_97 = arith.index_cast %add3A : i32 to index
      %get3A_98 = arith.constant 32 : index
      %get3A_99 = tpu.vector_load %arg10[%get3A_97, %get3A_98] {strides = array<i32>} : memref<48x128xi32, #tpu.memory_space<vmem>>, vector<16xi32>,
      %gather3A_100 = tpu.vector_load_idx %arg13[%get3A_96] : memref<10000xf32, #tpu.memory_space<vmem>>[vector<16xi32>], vector<16xf32>,
      %gather3A_101 = tpu.vector_load_idx %arg14[%get3A_99] : memref<10000xf32, #tpu.memory_space<vmem>>[vector<16xi32>], vector<16xf32>,
      %gather3A_102 = tpu.vector_load_idx %arg15[%get3A_96] : memref<10240xf32, #tpu.memory_space<vmem>>[vector<16xi32>], vector<16xf32>,
      %gather3A_103 = tpu.vector_load_idx %arg16[%get3A_96] : memref<10240xf32, #tpu.memory_space<vmem>>[vector<16xi32>], vector<16xf32>,
      %add3A_104 = arith.addf %gather3A_100, %gather3A_101 : vector<16xf32>
      %mul3A_105 = arith.mulf %gather3A_102, %gather3A_103 : vector<16xf32>
      %mul3A_106 = arith.mulf %gather3A_102, %gather3A_102 : vector<16xf32>
      %mul3A_107 = arith.mulf %mul3A_106, %add3A_104 : vector<16xf32>
      %add3A_108 = arith.addf %mul3A_105, %mul3A_107 : vector<16xf32>
      %add3A_109 = arith.addf %add3A_108, %get3A_2 : vector<16xf32>
      %neg3A_110 = arith.constant 0.000000e+00 : f32
      %neg3A_111 = vector.broadcast %neg3A_110 : f32 to vector<16xf32>
      %neg3A_112 = arith.subf %neg3A_111, %add3A_109 : vector<16xf32>
      %exp3A_113 = math.exp %neg3A_112 : vector<16xf32>
      %add3A_114 = arith.constant 1.000000e+00 : f32
      %add3A_115 = vector.broadcast %add3A_114 : f32 to vector<16xf32>
      %add3A_116 = arith.addf %add3A_115, %exp3A_113 : vector<16xf32>
      %div3A_117 = arith.constant 1.000000e+00 : f32
      %div3A_118 = vector.broadcast %div3A_117 : f32 to vector<16xf32>
      %div3A_119 = arith.divf %div3A_118, %add3A_116 : vector<16xf32>
      %swap3A_120 = arith.constant 32 : index
      %swap3A_121 = tpu.vector_load %arg12[%swap3A_120] {strides = array<i32>} : memref<128xf32, #tpu.memory_space<vmem>>, vector<16xf32>,
      tpu.vector_store %arg12[%swap3A_120], %div3A_119 {strides = array<i32>} : memref<128xf32, #tpu.memory_space<vmem>>, vector<16xf32>,
      %get3A_122 = arith.index_cast %add3A : i32 to index
      %get3A_123 = arith.constant 48 : index
      %get3A_124 = tpu.vector_load %arg9[%get3A_122, %get3A_123] {strides = array<i32>} : memref<48x128xi32, #tpu.memory_space<vmem>>, vector<16xi32>,
      %get3A_125 = arith.index_cast %add3A : i32 to index
      %get3A_126 = arith.constant 48 : index
      %get3A_127 = tpu.vector_load %arg10[%get3A_125, %get3A_126] {strides = array<i32>} : memref<48x128xi32, #tpu.memory_space<vmem>>, vector<16xi32>,
      %gather3A_128 = tpu.vector_load_idx %arg13[%get3A_124] : memref<10000xf32, #tpu.memory_space<vmem>>[vector<16xi32>], vector<16xf32>,
      %gather3A_129 = tpu.vector_load_idx %arg14[%get3A_127] : memref<10000xf32, #tpu.memory_space<vmem>>[vector<16xi32>], vector<16xf32>,
      %gather3A_130 = tpu.vector_load_idx %arg15[%get3A_124] : memref<10240xf32, #tpu.memory_space<vmem>>[vector<16xi32>], vector<16xf32>,
      %gather3A_131 = tpu.vector_load_idx %arg16[%get3A_124] : memref<10240xf32, #tpu.memory_space<vmem>>[vector<16xi32>], vector<16xf32>,
      %add3A_132 = arith.addf %gather3A_128, %gather3A_129 : vector<16xf32>
      %mul3A_133 = arith.mulf %gather3A_130, %gather3A_131 : vector<16xf32>
      %mul3A_134 = arith.mulf %gather3A_130, %gather3A_130 : vector<16xf32>
      %mul3A_135 = arith.mulf %mul3A_134, %add3A_132 : vector<16xf32>
      %add3A_136 = arith.addf %mul3A_133, %mul3A_135 : vector<16xf32>
      %add3A_137 = arith.addf %add3A_136, %get3A_2 : vector<16xf32>
      %neg3A_138 = arith.constant 0.000000e+00 : f32
      %neg3A_139 = vector.broadcast %neg3A_138 : f32 to vector<16xf32>
      %neg3A_140 = arith.subf %neg3A_139, %add3A_137 : vector<16xf32>
      %exp3A_141 = math.exp %neg3A_140 : vector<16xf32>
      %add3A_142 = arith.constant 1.000000e+00 : f32
      %add3A_143 = vector.broadcast %add3A_142 : f32 to vector<16xf32>
      %add3A_144 = arith.addf %add3A_143, %exp3A_141 : vector<16xf32>
      %div3A_145 = arith.constant 1.000000e+00 : f32
      %div3A_146 = vector.broadcast %div3A_145 : f32 to vector<16xf32>
      %div3A_147 = arith.divf %div3A_146, %add3A_144 : vector<16xf32>
      %swap3A_148 = arith.constant 48 : index
      %swap3A_149 = tpu.vector_load %arg12[%swap3A_148] {strides = array<i32>} : memref<128xf32, #tpu.memory_space<vmem>>, vector<16xf32>,
      tpu.vector_store %arg12[%swap3A_148], %div3A_147 {strides = array<i32>} : memref<128xf32, #tpu.memory_space<vmem>>, vector<16xf32>,
      %get3A_150 = arith.index_cast %add3A : i32 to index
      %get3A_151 = arith.constant 64 : index
      %get3A_152 = tpu.vector_load %arg9[%get3A_150, %get3A_151] {strides = array<i32>} : memref<48x128xi32, #tpu.memory_space<vmem>>, vector<16xi32>,
      %get3A_153 = arith.index_cast %add3A : i32 to index
      %get3A_154 = arith.constant 64 : index
      %get3A_155 = tpu.vector_load %arg10[%get3A_153, %get3A_154] {strides = array<i32>} : memref<48x128xi32, #tpu.memory_space<vmem>>, vector<16xi32>,
      %gather3A_156 = tpu.vector_load_idx %arg13[%get3A_152] : memref<10000xf32, #tpu.memory_space<vmem>>[vector<16xi32>], vector<16xf32>,
      %gather3A_157 = tpu.vector_load_idx %arg14[%get3A_155] : memref<10000xf32, #tpu.memory_space<vmem>>[vector<16xi32>], vector<16xf32>,
      %gather3A_158 = tpu.vector_load_idx %arg15[%get3A_152] : memref<10240xf32, #tpu.memory_space<vmem>>[vector<16xi32>], vector<16xf32>,
      %gather3A_159 = tpu.vector_load_idx %arg16[%get3A_152] : memref<10240xf32, #tpu.memory_space<vmem>>[vector<16xi32>], vector<16xf32>,
      %add3A_160 = arith.addf %gather3A_156, %gather3A_157 : vector<16xf32>
      %mul3A_161 = arith.mulf %gather3A_158, %gather3A_159 : vector<16xf32>
      %mul3A_162 = arith.mulf %gather3A_158, %gather3A_158 : vector<16xf32>
      %mul3A_163 = arith.mulf %mul3A_162, %add3A_160 : vector<16xf32>
      %add3A_164 = arith.addf %mul3A_161, %mul3A_163 : vector<16xf32>
      %add3A_165 = arith.addf %add3A_164, %get3A_2 : vector<16xf32>
      %neg3A_166 = arith.constant 0.000000e+00 : f32
      %neg3A_167 = vector.broadcast %neg3A_166 : f32 to vector<16xf32>
      %neg3A_168 = arith.subf %neg3A_167, %add3A_165 : vector<16xf32>
      %exp3A_169 = math.exp %neg3A_168 : vector<16xf32>
      %add3A_170 = arith.constant 1.000000e+00 : f32
      %add3A_171 = vector.broadcast %add3A_170 : f32 to vector<16xf32>
      %add3A_172 = arith.addf %add3A_171, %exp3A_169 : vector<16xf32>
      %div3A_173 = arith.constant 1.000000e+00 : f32
      %div3A_174 = vector.broadcast %div3A_173 : f32 to vector<16xf32>
      %div3A_175 = arith.divf %div3A_174, %add3A_172 : vector<16xf32>
      %swap3A_176 = arith.constant 64 : index
      %swap3A_177 = tpu.vector_load %arg12[%swap3A_176] {strides = array<i32>} : memref<128xf32, #tpu.memory_space<vmem>>, vector<16xf32>,
      tpu.vector_store %arg12[%swap3A_176], %div3A_175 {strides = array<i32>} : memref<128xf32, #tpu.memory_space<vmem>>, vector<16xf32>,
      %get3A_178 = arith.index_cast %add3A : i32 to index
      %get3A_179 = arith.constant 80 : index
      %get3A_180 = tpu.vector_load %arg9[%get3A_178, %get3A_179] {strides = array<i32>} : memref<48x128xi32, #tpu.memory_space<vmem>>, vector<16xi32>,
      %get3A_181 = arith.index_cast %add3A : i32 to index
      %get3A_182 = arith.constant 80 : index
      %get3A_183 = tpu.vector_load %arg10[%get3A_181, %get3A_182] {strides = array<i32>} : memref<48x128xi32, #tpu.memory_space<vmem>>, vector<16xi32>,
      %gather3A_184 = tpu.vector_load_idx %arg13[%get3A_180] : memref<10000xf32, #tpu.memory_space<vmem>>[vector<16xi32>], vector<16xf32>,
      %gather3A_185 = tpu.vector_load_idx %arg14[%get3A_183] : memref<10000xf32, #tpu.memory_space<vmem>>[vector<16xi32>], vector<16xf32>,
      %gather3A_186 = tpu.vector_load_idx %arg15[%get3A_180] : memref<10240xf32, #tpu.memory_space<vmem>>[vector<16xi32>], vector<16xf32>,
      %gather3A_187 = tpu.vector_load_idx %arg16[%get3A_180] : memref<10240xf32, #tpu.memory_space<vmem>>[vector<16xi32>], vector<16xf32>,
      %add3A_188 = arith.addf %gather3A_184, %gather3A_185 : vector<16xf32>
      %mul3A_189 = arith.mulf %gather3A_186, %gather3A_187 : vector<16xf32>
      %mul3A_190 = arith.mulf %gather3A_186, %gather3A_186 : vector<16xf32>
      %mul3A_191 = arith.mulf %mul3A_190, %add3A_188 : vector<16xf32>
      %add3A_192 = arith.addf %mul3A_189, %mul3A_191 : vector<16xf32>
      %add3A_193 = arith.addf %add3A_192, %get3A_2 : vector<16xf32>
      %neg3A_194 = arith.constant 0.000000e+00 : f32
      %neg3A_195 = vector.broadcast %neg3A_194 : f32 to vector<16xf32>
      %neg3A_196 = arith.subf %neg3A_195, %add3A_193 : vector<16xf32>
      %exp3A_197 = math.exp %neg3A_196 : vector<16xf32>
      %add3A_198 = arith.constant 1.000000e+00 : f32
      %add3A_199 = vector.broadcast %add3A_198 : f32 to vector<16xf32>
      %add3A_200 = arith.addf %add3A_199, %exp3A_197 : vector<16xf32>
      %div3A_201 = arith.constant 1.000000e+00 : f32
      %div3A_202 = vector.broadcast %div3A_201 : f32 to vector<16xf32>
      %div3A_203 = arith.divf %div3A_202, %add3A_200 : vector<16xf32>
      %swap3A_204 = arith.constant 80 : index
      %swap3A_205 = tpu.vector_load %arg12[%swap3A_204] {strides = array<i32>} : memref<128xf32, #tpu.memory_space<vmem>>, vector<16xf32>,
      tpu.vector_store %arg12[%swap3A_204], %div3A_203 {strides = array<i32>} : memref<128xf32, #tpu.memory_space<vmem>>, vector<16xf32>,
      %get3A_206 = arith.index_cast %add3A : i32 to index
      %get3A_207 = arith.constant 96 : index
      %get3A_208 = tpu.vector_load %arg9[%get3A_206, %get3A_207] {strides = array<i32>} : memref<48x128xi32, #tpu.memory_space<vmem>>, vector<16xi32>,
      %get3A_209 = arith.index_cast %add3A : i32 to index
      %get3A_210 = arith.constant 96 : index
      %get3A_211 = tpu.vector_load %arg10[%get3A_209, %get3A_210] {strides = array<i32>} : memref<48x128xi32, #tpu.memory_space<vmem>>, vector<16xi32>,
      %gather3A_212 = tpu.vector_load_idx %arg13[%get3A_208] : memref<10000xf32, #tpu.memory_space<vmem>>[vector<16xi32>], vector<16xf32>,
      %gather3A_213 = tpu.vector_load_idx %arg14[%get3A_211] : memref<10000xf32, #tpu.memory_space<vmem>>[vector<16xi32>], vector<16xf32>,
      %gather3A_214 = tpu.vector_load_idx %arg15[%get3A_208] : memref<10240xf32, #tpu.memory_space<vmem>>[vector<16xi32>], vector<16xf32>,
      %gather3A_215 = tpu.vector_load_idx %arg16[%get3A_208] : memref<10240xf32, #tpu.memory_space<vmem>>[vector<16xi32>], vector<16xf32>,
      %add3A_216 = arith.addf %gather3A_212, %gather3A_213 : vector<16xf32>
      %mul3A_217 = arith.mulf %gather3A_214, %gather3A_215 : vector<16xf32>
      %mul3A_218 = arith.mulf %gather3A_214, %gather3A_214 : vector<16xf32>
      %mul3A_219 = arith.mulf %mul3A_218, %add3A_216 : vector<16xf32>
      %add3A_220 = arith.addf %mul3A_217, %mul3A_219 : vector<16xf32>
      %add3A_221 = arith.addf %add3A_220, %get3A_2 : vector<16xf32>
      %neg3A_222 = arith.constant 0.000000e+00 : f32
      %neg3A_223 = vector.broadcast %neg3A_222 : f32 to vector<16xf32>
      %neg3A_224 = arith.subf %neg3A_223, %add3A_221 : vector<16xf32>
      %exp3A_225 = math.exp %neg3A_224 : vector<16xf32>
      %add3A_226 = arith.constant 1.000000e+00 : f32
      %add3A_227 = vector.broadcast %add3A_226 : f32 to vector<16xf32>
      %add3A_228 = arith.addf %add3A_227, %exp3A_225 : vector<16xf32>
      %div3A_229 = arith.constant 1.000000e+00 : f32
      %div3A_230 = vector.broadcast %div3A_229 : f32 to vector<16xf32>
      %div3A_231 = arith.divf %div3A_230, %add3A_228 : vector<16xf32>
      %swap3A_232 = arith.constant 96 : index
      %swap3A_233 = tpu.vector_load %arg12[%swap3A_232] {strides = array<i32>} : memref<128xf32, #tpu.memory_space<vmem>>, vector<16xf32>,
      tpu.vector_store %arg12[%swap3A_232], %div3A_231 {strides = array<i32>} : memref<128xf32, #tpu.memory_space<vmem>>, vector<16xf32>,
      %get3A_234 = arith.index_cast %add3A : i32 to index
      %get3A_235 = arith.constant 112 : index
      %get3A_236 = tpu.vector_load %arg9[%get3A_234, %get3A_235] {strides = array<i32>} : memref<48x128xi32, #tpu.memory_space<vmem>>, vector<16xi32>,
      %get3A_237 = arith.index_cast %add3A : i32 to index
      %get3A_238 = arith.constant 112 : index
      %get3A_239 = tpu.vector_load %arg10[%get3A_237, %get3A_238] {strides = array<i32>} : memref<48x128xi32, #tpu.memory_space<vmem>>, vector<16xi32>,
      %gather3A_240 = tpu.vector_load_idx %arg13[%get3A_236] : memref<10000xf32, #tpu.memory_space<vmem>>[vector<16xi32>], vector<16xf32>,
      %gather3A_241 = tpu.vector_load_idx %arg14[%get3A_239] : memref<10000xf32, #tpu.memory_space<vmem>>[vector<16xi32>], vector<16xf32>,
      %gather3A_242 = tpu.vector_load_idx %arg15[%get3A_236] : memref<10240xf32, #tpu.memory_space<vmem>>[vector<16xi32>], vector<16xf32>,
      %gather3A_243 = tpu.vector_load_idx %arg16[%get3A_236] : memref<10240xf32, #tpu.memory_space<vmem>>[vector<16xi32>], vector<16xf32>,
      %add3A_244 = arith.addf %gather3A_240, %gather3A_241 : vector<16xf32>
      %mul3A_245 = arith.mulf %gather3A_242, %gather3A_243 : vector<16xf32>
      %mul3A_246 = arith.mulf %gather3A_242, %gather3A_242 : vector<16xf32>
      %mul3A_247 = arith.mulf %mul3A_246, %add3A_244 : vector<16xf32>
      %add3A_248 = arith.addf %mul3A_245, %mul3A_247 : vector<16xf32>
      %add3A_249 = arith.addf %add3A_248, %get3A_2 : vector<16xf32>
      %neg3A_250 = arith.constant 0.000000e+00 : f32
      %neg3A_251 = vector.broadcast %neg3A_250 : f32 to vector<16xf32>
      %neg3A_252 = arith.subf %neg3A_251, %add3A_249 : vector<16xf32>
      %exp3A_253 = math.exp %neg3A_252 : vector<16xf32>
      %add3A_254 = arith.constant 1.000000e+00 : f32
      %add3A_255 = vector.broadcast %add3A_254 : f32 to vector<16xf32>
      %add3A_256 = arith.addf %add3A_255, %exp3A_253 : vector<16xf32>
      %div3A_257 = arith.constant 1.000000e+00 : f32
      %div3A_258 = vector.broadcast %div3A_257 : f32 to vector<16xf32>
      %div3A_259 = arith.divf %div3A_258, %add3A_256 : vector<16xf32>
      %swap3A_260 = arith.constant 112 : index
      %swap3A_261 = tpu.vector_load %arg12[%swap3A_260] {strides = array<i32>} : memref<128xf32, #tpu.memory_space<vmem>>, vector<16xf32>,
      tpu.vector_store %arg12[%swap3A_260], %div3A_259 {strides = array<i32>} : memref<128xf32, #tpu.memory_space<vmem>>, vector<16xf32>,
      %add3A_262 = arith.constant 1248 : i32
      %add3A_263 = arith.addi %add3A_262, %add3A : i32
      %mul3A_264 = arith.constant 128 : i32
      %mul3A_265 = arith.muli %add3A_263, %mul3A_264 : i32
      "tpu.region"() ({
        %run_scoped3A_266 = tpu.sem_alloc : memref<!tpu.dma_semaphore, #tpu.memory_space<semaphore_mem>>
        %dma_start3A = tpu.memref_slice %arg8[%mul3A_265] : memref<160000xf32, #tpu.memory_space<hbm>> -> memref<128xf32, #tpu.memory_space<hbm>>
        %dma_start3A_267 = tpu.memref_slice %arg8[%mul3A_265] : memref<160000xf32, #tpu.memory_space<hbm>> -> memref<128xf32, #tpu.memory_space<hbm>>
        tpu.enqueue_dma source(%arg12 : memref<128xf32, #tpu.memory_space<vmem>>) target(%dma_start3A_267 : memref<128xf32, #tpu.memory_space<hbm>>) target_semaphore(%run_scoped3A_266 : memref<!tpu.dma_semaphore, #tpu.memory_space<semaphore_mem>>)
        %dma_wait3A = tpu.memref_slice %arg8[%mul3A_265] : memref<160000xf32, #tpu.memory_space<hbm>> -> memref<128xf32, #tpu.memory_space<hbm>>
        %dma_wait3A_268 = tpu.memref_slice %arg8[%mul3A_265] : memref<160000xf32, #tpu.memory_space<hbm>> -> memref<128xf32, #tpu.memory_space<hbm>>
        tpu.wait_dma2 semaphore(%run_scoped3A_266 : memref<!tpu.dma_semaphore, #tpu.memory_space<semaphore_mem>>) src(%arg12 : memref<128xf32, #tpu.memory_space<vmem>>) dst(%dma_wait3A_268 : memref<128xf32, #tpu.memory_space<hbm>>)
        tpu.yield
      }) : () -> ()
    } else {
    }
    return
  }
}

module attributes {stable_mosaic.version = 14 : i64} {
  func.func @body(%arg0: memref<10000x128xf32, #tpu.memory_space<vmem>>, %arg1: memref<128x256xf32, #tpu.memory_space<vmem>>, %arg2: memref<10240xf32, #tpu.memory_space<vmem>>, %arg3: memref<10000x1xf32, #tpu.memory_space<vmem>>, %arg4: memref<2x10240x128xf32, #tpu.memory_space<vmem>>, %arg5: memref<10240xf32, #tpu.memory_space<vmem>>) attributes {dimension_semantics = [], scalar_prefetch = 0 : i64, scratch_operands = 0 : i64, tpu.core_type = #tpu.core_type<tc>} {
    %get3A = arith.constant 0 : index
    %get3A_0 = vector.load %arg2[%get3A] : memref<10240xf32, #tpu.memory_space<vmem>>, vector<10240xf32>
    %add3A = arith.constant 1.000000e+00 : f32
    %add3A_1 = vector.broadcast %add3A : f32 to vector<10240xf32>
    %add3A_2 = arith.addf %get3A_0, %add3A_1 : vector<10240xf32>
    %rsqrt3A = math.rsqrt %add3A_2 : vector<10240xf32>
    %swap3A = arith.constant 0 : index
    %swap3A_3 = vector.load %arg5[%swap3A] : memref<10240xf32, #tpu.memory_space<vmem>>, vector<10240xf32>
    tpu.vector_store %arg5[%swap3A], %rsqrt3A {strides = array<i32>} : memref<10240xf32, #tpu.memory_space<vmem>>, vector<10240xf32>,
    %get3A_4 = arith.constant 0 : index
    %get3A_5 = arith.constant 0 : index
    %get3A_6 = vector.load %arg3[%get3A_4, %get3A_5] : memref<10000x1xf32, #tpu.memory_space<vmem>>, vector<10000x1xf32>
    %add3A_7 = arith.constant 1.000000e+00 : f32
    %add3A_8 = vector.broadcast %add3A_7 : f32 to vector<10000x1xf32>
    %add3A_9 = arith.addf %get3A_6, %add3A_8 : vector<10000x1xf32>
    %rsqrt3A_10 = math.rsqrt %add3A_9 : vector<10000x1xf32>
    %get3A_11 = arith.constant 0 : index
    %get3A_12 = arith.constant 0 : index
    %get3A_13 = vector.load %arg0[%get3A_11, %get3A_12] : memref<10000x128xf32, #tpu.memory_space<vmem>>, vector<10000x128xf32>
    %get3A_14 = arith.constant 0 : index
    %get3A_15 = arith.constant 0 : index
    %get3A_16 = vector.load %arg1[%get3A_14, %get3A_15] : memref<128x256xf32, #tpu.memory_space<vmem>>, vector<128x256xf32>
    %dot_general3A = arith.constant dense<0.000000e+00> : vector<10000x256xf32>
    %dot_general3A_17 = tpu.matmul %get3A_13, %get3A_16, %dot_general3A {dimension_numbers = #tpu.dot_dimension_numbers<[1], [0], [0], [1], [0, 0, 1, 1], [], []>, transpose_lhs_hint = false} : vector<10000x128xf32>, vector<128x256xf32>, vector<10000x256xf32> -> vector<10000x256xf32>
    %mul3A = vector.broadcast %rsqrt3A_10 : vector<10000x1xf32> to vector<10000x256xf32>
    %mul3A_18 = arith.mulf %dot_general3A_17, %mul3A : vector<10000x256xf32>
    %slice3A = vector.extract_strided_slice %mul3A_18 {offsets = [0, 0], sizes = [10000, 128], strides = [1, 1]} : vector<10000x256xf32> to vector<10000x128xf32>
    %swap3A_19 = arith.constant 0 : index
    %swap3A_20 = arith.constant 0 : index
    %swap3A_21 = arith.constant 0 : index
    %swap3A_22 = vector.load %arg4[%swap3A_19, %swap3A_20, %swap3A_21] : memref<2x10240x128xf32, #tpu.memory_space<vmem>>, vector<1x10000x128xf32>
    %swap3A_23 = vector.shape_cast %swap3A_22 : vector<1x10000x128xf32> to vector<10000x128xf32>
    %swap3A_24 = vector.shape_cast %slice3A : vector<10000x128xf32> to vector<1x10000x128xf32>
    tpu.vector_store %arg4[%swap3A_19, %swap3A_20, %swap3A_21], %swap3A_24 {strides = array<i32>} : memref<2x10240x128xf32, #tpu.memory_space<vmem>>, vector<1x10000x128xf32>,
    %slice3A_25 = vector.extract_strided_slice %mul3A_18 {offsets = [0, 128], sizes = [10000, 128], strides = [1, 1]} : vector<10000x256xf32> to vector<10000x128xf32>
    %swap3A_26 = arith.constant 1 : index
    %swap3A_27 = arith.constant 0 : index
    %swap3A_28 = arith.constant 0 : index
    %swap3A_29 = vector.load %arg4[%swap3A_26, %swap3A_27, %swap3A_28] : memref<2x10240x128xf32, #tpu.memory_space<vmem>>, vector<1x10000x128xf32>
    %swap3A_30 = vector.shape_cast %swap3A_29 : vector<1x10000x128xf32> to vector<10000x128xf32>
    %swap3A_31 = vector.shape_cast %slice3A_25 : vector<10000x128xf32> to vector<1x10000x128xf32>
    tpu.vector_store %arg4[%swap3A_26, %swap3A_27, %swap3A_28], %swap3A_31 {strides = array<i32>} : memref<2x10240x128xf32, #tpu.memory_space<vmem>>, vector<1x10000x128xf32>,
    return
  }
}

module attributes {stable_mosaic.version = 14 : i64} {
  func.func @body(%arg0: memref<2x10240x128xf32, #tpu.memory_space<vmem>>, %arg1: memref<10000x1xf32, #tpu.memory_space<vmem>>, %arg2: memref<2x128xf32, #tpu.memory_space<vmem>>, %arg3: memref<2x128xf32, #tpu.memory_space<vmem>>, %arg4: memref<2x128xf32, #tpu.memory_space<vmem>>, %arg5: memref<256x256xf32, #tpu.memory_space<vmem>>, %arg6: memref<2x10240x128xf32, #tpu.memory_space<vmem>>) attributes {dimension_semantics = [], scalar_prefetch = 0 : i64, scratch_operands = 0 : i64, tpu.core_type = #tpu.core_type<tc>} {
    %get3A = arith.constant 0 : index
    %get3A_0 = arith.constant 0 : index
    %get3A_1 = vector.load %arg1[%get3A, %get3A_0] : memref<10000x1xf32, #tpu.memory_space<vmem>>, vector<10000x1xf32>
    %add3A = arith.constant 1.000000e+00 : f32
    %add3A_2 = vector.broadcast %add3A : f32 to vector<10000x1xf32>
    %add3A_3 = arith.addf %get3A_1, %add3A_2 : vector<10000x1xf32>
    %rsqrt3A = math.rsqrt %add3A_3 : vector<10000x1xf32>
    %get3A_4 = arith.constant 0 : index
    %get3A_5 = arith.constant 0 : index
    %get3A_6 = arith.constant 0 : index
    %get3A_7 = vector.load %arg0[%get3A_4, %get3A_5, %get3A_6] : memref<2x10240x128xf32, #tpu.memory_space<vmem>>, vector<1x10000x128xf32>
    %get3A_8 = vector.shape_cast %get3A_7 : vector<1x10000x128xf32> to vector<10000x128xf32>
    %mul3A = vector.broadcast %rsqrt3A : vector<10000x1xf32> to vector<10000x128xf32>
    %mul3A_9 = arith.mulf %get3A_8, %mul3A : vector<10000x128xf32>
    %get3A_10 = arith.constant 0 : index
    %get3A_11 = arith.constant 0 : index
    %get3A_12 = vector.load %arg2[%get3A_10, %get3A_11] : memref<2x128xf32, #tpu.memory_space<vmem>>, vector<1x128xf32>
    %add3A_13 = vector.broadcast %get3A_12 : vector<1x128xf32> to vector<10000x128xf32>
    %add3A_14 = arith.addf %mul3A_9, %add3A_13 : vector<10000x128xf32>
    %reduce_sum3A = arith.constant dense<0.000000e+00> : vector<128xf32>
    %reduce_sum3A_15 = vector.multi_reduction <add>, %add3A_14, %reduce_sum3A [0] : vector<10000x128xf32> to vector<128xf32>
    %broadcast_in_dim3A = vector.shape_cast %reduce_sum3A_15 : vector<128xf32> to vector<1x128xf32>
    %div3A = arith.constant 1.000000e+04 : f32
    %div3A_16 = vector.broadcast %div3A : f32 to vector<1x128xf32>
    %div3A_17 = arith.divf %broadcast_in_dim3A, %div3A_16 : vector<1x128xf32>
    %sub3A = vector.broadcast %div3A_17 : vector<1x128xf32> to vector<10000x128xf32>
    %sub3A_18 = arith.subf %add3A_14, %sub3A : vector<10000x128xf32>
    %integer_pow3A = arith.mulf %sub3A_18, %sub3A_18 : vector<10000x128xf32>
    %reduce_sum3A_19 = arith.constant dense<0.000000e+00> : vector<128xf32>
    %reduce_sum3A_20 = vector.multi_reduction <add>, %integer_pow3A, %reduce_sum3A_19 [0] : vector<10000x128xf32> to vector<128xf32>
    %broadcast_in_dim3A_21 = vector.shape_cast %reduce_sum3A_20 : vector<128xf32> to vector<1x128xf32>
    %div3A_22 = arith.constant 1.000000e+04 : f32
    %div3A_23 = vector.broadcast %div3A_22 : f32 to vector<1x128xf32>
    %div3A_24 = arith.divf %broadcast_in_dim3A_21, %div3A_23 : vector<1x128xf32>
    %sub3A_25 = vector.broadcast %div3A_17 : vector<1x128xf32> to vector<10000x128xf32>
    %sub3A_26 = arith.subf %add3A_14, %sub3A_25 : vector<10000x128xf32>
    %add3A_27 = arith.constant 9.99999974E-6 : f32
    %add3A_28 = vector.broadcast %add3A_27 : f32 to vector<1x128xf32>
    %add3A_29 = arith.addf %div3A_24, %add3A_28 : vector<1x128xf32>
    %rsqrt3A_30 = math.rsqrt %add3A_29 : vector<1x128xf32>
    %mul3A_31 = vector.broadcast %rsqrt3A_30 : vector<1x128xf32> to vector<10000x128xf32>
    %mul3A_32 = arith.mulf %sub3A_26, %mul3A_31 : vector<10000x128xf32>
    %get3A_33 = arith.constant 0 : index
    %get3A_34 = arith.constant 0 : index
    %get3A_35 = vector.load %arg3[%get3A_33, %get3A_34] : memref<2x128xf32, #tpu.memory_space<vmem>>, vector<1x128xf32>
    %mul3A_36 = vector.broadcast %get3A_35 : vector<1x128xf32> to vector<10000x128xf32>
    %mul3A_37 = arith.mulf %mul3A_32, %mul3A_36 : vector<10000x128xf32>
    %get3A_38 = arith.constant 0 : index
    %get3A_39 = arith.constant 0 : index
    %get3A_40 = vector.load %arg4[%get3A_38, %get3A_39] : memref<2x128xf32, #tpu.memory_space<vmem>>, vector<1x128xf32>
    %add3A_41 = vector.broadcast %get3A_40 : vector<1x128xf32> to vector<10000x128xf32>
    %add3A_42 = arith.addf %mul3A_37, %add3A_41 : vector<10000x128xf32>
    %max3A = arith.constant 0.000000e+00 : f32
    %max3A_43 = vector.broadcast %max3A : f32 to vector<10000x128xf32>
    %max3A_44 = arith.maximumf %add3A_42, %max3A_43 : vector<10000x128xf32>
    %get3A_45 = arith.constant 1 : index
    %get3A_46 = arith.constant 0 : index
    %get3A_47 = arith.constant 0 : index
    %get3A_48 = vector.load %arg0[%get3A_45, %get3A_46, %get3A_47] : memref<2x10240x128xf32, #tpu.memory_space<vmem>>, vector<1x10000x128xf32>
    %get3A_49 = vector.shape_cast %get3A_48 : vector<1x10000x128xf32> to vector<10000x128xf32>
    %mul3A_50 = vector.broadcast %rsqrt3A : vector<10000x1xf32> to vector<10000x128xf32>
    %mul3A_51 = arith.mulf %get3A_49, %mul3A_50 : vector<10000x128xf32>
    %get3A_52 = arith.constant 1 : index
    %get3A_53 = arith.constant 0 : index
    %get3A_54 = vector.load %arg2[%get3A_52, %get3A_53] : memref<2x128xf32, #tpu.memory_space<vmem>>, vector<1x128xf32>
    %add3A_55 = vector.broadcast %get3A_54 : vector<1x128xf32> to vector<10000x128xf32>
    %add3A_56 = arith.addf %mul3A_51, %add3A_55 : vector<10000x128xf32>
    %reduce_sum3A_57 = arith.constant dense<0.000000e+00> : vector<128xf32>
    %reduce_sum3A_58 = vector.multi_reduction <add>, %add3A_56, %reduce_sum3A_57 [0] : vector<10000x128xf32> to vector<128xf32>
    %broadcast_in_dim3A_59 = vector.shape_cast %reduce_sum3A_58 : vector<128xf32> to vector<1x128xf32>
    %div3A_60 = arith.constant 1.000000e+04 : f32
    %div3A_61 = vector.broadcast %div3A_60 : f32 to vector<1x128xf32>
    %div3A_62 = arith.divf %broadcast_in_dim3A_59, %div3A_61 : vector<1x128xf32>
    %sub3A_63 = vector.broadcast %div3A_62 : vector<1x128xf32> to vector<10000x128xf32>
    %sub3A_64 = arith.subf %add3A_56, %sub3A_63 : vector<10000x128xf32>
    %integer_pow3A_65 = arith.mulf %sub3A_64, %sub3A_64 : vector<10000x128xf32>
    %reduce_sum3A_66 = arith.constant dense<0.000000e+00> : vector<128xf32>
    %reduce_sum3A_67 = vector.multi_reduction <add>, %integer_pow3A_65, %reduce_sum3A_66 [0] : vector<10000x128xf32> to vector<128xf32>
    %broadcast_in_dim3A_68 = vector.shape_cast %reduce_sum3A_67 : vector<128xf32> to vector<1x128xf32>
    %div3A_69 = arith.constant 1.000000e+04 : f32
    %div3A_70 = vector.broadcast %div3A_69 : f32 to vector<1x128xf32>
    %div3A_71 = arith.divf %broadcast_in_dim3A_68, %div3A_70 : vector<1x128xf32>
    %sub3A_72 = vector.broadcast %div3A_62 : vector<1x128xf32> to vector<10000x128xf32>
    %sub3A_73 = arith.subf %add3A_56, %sub3A_72 : vector<10000x128xf32>
    %add3A_74 = arith.constant 9.99999974E-6 : f32
    %add3A_75 = vector.broadcast %add3A_74 : f32 to vector<1x128xf32>
    %add3A_76 = arith.addf %div3A_71, %add3A_75 : vector<1x128xf32>
    %rsqrt3A_77 = math.rsqrt %add3A_76 : vector<1x128xf32>
    %mul3A_78 = vector.broadcast %rsqrt3A_77 : vector<1x128xf32> to vector<10000x128xf32>
    %mul3A_79 = arith.mulf %sub3A_73, %mul3A_78 : vector<10000x128xf32>
    %get3A_80 = arith.constant 1 : index
    %get3A_81 = arith.constant 0 : index
    %get3A_82 = vector.load %arg3[%get3A_80, %get3A_81] : memref<2x128xf32, #tpu.memory_space<vmem>>, vector<1x128xf32>
    %mul3A_83 = vector.broadcast %get3A_82 : vector<1x128xf32> to vector<10000x128xf32>
    %mul3A_84 = arith.mulf %mul3A_79, %mul3A_83 : vector<10000x128xf32>
    %get3A_85 = arith.constant 1 : index
    %get3A_86 = arith.constant 0 : index
    %get3A_87 = vector.load %arg4[%get3A_85, %get3A_86] : memref<2x128xf32, #tpu.memory_space<vmem>>, vector<1x128xf32>
    %add3A_88 = vector.broadcast %get3A_87 : vector<1x128xf32> to vector<10000x128xf32>
    %add3A_89 = arith.addf %mul3A_84, %add3A_88 : vector<10000x128xf32>
    %max3A_90 = arith.constant 0.000000e+00 : f32
    %max3A_91 = vector.broadcast %max3A_90 : f32 to vector<10000x128xf32>
    %max3A_92 = arith.maximumf %add3A_89, %max3A_91 : vector<10000x128xf32>
    %get3A_93 = arith.constant 0 : index
    %get3A_94 = arith.constant 0 : index
    %get3A_95 = vector.load %arg5[%get3A_93, %get3A_94] : memref<256x256xf32, #tpu.memory_space<vmem>>, vector<128x256xf32>
    %dot_general3A = arith.constant dense<0.000000e+00> : vector<10000x256xf32>
    %dot_general3A_96 = tpu.matmul %max3A_44, %get3A_95, %dot_general3A {dimension_numbers = #tpu.dot_dimension_numbers<[1], [0], [0], [1], [0, 0, 1, 1], [], []>, transpose_lhs_hint = false} : vector<10000x128xf32>, vector<128x256xf32>, vector<10000x256xf32> -> vector<10000x256xf32>
    %get3A_97 = arith.constant 128 : index
    %get3A_98 = arith.constant 0 : index
    %get3A_99 = vector.load %arg5[%get3A_97, %get3A_98] : memref<256x256xf32, #tpu.memory_space<vmem>>, vector<128x256xf32>
    %dot_general3A_100 = arith.constant dense<0.000000e+00> : vector<10000x256xf32>
    %dot_general3A_101 = tpu.matmul %max3A_92, %get3A_99, %dot_general3A_100 {dimension_numbers = #tpu.dot_dimension_numbers<[1], [0], [0], [1], [0, 0, 1, 1], [], []>, transpose_lhs_hint = false} : vector<10000x128xf32>, vector<128x256xf32>, vector<10000x256xf32> -> vector<10000x256xf32>
    %add3A_102 = arith.addf %dot_general3A_96, %dot_general3A_101 : vector<10000x256xf32>
    %mul3A_103 = vector.broadcast %rsqrt3A : vector<10000x1xf32> to vector<10000x256xf32>
    %mul3A_104 = arith.mulf %add3A_102, %mul3A_103 : vector<10000x256xf32>
    %slice3A = vector.extract_strided_slice %mul3A_104 {offsets = [0, 0], sizes = [10000, 128], strides = [1, 1]} : vector<10000x256xf32> to vector<10000x128xf32>
    %swap3A = arith.constant 0 : index
    %swap3A_105 = arith.constant 0 : index
    %swap3A_106 = arith.constant 0 : index
    %swap3A_107 = vector.load %arg6[%swap3A, %swap3A_105, %swap3A_106] : memref<2x10240x128xf32, #tpu.memory_space<vmem>>, vector<1x10000x128xf32>
    %swap3A_108 = vector.shape_cast %swap3A_107 : vector<1x10000x128xf32> to vector<10000x128xf32>
    %swap3A_109 = vector.shape_cast %slice3A : vector<10000x128xf32> to vector<1x10000x128xf32>
    tpu.vector_store %arg6[%swap3A, %swap3A_105, %swap3A_106], %swap3A_109 {strides = array<i32>} : memref<2x10240x128xf32, #tpu.memory_space<vmem>>, vector<1x10000x128xf32>,
    %slice3A_110 = vector.extract_strided_slice %mul3A_104 {offsets = [0, 128], sizes = [10000, 128], strides = [1, 1]} : vector<10000x256xf32> to vector<10000x128xf32>
    %swap3A_111 = arith.constant 1 : index
    %swap3A_112 = arith.constant 0 : index
    %swap3A_113 = arith.constant 0 : index
    %swap3A_114 = vector.load %arg6[%swap3A_111, %swap3A_112, %swap3A_113] : memref<2x10240x128xf32, #tpu.memory_space<vmem>>, vector<1x10000x128xf32>
    %swap3A_115 = vector.shape_cast %swap3A_114 : vector<1x10000x128xf32> to vector<10000x128xf32>
    %swap3A_116 = vector.shape_cast %slice3A_110 : vector<10000x128xf32> to vector<1x10000x128xf32>
    tpu.vector_store %arg6[%swap3A_111, %swap3A_112, %swap3A_113], %swap3A_116 {strides = array<i32>} : memref<2x10240x128xf32, #tpu.memory_space<vmem>>, vector<1x10000x128xf32>,
    return
  }
}

module attributes {stable_mosaic.version = 14 : i64} {
  func.func @body(%arg0: memref<2x10240x128xf32, #tpu.memory_space<vmem>>, %arg1: memref<10000x1xf32, #tpu.memory_space<vmem>>, %arg2: memref<2x128xf32, #tpu.memory_space<vmem>>, %arg3: memref<256x2xf32, #tpu.memory_space<vmem>>, %arg4: memref<10000x2xf32, #tpu.memory_space<vmem>>) attributes {dimension_semantics = [], scalar_prefetch = 0 : i64, scratch_operands = 0 : i64, tpu.core_type = #tpu.core_type<tc>} {
    %get3A = arith.constant 0 : index
    %get3A_0 = arith.constant 0 : index
    %get3A_1 = vector.load %arg1[%get3A, %get3A_0] : memref<10000x1xf32, #tpu.memory_space<vmem>>, vector<10000x1xf32>
    %add3A = arith.constant 1.000000e+00 : f32
    %add3A_2 = vector.broadcast %add3A : f32 to vector<10000x1xf32>
    %add3A_3 = arith.addf %get3A_1, %add3A_2 : vector<10000x1xf32>
    %rsqrt3A = math.rsqrt %add3A_3 : vector<10000x1xf32>
    %get3A_4 = arith.constant 0 : index
    %get3A_5 = arith.constant 0 : index
    %get3A_6 = arith.constant 0 : index
    %get3A_7 = vector.load %arg0[%get3A_4, %get3A_5, %get3A_6] : memref<2x10240x128xf32, #tpu.memory_space<vmem>>, vector<1x10000x128xf32>
    %get3A_8 = vector.shape_cast %get3A_7 : vector<1x10000x128xf32> to vector<10000x128xf32>
    %mul3A = vector.broadcast %rsqrt3A : vector<10000x1xf32> to vector<10000x128xf32>
    %mul3A_9 = arith.mulf %get3A_8, %mul3A : vector<10000x128xf32>
    %get3A_10 = arith.constant 0 : index
    %get3A_11 = arith.constant 0 : index
    %get3A_12 = vector.load %arg2[%get3A_10, %get3A_11] : memref<2x128xf32, #tpu.memory_space<vmem>>, vector<1x128xf32>
    %add3A_13 = vector.broadcast %get3A_12 : vector<1x128xf32> to vector<10000x128xf32>
    %add3A_14 = arith.addf %mul3A_9, %add3A_13 : vector<10000x128xf32>
    %max3A = arith.constant 0.000000e+00 : f32
    %max3A_15 = vector.broadcast %max3A : f32 to vector<10000x128xf32>
    %max3A_16 = arith.maximumf %add3A_14, %max3A_15 : vector<10000x128xf32>
    %get3A_17 = arith.constant 1 : index
    %get3A_18 = arith.constant 0 : index
    %get3A_19 = arith.constant 0 : index
    %get3A_20 = vector.load %arg0[%get3A_17, %get3A_18, %get3A_19] : memref<2x10240x128xf32, #tpu.memory_space<vmem>>, vector<1x10000x128xf32>
    %get3A_21 = vector.shape_cast %get3A_20 : vector<1x10000x128xf32> to vector<10000x128xf32>
    %mul3A_22 = vector.broadcast %rsqrt3A : vector<10000x1xf32> to vector<10000x128xf32>
    %mul3A_23 = arith.mulf %get3A_21, %mul3A_22 : vector<10000x128xf32>
    %get3A_24 = arith.constant 1 : index
    %get3A_25 = arith.constant 0 : index
    %get3A_26 = vector.load %arg2[%get3A_24, %get3A_25] : memref<2x128xf32, #tpu.memory_space<vmem>>, vector<1x128xf32>
    %add3A_27 = vector.broadcast %get3A_26 : vector<1x128xf32> to vector<10000x128xf32>
    %add3A_28 = arith.addf %mul3A_23, %add3A_27 : vector<10000x128xf32>
    %max3A_29 = arith.constant 0.000000e+00 : f32
    %max3A_30 = vector.broadcast %max3A_29 : f32 to vector<10000x128xf32>
    %max3A_31 = arith.maximumf %add3A_28, %max3A_30 : vector<10000x128xf32>
    %get3A_32 = arith.constant 0 : index
    %get3A_33 = arith.constant 0 : index
    %get3A_34 = vector.load %arg3[%get3A_32, %get3A_33] : memref<256x2xf32, #tpu.memory_space<vmem>>, vector<128x2xf32>
    %dot_general3A = arith.constant dense<0.000000e+00> : vector<10000x2xf32>
    %dot_general3A_35 = tpu.matmul %max3A_16, %get3A_34, %dot_general3A {dimension_numbers = #tpu.dot_dimension_numbers<[1], [0], [0], [1], [0, 0, 1, 1], [], []>, transpose_lhs_hint = false} : vector<10000x128xf32>, vector<128x2xf32>, vector<10000x2xf32> -> vector<10000x2xf32>
    %get3A_36 = arith.constant 128 : index
    %get3A_37 = arith.constant 0 : index
    %get3A_38 = vector.load %arg3[%get3A_36, %get3A_37] : memref<256x2xf32, #tpu.memory_space<vmem>>, vector<128x2xf32>
    %dot_general3A_39 = arith.constant dense<0.000000e+00> : vector<10000x2xf32>
    %dot_general3A_40 = tpu.matmul %max3A_31, %get3A_38, %dot_general3A_39 {dimension_numbers = #tpu.dot_dimension_numbers<[1], [0], [0], [1], [0, 0, 1, 1], [], []>, transpose_lhs_hint = false} : vector<10000x128xf32>, vector<128x2xf32>, vector<10000x2xf32> -> vector<10000x2xf32>
    %add3A_41 = arith.addf %dot_general3A_35, %dot_general3A_40 : vector<10000x2xf32>
    %swap3A = arith.constant 0 : index
    %swap3A_42 = arith.constant 0 : index
    %swap3A_43 = vector.load %arg4[%swap3A, %swap3A_42] : memref<10000x2xf32, #tpu.memory_space<vmem>>, vector<10000x2xf32>
    tpu.vector_store %arg4[%swap3A, %swap3A_42], %add3A_41 {strides = array<i32>} : memref<10000x2xf32, #tpu.memory_space<vmem>>, vector<10000x2xf32>,
    return
  }
}

</mosaic_0001>

<sc_bundles>
// kernel: kernel.10.cloned.1.call-start
scs
__scs_entry_jumppad:
0x0: {  	(pc) =	sbr.rel $0x88, $3  }
0x1: {  	(tag) =	ssettag $0x0;
	lr =	simm.s32 $0x1  }
0x2: {  	[smem:$0x3F97] =	sst lr;
	_ =	strace $0xD0000000  }
0x3: {  	_ = 	snop  }
0x4: {  	_ = 	snop  }
0x5: {  	_ = 	snop  }
0x6: {  	_ = 	snop  }
0x7: {  	_ = 	snop  }
__scs_overlays_trampoline_lowered:
0x8: {  	[smem:$0x3FA6] =	sst s0  }
0x9: {  	[smem:$0x3FA7] =	sst s1  }
0xa: {  	[smem:$0x3FA8] =	sst s2  }
0xb: {  	[smem:$0x3FA9] =	sst s3  }
0xc: {  	[smem:$0x3FAA] =	sst s4  }
0xd: {  	[smem:$0x3FAB] =	sst s5  }
0xe: {  	[smem:$0x3FAC] =	sst s6  }
0xf: {  	[smem:$0x3FAD] =	sst s7  }
0x10: {  	[smem:$0x3FAE] =	sst s8  }
0x11: {  	[smem:$0x3FAF] =	sst s9;
	s0 =	simm.s32 @!p0 $0x0  }
0x12: {  	s1 =	sld [smem:$0x3F95];
	s0 =	simm.s32 @p0 $0x1  }
0x13: {  	[smem:$0x3FB0] =	sst s0;
	s0 =	simm.s32 @!p1 $0x0  }
0x14: {  	s2 =	sld [smem:$0x3F94];
	s0 =	simm.s32 @p1 $0x1  }
0x15: {  	[smem:$0x3FB1] =	sst s0;
	s0 =	simm.s32 @!p2 $0x0  }
0x16: {  	s3 =	sld [smem:$0x3FDB];
	s0 =	simm.s32 @p2 $0x1  }
0x17: {  	s4 =	simm.s32 $0x1BF5;
	[smem:$0x3FB3] =	sst s0  }
0x18: {  	s0 =	sld [smem:$0x3F96];
	_ =	swait.ge [sflag:s4], $0x0  }
0x19: {  	s7 =	sld [smem:$0x3F97]  }
0x1a: {  	s8 =	sadd.s32 $0xFFFFE003, lr  }
0x1b: {  	s9 =	sadd.s32 $0xFFFFFEF7, lr;
	s5 =	simm.s32 $0xFFFFFFFF;
	p2 =	slt.u32 s8, $0xFFFFF086  }
0x1c: {  	p1 =	slt.u32 s9, $0xF7A;
	s5 =	simm.s32 @!p2 $0x0  }
0x1d: {  	s5 =	simm.s32 @p1 $0x1;
	p0 =	seq.s32 s7, s2  }
0x1e: {  	s7 =	smul.u32 @!p0 $0xF7A, s2;
	p2 =	seq.s32 @!p0 s5, $0x0  }
0x1f: {  	s9 =	smul.u32 $0xF7A, s1;
	s8 =	simm.s32 @!p0 $0x1BF5;
	p2 =	por !p2, p0  }
0x20: {  	[sflag:s8] =	ssyncset.s32 @!p0 $0xFFFFF086;
	s6 =	sadd.s32 @!p0 s3, s7;
	s7 =	simm.s32 @!p0 $0x108  }
0x21: {  	s3 =	sadd.s32 s3, s9;
	s6 =	sadd.s32 @!p0 $0x88, s6;
	s7 =	simm.s32 @p2 $0x1082  }
0x22: {  	[simem:s7], [sflag:s8] =	dma.local @!p0 [hbm:s6], $0xF7A  }
0x23: {  	s9 =	sor.u32 $0xD0000000, s2;
	s6 =	simm.s32 $0x108;
	_ =	swait.ge @!p0 [sflag:s8], $0x0  }
0x24: {  	s3 =	sadd.s32 $0x88, s3;
	s6 =	simm.s32 @!p1 $0x1082;
	[sflag:s4] =	ssyncset.s32 $0xFFFFF086  }
0x25: {  	[simem:s6], [sflag:s4] =	dma.local [hbm:s3], $0xF7A  }
0x26: {  	[smem:$0x3F97] =	sst s1;
	(tag) =	ssettag s2;
	_ =	strace s9  }
0x27: {  	s1 =	sld [smem:$0x3FA7]  }
0x28: {  	s2 =	sld [smem:$0x3FA8]  }
0x29: {  	s4 =	sld [smem:$0x3FAA]  }
0x2a: {  	p0 =	seq.s32 s5, $0x0;
	s5 =	sld [smem:$0x3FAB]  }
0x2b: {  	s6 =	sld [smem:$0x3FAC]  }
0x2c: {  	s7 =	sld [smem:$0x3FAD]  }
0x2d: {  	s3 =	simm.s32 $0x108;
	s8 =	sld [smem:$0x3FAE]  }
0x2e: {  	s3 =	simm.s32 @!p0 $0x1082;
	s9 =	sld [smem:$0x3FAF]  }
0x2f: {  	lr =	sadd.s32 s0, s3;
	s0 =	sld [smem:$0x3FA6]  }
0x30: {  	s3 =	sld [smem:$0x3FA9]  }
0x31: {  	[smem:$0x3FB2] =	sst s10  }
0x32: {  	s10 =	sld [smem:$0x3FB0];
	_ =	sdelay $0x3  }
0x33: {  	p0 =	seq.s32 s10, $0x1;
	s10 =	sld [smem:$0x3FB2];
	_ =	sdelay $0x3  }
0x34: {  	[smem:$0x3FB2] =	sst s10  }
0x35: {  	s10 =	sld [smem:$0x3FB1];
	_ =	sdelay $0x3  }
0x36: {  	p1 =	seq.s32 s10, $0x1;
	s10 =	sld [smem:$0x3FB2];
	_ =	sdelay $0x3  }
0x37: {  	[smem:$0x3FB2] =	sst s10  }
0x38: {  	s10 =	sld [smem:$0x3FB3]  }
0x39: {  	_ = 	snop;
	(pc) =	sbr.ind lr, $3  }
0x3a: {  	_ = 	snop  }
0x3b: {  	_ = 	snop  }
0x3c: {  	p2 =	seq.s32 s10, $0x1;
	s10 =	sld [smem:$0x3FB2]  }
0x3d: {  	_ =	shalt  }
0x3e: {  	_ =	shalt  }
0x3f: {  	_ =	shalt  }
0x40: {  	_ =	shalt  }
0x41: {  	_ =	shalt  }
0x42: {  	_ =	shalt  }
0x43: {  	_ =	shalt  }
0x44: {  	_ =	shalt  }
0x45: {  	_ =	shalt  }
0x46: {  	_ =	shalt  }
0x47: {  	_ =	shalt  }
0x48: {  	_ =	shalt  }
0x49: {  	_ =	shalt  }
0x4a: {  	_ =	shalt  }
0x4b: {  	_ =	shalt  }
0x4c: {  	_ =	shalt  }
0x4d: {  	_ =	shalt  }
0x4e: {  	_ =	shalt  }
0x4f: {  	_ =	shalt  }
0x50: {  	_ =	shalt  }
0x51: {  	_ =	shalt  }
0x52: {  	_ =	shalt  }
0x53: {  	_ =	shalt  }
0x54: {  	_ =	shalt  }
0x55: {  	_ =	shalt  }
0x56: {  	_ =	shalt  }
0x57: {  	_ =	shalt  }
0x58: {  	_ =	shalt  }
0x59: {  	_ =	shalt  }
0x5a: {  	_ =	shalt  }
0x5b: {  	_ =	shalt  }
0x5c: {  	_ =	shalt  }
0x5d: {  	_ =	shalt  }
0x5e: {  	_ =	shalt  }
0x5f: {  	_ =	shalt  }
0x60: {  	_ =	shalt  }
0x61: {  	_ =	shalt  }
0x62: {  	_ =	shalt  }
0x63: {  	_ =	shalt  }
0x64: {  	_ =	shalt  }
0x65: {  	_ =	shalt  }
0x66: {  	_ =	shalt  }
0x67: {  	_ =	shalt  }
0x68: {  	_ =	shalt  }
0x69: {  	_ =	shalt  }
0x6a: {  	_ =	shalt  }
0x6b: {  	_ =	shalt  }
0x6c: {  	_ =	shalt  }
0x6d: {  	_ =	shalt  }
0x6e: {  	_ =	shalt  }
0x6f: {  	_ =	shalt  }
0x70: {  	_ =	shalt  }
0x71: {  	_ =	shalt  }
0x72: {  	_ =	shalt  }
0x73: {  	_ =	shalt  }
0x74: {  	_ =	shalt  }
0x75: {  	_ =	shalt  }
0x76: {  	_ =	shalt  }
0x77: {  	_ =	shalt  }
0x78: {  	_ =	shalt  }
0x79: {  	_ =	shalt  }
0x7a: {  	_ =	shalt  }
0x7b: {  	_ =	shalt  }
0x7c: {  	_ =	shalt  }
0x7d: {  	_ =	shalt  }
0x7e: {  	_ =	shalt  }
0x7f: {  	_ =	shalt  }
0x80: {  	_ =	shalt  }
0x81: {  	_ =	shalt  }
0x82: {  	_ =	shalt  }
0x83: {  	_ =	shalt  }
0x84: {  	_ =	shalt  }
0x85: {  	_ =	shalt  }
0x86: {  	_ =	shalt  }
0x87: {  	_ =	shalt  }
.Lfunc_end0:
.L_simem_size_0:
called_computation_lowered:
.L_overlay_start_0:
0x88: {  	s2 =	sld [smem:$0x3FD9]  }
0x89: {  	s3 =	sld [smem:$0x3FFE];
	_ =	sdelay $0x1  }
0x8a: {  	s1 =	srdreg.scid  }
0x8b: {  	s0 =	sand.u32 $0x1, s1  }
0x8c: {  	s17 =	sshll.u32 s0, $0xA;
	s2 =	sadd.s32 s3, s2  }
0x8d: {  	s2 =	sadd.s32 s2, s17  }
0x8e: {  	[smem:$0x3FBE] =	sst s2  }
0x8f: {  	_ = 	snop  }
0x90: {  	s2 =	sld [smem:$0x3FD0];
	(tm) =	ssettm $0x1  }
0x91: {  	s18 =	sld [smem:$0x3FFB];
	_ =	sdelay $0x3  }
0x92: {  	_ =	strace s18  }
0x93: {  	s3 =	sld [smem:$0x3FFC];
	_ =	sdelay $0x3  }
0x94: {  	_ =	strace s3  }
0x95: {  	s3 =	sld [smem:$0x3FFD];
	_ =	sdelay $0x3  }
0x96: {  	_ =	strace s3  }
0x97: {  	_ =	strace $0x8FFFFFFF  }
0x98: {  	s19 =	sld [smem:$0x3FDB];
	_ =	sdelay $0x1  }
0x99: {  	s4 =	simm.s32 $_scs_section_size  }
0x9a: {  	s5 =	simm.s32 $_size__tile_overlayer_lowered;
	s6 =	simm.s32 $_tile_overlayer_lowered  }
0x9b: {  	s22 =	simm.s32 $0x1BFF;
	s21 =	sshll.u32 s6, $0x1;
	s3 =	sadd.s32 s4, s19  }
0x9c: {  	s7 =	simm.s32 $0x0;
	s20 =	sshll.u32 s5, $0x1;
	s5 =	sadd.s32 s21, s3  }
0x9d: {  	[timem:s7], [sflag:s22] =	dma.local [hbm:s5], s20  }
0x9e: {  	_ =	swait.ge [sflag:s22], s20  }
0x9f: {  	s4 =	ssub.s32 $0x0, s20;
	[sflag:s22] =	ssyncset.done $0x0  }
0xa0: {  	[sflag:s22] =	ssyncadd.s32 s4;
	_ =	sdelay $0x1  }
0xa1: {  	s23 =	simm.s32 $0x1B8B  }
0xa2: {  	_ =	swait.ge [sflag:s23], $0x1  }
0xa3: {  	[sflag:s23] =	ssyncset.done $0x0  }
0xa4: {  	s25 =	simm.s32 $0x1B8E;
	s24 =	sld [smem:$0x3FFE];
	[sflag:s23] =	ssyncadd.s32 $0xFFFFFFFF  }
0xa5: {  	s26 =	simm.s32 $execute0_lowered;
	[smem:$0x3FD2] =	sst s25  }
0xa6: {  	s5 =	sshll.u32 s26, $0x1;
	_ =	strace $0x80000046;
	[dreg:$0x1] =	wrdreg $0xFFFFFFFF  }
0xa7: {  	s28 =	simm.s32 $_size_execute0_lowered;
	s3 =	sadd.s32 s3, s5;
	[dreg:$0x0] =	wrdreg $0x0  }
0xa8: {  	s5 =	sshll.u32 s28, $0x1;
	[dreg:$0x2] =	wrdreg s3  }
0xa9: {  	[dreg:$0x3] =	wrdreg s5  }
0xaa: {  	[dreg:$0x4] =	wrdreg $0xC0  }
0xab: {  	_ =	task [dreg:s7], $0x5FFFF  }
0xac: {  	[dreg:$0x1] =	wrdreg $0xFFFFFFFF  }
0xad: {  	[dreg:$0x0] =	wrdreg $0x60  }
0xae: {  	[dreg:$0x2] =	wrdreg s24  }
0xaf: {  	[dreg:$0x3] =	wrdreg s2  }
0xb0: {  	[dreg:$0x4] =	wrdreg $0x2C800  }
0xb1: {  	[dreg:$0x5] =	wrdreg $0x9  }
0xb2: {  	_ =	task.clear_ibuf [dreg:s7], $0x6FFFF;
	_ =	strace $0x90000046  }
0xb3: {  	s29 =	simm.s32 $0x9;
	_ =	strace $0x80000048  }
0xb4: {  	_ =	swait.ge [sflag:s29], $0x1  }
0xb5: {  	[sflag:s29] =	ssyncadd.s32 $0xFFFFFFFF  }
0xb6: {  	_ =	strace $0x90000048  }
0xb7: {  	_ =	sfence  }
0xb8: {  	s30 =	sld [smem:$0x0];
	_ =	sdelay $0x2  }
0xb9: {  	s31 =	sshll.u32 s1, $0xD;
	s1 =	sshrl.u32 s1, $0x2  }
0xba: {  	s3 =	sand.u32 $0x4000, s31;
	s1 =	sadd.s32 s1, s30  }
0xbb: {  	s0 =	sor.u32 s3, s0;
	s1 =	sshll.u32 s1, $0x11  }
0xbc: {  	s0 =	sor.u32 s1, s0  }
0xbd: {  	s0 =	sadd.s32 $0x8F2B, s0  }
0xbe: {  	[sflag:s0] =	ssyncadd.remote.s32 $0x1  }
0xbf: {  	_ =	sfence.sel $0xFFFF  }
0xc0: {  	[dreg:$0x0] =	wrdreg $0xFFFFFFFF;
	(pc) =	sbr.abs _section_cstart, $3  }
0xc1: {  	[dreg:$0x1] =	wrdreg $0xFFFFFFFF  }
0xc2: {  	_ =	task.clear_ibuf [dreg:s7], $0x2FFFF;
	_ =	strace $0x9FFFFFFF  }
0xc3: {  	(tm) =	ssettm $0x7FFFFFFF  }
tec
execute0_lowered:
.L_overlay_start_1:
0x0: {  	(tag) =	ssettag $0x1  }
0x1: {  	s7 =	rddreg [dreg:$0x0]  }
0x2: {  	s9 =	rddreg [dreg:$0x1]  }
0x3: {  	s2 =	rddreg [dreg:$0x2]  }
0x4: {  	s0 =	rddreg [dreg:$0x3]  }
0x5: {  	s1 =	stileid.u32;
	s4 =	srdreg.scid  }
0x6: {  	s3 =	simm.s32 $0x0;
	s16 =	simm.s32 $0x1;
	s8 =	smul.u32 $0x280, s1  }
0x7: {  	s4 =	sand.u32 $0x1, s4;
	[smem:$0x7FF] =	sst s3;
	s6 =	smul.u32 $0x2700, s1  }
0x8: {  	s26 =	sshll.u32 s1, $0x6;
	s30 =	ssub.s32 $0x0, s1;
	p0 =	sgt.u32 s1, $0x1  }
0x9: {  	p1 =	sgt.u32 s1, $0x7;
	s15 =	smul.u32 $0x1400, s4;
	s4 =	ssub.s32 $0x2, s4  }
0xa: {  	_ =	strace $0x80000047;
	s14 =	sand.u32 $0x3, s30;
	s5 =	sshrl.u32 s8, $0x3  }
0xb: {  	s10 =	sshrl.u32 s4, $0x1;
	s25 =	sand.u32 $0x3FC00, s6;
	s12 =	sadd.s32 s8, s2  }
0xc: {  	s5 =	sadd.s32 s5, s7;
	s11 =	ssub.s32 s4, s10;
	s17 =	sadd.s32 $0x1400, s15  }
0xd: {  	s28 =	sshrl.u32 s25, $0x3;
	s13 =	sadd.s32 s8, s15;
	s8 =	sshll.u32 s1, $0x7  }
0xe: {  	s10 =	sshll.u32 s14, $0x8;
	s12 =	sshrl.u32 s12, $0x3;
	s14 =	simm.s32 $0x80  }
.Ltmp0:
0xf: {  	v0 =	vmov s15;
	s15 =	simm.s32 $0x2C00;
	s19 =	sor.u32 $0x40, s10;
	(pc) =	sbr.rel .LBB2_1-.Ltmp0, $4  }
0x10: {  	s4 =	sadd.s32 $0xD000, s5;
	s5 =	sor.u32 $0x1C02, s26;
	s29 =	sadd.s32 s7, s28;
	v3 =	vmov s19  }
0x11: {  	s7 =	sadd.s32 $0xCE00, s7;
	s31 =	sshrl.u32 s13, $0x3;
	s18 =	sadd.s32 s13, s2  }
0x12: {  	s11 =	smax.u32 s11, $0x1;
	s13 =	simm.s32 $0x2;
	s6 =	sadd.s32 $0x8000, s29  }
0x13: {  	v2 =	vimm.f32 $1.000000000e+00;
	v1 =	vmov s17;
	s9 =	sadd.s32 s9, s31;
	s17 =	sshrl.u32 s18, $0x3;
	s18 =	simm.s32 $0x0  }
.LBB2_8:
0x14: {  	[tilespmem:s3], [sflag:$0x2] =	stream.linear.gather [hbm4b:s7+s3], $0x400, $0x38;
	[tilespmem:$0x2F08] =	vst v63  }
0x15: {  	_ =	swait.ge [sflag:s13], $0x400  }
0x16: {  	[sflag:s13] =	ssyncset.done $0x0  }
0x17: {  	[sflag:s13] =	ssyncadd.s32 $0xFFFFFC00  }
0x18: {  	v4 =	vld [tilespmem:s8+$0x0]  }
0x19: {  	v5 =	vld [tilespmem:s8+$0x10]  }
0x1a: {  	v6 =	vld [tilespmem:s8+$0x20]  }
0x1b: {  	v7 =	vld [tilespmem:s8+$0x30]  }
0x1c: {  	v8 =	vld [tilespmem:s8+$0x40]  }
0x1d: {  	v9 =	vld [tilespmem:s8+$0x50]  }
0x1e: {  	vm0 =	vge.s32 v4, v0;
	vm1 =	vlt.s32 v4, v1  }
0x1f: {  	v10 =	vld [tilespmem:s8+$0x60];
	vm13 =	vge.s32 v5, v0;
	vm2 =	vlt.s32 v5, v1;
	vm14 =	vge.s32 v6, v0  }
0x20: {  	vm3 =	vlt.s32 v6, v1;
	vm4 =	vge.s32 v7, v0;
	vm5 =	vlt.s32 v7, v1  }
0x21: {  	v11 =	vld [tilespmem:s8+$0x70];
	vm6 =	vge.s32 v8, v0;
	vm7 =	vlt.s32 v8, v1;
	vm0 =	vmand vm0, vm1  }
0x22: {  	vm8 =	vge.s32 v9, v0;
	vm1 =	vmand vm13, vm2;
	v4 =	vnsel vm0, $0x2800, v4  }
0x23: {  	vm9 =	vlt.s32 v9, v1;
	vm15 =	vmand vm14, vm3;
	v5 =	vnsel vm1, $0x2800, v5;
	[tilespmem:s8+$0x0] =	vst v4  }
0x24: {  	vm11 =	vge.s32 v10, v0;
	v6 =	vnsel vm15, $0x2800, v6;
	vm0 =	vmand vm4, vm5;
	[tilespmem:s8+$0x10] =	vst v5  }
0x25: {  	vm12 =	vlt.s32 v10, v1;
	vm1 =	vmand vm6, vm7;
	v4 =	vnsel vm0, $0x2800, v7;
	[tilespmem:s8+$0x20] =	vst v6  }
0x26: {  	vm10 =	vmand vm8, vm9;
	vm13 =	vge.s32 v11, v0;
	v5 =	vnsel vm1, $0x2800, v8;
	[tilespmem:s8+$0x30] =	vst v4  }
0x27: {  	vm14 =	vlt.s32 v11, v1;
	vm0 =	vmand vm11, vm12;
	v4 =	vnsel vm10, $0x2800, v9;
	[tilespmem:s8+$0x40] =	vst v5  }
0x28: {  	vm15 =	vmand vm13, vm14;
	v5 =	vnsel vm0, $0x2800, v10;
	[tilespmem:s8+$0x50] =	vst v4  }
0x29: {  	[tilespmem:s8+$0x60] =	vst v5;
	v4 =	vnsel vm15, $0x2800, v11  }
0x2a: {  	[tilespmem:s8+$0x70] =	vst v4  }
0x2b: {  	[spmem:s2] =	stream.indirect.scatter.add.f32 [tilespmem:s15], [sflag:$0x1], $0x1, s8, s14, $0xb8;
	[tilespmem:$0x2F08] =	vst v63  }
0x2c: {  	_ =	swait.ge [sflag:s16], $0x80  }
0x2d: {  	[sflag:s16] =	ssyncset.done $0x0  }
0x2e: {  	[sflag:s16] =	ssyncadd.s32 $0xFFFFFF80  }
0x2f: {  	[bflag:$0x0] =	sbarrier.arrive $0xFFFF  }
.LBB2_10:
0x30: {  	[hbm:s9], [sflag:s5] =	dma.local [spmem:s17], $0x50  }
0x31: {  	_ =	swait.ge [sflag:s13], $0x50  }
0x32: {  	[sflag:s13] =	ssyncset.done $0x0  }
0x33: {  	[sflag:s13] =	ssyncadd.s32 $0xFFFFFFB0  }
.LBB2_11:
0x34: {  	s18 =	sadd.s32 $0x1, s18  }
0x35: {  	p2 =	sne.s32 s18, s11  }
.Ltmp1:
0x36: {  	_ = 	snop;
	(pc) =	sbr.rel @!p2 .LBB2_12-.Ltmp1, $1  }
0x37: {  	_ =	sdelay $0x3  }
.LBB2_1:
0x38: {  	[tilespmem:$0x2C00] =	vst v2  }
0x39: {  	[tilespmem:$0x2C10] =	vst v2  }
0x3a: {  	[tilespmem:$0x2C20] =	vst v2  }
0x3b: {  	[tilespmem:$0x2C30] =	vst v2  }
0x3c: {  	[tilespmem:$0x2C40] =	vst v2  }
0x3d: {  	[tilespmem:$0x2C50] =	vst v2  }
0x3e: {  	[tilespmem:$0x2C60] =	vst v2  }
0x3f: {  	[tilespmem:$0x2C70] =	vst v2  }
0x40: {  	[spmem:s12], [sflag:s5] =	dma.local [hbm:s4], $0x50  }
0x41: {  	_ =	swait.ge [sflag:s13], $0x50  }
0x42: {  	[sflag:s13] =	ssyncset.done $0x0  }
0x43: {  	[sflag:s13] =	ssyncadd.s32 $0xFFFFFFB0  }
0x44: {  	[tilespmem:s3], [sflag:$0x2] =	stream.linear.gather [hbm4b:s6+s3], $0x2C00, $0x38;
	[tilespmem:$0x2F08] =	vst v63  }
0x45: {  	_ =	swait.ge [sflag:s13], $0x2C00  }
0x46: {  	[sflag:s13] =	ssyncset.done $0x0  }
0x47: {  	[sflag:s13] =	ssyncadd.s32 $0xFFFFD400  }
0x48: {  	s19 =	simm.s32 $0x0;
	[bflag:$0x0] =	sbarrier.arrive $0xFFFF  }
0x49: {  	v4 =	vld.idx.msk [tilespmem:v3+s19+$0xFFFFFFC0 ss:$0x1], $0xffff;
	_ =	sdelay $0x4  }
0x4a: {  	vm0 =	vge.s32 v4, v0;
	vm1 =	vlt.s32 v4, v1  }
0x4b: {  	vm0 =	vmand vm0, vm1  }
0x4c: {  	v4 =	vnsel vm0, $0x2800, v4  }
0x4d: {  	[tilespmem:v3+s19+$0xFFFFFFC0 ss:$0x1] =	vst.idx.msk $0xffff, v4  }
0x4e: {  	v4 =	vld.idx.msk [tilespmem:v3+s19+$0xFFFFFFD0 ss:$0x1], $0xffff;
	_ =	sdelay $0x4  }
0x4f: {  	vm14 =	vge.s32 v4, v0;
	vm15 =	vlt.s32 v4, v1  }
0x50: {  	vm0 =	vmand vm14, vm15  }
0x51: {  	v4 =	vnsel vm0, $0x2800, v4  }
0x52: {  	[tilespmem:v3+s19+$0xFFFFFFD0 ss:$0x1] =	vst.idx.msk $0xffff, v4  }
0x53: {  	v4 =	vld.idx.msk [tilespmem:v3+s19+$0xFFFFFFE0 ss:$0x1], $0xffff;
	_ =	sdelay $0x4  }
0x54: {  	vm4 =	vge.s32 v4, v0;
	vm5 =	vlt.s32 v4, v1  }
0x55: {  	vm0 =	vmand vm4, vm5  }
0x56: {  	v4 =	vnsel vm0, $0x2800, v4  }
0x57: {  	[tilespmem:v3+s19+$0xFFFFFFE0 ss:$0x1] =	vst.idx.msk $0xffff, v4  }
0x58: {  	v4 =	vld.idx.msk [tilespmem:v3+s19+$0xFFFFFFF0 ss:$0x1], $0xffff;
	_ =	sdelay $0x4  }
0x59: {  	vm6 =	vge.s32 v4, v0;
	vm7 =	vlt.s32 v4, v1  }
0x5a: {  	vm0 =	vmand vm6, vm7  }
0x5b: {  	v4 =	vnsel vm0, $0x2800, v4  }
0x5c: {  	[tilespmem:v3+s19+$0xFFFFFFF0 ss:$0x1] =	vst.idx.msk $0xffff, v4  }
0x5d: {  	v4 =	vld.idx.msk [tilespmem:v3+s19+$0x0 ss:$0x1], $0xffff;
	_ =	sdelay $0x4  }
0x5e: {  	vm8 =	vge.s32 v4, v0;
	vm9 =	vlt.s32 v4, v1  }
0x5f: {  	vm0 =	vmand vm8, vm9  }
0x60: {  	v4 =	vnsel vm0, $0x2800, v4  }
0x61: {  	[tilespmem:v3+s19+$0x0 ss:$0x1] =	vst.idx.msk $0xffff, v4  }
0x62: {  	v4 =	vld.idx.msk [tilespmem:v3+s19+$0x10 ss:$0x1], $0xffff;
	_ =	sdelay $0x4  }
0x63: {  	vm10 =	vge.s32 v4, v0;
	vm11 =	vlt.s32 v4, v1  }
0x64: {  	vm0 =	vmand vm10, vm11  }
0x65: {  	v4 =	vnsel vm0, $0x2800, v4  }
0x66: {  	[tilespmem:v3+s19+$0x10 ss:$0x1] =	vst.idx.msk $0xffff, v4  }
0x67: {  	v4 =	vld.idx.msk [tilespmem:v3+s19+$0x20 ss:$0x1], $0xffff;
	_ =	sdelay $0x4  }
0x68: {  	vm12 =	vge.s32 v4, v0;
	vm13 =	vlt.s32 v4, v1  }
0x69: {  	vm0 =	vmand vm12, vm13  }
0x6a: {  	v4 =	vnsel vm0, $0x2800, v4  }
0x6b: {  	[tilespmem:v3+s19+$0x20 ss:$0x1] =	vst.idx.msk $0xffff, v4  }
0x6c: {  	v4 =	vld.idx.msk [tilespmem:v3+s19+$0x30 ss:$0x1], $0xffff;
	_ =	sdelay $0x4  }
0x6d: {  	vm14 =	vge.s32 v4, v0;
	vm15 =	vlt.s32 v4, v1  }
0x6e: {  	vm0 =	vmand vm14, vm15  }
0x6f: {  	s20 =	simm.s32 $0x200;
	s21 =	simm.s32 $0x400;
	v4 =	vnsel vm0, $0x2800, v4  }
.LBB2_2:
0x70: {  	p2 =	sne.s32 s21, $0x9A00  }
0x71: {  	[tilespmem:v3+s19+$0x30 ss:$0x1] =	vst.idx.msk $0xffff, v4;
	s19 =	sshra.s32 s20, $0x2;
	s20 =	smov.u32 s21;
	s21 =	sadd.s32 $0x200, s21  }
0x72: {  	v4 =	vld.idx.msk [tilespmem:v3+s19+$0xFFFFFFC0 ss:$0x1], $0xffff;
	_ =	sdelay $0x5  }
0x73: {  	vm0 =	vge.s32 v4, v0;
	vm1 =	vlt.s32 v4, v1  }
0x74: {  	vm0 =	vmand vm0, vm1  }
0x75: {  	v4 =	vnsel vm0, $0x2800, v4  }
0x76: {  	[tilespmem:v3+s19+$0xFFFFFFC0 ss:$0x1] =	vst.idx.msk $0xffff, v4  }
0x77: {  	v4 =	vld.idx.msk [tilespmem:v3+s19+$0xFFFFFFD0 ss:$0x1], $0xffff;
	_ =	sdelay $0x5  }
0x78: {  	vm0 =	vge.s32 v4, v0;
	vm1 =	vlt.s32 v4, v1  }
0x79: {  	vm0 =	vmand vm0, vm1  }
0x7a: {  	v4 =	vnsel vm0, $0x2800, v4  }
0x7b: {  	[tilespmem:v3+s19+$0xFFFFFFD0 ss:$0x1] =	vst.idx.msk $0xffff, v4  }
0x7c: {  	v4 =	vld.idx.msk [tilespmem:v3+s19+$0xFFFFFFE0 ss:$0x1], $0xffff;
	_ =	sdelay $0x5  }
0x7d: {  	vm0 =	vge.s32 v4, v0;
	vm1 =	vlt.s32 v4, v1  }
0x7e: {  	vm0 =	vmand vm0, vm1  }
0x7f: {  	v4 =	vnsel vm0, $0x2800, v4  }
0x80: {  	[tilespmem:v3+s19+$0xFFFFFFE0 ss:$0x1] =	vst.idx.msk $0xffff, v4  }
0x81: {  	v4 =	vld.idx.msk [tilespmem:v3+s19+$0xFFFFFFF0 ss:$0x1], $0xffff;
	_ =	sdelay $0x5  }
0x82: {  	vm0 =	vge.s32 v4, v0;
	vm1 =	vlt.s32 v4, v1  }
0x83: {  	vm0 =	vmand vm0, vm1  }
0x84: {  	v4 =	vnsel vm0, $0x2800, v4  }
0x85: {  	[tilespmem:v3+s19+$0xFFFFFFF0 ss:$0x1] =	vst.idx.msk $0xffff, v4  }
0x86: {  	v4 =	vld.idx.msk [tilespmem:v3+s19+$0x0 ss:$0x1], $0xffff;
	_ =	sdelay $0x5  }
0x87: {  	vm0 =	vge.s32 v4, v0;
	vm1 =	vlt.s32 v4, v1  }
0x88: {  	vm0 =	vmand vm0, vm1  }
0x89: {  	v4 =	vnsel vm0, $0x2800, v4  }
0x8a: {  	[tilespmem:v3+s19+$0x0 ss:$0x1] =	vst.idx.msk $0xffff, v4  }
0x8b: {  	v4 =	vld.idx.msk [tilespmem:v3+s19+$0x10 ss:$0x1], $0xffff;
	_ =	sdelay $0x5  }
0x8c: {  	vm0 =	vge.s32 v4, v0;
	vm1 =	vlt.s32 v4, v1  }
0x8d: {  	vm0 =	vmand vm0, vm1  }
0x8e: {  	v4 =	vnsel vm0, $0x2800, v4  }
0x8f: {  	[tilespmem:v3+s19+$0x10 ss:$0x1] =	vst.idx.msk $0xffff, v4  }
0x90: {  	v4 =	vld.idx.msk [tilespmem:v3+s19+$0x20 ss:$0x1], $0xffff;
	_ =	sdelay $0x5  }
0x91: {  	vm0 =	vge.s32 v4, v0;
	vm1 =	vlt.s32 v4, v1  }
0x92: {  	vm0 =	vmand vm0, vm1  }
0x93: {  	v4 =	vnsel vm0, $0x2800, v4  }
0x94: {  	[tilespmem:v3+s19+$0x20 ss:$0x1] =	vst.idx.msk $0xffff, v4  }
0x95: {  	v4 =	vld.idx.msk [tilespmem:v3+s19+$0x30 ss:$0x1], $0xffff;
	_ =	sdelay $0x3  }
.Ltmp2:
0x96: {  	(pc) =	sbr.rel @p2 .LBB2_2-.Ltmp2, $4  }
0x97: {  	_ = 	snop  }
0x98: {  	vm0 =	vge.s32 v4, v0;
	vm1 =	vlt.s32 v4, v1  }
0x99: {  	vm0 =	vmand vm0, vm1  }
0x9a: {  	v4 =	vnsel vm0, $0x2800, v4  }
0x9b: {  	_ =	sdelay $0x3  }
0x9c: {  	s20 =	sshra.s32 s20, $0x2;
	[tilespmem:v3+s19+$0x30 ss:$0x1] =	vst.idx.msk $0xffff, v4  }
0x9d: {  	v4 =	vld.idx.msk [tilespmem:v3+s20+$0xFFFFFFC0 ss:$0x1], $0xffff;
	_ =	sdelay $0x4  }
0x9e: {  	vm0 =	vge.s32 v4, v0;
	vm1 =	vlt.s32 v4, v1  }
0x9f: {  	vm0 =	vmand vm0, vm1  }
0xa0: {  	v4 =	vnsel vm0, $0x2800, v4  }
0xa1: {  	[tilespmem:v3+s20+$0xFFFFFFC0 ss:$0x1] =	vst.idx.msk $0xffff, v4  }
0xa2: {  	v4 =	vld.idx.msk [tilespmem:v3+s20+$0xFFFFFFD0 ss:$0x1], $0xffff;
	_ =	sdelay $0x4  }
0xa3: {  	vm14 =	vge.s32 v4, v0;
	vm15 =	vlt.s32 v4, v1  }
0xa4: {  	vm0 =	vmand vm14, vm15  }
0xa5: {  	v4 =	vnsel vm0, $0x2800, v4  }
0xa6: {  	[tilespmem:v3+s20+$0xFFFFFFD0 ss:$0x1] =	vst.idx.msk $0xffff, v4  }
0xa7: {  	v4 =	vld.idx.msk [tilespmem:v3+s20+$0xFFFFFFE0 ss:$0x1], $0xffff;
	_ =	sdelay $0x4  }
0xa8: {  	vm4 =	vge.s32 v4, v0;
	vm5 =	vlt.s32 v4, v1  }
0xa9: {  	vm0 =	vmand vm4, vm5  }
0xaa: {  	v4 =	vnsel vm0, $0x2800, v4  }
0xab: {  	[tilespmem:v3+s20+$0xFFFFFFE0 ss:$0x1] =	vst.idx.msk $0xffff, v4  }
0xac: {  	v4 =	vld.idx.msk [tilespmem:v3+s20+$0xFFFFFFF0 ss:$0x1], $0xffff;
	_ =	sdelay $0x4  }
0xad: {  	vm6 =	vge.s32 v4, v0;
	vm7 =	vlt.s32 v4, v1  }
0xae: {  	vm0 =	vmand vm6, vm7  }
0xaf: {  	v4 =	vnsel vm0, $0x2800, v4  }
0xb0: {  	[tilespmem:v3+s20+$0xFFFFFFF0 ss:$0x1] =	vst.idx.msk $0xffff, v4  }
0xb1: {  	v4 =	vld.idx.msk [tilespmem:v3+s20+$0x0 ss:$0x1], $0xffff;
	_ =	sdelay $0x4  }
0xb2: {  	vm8 =	vge.s32 v4, v0;
	vm9 =	vlt.s32 v4, v1  }
0xb3: {  	vm0 =	vmand vm8, vm9  }
0xb4: {  	v4 =	vnsel vm0, $0x2800, v4  }
0xb5: {  	[tilespmem:v3+s20+$0x0 ss:$0x1] =	vst.idx.msk $0xffff, v4  }
0xb6: {  	v4 =	vld.idx.msk [tilespmem:v3+s20+$0x10 ss:$0x1], $0xffff;
	_ =	sdelay $0x4  }
0xb7: {  	vm10 =	vge.s32 v4, v0;
	vm11 =	vlt.s32 v4, v1  }
0xb8: {  	vm0 =	vmand vm10, vm11  }
0xb9: {  	v4 =	vnsel vm0, $0x2800, v4  }
0xba: {  	[tilespmem:v3+s20+$0x10 ss:$0x1] =	vst.idx.msk $0xffff, v4  }
0xbb: {  	v4 =	vld.idx.msk [tilespmem:v3+s20+$0x20 ss:$0x1], $0xffff;
	_ =	sdelay $0x4  }
0xbc: {  	vm12 =	vge.s32 v4, v0;
	vm13 =	vlt.s32 v4, v1  }
0xbd: {  	vm0 =	vmand vm12, vm13  }
0xbe: {  	v4 =	vnsel vm0, $0x2800, v4  }
0xbf: {  	[tilespmem:v3+s20+$0x20 ss:$0x1] =	vst.idx.msk $0xffff, v4  }
0xc0: {  	v4 =	vld.idx.msk [tilespmem:v3+s20+$0x30 ss:$0x1], $0xffff;
	_ =	sdelay $0x4  }
0xc1: {  	vm14 =	vge.s32 v4, v0;
	vm15 =	vlt.s32 v4, v1  }
0xc2: {  	vm0 =	vmand vm14, vm15  }
0xc3: {  	v4 =	vnsel vm0, $0x2800, v4  }
0xc4: {  	s19 =	simm.s32 $0x0;
	[tilespmem:v3+s20+$0x30 ss:$0x1] =	vst.idx.msk $0xffff, v4  }
.LBB2_4:
0xc5: {  	p2 =	sne.s32 s19, $0x9A00  }
.Ltmp3:
0xc6: {  	_ = 	snop;
	(pc) =	sbr.rel @p2 .LBB2_4-.Ltmp3, $4  }
0xc7: {  	_ = 	snop  }
0xc8: {  	s20 =	sshra.s32 s19, $0x2  }
0xc9: {  	s19 =	sadd.s32 $0x200, s19;
	s20 =	sadd.s32 s20, s10  }
0xca: {  	[spmem:s2] =	stream.indirect.scatter.add.f32 [tilespmem:s15], [sflag:$0x1], $0x1, s20, s14, $0xb8;
	[tilespmem:$0x2F08] =	vst v63  }
0xcb: {  	_ =	swait.ge [sflag:s16], $0x80  }
0xcc: {  	s19 =	simm.s32 $0x4D;
	[sflag:s16] =	ssyncset.done $0x0  }
.LBB2_6:
0xcd: {  	p2 =	sne.s32 s19, $0x1;
	s19 =	sadd.s32 $0xFFFFFFFF, s19;
	[sflag:s16] =	ssyncadd.s32 $0xFFFFFF80  }
.Ltmp4:
0xce: {  	(pc) =	sbr.rel @p2 .LBB2_6-.Ltmp4, $3  }
0xcf: {  	_ =	sdelay $0x1  }
0xd0: {  	_ =	swait.ge [sflag:s16], $0x80  }
0xd1: {  	[sflag:s16] =	ssyncset.done $0x0  }
.Ltmp5:
0xd2: {  	(pc) =	sbr.rel @!p0 .LBB2_8-.Ltmp5, $2  }
0xd3: {  	_ =	sdelay $0x2  }
0xd4: {  	[sflag:s16] =	ssyncadd.s32 $0xFFFFFF80  }
.Ltmp6:
0xd5: {  	(pc) =	sbr.rel @p1 .LBB2_11-.Ltmp6, $4  }
.Ltmp7:
0xd6: {  	(pc) =	sbr.rel @!p1 .LBB2_10-.Ltmp7, $4  }
0xd7: {  	_ = 	snop  }
0xd8: {  	[bflag:$0x0] =	sbarrier.arrive $0xFFFF  }
0xd9: {  	_ = 	snop  }
0xda: {  	_ = 	snop  }
.LBB2_12:
0xdb: {  	_ =	sfence.sel $0x180000  }
0xdc: {  	[bflag:$0x0] =	sbarrier.arrive $0xFFFF  }
0xdd: {  	p0 =	sne.s32 s1, $0x0;
	_ =	strace $0x90000047  }
0xde: {  	s0 =	sadd.s32 @!p0 $0x100000, s0;
	[bflag:$0x2] =	sbarrier.arrive $0xFFFF  }
0xdf: {  	[sflag:s0] =	ssyncadd.tile.s32 @!p0 $0x1;
	_ =	shalt  }
.Lfunc_end2:
_tile_overlayer_lowered:
.L_overlay_start_2:
0xe0: {  	(tag) =	ssettag $0x2  }
0xe1: {  	s0 =	rddreg [dreg:$0x0];
	s2 =	stileid.u32  }
0xe2: {  	s1 =	rddreg [dreg:$0x1];
	p0 =	sne.s32 s2, $0x0  }
0xe3: {  	s3 =	rddreg [dreg:$0x2];
	[bflag:$0x3] =	sbarrier.arrive $0xFFFF;
	s2 =	simm.s32 @!p0 $0x1C02  }
0xe4: {  	[timem:s3], [sflag:s2] =	dma.local @!p0 [hbm:s0], s1  }
0xe5: {  	s0 =	simm.s32 @!p0 $0x2  }
0xe6: {  	_ =	swait.ge @!p0 [sflag:s0], s1  }
0xe7: {  	s1 =	ssub.s32 @!p0 $0x0, s1;
	[sflag:s0] =	ssyncset.done @!p0 $0x0  }
0xe8: {  	[sflag:s0] =	ssyncadd.s32 @!p0 s1  }
0xe9: {  	[bflag:$0x3] =	sbarrier.arrive $0xFFFF  }
0xea: {  	_ =	shalt  }

// kernel: kernel.13.cloned.1.call-start
scs
__scs_entry_jumppad:
0x0: {  	(pc) =	sbr.rel $0x88, $3  }
0x1: {  	(tag) =	ssettag $0x0;
	lr =	simm.s32 $0x1  }
0x2: {  	[smem:$0x3F97] =	sst lr;
	_ =	strace $0xD0000000  }
0x3: {  	_ = 	snop  }
0x4: {  	_ = 	snop  }
0x5: {  	_ = 	snop  }
0x6: {  	_ = 	snop  }
0x7: {  	_ = 	snop  }
__scs_overlays_trampoline_lowered:
0x8: {  	[smem:$0x3FA6] =	sst s0  }
0x9: {  	[smem:$0x3FA7] =	sst s1  }
0xa: {  	[smem:$0x3FA8] =	sst s2  }
0xb: {  	[smem:$0x3FA9] =	sst s3  }
0xc: {  	[smem:$0x3FAA] =	sst s4  }
0xd: {  	[smem:$0x3FAB] =	sst s5  }
0xe: {  	[smem:$0x3FAC] =	sst s6  }
0xf: {  	[smem:$0x3FAD] =	sst s7  }
0x10: {  	[smem:$0x3FAE] =	sst s8  }
0x11: {  	[smem:$0x3FAF] =	sst s9;
	s0 =	simm.s32 @!p0 $0x0  }
0x12: {  	s1 =	sld [smem:$0x3F95];
	s0 =	simm.s32 @p0 $0x1  }
0x13: {  	[smem:$0x3FB0] =	sst s0;
	s0 =	simm.s32 @!p1 $0x0  }
0x14: {  	s2 =	sld [smem:$0x3F94];
	s0 =	simm.s32 @p1 $0x1  }
0x15: {  	[smem:$0x3FB1] =	sst s0;
	s0 =	simm.s32 @!p2 $0x0  }
0x16: {  	s3 =	sld [smem:$0x3FDB];
	s0 =	simm.s32 @p2 $0x1  }
0x17: {  	s4 =	simm.s32 $0x1BF5;
	[smem:$0x3FB3] =	sst s0  }
0x18: {  	s0 =	sld [smem:$0x3F96];
	_ =	swait.ge [sflag:s4], $0x0  }
0x19: {  	s7 =	sld [smem:$0x3F97]  }
0x1a: {  	s8 =	sadd.s32 $0xFFFFE003, lr  }
0x1b: {  	s9 =	sadd.s32 $0xFFFFFEF7, lr;
	s5 =	simm.s32 $0xFFFFFFFF;
	p2 =	slt.u32 s8, $0xFFFFF086  }
0x1c: {  	p1 =	slt.u32 s9, $0xF7A;
	s5 =	simm.s32 @!p2 $0x0  }
0x1d: {  	s5 =	simm.s32 @p1 $0x1;
	p0 =	seq.s32 s7, s2  }
0x1e: {  	s7 =	smul.u32 @!p0 $0xF7A, s2;
	p2 =	seq.s32 @!p0 s5, $0x0  }
0x1f: {  	s9 =	smul.u32 $0xF7A, s1;
	s8 =	simm.s32 @!p0 $0x1BF5;
	p2 =	por !p2, p0  }
0x20: {  	[sflag:s8] =	ssyncset.s32 @!p0 $0xFFFFF086;
	s6 =	sadd.s32 @!p0 s3, s7;
	s7 =	simm.s32 @!p0 $0x108  }
0x21: {  	s3 =	sadd.s32 s3, s9;
	s6 =	sadd.s32 @!p0 $0x88, s6;
	s7 =	simm.s32 @p2 $0x1082  }
0x22: {  	[simem:s7], [sflag:s8] =	dma.local @!p0 [hbm:s6], $0xF7A  }
0x23: {  	s9 =	sor.u32 $0xD0000000, s2;
	s6 =	simm.s32 $0x108;
	_ =	swait.ge @!p0 [sflag:s8], $0x0  }
0x24: {  	s3 =	sadd.s32 $0x88, s3;
	s6 =	simm.s32 @!p1 $0x1082;
	[sflag:s4] =	ssyncset.s32 $0xFFFFF086  }
0x25: {  	[simem:s6], [sflag:s4] =	dma.local [hbm:s3], $0xF7A  }
0x26: {  	[smem:$0x3F97] =	sst s1;
	(tag) =	ssettag s2;
	_ =	strace s9  }
0x27: {  	s1 =	sld [smem:$0x3FA7]  }
0x28: {  	s2 =	sld [smem:$0x3FA8]  }
0x29: {  	s4 =	sld [smem:$0x3FAA]  }
0x2a: {  	p0 =	seq.s32 s5, $0x0;
	s5 =	sld [smem:$0x3FAB]  }
0x2b: {  	s6 =	sld [smem:$0x3FAC]  }
0x2c: {  	s7 =	sld [smem:$0x3FAD]  }
0x2d: {  	s3 =	simm.s32 $0x108;
	s8 =	sld [smem:$0x3FAE]  }
0x2e: {  	s3 =	simm.s32 @!p0 $0x1082;
	s9 =	sld [smem:$0x3FAF]  }
0x2f: {  	lr =	sadd.s32 s0, s3;
	s0 =	sld [smem:$0x3FA6]  }
0x30: {  	s3 =	sld [smem:$0x3FA9]  }
0x31: {  	[smem:$0x3FB2] =	sst s10  }
0x32: {  	s10 =	sld [smem:$0x3FB0];
	_ =	sdelay $0x3  }
0x33: {  	p0 =	seq.s32 s10, $0x1;
	s10 =	sld [smem:$0x3FB2];
	_ =	sdelay $0x3  }
0x34: {  	[smem:$0x3FB2] =	sst s10  }
0x35: {  	s10 =	sld [smem:$0x3FB1];
	_ =	sdelay $0x3  }
0x36: {  	p1 =	seq.s32 s10, $0x1;
	s10 =	sld [smem:$0x3FB2];
	_ =	sdelay $0x3  }
0x37: {  	[smem:$0x3FB2] =	sst s10  }
0x38: {  	s10 =	sld [smem:$0x3FB3]  }
0x39: {  	_ = 	snop;
	(pc) =	sbr.ind lr, $3  }
0x3a: {  	_ = 	snop  }
0x3b: {  	_ = 	snop  }
0x3c: {  	p2 =	seq.s32 s10, $0x1;
	s10 =	sld [smem:$0x3FB2]  }
0x3d: {  	_ =	shalt  }
0x3e: {  	_ =	shalt  }
0x3f: {  	_ =	shalt  }
0x40: {  	_ =	shalt  }
0x41: {  	_ =	shalt  }
0x42: {  	_ =	shalt  }
0x43: {  	_ =	shalt  }
0x44: {  	_ =	shalt  }
0x45: {  	_ =	shalt  }
0x46: {  	_ =	shalt  }
0x47: {  	_ =	shalt  }
0x48: {  	_ =	shalt  }
0x49: {  	_ =	shalt  }
0x4a: {  	_ =	shalt  }
0x4b: {  	_ =	shalt  }
0x4c: {  	_ =	shalt  }
0x4d: {  	_ =	shalt  }
0x4e: {  	_ =	shalt  }
0x4f: {  	_ =	shalt  }
0x50: {  	_ =	shalt  }
0x51: {  	_ =	shalt  }
0x52: {  	_ =	shalt  }
0x53: {  	_ =	shalt  }
0x54: {  	_ =	shalt  }
0x55: {  	_ =	shalt  }
0x56: {  	_ =	shalt  }
0x57: {  	_ =	shalt  }
0x58: {  	_ =	shalt  }
0x59: {  	_ =	shalt  }
0x5a: {  	_ =	shalt  }
0x5b: {  	_ =	shalt  }
0x5c: {  	_ =	shalt  }
0x5d: {  	_ =	shalt  }
0x5e: {  	_ =	shalt  }
0x5f: {  	_ =	shalt  }
0x60: {  	_ =	shalt  }
0x61: {  	_ =	shalt  }
0x62: {  	_ =	shalt  }
0x63: {  	_ =	shalt  }
0x64: {  	_ =	shalt  }
0x65: {  	_ =	shalt  }
0x66: {  	_ =	shalt  }
0x67: {  	_ =	shalt  }
0x68: {  	_ =	shalt  }
0x69: {  	_ =	shalt  }
0x6a: {  	_ =	shalt  }
0x6b: {  	_ =	shalt  }
0x6c: {  	_ =	shalt  }
0x6d: {  	_ =	shalt  }
0x6e: {  	_ =	shalt  }
0x6f: {  	_ =	shalt  }
0x70: {  	_ =	shalt  }
0x71: {  	_ =	shalt  }
0x72: {  	_ =	shalt  }
0x73: {  	_ =	shalt  }
0x74: {  	_ =	shalt  }
0x75: {  	_ =	shalt  }
0x76: {  	_ =	shalt  }
0x77: {  	_ =	shalt  }
0x78: {  	_ =	shalt  }
0x79: {  	_ =	shalt  }
0x7a: {  	_ =	shalt  }
0x7b: {  	_ =	shalt  }
0x7c: {  	_ =	shalt  }
0x7d: {  	_ =	shalt  }
0x7e: {  	_ =	shalt  }
0x7f: {  	_ =	shalt  }
0x80: {  	_ =	shalt  }
0x81: {  	_ =	shalt  }
0x82: {  	_ =	shalt  }
0x83: {  	_ =	shalt  }
0x84: {  	_ =	shalt  }
0x85: {  	_ =	shalt  }
0x86: {  	_ =	shalt  }
0x87: {  	_ =	shalt  }
.Lfunc_end0:
.L_simem_size_0:
called_computation.1_lowered:
.L_overlay_start_0:
0x88: {  	s2 =	sld [smem:$0x3FD9]  }
0x89: {  	s3 =	sld [smem:$0x3FFE];
	_ =	sdelay $0x1  }
0x8a: {  	s1 =	srdreg.scid  }
0x8b: {  	s0 =	sand.u32 $0x1, s1  }
0x8c: {  	s16 =	sshll.u32 s0, $0xA;
	s2 =	sadd.s32 s3, s2  }
0x8d: {  	s2 =	sadd.s32 s2, s16  }
0x8e: {  	[smem:$0x3FBE] =	sst s2  }
0x8f: {  	_ = 	snop  }
0x90: {  	(tm) =	ssettm $0x1  }
0x91: {  	s17 =	sld [smem:$0x3FFB];
	_ =	sdelay $0x3  }
0x92: {  	_ =	strace s17  }
0x93: {  	s2 =	sld [smem:$0x3FFC];
	_ =	sdelay $0x3  }
0x94: {  	_ =	strace s2  }
0x95: {  	s2 =	sld [smem:$0x3FFD];
	_ =	sdelay $0x3  }
0x96: {  	_ =	strace s2  }
0x97: {  	_ =	strace $0x8FFFFFFF  }
0x98: {  	s18 =	sld [smem:$0x3FDB];
	_ =	sdelay $0x1  }
0x99: {  	s19 =	simm.s32 $_scs_section_size  }
0x9a: {  	s4 =	simm.s32 $_size__tile_overlayer_lowered;
	s5 =	simm.s32 $_tile_overlayer_lowered  }
0x9b: {  	s22 =	simm.s32 $0x1BFF;
	s21 =	sshll.u32 s5, $0x1;
	s2 =	sadd.s32 s19, s18  }
0x9c: {  	s6 =	simm.s32 $0x0;
	s20 =	sshll.u32 s4, $0x1;
	s4 =	sadd.s32 s21, s2  }
0x9d: {  	[timem:s6], [sflag:s22] =	dma.local [hbm:s4], s20  }
0x9e: {  	_ =	swait.ge [sflag:s22], s20  }
0x9f: {  	s3 =	ssub.s32 $0x0, s20;
	[sflag:s22] =	ssyncset.done $0x0  }
0xa0: {  	[sflag:s22] =	ssyncadd.s32 s3;
	_ =	sdelay $0x1  }
0xa1: {  	s23 =	simm.s32 $0x1B8B  }
0xa2: {  	_ =	swait.ge [sflag:s23], $0x1  }
0xa3: {  	[sflag:s23] =	ssyncset.done $0x0  }
0xa4: {  	s25 =	simm.s32 $0x1B8E;
	s24 =	sld [smem:$0x3FFE];
	[sflag:s23] =	ssyncadd.s32 $0xFFFFFFFF  }
0xa5: {  	s26 =	simm.s32 $execute0_lowered;
	[smem:$0x3FD2] =	sst s25  }
0xa6: {  	s4 =	sshll.u32 s26, $0x1;
	_ =	strace $0x80000049;
	[dreg:$0x1] =	wrdreg $0xFFFFFFFF  }
0xa7: {  	s28 =	simm.s32 $_size_execute0_lowered;
	s2 =	sadd.s32 s2, s4;
	[dreg:$0x0] =	wrdreg $0x0  }
0xa8: {  	s4 =	sshll.u32 s28, $0x1;
	[dreg:$0x2] =	wrdreg s2  }
0xa9: {  	[dreg:$0x3] =	wrdreg s4  }
0xaa: {  	[dreg:$0x4] =	wrdreg $0xC0  }
0xab: {  	_ =	task [dreg:s6], $0x5FFFF  }
0xac: {  	[dreg:$0x1] =	wrdreg $0xFFFFFFFF  }
0xad: {  	[dreg:$0x0] =	wrdreg $0x60  }
0xae: {  	[dreg:$0x2] =	wrdreg s24  }
0xaf: {  	[dreg:$0x3] =	wrdreg $0xB0000  }
0xb0: {  	[dreg:$0x4] =	wrdreg $0x9  }
0xb1: {  	_ =	task.clear_ibuf [dreg:s6], $0x5FFFF;
	_ =	strace $0x90000049  }
0xb2: {  	s29 =	simm.s32 $0x9;
	_ =	strace $0x8000004B  }
0xb3: {  	_ =	swait.ge [sflag:s29], $0x1  }
0xb4: {  	[sflag:s29] =	ssyncadd.s32 $0xFFFFFFFF  }
0xb5: {  	_ =	strace $0x9000004B  }
0xb6: {  	_ =	sfence  }
0xb7: {  	s30 =	sld [smem:$0x0];
	_ =	sdelay $0x2  }
0xb8: {  	s31 =	sshll.u32 s1, $0xD;
	s1 =	sshrl.u32 s1, $0x2  }
0xb9: {  	s3 =	sand.u32 $0x4000, s31;
	s1 =	sadd.s32 s1, s30  }
0xba: {  	s0 =	sor.u32 s3, s0;
	s1 =	sshll.u32 s1, $0x11  }
0xbb: {  	s0 =	sor.u32 s1, s0  }
0xbc: {  	s0 =	sadd.s32 $0x8F2B, s0  }
0xbd: {  	[sflag:s0] =	ssyncadd.remote.s32 $0x1  }
0xbe: {  	_ =	sfence.sel $0xFFFF  }
0xbf: {  	[dreg:$0x0] =	wrdreg $0xFFFFFFFF;
	(pc) =	sbr.abs _section_cstart, $3  }
0xc0: {  	[dreg:$0x1] =	wrdreg $0xFFFFFFFF  }
0xc1: {  	_ =	task.clear_ibuf [dreg:s6], $0x2FFFF;
	_ =	strace $0x9FFFFFFF  }
0xc2: {  	(tm) =	ssettm $0x7FFFFFFF  }
0xc3: {  	_ =	shalt  }
tec
execute0_lowered:
.L_overlay_start_1:
0x0: {  	(tag) =	ssettag $0x1  }
0x1: {  	s0 =	rddreg [dreg:$0x0];
	s13 =	stileid.u32  }
0x2: {  	s1 =	srdreg.scid;
	s2 =	rddreg [dreg:$0x1]  }
0x3: {  	s5 =	simm.s32 $0x0;
	s31 =	simm.s32 $0x3;
	s3 =	smul.u32 $0x2700, s13  }
0x4: {  	s1 =	sand.u32 $0x1, s1;
	[smem:$0x7FF] =	sst s5;
	s10 =	smul.u32 $0x14000, s13  }
0x5: {  	s7 =	sadd.s32 $0xD600, s0;
	s8 =	smul.u32 $0x50000, s13;
	s14 =	sshll.u32 s13, $0x6  }
0x6: {  	s9 =	smul.u32 $0x6, s13;
	s19 =	sadd.s32 $0x7E00, s0;
	s24 =	ssub.s32 $0x0, s13  }
0x7: {  	p0 =	sgt.u32 s13, $0x1;
	s4 =	smul.u32 $0x140000, s1;
	_ =	strace $0x8000004A  }
0x8: {  	s1 =	ssub.s32 $0x2, s1;
	[dreg:$0x9] =	wrdreg s19;
	s3 =	sand.u32 $0x3FC00, s3  }
0x9: {  	s6 =	sshrl.u32 s1, $0x1;
	s11 =	sshrl.u32 s8, $0x2;
	s15 =	sand.u32 $0x6, s9  }
0xa: {  	s8 =	simm.s32 $0x0;
	s3 =	sshrl.u32 s3, $0x3;
	s5 =	sadd.s32 s10, s4  }
0xb: {  	s1 =	ssub.s32 s1, s6;
	s6 =	sadd.s32 s11, s2;
	s4 =	sshrl.u32 s4, $0x3  }
0xc: {  	s9 =	sshll.u32 s15, $0x7;
	s11 =	sadd.s32 $0x27, s15;
	s23 =	sor.u32 $0x28, s15  }
0xd: {  	s5 =	sshrl.u32 s5, $0x3;
	s3 =	sadd.s32 s3, s0;
	[dreg:$0x3] =	wrdreg s6  }
0xe: {  	s6 =	sor.u32 $0x1C03, s14;
	s10 =	sadd.s32 s7, s4;
	s14 =	sadd.s32 $0x25, s15  }
0xf: {  	s22 =	smax.u32 s1, $0x1;
	s1 =	sand.u32 $0x3, s24;
	s25 =	sadd.s32 $0x2B00, s9  }
0x10: {  	s29 =	sadd.s32 $0x2A00, s9;
	s4 =	simm.s32 $0x7000;
	[dreg:$0xd] =	wrdreg s22  }
0x11: {  	s12 =	sadd.s32 s5, s0;
	s5 =	sadd.s32 s7, s5;
	[dreg:$0xe] =	wrdreg s25  }
0x12: {  	s16 =	sadd.s32 $0x3000, s3;
	s17 =	sadd.s32 $0x8000, s3;
	[dreg:$0x4] =	wrdreg s5  }
0x13: {  	s18 =	sadd.s32 $0x3280, s3;
	s3 =	sadd.s32 $0x8280, s3;
	[dreg:$0x5] =	wrdreg s16  }
0x14: {  	s0 =	sadd.s32 $0xCE00, s0;
	s26 =	sshll.u32 s1, $0x8;
	[dreg:$0x6] =	wrdreg s17  }
0x15: {  	s25 =	sor.u32 $0x1, s15;
	s28 =	sshll.u32 s14, $0x7;
	[dreg:$0x7] =	wrdreg s18  }
0x16: {  	s1 =	simm.s32 $0x1800;
	s7 =	simm.s32 $0x2;
	[dreg:$0x8] =	wrdreg s3  }
0x17: {  	s16 =	sshll.u32 s13, $0x7;
	[dreg:$0xa] =	wrdreg s0;
	s21 =	sadd.s32 $0x5DC00, s12  }
0x18: {  	s0 =	smin.u32 s23, s11;
	s24 =	sor.u32 $0x1800, s26;
	s30 =	sadd.s32 $0x1800, s28  }
0x19: {  	s3 =	simm.s32 $0x3000;
	s5 =	simm.s32 $0x1;
	s20 =	sor.u32 $0x1800, s16  }
0x1a: {  	[dreg:$0xc] =	wrdreg s21;
	s21 =	sshll.u32 s11, $0x7;
	s23 =	sshll.u32 s0, $0x7  }
0x1b: {  	s0 =	simm.s32 $0x80;
	[dreg:$0xb] =	wrdreg s20;
	s26 =	sadd.s32 $0x1800, s21  }
.LBB2_1:
0x1c: {  	s12 =	rddreg [dreg:$0x3]  }
0x1d: {  	s13 =	rddreg [dreg:$0x4];
	s12 =	sshrl.u32 s12, $0x3  }
0x1e: {  	[spmem:s12], [sflag:s6] =	dma.local [hbm:s13], $0x2800  }
0x1f: {  	_ =	swait.ge [sflag:s31], $0x2800  }
0x20: {  	[sflag:s31] =	ssyncset.done $0x0  }
0x21: {  	[sflag:s31] =	ssyncadd.s32 $0xFFFFD800  }
0x22: {  	[bflag:$0x0] =	sbarrier.arrive $0xFFFF  }
0x23: {  	s20 =	simm.s32 $0x0;
	s15 =	rddreg [dreg:$0x5]  }
0x24: {  	[tilespmem:s20], [sflag:$0x3] =	stream.linear.gather [hbm4b:s15+s20], $0x1800, $0x38;
	[tilespmem:$0x1F000] =	vst v63  }
0x25: {  	_ =	swait.ge [sflag:s31], $0x1800  }
0x26: {  	[sflag:s31] =	ssyncset.done $0x0  }
0x27: {  	s22 =	rddreg [dreg:$0x6];
	[sflag:s31] =	ssyncadd.s32 $0xFFFFE800  }
0x28: {  	[tilespmem:s1], [sflag:$0x3] =	stream.linear.gather [hbm4b:s22+s20], $0x1800, $0x38;
	[tilespmem:$0x1F000] =	vst v63  }
0x29: {  	p1 =	slt.s32 s25, s11;
	s13 =	smov.u32 s11;
	_ =	swait.ge [sflag:s31], $0x1800  }
0x2a: {  	s13 =	smov.u32 @p1 s25;
	[sflag:s31] =	ssyncset.done $0x0  }
0x2b: {  	s13 =	sshll.u32 s13, $0x7;
	[sflag:s31] =	ssyncadd.s32 $0xFFFFE800  }
0x2c: {  	[tilespmem:s3], [sflag:$0x1] =	stream.indirect.gather [hbm4b:s10+s0], $0x80, s9, s0, $0xb8;
	[tilespmem:$0x1F000] =	vst v63  }
0x2d: {  	s13 =	sand.u32 $0x3FFFFF80, s13  }
0x2e: {  	[tilespmem:s4], [sflag:$0x2] =	stream.indirect.gather [hbm4b:s10+s0], $0x80, s13, s0, $0xb8;
	[tilespmem:$0x1F000] =	vst v63  }
0x2f: {  	_ =	swait.ge [sflag:s5], $0x4000  }
0x30: {  	s19 =	sadd.s32 $0x0, s24;
	s13 =	sadd.s32 $0x1, s25;
	[sflag:s5] =	ssyncset.done $0x0  }
0x31: {  	s15 =	smov.u32 s11;
	p1 =	slt.s32 s13, s11;
	[sflag:s5] =	ssyncadd.s32 $0xFFFFC000  }
0x32: {  	[spmem:s2] =	stream.indirect.scatter.add.f32 [tilespmem:s3], [sflag:$0x3], $0x80, s19, s0, $0xb8;
	[tilespmem:$0x1F000] =	vst v63  }
0x33: {  	s15 =	smov.u32 @p1 s13;
	_ =	swait.ge [sflag:s31], $0x4000  }
0x34: {  	s18 =	simm.s32 $0x800;
	s15 =	sshll.u32 s15, $0x7;
	[sflag:s31] =	ssyncset.done $0x0  }
0x35: {  	s17 =	sand.u32 $0x3FFFFF80, s15;
	s15 =	sadd.s32 $0x2, s25;
	[sflag:s31] =	ssyncadd.s32 $0xFFFFC000  }
0x36: {  	[tilespmem:s3], [sflag:$0x1] =	stream.indirect.gather [hbm4b:s10+s0], $0x80, s17, s0, $0xb8;
	[tilespmem:$0x1F000] =	vst v63  }
0x37: {  	s20 =	smov.u32 s11;
	p1 =	slt.s32 s15, s11;
	_ =	swait.ge [sflag:s7], $0x4000  }
0x38: {  	s19 =	sadd.s32 $0x80, s19;
	s20 =	smov.u32 @p1 s15;
	[sflag:s7] =	ssyncset.done $0x0  }
0x39: {  	s20 =	sshll.u32 s20, $0x7;
	s17 =	simm.s32 $0x400;
	[sflag:s7] =	ssyncadd.s32 $0xFFFFC000  }
.LBB2_2:
0x3a: {  	[spmem:s2] =	stream.indirect.scatter.add.f32 [tilespmem:s4], [sflag:$0x3], $0x80, s19, s0, $0xb8;
	[tilespmem:$0x1F000] =	vst v63  }
0x3b: {  	s19 =	smov.u32 s18  }
0x3c: {  	p1 =	sne.s32 s18, $0x4800;
	s18 =	sadd.s32 $0x400, s18;
	_ =	swait.ge [sflag:s31], $0x4000  }
0x3d: {  	[sflag:s31] =	ssyncset.done $0x0  }
0x3e: {  	s20 =	sand.u32 $0x3FFFFF80, s20;
	s22 =	sadd.s32 $0x1, s15;
	[sflag:s31] =	ssyncadd.s32 $0xFFFFC000  }
0x3f: {  	[tilespmem:s4], [sflag:$0x2] =	stream.indirect.gather [hbm4b:s10+s0], $0x80, s20, s0, $0xb8;
	[tilespmem:$0x1F000] =	vst v63  }
0x40: {  	p2 =	slt.s32 s22, s11;
	s20 =	smov.u32 s11;
	_ =	swait.ge [sflag:s5], $0x4000  }
0x41: {  	s17 =	sshra.s32 s17, $0x2;
	s20 =	smov.u32 @p2 s22;
	[sflag:s5] =	ssyncset.done $0x0  }
0x42: {  	s22 =	sadd.s32 s17, s24;
	s20 =	sshll.u32 s20, $0x7;
	[sflag:s5] =	ssyncadd.s32 $0xFFFFC000  }
0x43: {  	[spmem:s2] =	stream.indirect.scatter.add.f32 [tilespmem:s3], [sflag:$0x3], $0x80, s22, s0, $0xb8;
	[tilespmem:$0x1F000] =	vst v63  }
0x44: {  	s17 =	smov.u32 s19;
	_ =	swait.ge [sflag:s31], $0x4000  }
0x45: {  	s15 =	sadd.s32 $0x2, s15;
	s20 =	sand.u32 $0x3FFFFF80, s20;
	[sflag:s31] =	ssyncset.done $0x0  }
.Ltmp0:
0x46: {  	s19 =	sadd.s32 $0x80, s22;
	[sflag:s31] =	ssyncadd.s32 $0xFFFFC000;
	(pc) =	sbr.rel @p1 .LBB2_2-.Ltmp0, $4  }
0x47: {  	[tilespmem:s3], [sflag:$0x1] =	stream.indirect.gather [hbm4b:s10+s0], $0x80, s20, s0, $0xb8;
	[tilespmem:$0x1F000] =	vst v63  }
0x48: {  	p2 =	slt.s32 s15, s11;
	s20 =	smov.u32 s11;
	_ =	swait.ge [sflag:s7], $0x4000  }
0x49: {  	s20 =	smov.u32 @p2 s15;
	[sflag:s7] =	ssyncset.done $0x0  }
0x4a: {  	s20 =	sshll.u32 s20, $0x7;
	[sflag:s7] =	ssyncadd.s32 $0xFFFFC000  }
0x4b: {  	[spmem:s2] =	stream.indirect.scatter.add.f32 [tilespmem:s4], [sflag:$0x3], $0x80, s19, s0, $0xb8;
	[tilespmem:$0x1F000] =	vst v63  }
0x4c: {  	_ =	swait.ge [sflag:s31], $0x4000  }
0x4d: {  	[sflag:s31] =	ssyncset.done $0x0  }
0x4e: {  	s18 =	sand.u32 $0x3FFFFF80, s20;
	[sflag:s31] =	ssyncadd.s32 $0xFFFFC000  }
0x4f: {  	[tilespmem:s4], [sflag:$0x2] =	stream.indirect.gather [hbm4b:s10+s0], $0x80, s18, s0, $0xb8;
	[tilespmem:$0x1F000] =	vst v63  }
0x50: {  	s15 =	sadd.s32 $0x1, s15;
	_ =	swait.ge [sflag:s5], $0x4000  }
0x51: {  	s17 =	sshra.s32 s17, $0x2;
	p1 =	slt.s32 s15, s11;
	[sflag:s5] =	ssyncset.done $0x0  }
0x52: {  	s17 =	sadd.s32 s17, s24;
	s18 =	smov.u32 s11;
	[sflag:s5] =	ssyncadd.s32 $0xFFFFC000  }
0x53: {  	[spmem:s2] =	stream.indirect.scatter.add.f32 [tilespmem:s3], [sflag:$0x3], $0x80, s17, s0, $0xb8;
	[tilespmem:$0x1F000] =	vst v63  }
0x54: {  	s18 =	smov.u32 @p1 s15;
	_ =	swait.ge [sflag:s31], $0x4000  }
0x55: {  	s15 =	sshll.u32 s18, $0x7;
	[sflag:s31] =	ssyncset.done $0x0  }
0x56: {  	s15 =	sand.u32 $0x3FFFFF80, s15;
	[sflag:s31] =	ssyncadd.s32 $0xFFFFC000  }
0x57: {  	[tilespmem:s3], [sflag:$0x1] =	stream.indirect.gather [hbm4b:s10+s0], $0x80, s15, s0, $0xb8;
	[tilespmem:$0x1F000] =	vst v63  }
0x58: {  	_ =	swait.ge [sflag:s7], $0x4000  }
0x59: {  	[sflag:s7] =	ssyncset.done $0x0  }
0x5a: {  	s22 =	sadd.s32 $0x80, s17;
	[sflag:s7] =	ssyncadd.s32 $0xFFFFC000  }
0x5b: {  	[spmem:s2] =	stream.indirect.scatter.add.f32 [tilespmem:s4], [sflag:$0x3], $0x80, s22, s0, $0xb8;
	[tilespmem:$0x1F000] =	vst v63  }
0x5c: {  	_ =	swait.ge [sflag:s31], $0x4000  }
0x5d: {  	[sflag:s31] =	ssyncset.done $0x0  }
0x5e: {  	[sflag:s31] =	ssyncadd.s32 $0xFFFFC000  }
0x5f: {  	[tilespmem:s4], [sflag:$0x2] =	stream.indirect.gather [hbm4b:s10+s0], $0x80, s21, s0, $0xb8;
	[tilespmem:$0x1F000] =	vst v63  }
0x60: {  	_ =	swait.ge [sflag:s5], $0x4000  }
0x61: {  	[sflag:s5] =	ssyncset.done $0x0  }
0x62: {  	s17 =	rddreg [dreg:$0xe];
	[sflag:s5] =	ssyncadd.s32 $0xFFFFC000  }
0x63: {  	[spmem:s2] =	stream.indirect.scatter.add.f32 [tilespmem:s3], [sflag:$0x3], $0x80, s17, s0, $0xb8;
	[tilespmem:$0x1F000] =	vst v63  }
0x64: {  	_ =	swait.ge [sflag:s31], $0x4000  }
0x65: {  	[sflag:s31] =	ssyncset.done $0x0  }
0x66: {  	[sflag:s31] =	ssyncadd.s32 $0xFFFFC000  }
0x67: {  	[tilespmem:s3], [sflag:$0x1] =	stream.indirect.gather [hbm4b:s10+s0], $0x80, s23, s0, $0xb8;
	[tilespmem:$0x1F000] =	vst v63  }
0x68: {  	_ =	swait.ge [sflag:s7], $0x4000  }
0x69: {  	[sflag:s7] =	ssyncset.done $0x0  }
0x6a: {  	[sflag:s7] =	ssyncadd.s32 $0xFFFFC000  }
0x6b: {  	[spmem:s2] =	stream.indirect.scatter.add.f32 [tilespmem:s4], [sflag:$0x3], $0x80, s26, s0, $0xb8;
	[tilespmem:$0x1F000] =	vst v63  }
0x6c: {  	_ =	swait.ge [sflag:s31], $0x4000  }
0x6d: {  	[sflag:s31] =	ssyncset.done $0x0  }
0x6e: {  	[sflag:s31] =	ssyncadd.s32 $0xFFFFC000  }
0x6f: {  	_ =	swait.ge [sflag:s5], $0x4000  }
0x70: {  	[sflag:s5] =	ssyncset.done $0x0  }
0x71: {  	s18 =	simm.s32 $0x0;
	s19 =	rddreg [dreg:$0x7];
	[sflag:s5] =	ssyncadd.s32 $0xFFFFC000  }
0x72: {  	[tilespmem:s18], [sflag:$0x3] =	stream.linear.gather [hbm4b:s19+s18], $0x1800, $0x38;
	[tilespmem:$0x1F000] =	vst v63  }
0x73: {  	_ =	swait.ge [sflag:s31], $0x1800  }
0x74: {  	[sflag:s31] =	ssyncset.done $0x0  }
0x75: {  	s20 =	rddreg [dreg:$0x8];
	[sflag:s31] =	ssyncadd.s32 $0xFFFFE800  }
0x76: {  	[tilespmem:s1], [sflag:$0x3] =	stream.linear.gather [hbm4b:s20+s18], $0x1800, $0x38;
	[tilespmem:$0x1F000] =	vst v63  }
0x77: {  	p1 =	slt.s32 s25, s14;
	s15 =	smov.u32 s14;
	_ =	swait.ge [sflag:s31], $0x1800  }
0x78: {  	s15 =	smov.u32 @p1 s25;
	[sflag:s31] =	ssyncset.done $0x0  }
0x79: {  	s15 =	sshll.u32 s15, $0x7;
	[sflag:s31] =	ssyncadd.s32 $0xFFFFE800  }
0x7a: {  	[tilespmem:s3], [sflag:$0x1] =	stream.indirect.gather [hbm4b:s10+s0], $0x80, s9, s0, $0xb8;
	[tilespmem:$0x1F000] =	vst v63  }
0x7b: {  	s15 =	sand.u32 $0x3FFFFF80, s15  }
0x7c: {  	[tilespmem:s4], [sflag:$0x2] =	stream.indirect.gather [hbm4b:s10+s0], $0x80, s15, s0, $0xb8;
	[tilespmem:$0x1F000] =	vst v63  }
0x7d: {  	_ =	swait.ge [sflag:s5], $0x4000  }
0x7e: {  	p1 =	slt.s32 s13, s14;
	[sflag:s5] =	ssyncset.done $0x0  }
0x7f: {  	s22 =	sadd.s32 $0x0, s24;
	s15 =	smov.u32 s14;
	[sflag:s5] =	ssyncadd.s32 $0xFFFFC000  }
0x80: {  	[spmem:s2] =	stream.indirect.scatter.add.f32 [tilespmem:s3], [sflag:$0x3], $0x80, s22, s0, $0xb8;
	[tilespmem:$0x1F000] =	vst v63  }
0x81: {  	s15 =	smov.u32 @p1 s13;
	_ =	swait.ge [sflag:s31], $0x4000  }
0x82: {  	s17 =	simm.s32 $0x800;
	s13 =	sshll.u32 s15, $0x7;
	[sflag:s31] =	ssyncset.done $0x0  }
0x83: {  	s15 =	sand.u32 $0x3FFFFF80, s13;
	s13 =	sadd.s32 $0x2, s25;
	[sflag:s31] =	ssyncadd.s32 $0xFFFFC000  }
0x84: {  	[tilespmem:s3], [sflag:$0x1] =	stream.indirect.gather [hbm4b:s10+s0], $0x80, s15, s0, $0xb8;
	[tilespmem:$0x1F000] =	vst v63  }
0x85: {  	s19 =	smov.u32 s14;
	p1 =	slt.s32 s13, s14;
	_ =	swait.ge [sflag:s7], $0x4000  }
0x86: {  	s18 =	sadd.s32 $0x80, s22;
	s19 =	smov.u32 @p1 s13;
	[sflag:s7] =	ssyncset.done $0x0  }
0x87: {  	s19 =	sshll.u32 s19, $0x7;
	s15 =	simm.s32 $0x400;
	[sflag:s7] =	ssyncadd.s32 $0xFFFFC000  }
.LBB2_4:
0x88: {  	[spmem:s2] =	stream.indirect.scatter.add.f32 [tilespmem:s4], [sflag:$0x3], $0x80, s18, s0, $0xb8;
	[tilespmem:$0x1F000] =	vst v63  }
0x89: {  	s18 =	smov.u32 s17  }
0x8a: {  	p1 =	sne.s32 s17, $0x4400;
	s17 =	sadd.s32 $0x400, s17;
	_ =	swait.ge [sflag:s31], $0x4000  }
0x8b: {  	[sflag:s31] =	ssyncset.done $0x0  }
0x8c: {  	s19 =	sand.u32 $0x3FFFFF80, s19;
	s20 =	sadd.s32 $0x1, s13;
	[sflag:s31] =	ssyncadd.s32 $0xFFFFC000  }
0x8d: {  	[tilespmem:s4], [sflag:$0x2] =	stream.indirect.gather [hbm4b:s10+s0], $0x80, s19, s0, $0xb8;
	[tilespmem:$0x1F000] =	vst v63  }
0x8e: {  	p2 =	slt.s32 s20, s14;
	s19 =	smov.u32 s14;
	_ =	swait.ge [sflag:s5], $0x4000  }
0x8f: {  	s15 =	sshra.s32 s15, $0x2;
	s19 =	smov.u32 @p2 s20;
	[sflag:s5] =	ssyncset.done $0x0  }
0x90: {  	s20 =	sadd.s32 s15, s24;
	s19 =	sshll.u32 s19, $0x7;
	[sflag:s5] =	ssyncadd.s32 $0xFFFFC000  }
0x91: {  	[spmem:s2] =	stream.indirect.scatter.add.f32 [tilespmem:s3], [sflag:$0x3], $0x80, s20, s0, $0xb8;
	[tilespmem:$0x1F000] =	vst v63  }
0x92: {  	s15 =	smov.u32 s18;
	_ =	swait.ge [sflag:s31], $0x4000  }
0x93: {  	s13 =	sadd.s32 $0x2, s13;
	s19 =	sand.u32 $0x3FFFFF80, s19;
	[sflag:s31] =	ssyncset.done $0x0  }
.Ltmp1:
0x94: {  	s18 =	sadd.s32 $0x80, s20;
	[sflag:s31] =	ssyncadd.s32 $0xFFFFC000;
	(pc) =	sbr.rel @p1 .LBB2_4-.Ltmp1, $4  }
0x95: {  	[tilespmem:s3], [sflag:$0x1] =	stream.indirect.gather [hbm4b:s10+s0], $0x80, s19, s0, $0xb8;
	[tilespmem:$0x1F000] =	vst v63  }
0x96: {  	p2 =	slt.s32 s13, s14;
	s19 =	smov.u32 s14;
	_ =	swait.ge [sflag:s7], $0x4000  }
0x97: {  	s19 =	smov.u32 @p2 s13;
	[sflag:s7] =	ssyncset.done $0x0  }
0x98: {  	s19 =	sshll.u32 s19, $0x7;
	[sflag:s7] =	ssyncadd.s32 $0xFFFFC000  }
0x99: {  	[spmem:s2] =	stream.indirect.scatter.add.f32 [tilespmem:s4], [sflag:$0x3], $0x80, s18, s0, $0xb8;
	[tilespmem:$0x1F000] =	vst v63  }
0x9a: {  	_ =	swait.ge [sflag:s31], $0x4000  }
0x9b: {  	[sflag:s31] =	ssyncset.done $0x0  }
0x9c: {  	s17 =	sand.u32 $0x3FFFFF80, s19;
	[sflag:s31] =	ssyncadd.s32 $0xFFFFC000  }
0x9d: {  	[tilespmem:s4], [sflag:$0x2] =	stream.indirect.gather [hbm4b:s10+s0], $0x80, s17, s0, $0xb8;
	[tilespmem:$0x1F000] =	vst v63  }
0x9e: {  	s13 =	sadd.s32 $0x1, s13;
	_ =	swait.ge [sflag:s5], $0x4000  }
0x9f: {  	s15 =	sshra.s32 s15, $0x2;
	p1 =	slt.s32 s13, s14;
	[sflag:s5] =	ssyncset.done $0x0  }
0xa0: {  	s15 =	sadd.s32 s15, s24;
	s17 =	smov.u32 s14;
	[sflag:s5] =	ssyncadd.s32 $0xFFFFC000  }
0xa1: {  	[spmem:s2] =	stream.indirect.scatter.add.f32 [tilespmem:s3], [sflag:$0x3], $0x80, s15, s0, $0xb8;
	[tilespmem:$0x1F000] =	vst v63  }
0xa2: {  	s17 =	smov.u32 @p1 s13;
	_ =	swait.ge [sflag:s31], $0x4000  }
0xa3: {  	s13 =	sshll.u32 s17, $0x7;
	[sflag:s31] =	ssyncset.done $0x0  }
0xa4: {  	s13 =	sand.u32 $0x3FFFFF80, s13;
	[sflag:s31] =	ssyncadd.s32 $0xFFFFC000  }
0xa5: {  	[tilespmem:s3], [sflag:$0x1] =	stream.indirect.gather [hbm4b:s10+s0], $0x80, s13, s0, $0xb8;
	[tilespmem:$0x1F000] =	vst v63  }
0xa6: {  	_ =	swait.ge [sflag:s7], $0x4000  }
0xa7: {  	[sflag:s7] =	ssyncset.done $0x0  }
0xa8: {  	s19 =	sadd.s32 $0x80, s15;
	[sflag:s7] =	ssyncadd.s32 $0xFFFFC000  }
0xa9: {  	[spmem:s2] =	stream.indirect.scatter.add.f32 [tilespmem:s4], [sflag:$0x3], $0x80, s19, s0, $0xb8;
	[tilespmem:$0x1F000] =	vst v63  }
0xaa: {  	_ =	swait.ge [sflag:s31], $0x4000  }
0xab: {  	[sflag:s31] =	ssyncset.done $0x0  }
0xac: {  	[sflag:s31] =	ssyncadd.s32 $0xFFFFC000  }
0xad: {  	[tilespmem:s4], [sflag:$0x2] =	stream.indirect.gather [hbm4b:s10+s0], $0x80, s28, s0, $0xb8;
	[tilespmem:$0x1F000] =	vst v63  }
0xae: {  	_ =	swait.ge [sflag:s5], $0x4000  }
0xaf: {  	[sflag:s5] =	ssyncset.done $0x0  }
0xb0: {  	[sflag:s5] =	ssyncadd.s32 $0xFFFFC000  }
0xb1: {  	[spmem:s2] =	stream.indirect.scatter.add.f32 [tilespmem:s3], [sflag:$0x3], $0x80, s29, s0, $0xb8;
	[tilespmem:$0x1F000] =	vst v63  }
0xb2: {  	_ =	swait.ge [sflag:s31], $0x4000  }
0xb3: {  	[sflag:s31] =	ssyncset.done $0x0  }
0xb4: {  	[sflag:s31] =	ssyncadd.s32 $0xFFFFC000  }
0xb5: {  	[tilespmem:s3], [sflag:$0x1] =	stream.indirect.gather [hbm4b:s10+s0], $0x80, s28, s0, $0xb8;
	[tilespmem:$0x1F000] =	vst v63  }
0xb6: {  	_ =	swait.ge [sflag:s7], $0x4000  }
0xb7: {  	[sflag:s7] =	ssyncset.done $0x0  }
0xb8: {  	[sflag:s7] =	ssyncadd.s32 $0xFFFFC000  }
0xb9: {  	[spmem:s2] =	stream.indirect.scatter.add.f32 [tilespmem:s4], [sflag:$0x3], $0x80, s30, s0, $0xb8;
	[tilespmem:$0x1F000] =	vst v63  }
0xba: {  	_ =	swait.ge [sflag:s31], $0x4000  }
0xbb: {  	[sflag:s31] =	ssyncset.done $0x0  }
0xbc: {  	[sflag:s31] =	ssyncadd.s32 $0xFFFFC000  }
0xbd: {  	_ =	swait.ge [sflag:s5], $0x4000  }
0xbe: {  	[sflag:s5] =	ssyncset.done $0x0  }
0xbf: {  	s13 =	simm.s32 @!p0 $0x0;
	s15 =	rddreg [dreg:$0x9];
	[sflag:s5] =	ssyncadd.s32 $0xFFFFC000  }
0xc0: {  	[tilespmem:s13], [sflag:$0x3] =	stream.linear.gather @!p0 [hbm4b:s15+s13], $0x400, $0x38;
	[tilespmem:$0x1F000] =	vst v63  }
0xc1: {  	s15 =	simm.s32 @!p0 $0x3  }
0xc2: {  	_ =	swait.ge @!p0 [sflag:s15], $0x400  }
0xc3: {  	[sflag:s15] =	ssyncset.done @!p0 $0x0  }
0xc4: {  	s17 =	simm.s32 @!p0 $0x1800;
	s18 =	rddreg [dreg:$0xa];
	[sflag:s15] =	ssyncadd.s32 @!p0 $0xFFFFFC00  }
0xc5: {  	[tilespmem:s17], [sflag:$0x3] =	stream.linear.gather @!p0 [hbm4b:s18+s13], $0x400, $0x38;
	[tilespmem:$0x1F000] =	vst v63  }
0xc6: {  	_ =	swait.ge @!p0 [sflag:s15], $0x400  }
0xc7: {  	s13 =	simm.s32 @!p0 $0x80;
	[sflag:s15] =	ssyncset.done @!p0 $0x0  }
0xc8: {  	s17 =	simm.s32 @!p0 $0x3000;
	s18 =	simm.s32 @!p0 $0x1;
	[sflag:s15] =	ssyncadd.s32 @!p0 $0xFFFFFC00  }
0xc9: {  	[tilespmem:s17], [sflag:$0x1] =	stream.indirect.gather @!p0 [hbm4b:s10+s13], $0x80, s16, s13, $0xb8;
	[tilespmem:$0x1F000] =	vst v63  }
0xca: {  	_ =	swait.ge @!p0 [sflag:s18], $0x4000  }
0xcb: {  	[sflag:s18] =	ssyncset.done @!p0 $0x0  }
0xcc: {  	[sflag:s18] =	ssyncadd.s32 @!p0 $0xFFFFC000;
	s18 =	rddreg [dreg:$0xb]  }
0xcd: {  	[spmem:s2] =	stream.indirect.scatter.add.f32 @!p0 [tilespmem:s17], [sflag:$0x3], $0x80, s18, s13, $0xb8;
	[tilespmem:$0x1F000] =	vst v63  }
0xce: {  	_ =	swait.ge @!p0 [sflag:s15], $0x4000  }
0xcf: {  	[sflag:s15] =	ssyncset.done @!p0 $0x0  }
0xd0: {  	[sflag:s15] =	ssyncadd.s32 @!p0 $0xFFFFC000  }
0xd1: {  	[bflag:$0x0] =	sbarrier.arrive $0xFFFF  }
0xd2: {  	s20 =	rddreg [dreg:$0xc]  }
0xd3: {  	[hbm:s20], [sflag:s6] =	dma.local [spmem:s12], $0x2800  }
0xd4: {  	_ =	swait.ge [sflag:s31], $0x2800  }
0xd5: {  	s8 =	sadd.s32 $0x1, s8;
	s22 =	rddreg [dreg:$0xd]  }
0xd6: {  	p1 =	sne.s32 s8, s22  }
.Ltmp2:
0xd7: {  	_ = 	snop;
	(pc) =	sbr.rel @p1 .LBB2_1-.Ltmp2, $3  }
0xd8: {  	_ =	sdelay $0x1  }
0xd9: {  	[sflag:s31] =	ssyncset.done $0x0  }
0xda: {  	[sflag:s31] =	ssyncadd.s32 $0xFFFFD800  }
0xdb: {  	_ =	sfence.sel $0x180000  }
0xdc: {  	[bflag:$0x0] =	sbarrier.arrive $0xFFFF  }
0xdd: {  	_ =	strace $0x9000004A  }
0xde: {  	s0 =	stileid.u32;
	[bflag:$0x2] =	sbarrier.arrive $0xFFFF  }
0xdf: {  	p0 =	sne.s32 s0, $0x0;
	s0 =	rddreg [dreg:$0x2]  }
0xe0: {  	s0 =	sadd.s32 @!p0 $0x100000, s0  }
0xe1: {  	[sflag:s0] =	ssyncadd.tile.s32 @!p0 $0x1;
	_ =	shalt  }
.Lfunc_end2:
_tile_overlayer_lowered:
.L_overlay_start_2:
0xe2: {  	(tag) =	ssettag $0x2  }
0xe3: {  	s0 =	rddreg [dreg:$0x0];
	s2 =	stileid.u32  }
0xe4: {  	s1 =	rddreg [dreg:$0x1];
	p0 =	sne.s32 s2, $0x0  }
0xe5: {  	s3 =	rddreg [dreg:$0x2];
	[bflag:$0x3] =	sbarrier.arrive $0xFFFF;
	s2 =	simm.s32 @!p0 $0x1C03  }
0xe6: {  	[timem:s3], [sflag:s2] =	dma.local @!p0 [hbm:s0], s1  }
0xe7: {  	s0 =	simm.s32 @!p0 $0x3  }
0xe8: {  	_ =	swait.ge @!p0 [sflag:s0], s1  }
0xe9: {  	s1 =	ssub.s32 @!p0 $0x0, s1;
	[sflag:s0] =	ssyncset.done @!p0 $0x0  }
0xea: {  	[sflag:s0] =	ssyncadd.s32 @!p0 s1  }
0xeb: {  	[bflag:$0x3] =	sbarrier.arrive $0xFFFF  }
0xec: {  	_ =	shalt  }

// kernel: kernel.16.cloned.1.call-start
scs
__scs_entry_jumppad:
0x0: {  	(pc) =	sbr.rel $0x88, $3  }
0x1: {  	(tag) =	ssettag $0x0;
	lr =	simm.s32 $0x1  }
0x2: {  	[smem:$0x3F97] =	sst lr;
	_ =	strace $0xD0000000  }
0x3: {  	_ = 	snop  }
0x4: {  	_ = 	snop  }
0x5: {  	_ = 	snop  }
0x6: {  	_ = 	snop  }
0x7: {  	_ = 	snop  }
__scs_overlays_trampoline_lowered:
0x8: {  	[smem:$0x3FA6] =	sst s0  }
0x9: {  	[smem:$0x3FA7] =	sst s1  }
0xa: {  	[smem:$0x3FA8] =	sst s2  }
0xb: {  	[smem:$0x3FA9] =	sst s3  }
0xc: {  	[smem:$0x3FAA] =	sst s4  }
0xd: {  	[smem:$0x3FAB] =	sst s5  }
0xe: {  	[smem:$0x3FAC] =	sst s6  }
0xf: {  	[smem:$0x3FAD] =	sst s7  }
0x10: {  	[smem:$0x3FAE] =	sst s8  }
0x11: {  	[smem:$0x3FAF] =	sst s9;
	s0 =	simm.s32 @!p0 $0x0  }
0x12: {  	s1 =	sld [smem:$0x3F95];
	s0 =	simm.s32 @p0 $0x1  }
0x13: {  	[smem:$0x3FB0] =	sst s0;
	s0 =	simm.s32 @!p1 $0x0  }
0x14: {  	s2 =	sld [smem:$0x3F94];
	s0 =	simm.s32 @p1 $0x1  }
0x15: {  	[smem:$0x3FB1] =	sst s0;
	s0 =	simm.s32 @!p2 $0x0  }
0x16: {  	s3 =	sld [smem:$0x3FDB];
	s0 =	simm.s32 @p2 $0x1  }
0x17: {  	s4 =	simm.s32 $0x1BF5;
	[smem:$0x3FB3] =	sst s0  }
0x18: {  	s0 =	sld [smem:$0x3F96];
	_ =	swait.ge [sflag:s4], $0x0  }
0x19: {  	s7 =	sld [smem:$0x3F97]  }
0x1a: {  	s8 =	sadd.s32 $0xFFFFE003, lr  }
0x1b: {  	s9 =	sadd.s32 $0xFFFFFEF7, lr;
	s5 =	simm.s32 $0xFFFFFFFF;
	p2 =	slt.u32 s8, $0xFFFFF086  }
0x1c: {  	p1 =	slt.u32 s9, $0xF7A;
	s5 =	simm.s32 @!p2 $0x0  }
0x1d: {  	s5 =	simm.s32 @p1 $0x1;
	p0 =	seq.s32 s7, s2  }
0x1e: {  	s7 =	smul.u32 @!p0 $0xF7A, s2;
	p2 =	seq.s32 @!p0 s5, $0x0  }
0x1f: {  	s9 =	smul.u32 $0xF7A, s1;
	s8 =	simm.s32 @!p0 $0x1BF5;
	p2 =	por !p2, p0  }
0x20: {  	[sflag:s8] =	ssyncset.s32 @!p0 $0xFFFFF086;
	s6 =	sadd.s32 @!p0 s3, s7;
	s7 =	simm.s32 @!p0 $0x108  }
0x21: {  	s3 =	sadd.s32 s3, s9;
	s6 =	sadd.s32 @!p0 $0x88, s6;
	s7 =	simm.s32 @p2 $0x1082  }
0x22: {  	[simem:s7], [sflag:s8] =	dma.local @!p0 [hbm:s6], $0xF7A  }
0x23: {  	s9 =	sor.u32 $0xD0000000, s2;
	s6 =	simm.s32 $0x108;
	_ =	swait.ge @!p0 [sflag:s8], $0x0  }
0x24: {  	s3 =	sadd.s32 $0x88, s3;
	s6 =	simm.s32 @!p1 $0x1082;
	[sflag:s4] =	ssyncset.s32 $0xFFFFF086  }
0x25: {  	[simem:s6], [sflag:s4] =	dma.local [hbm:s3], $0xF7A  }
0x26: {  	[smem:$0x3F97] =	sst s1;
	(tag) =	ssettag s2;
	_ =	strace s9  }
0x27: {  	s1 =	sld [smem:$0x3FA7]  }
0x28: {  	s2 =	sld [smem:$0x3FA8]  }
0x29: {  	s4 =	sld [smem:$0x3FAA]  }
0x2a: {  	p0 =	seq.s32 s5, $0x0;
	s5 =	sld [smem:$0x3FAB]  }
0x2b: {  	s6 =	sld [smem:$0x3FAC]  }
0x2c: {  	s7 =	sld [smem:$0x3FAD]  }
0x2d: {  	s3 =	simm.s32 $0x108;
	s8 =	sld [smem:$0x3FAE]  }
0x2e: {  	s3 =	simm.s32 @!p0 $0x1082;
	s9 =	sld [smem:$0x3FAF]  }
0x2f: {  	lr =	sadd.s32 s0, s3;
	s0 =	sld [smem:$0x3FA6]  }
0x30: {  	s3 =	sld [smem:$0x3FA9]  }
0x31: {  	[smem:$0x3FB2] =	sst s10  }
0x32: {  	s10 =	sld [smem:$0x3FB0];
	_ =	sdelay $0x3  }
0x33: {  	p0 =	seq.s32 s10, $0x1;
	s10 =	sld [smem:$0x3FB2];
	_ =	sdelay $0x3  }
0x34: {  	[smem:$0x3FB2] =	sst s10  }
0x35: {  	s10 =	sld [smem:$0x3FB1];
	_ =	sdelay $0x3  }
0x36: {  	p1 =	seq.s32 s10, $0x1;
	s10 =	sld [smem:$0x3FB2];
	_ =	sdelay $0x3  }
0x37: {  	[smem:$0x3FB2] =	sst s10  }
0x38: {  	s10 =	sld [smem:$0x3FB3]  }
0x39: {  	_ = 	snop;
	(pc) =	sbr.ind lr, $3  }
0x3a: {  	_ = 	snop  }
0x3b: {  	_ = 	snop  }
0x3c: {  	p2 =	seq.s32 s10, $0x1;
	s10 =	sld [smem:$0x3FB2]  }
0x3d: {  	_ =	shalt  }
0x3e: {  	_ =	shalt  }
0x3f: {  	_ =	shalt  }
0x40: {  	_ =	shalt  }
0x41: {  	_ =	shalt  }
0x42: {  	_ =	shalt  }
0x43: {  	_ =	shalt  }
0x44: {  	_ =	shalt  }
0x45: {  	_ =	shalt  }
0x46: {  	_ =	shalt  }
0x47: {  	_ =	shalt  }
0x48: {  	_ =	shalt  }
0x49: {  	_ =	shalt  }
0x4a: {  	_ =	shalt  }
0x4b: {  	_ =	shalt  }
0x4c: {  	_ =	shalt  }
0x4d: {  	_ =	shalt  }
0x4e: {  	_ =	shalt  }
0x4f: {  	_ =	shalt  }
0x50: {  	_ =	shalt  }
0x51: {  	_ =	shalt  }
0x52: {  	_ =	shalt  }
0x53: {  	_ =	shalt  }
0x54: {  	_ =	shalt  }
0x55: {  	_ =	shalt  }
0x56: {  	_ =	shalt  }
0x57: {  	_ =	shalt  }
0x58: {  	_ =	shalt  }
0x59: {  	_ =	shalt  }
0x5a: {  	_ =	shalt  }
0x5b: {  	_ =	shalt  }
0x5c: {  	_ =	shalt  }
0x5d: {  	_ =	shalt  }
0x5e: {  	_ =	shalt  }
0x5f: {  	_ =	shalt  }
0x60: {  	_ =	shalt  }
0x61: {  	_ =	shalt  }
0x62: {  	_ =	shalt  }
0x63: {  	_ =	shalt  }
0x64: {  	_ =	shalt  }
0x65: {  	_ =	shalt  }
0x66: {  	_ =	shalt  }
0x67: {  	_ =	shalt  }
0x68: {  	_ =	shalt  }
0x69: {  	_ =	shalt  }
0x6a: {  	_ =	shalt  }
0x6b: {  	_ =	shalt  }
0x6c: {  	_ =	shalt  }
0x6d: {  	_ =	shalt  }
0x6e: {  	_ =	shalt  }
0x6f: {  	_ =	shalt  }
0x70: {  	_ =	shalt  }
0x71: {  	_ =	shalt  }
0x72: {  	_ =	shalt  }
0x73: {  	_ =	shalt  }
0x74: {  	_ =	shalt  }
0x75: {  	_ =	shalt  }
0x76: {  	_ =	shalt  }
0x77: {  	_ =	shalt  }
0x78: {  	_ =	shalt  }
0x79: {  	_ =	shalt  }
0x7a: {  	_ =	shalt  }
0x7b: {  	_ =	shalt  }
0x7c: {  	_ =	shalt  }
0x7d: {  	_ =	shalt  }
0x7e: {  	_ =	shalt  }
0x7f: {  	_ =	shalt  }
0x80: {  	_ =	shalt  }
0x81: {  	_ =	shalt  }
0x82: {  	_ =	shalt  }
0x83: {  	_ =	shalt  }
0x84: {  	_ =	shalt  }
0x85: {  	_ =	shalt  }
0x86: {  	_ =	shalt  }
0x87: {  	_ =	shalt  }
.Lfunc_end0:
.L_simem_size_0:
called_computation.2_lowered:
.L_overlay_start_0:
0x88: {  	s2 =	sld [smem:$0x3FD9]  }
0x89: {  	s3 =	sld [smem:$0x3FFE];
	_ =	sdelay $0x1  }
0x8a: {  	s1 =	srdreg.scid  }
0x8b: {  	s0 =	sand.u32 $0x1, s1  }
0x8c: {  	s16 =	sshll.u32 s0, $0xA;
	s2 =	sadd.s32 s3, s2  }
0x8d: {  	s2 =	sadd.s32 s2, s16  }
0x8e: {  	[smem:$0x3FBE] =	sst s2  }
0x8f: {  	_ = 	snop  }
0x90: {  	(tm) =	ssettm $0x1  }
0x91: {  	s17 =	sld [smem:$0x3FFB];
	_ =	sdelay $0x3  }
0x92: {  	_ =	strace s17  }
0x93: {  	s2 =	sld [smem:$0x3FFC];
	_ =	sdelay $0x3  }
0x94: {  	_ =	strace s2  }
0x95: {  	s2 =	sld [smem:$0x3FFD];
	_ =	sdelay $0x3  }
0x96: {  	_ =	strace s2  }
0x97: {  	_ =	strace $0x8FFFFFFF  }
0x98: {  	s18 =	sld [smem:$0x3FDB];
	_ =	sdelay $0x1  }
0x99: {  	s19 =	simm.s32 $_scs_section_size  }
0x9a: {  	s4 =	simm.s32 $_size__tile_overlayer_lowered;
	s5 =	simm.s32 $_tile_overlayer_lowered  }
0x9b: {  	s22 =	simm.s32 $0x1BFF;
	s21 =	sshll.u32 s5, $0x1;
	s2 =	sadd.s32 s19, s18  }
0x9c: {  	s6 =	simm.s32 $0x0;
	s20 =	sshll.u32 s4, $0x1;
	s4 =	sadd.s32 s21, s2  }
0x9d: {  	[timem:s6], [sflag:s22] =	dma.local [hbm:s4], s20  }
0x9e: {  	_ =	swait.ge [sflag:s22], s20  }
0x9f: {  	s3 =	ssub.s32 $0x0, s20;
	[sflag:s22] =	ssyncset.done $0x0  }
0xa0: {  	[sflag:s22] =	ssyncadd.s32 s3;
	_ =	sdelay $0x1  }
0xa1: {  	s23 =	simm.s32 $0x1B8B  }
0xa2: {  	_ =	swait.ge [sflag:s23], $0x1  }
0xa3: {  	[sflag:s23] =	ssyncset.done $0x0  }
0xa4: {  	s25 =	simm.s32 $0x1B8E;
	s24 =	sld [smem:$0x3FFE];
	[sflag:s23] =	ssyncadd.s32 $0xFFFFFFFF  }
0xa5: {  	s26 =	simm.s32 $execute0_lowered;
	[smem:$0x3FD2] =	sst s25  }
0xa6: {  	s4 =	sshll.u32 s26, $0x1;
	_ =	strace $0x8000004C;
	[dreg:$0x1] =	wrdreg $0xFFFFFFFF  }
0xa7: {  	s28 =	simm.s32 $_size_execute0_lowered;
	s2 =	sadd.s32 s2, s4;
	[dreg:$0x0] =	wrdreg $0x0  }
0xa8: {  	s4 =	sshll.u32 s28, $0x1;
	[dreg:$0x2] =	wrdreg s2  }
0xa9: {  	[dreg:$0x3] =	wrdreg s4  }
0xaa: {  	[dreg:$0x4] =	wrdreg $0xC0  }
0xab: {  	_ =	task [dreg:s6], $0x5FFFF  }
0xac: {  	[dreg:$0x1] =	wrdreg $0xFFFFFFFF  }
0xad: {  	[dreg:$0x0] =	wrdreg $0x60  }
0xae: {  	[dreg:$0x2] =	wrdreg s24  }
0xaf: {  	[dreg:$0x3] =	wrdreg $0xB0000  }
0xb0: {  	[dreg:$0x4] =	wrdreg $0x9  }
0xb1: {  	_ =	task.clear_ibuf [dreg:s6], $0x5FFFF;
	_ =	strace $0x9000004C  }
0xb2: {  	s29 =	simm.s32 $0x9;
	_ =	strace $0x8000004E  }
0xb3: {  	_ =	swait.ge [sflag:s29], $0x1  }
0xb4: {  	[sflag:s29] =	ssyncadd.s32 $0xFFFFFFFF  }
0xb5: {  	_ =	strace $0x9000004E  }
0xb6: {  	_ =	sfence  }
0xb7: {  	s30 =	sld [smem:$0x0];
	_ =	sdelay $0x2  }
0xb8: {  	s31 =	sshll.u32 s1, $0xD;
	s1 =	sshrl.u32 s1, $0x2  }
0xb9: {  	s3 =	sand.u32 $0x4000, s31;
	s1 =	sadd.s32 s1, s30  }
0xba: {  	s0 =	sor.u32 s3, s0;
	s1 =	sshll.u32 s1, $0x11  }
0xbb: {  	s0 =	sor.u32 s1, s0  }
0xbc: {  	s0 =	sadd.s32 $0x8F2B, s0  }
0xbd: {  	[sflag:s0] =	ssyncadd.remote.s32 $0x1  }
0xbe: {  	_ =	sfence.sel $0xFFFF  }
0xbf: {  	[dreg:$0x0] =	wrdreg $0xFFFFFFFF;
	(pc) =	sbr.abs _section_cstart, $3  }
0xc0: {  	[dreg:$0x1] =	wrdreg $0xFFFFFFFF  }
0xc1: {  	_ =	task.clear_ibuf [dreg:s6], $0x2FFFF;
	_ =	strace $0x9FFFFFFF  }
0xc2: {  	(tm) =	ssettm $0x7FFFFFFF  }
0xc3: {  	_ =	shalt  }
tec
execute0_lowered:
.L_overlay_start_1:
0x0: {  	(tag) =	ssettag $0x1  }
0x1: {  	s0 =	rddreg [dreg:$0x0];
	s13 =	stileid.u32  }
0x2: {  	s1 =	srdreg.scid;
	s2 =	rddreg [dreg:$0x1]  }
0x3: {  	s5 =	simm.s32 $0x0;
	s31 =	simm.s32 $0x3;
	s3 =	smul.u32 $0x2700, s13  }
0x4: {  	s1 =	sand.u32 $0x1, s1;
	[smem:$0x7FF] =	sst s5;
	s10 =	smul.u32 $0x14000, s13  }
0x5: {  	s7 =	sadd.s32 $0xD600, s0;
	s8 =	smul.u32 $0x50000, s13;
	s14 =	sshll.u32 s13, $0x6  }
0x6: {  	s9 =	smul.u32 $0x6, s13;
	s19 =	sadd.s32 $0x7E00, s0;
	s24 =	ssub.s32 $0x0, s13  }
0x7: {  	p0 =	sgt.u32 s13, $0x1;
	s4 =	smul.u32 $0x140000, s1;
	_ =	strace $0x8000004D  }
0x8: {  	s1 =	ssub.s32 $0x2, s1;
	[dreg:$0x9] =	wrdreg s19;
	s3 =	sand.u32 $0x3FC00, s3  }
0x9: {  	s6 =	sshrl.u32 s1, $0x1;
	s11 =	sshrl.u32 s8, $0x2;
	s15 =	sand.u32 $0x6, s9  }
0xa: {  	s8 =	simm.s32 $0x0;
	s3 =	sshrl.u32 s3, $0x3;
	s5 =	sadd.s32 s10, s4  }
0xb: {  	s1 =	ssub.s32 s1, s6;
	s6 =	sadd.s32 s11, s2;
	s4 =	sshrl.u32 s4, $0x3  }
0xc: {  	s9 =	sshll.u32 s15, $0x7;
	s11 =	sadd.s32 $0x27, s15;
	s23 =	sor.u32 $0x28, s15  }
0xd: {  	s5 =	sshrl.u32 s5, $0x3;
	s3 =	sadd.s32 s3, s0;
	[dreg:$0x3] =	wrdreg s6  }
0xe: {  	s6 =	sor.u32 $0x1C03, s14;
	s10 =	sadd.s32 s7, s4;
	s14 =	sadd.s32 $0x25, s15  }
0xf: {  	s22 =	smax.u32 s1, $0x1;
	s1 =	sand.u32 $0x3, s24;
	s25 =	sadd.s32 $0x2B00, s9  }
0x10: {  	s29 =	sadd.s32 $0x2A00, s9;
	s4 =	simm.s32 $0x7000;
	[dreg:$0xd] =	wrdreg s22  }
0x11: {  	s12 =	sadd.s32 s5, s0;
	s5 =	sadd.s32 s7, s5;
	[dreg:$0xe] =	wrdreg s25  }
0x12: {  	s16 =	sadd.s32 $0x3000, s3;
	s17 =	sadd.s32 $0x8000, s3;
	[dreg:$0x4] =	wrdreg s5  }
0x13: {  	s18 =	sadd.s32 $0x3280, s3;
	s3 =	sadd.s32 $0x8280, s3;
	[dreg:$0x5] =	wrdreg s16  }
0x14: {  	s0 =	sadd.s32 $0xCE00, s0;
	s26 =	sshll.u32 s1, $0x8;
	[dreg:$0x6] =	wrdreg s17  }
0x15: {  	s25 =	sor.u32 $0x1, s15;
	s28 =	sshll.u32 s14, $0x7;
	[dreg:$0x7] =	wrdreg s18  }
0x16: {  	s1 =	simm.s32 $0x1800;
	s7 =	simm.s32 $0x2;
	[dreg:$0x8] =	wrdreg s3  }
0x17: {  	s16 =	sshll.u32 s13, $0x7;
	[dreg:$0xa] =	wrdreg s0;
	s21 =	sadd.s32 $0x5DC00, s12  }
0x18: {  	s0 =	smin.u32 s23, s11;
	s24 =	sor.u32 $0x1800, s26;
	s30 =	sadd.s32 $0x1800, s28  }
0x19: {  	s3 =	simm.s32 $0x3000;
	s5 =	simm.s32 $0x1;
	s20 =	sor.u32 $0x1800, s16  }
0x1a: {  	[dreg:$0xc] =	wrdreg s21;
	s21 =	sshll.u32 s11, $0x7;
	s23 =	sshll.u32 s0, $0x7  }
0x1b: {  	s0 =	simm.s32 $0x80;
	[dreg:$0xb] =	wrdreg s20;
	s26 =	sadd.s32 $0x1800, s21  }
.LBB2_1:
0x1c: {  	s12 =	rddreg [dreg:$0x3]  }
0x1d: {  	s13 =	rddreg [dreg:$0x4];
	s12 =	sshrl.u32 s12, $0x3  }
0x1e: {  	[spmem:s12], [sflag:s6] =	dma.local [hbm:s13], $0x2800  }
0x1f: {  	_ =	swait.ge [sflag:s31], $0x2800  }
0x20: {  	[sflag:s31] =	ssyncset.done $0x0  }
0x21: {  	[sflag:s31] =	ssyncadd.s32 $0xFFFFD800  }
0x22: {  	[bflag:$0x0] =	sbarrier.arrive $0xFFFF  }
0x23: {  	s20 =	simm.s32 $0x0;
	s15 =	rddreg [dreg:$0x5]  }
0x24: {  	[tilespmem:s20], [sflag:$0x3] =	stream.linear.gather [hbm4b:s15+s20], $0x1800, $0x38;
	[tilespmem:$0x1F000] =	vst v63  }
0x25: {  	_ =	swait.ge [sflag:s31], $0x1800  }
0x26: {  	[sflag:s31] =	ssyncset.done $0x0  }
0x27: {  	s22 =	rddreg [dreg:$0x6];
	[sflag:s31] =	ssyncadd.s32 $0xFFFFE800  }
0x28: {  	[tilespmem:s1], [sflag:$0x3] =	stream.linear.gather [hbm4b:s22+s20], $0x1800, $0x38;
	[tilespmem:$0x1F000] =	vst v63  }
0x29: {  	p1 =	slt.s32 s25, s11;
	s13 =	smov.u32 s11;
	_ =	swait.ge [sflag:s31], $0x1800  }
0x2a: {  	s13 =	smov.u32 @p1 s25;
	[sflag:s31] =	ssyncset.done $0x0  }
0x2b: {  	s13 =	sshll.u32 s13, $0x7;
	[sflag:s31] =	ssyncadd.s32 $0xFFFFE800  }
0x2c: {  	[tilespmem:s3], [sflag:$0x1] =	stream.indirect.gather [hbm4b:s10+s0], $0x80, s9, s0, $0xb8;
	[tilespmem:$0x1F000] =	vst v63  }
0x2d: {  	s13 =	sand.u32 $0x3FFFFF80, s13  }
0x2e: {  	[tilespmem:s4], [sflag:$0x2] =	stream.indirect.gather [hbm4b:s10+s0], $0x80, s13, s0, $0xb8;
	[tilespmem:$0x1F000] =	vst v63  }
0x2f: {  	_ =	swait.ge [sflag:s5], $0x4000  }
0x30: {  	s19 =	sadd.s32 $0x0, s24;
	s13 =	sadd.s32 $0x1, s25;
	[sflag:s5] =	ssyncset.done $0x0  }
0x31: {  	s15 =	smov.u32 s11;
	p1 =	slt.s32 s13, s11;
	[sflag:s5] =	ssyncadd.s32 $0xFFFFC000  }
0x32: {  	[spmem:s2] =	stream.indirect.scatter.add.f32 [tilespmem:s3], [sflag:$0x3], $0x80, s19, s0, $0xb8;
	[tilespmem:$0x1F000] =	vst v63  }
0x33: {  	s15 =	smov.u32 @p1 s13;
	_ =	swait.ge [sflag:s31], $0x4000  }
0x34: {  	s18 =	simm.s32 $0x800;
	s15 =	sshll.u32 s15, $0x7;
	[sflag:s31] =	ssyncset.done $0x0  }
0x35: {  	s17 =	sand.u32 $0x3FFFFF80, s15;
	s15 =	sadd.s32 $0x2, s25;
	[sflag:s31] =	ssyncadd.s32 $0xFFFFC000  }
0x36: {  	[tilespmem:s3], [sflag:$0x1] =	stream.indirect.gather [hbm4b:s10+s0], $0x80, s17, s0, $0xb8;
	[tilespmem:$0x1F000] =	vst v63  }
0x37: {  	s20 =	smov.u32 s11;
	p1 =	slt.s32 s15, s11;
	_ =	swait.ge [sflag:s7], $0x4000  }
0x38: {  	s19 =	sadd.s32 $0x80, s19;
	s20 =	smov.u32 @p1 s15;
	[sflag:s7] =	ssyncset.done $0x0  }
0x39: {  	s20 =	sshll.u32 s20, $0x7;
	s17 =	simm.s32 $0x400;
	[sflag:s7] =	ssyncadd.s32 $0xFFFFC000  }
.LBB2_2:
0x3a: {  	[spmem:s2] =	stream.indirect.scatter.add.f32 [tilespmem:s4], [sflag:$0x3], $0x80, s19, s0, $0xb8;
	[tilespmem:$0x1F000] =	vst v63  }
0x3b: {  	s19 =	smov.u32 s18  }
0x3c: {  	p1 =	sne.s32 s18, $0x4800;
	s18 =	sadd.s32 $0x400, s18;
	_ =	swait.ge [sflag:s31], $0x4000  }
0x3d: {  	[sflag:s31] =	ssyncset.done $0x0  }
0x3e: {  	s20 =	sand.u32 $0x3FFFFF80, s20;
	s22 =	sadd.s32 $0x1, s15;
	[sflag:s31] =	ssyncadd.s32 $0xFFFFC000  }
0x3f: {  	[tilespmem:s4], [sflag:$0x2] =	stream.indirect.gather [hbm4b:s10+s0], $0x80, s20, s0, $0xb8;
	[tilespmem:$0x1F000] =	vst v63  }
0x40: {  	p2 =	slt.s32 s22, s11;
	s20 =	smov.u32 s11;
	_ =	swait.ge [sflag:s5], $0x4000  }
0x41: {  	s17 =	sshra.s32 s17, $0x2;
	s20 =	smov.u32 @p2 s22;
	[sflag:s5] =	ssyncset.done $0x0  }
0x42: {  	s22 =	sadd.s32 s17, s24;
	s20 =	sshll.u32 s20, $0x7;
	[sflag:s5] =	ssyncadd.s32 $0xFFFFC000  }
0x43: {  	[spmem:s2] =	stream.indirect.scatter.add.f32 [tilespmem:s3], [sflag:$0x3], $0x80, s22, s0, $0xb8;
	[tilespmem:$0x1F000] =	vst v63  }
0x44: {  	s17 =	smov.u32 s19;
	_ =	swait.ge [sflag:s31], $0x4000  }
0x45: {  	s15 =	sadd.s32 $0x2, s15;
	s20 =	sand.u32 $0x3FFFFF80, s20;
	[sflag:s31] =	ssyncset.done $0x0  }
.Ltmp0:
0x46: {  	s19 =	sadd.s32 $0x80, s22;
	[sflag:s31] =	ssyncadd.s32 $0xFFFFC000;
	(pc) =	sbr.rel @p1 .LBB2_2-.Ltmp0, $4  }
0x47: {  	[tilespmem:s3], [sflag:$0x1] =	stream.indirect.gather [hbm4b:s10+s0], $0x80, s20, s0, $0xb8;
	[tilespmem:$0x1F000] =	vst v63  }
0x48: {  	p2 =	slt.s32 s15, s11;
	s20 =	smov.u32 s11;
	_ =	swait.ge [sflag:s7], $0x4000  }
0x49: {  	s20 =	smov.u32 @p2 s15;
	[sflag:s7] =	ssyncset.done $0x0  }
0x4a: {  	s20 =	sshll.u32 s20, $0x7;
	[sflag:s7] =	ssyncadd.s32 $0xFFFFC000  }
0x4b: {  	[spmem:s2] =	stream.indirect.scatter.add.f32 [tilespmem:s4], [sflag:$0x3], $0x80, s19, s0, $0xb8;
	[tilespmem:$0x1F000] =	vst v63  }
0x4c: {  	_ =	swait.ge [sflag:s31], $0x4000  }
0x4d: {  	[sflag:s31] =	ssyncset.done $0x0  }
0x4e: {  	s18 =	sand.u32 $0x3FFFFF80, s20;
	[sflag:s31] =	ssyncadd.s32 $0xFFFFC000  }
0x4f: {  	[tilespmem:s4], [sflag:$0x2] =	stream.indirect.gather [hbm4b:s10+s0], $0x80, s18, s0, $0xb8;
	[tilespmem:$0x1F000] =	vst v63  }
0x50: {  	s15 =	sadd.s32 $0x1, s15;
	_ =	swait.ge [sflag:s5], $0x4000  }
0x51: {  	s17 =	sshra.s32 s17, $0x2;
	p1 =	slt.s32 s15, s11;
	[sflag:s5] =	ssyncset.done $0x0  }
0x52: {  	s17 =	sadd.s32 s17, s24;
	s18 =	smov.u32 s11;
	[sflag:s5] =	ssyncadd.s32 $0xFFFFC000  }
0x53: {  	[spmem:s2] =	stream.indirect.scatter.add.f32 [tilespmem:s3], [sflag:$0x3], $0x80, s17, s0, $0xb8;
	[tilespmem:$0x1F000] =	vst v63  }
0x54: {  	s18 =	smov.u32 @p1 s15;
	_ =	swait.ge [sflag:s31], $0x4000  }
0x55: {  	s15 =	sshll.u32 s18, $0x7;
	[sflag:s31] =	ssyncset.done $0x0  }
0x56: {  	s15 =	sand.u32 $0x3FFFFF80, s15;
	[sflag:s31] =	ssyncadd.s32 $0xFFFFC000  }
0x57: {  	[tilespmem:s3], [sflag:$0x1] =	stream.indirect.gather [hbm4b:s10+s0], $0x80, s15, s0, $0xb8;
	[tilespmem:$0x1F000] =	vst v63  }
0x58: {  	_ =	swait.ge [sflag:s7], $0x4000  }
0x59: {  	[sflag:s7] =	ssyncset.done $0x0  }
0x5a: {  	s22 =	sadd.s32 $0x80, s17;
	[sflag:s7] =	ssyncadd.s32 $0xFFFFC000  }
0x5b: {  	[spmem:s2] =	stream.indirect.scatter.add.f32 [tilespmem:s4], [sflag:$0x3], $0x80, s22, s0, $0xb8;
	[tilespmem:$0x1F000] =	vst v63  }
0x5c: {  	_ =	swait.ge [sflag:s31], $0x4000  }
0x5d: {  	[sflag:s31] =	ssyncset.done $0x0  }
0x5e: {  	[sflag:s31] =	ssyncadd.s32 $0xFFFFC000  }
0x5f: {  	[tilespmem:s4], [sflag:$0x2] =	stream.indirect.gather [hbm4b:s10+s0], $0x80, s21, s0, $0xb8;
	[tilespmem:$0x1F000] =	vst v63  }
0x60: {  	_ =	swait.ge [sflag:s5], $0x4000  }
0x61: {  	[sflag:s5] =	ssyncset.done $0x0  }
0x62: {  	s17 =	rddreg [dreg:$0xe];
	[sflag:s5] =	ssyncadd.s32 $0xFFFFC000  }
0x63: {  	[spmem:s2] =	stream.indirect.scatter.add.f32 [tilespmem:s3], [sflag:$0x3], $0x80, s17, s0, $0xb8;
	[tilespmem:$0x1F000] =	vst v63  }
0x64: {  	_ =	swait.ge [sflag:s31], $0x4000  }
0x65: {  	[sflag:s31] =	ssyncset.done $0x0  }
0x66: {  	[sflag:s31] =	ssyncadd.s32 $0xFFFFC000  }
0x67: {  	[tilespmem:s3], [sflag:$0x1] =	stream.indirect.gather [hbm4b:s10+s0], $0x80, s23, s0, $0xb8;
	[tilespmem:$0x1F000] =	vst v63  }
0x68: {  	_ =	swait.ge [sflag:s7], $0x4000  }
0x69: {  	[sflag:s7] =	ssyncset.done $0x0  }
0x6a: {  	[sflag:s7] =	ssyncadd.s32 $0xFFFFC000  }
0x6b: {  	[spmem:s2] =	stream.indirect.scatter.add.f32 [tilespmem:s4], [sflag:$0x3], $0x80, s26, s0, $0xb8;
	[tilespmem:$0x1F000] =	vst v63  }
0x6c: {  	_ =	swait.ge [sflag:s31], $0x4000  }
0x6d: {  	[sflag:s31] =	ssyncset.done $0x0  }
0x6e: {  	[sflag:s31] =	ssyncadd.s32 $0xFFFFC000  }
0x6f: {  	_ =	swait.ge [sflag:s5], $0x4000  }
0x70: {  	[sflag:s5] =	ssyncset.done $0x0  }
0x71: {  	s18 =	simm.s32 $0x0;
	s19 =	rddreg [dreg:$0x7];
	[sflag:s5] =	ssyncadd.s32 $0xFFFFC000  }
0x72: {  	[tilespmem:s18], [sflag:$0x3] =	stream.linear.gather [hbm4b:s19+s18], $0x1800, $0x38;
	[tilespmem:$0x1F000] =	vst v63  }
0x73: {  	_ =	swait.ge [sflag:s31], $0x1800  }
0x74: {  	[sflag:s31] =	ssyncset.done $0x0  }
0x75: {  	s20 =	rddreg [dreg:$0x8];
	[sflag:s31] =	ssyncadd.s32 $0xFFFFE800  }
0x76: {  	[tilespmem:s1], [sflag:$0x3] =	stream.linear.gather [hbm4b:s20+s18], $0x1800, $0x38;
	[tilespmem:$0x1F000] =	vst v63  }
0x77: {  	p1 =	slt.s32 s25, s14;
	s15 =	smov.u32 s14;
	_ =	swait.ge [sflag:s31], $0x1800  }
0x78: {  	s15 =	smov.u32 @p1 s25;
	[sflag:s31] =	ssyncset.done $0x0  }
0x79: {  	s15 =	sshll.u32 s15, $0x7;
	[sflag:s31] =	ssyncadd.s32 $0xFFFFE800  }
0x7a: {  	[tilespmem:s3], [sflag:$0x1] =	stream.indirect.gather [hbm4b:s10+s0], $0x80, s9, s0, $0xb8;
	[tilespmem:$0x1F000] =	vst v63  }
0x7b: {  	s15 =	sand.u32 $0x3FFFFF80, s15  }
0x7c: {  	[tilespmem:s4], [sflag:$0x2] =	stream.indirect.gather [hbm4b:s10+s0], $0x80, s15, s0, $0xb8;
	[tilespmem:$0x1F000] =	vst v63  }
0x7d: {  	_ =	swait.ge [sflag:s5], $0x4000  }
0x7e: {  	p1 =	slt.s32 s13, s14;
	[sflag:s5] =	ssyncset.done $0x0  }
0x7f: {  	s22 =	sadd.s32 $0x0, s24;
	s15 =	smov.u32 s14;
	[sflag:s5] =	ssyncadd.s32 $0xFFFFC000  }
0x80: {  	[spmem:s2] =	stream.indirect.scatter.add.f32 [tilespmem:s3], [sflag:$0x3], $0x80, s22, s0, $0xb8;
	[tilespmem:$0x1F000] =	vst v63  }
0x81: {  	s15 =	smov.u32 @p1 s13;
	_ =	swait.ge [sflag:s31], $0x4000  }
0x82: {  	s17 =	simm.s32 $0x800;
	s13 =	sshll.u32 s15, $0x7;
	[sflag:s31] =	ssyncset.done $0x0  }
0x83: {  	s15 =	sand.u32 $0x3FFFFF80, s13;
	s13 =	sadd.s32 $0x2, s25;
	[sflag:s31] =	ssyncadd.s32 $0xFFFFC000  }
0x84: {  	[tilespmem:s3], [sflag:$0x1] =	stream.indirect.gather [hbm4b:s10+s0], $0x80, s15, s0, $0xb8;
	[tilespmem:$0x1F000] =	vst v63  }
0x85: {  	s19 =	smov.u32 s14;
	p1 =	slt.s32 s13, s14;
	_ =	swait.ge [sflag:s7], $0x4000  }
0x86: {  	s18 =	sadd.s32 $0x80, s22;
	s19 =	smov.u32 @p1 s13;
	[sflag:s7] =	ssyncset.done $0x0  }
0x87: {  	s19 =	sshll.u32 s19, $0x7;
	s15 =	simm.s32 $0x400;
	[sflag:s7] =	ssyncadd.s32 $0xFFFFC000  }
.LBB2_4:
0x88: {  	[spmem:s2] =	stream.indirect.scatter.add.f32 [tilespmem:s4], [sflag:$0x3], $0x80, s18, s0, $0xb8;
	[tilespmem:$0x1F000] =	vst v63  }
0x89: {  	s18 =	smov.u32 s17  }
0x8a: {  	p1 =	sne.s32 s17, $0x4400;
	s17 =	sadd.s32 $0x400, s17;
	_ =	swait.ge [sflag:s31], $0x4000  }
0x8b: {  	[sflag:s31] =	ssyncset.done $0x0  }
0x8c: {  	s19 =	sand.u32 $0x3FFFFF80, s19;
	s20 =	sadd.s32 $0x1, s13;
	[sflag:s31] =	ssyncadd.s32 $0xFFFFC000  }
0x8d: {  	[tilespmem:s4], [sflag:$0x2] =	stream.indirect.gather [hbm4b:s10+s0], $0x80, s19, s0, $0xb8;
	[tilespmem:$0x1F000] =	vst v63  }
0x8e: {  	p2 =	slt.s32 s20, s14;
	s19 =	smov.u32 s14;
	_ =	swait.ge [sflag:s5], $0x4000  }
0x8f: {  	s15 =	sshra.s32 s15, $0x2;
	s19 =	smov.u32 @p2 s20;
	[sflag:s5] =	ssyncset.done $0x0  }
0x90: {  	s20 =	sadd.s32 s15, s24;
	s19 =	sshll.u32 s19, $0x7;
	[sflag:s5] =	ssyncadd.s32 $0xFFFFC000  }
0x91: {  	[spmem:s2] =	stream.indirect.scatter.add.f32 [tilespmem:s3], [sflag:$0x3], $0x80, s20, s0, $0xb8;
	[tilespmem:$0x1F000] =	vst v63  }
0x92: {  	s15 =	smov.u32 s18;
	_ =	swait.ge [sflag:s31], $0x4000  }
0x93: {  	s13 =	sadd.s32 $0x2, s13;
	s19 =	sand.u32 $0x3FFFFF80, s19;
	[sflag:s31] =	ssyncset.done $0x0  }
.Ltmp1:
0x94: {  	s18 =	sadd.s32 $0x80, s20;
	[sflag:s31] =	ssyncadd.s32 $0xFFFFC000;
	(pc) =	sbr.rel @p1 .LBB2_4-.Ltmp1, $4  }
0x95: {  	[tilespmem:s3], [sflag:$0x1] =	stream.indirect.gather [hbm4b:s10+s0], $0x80, s19, s0, $0xb8;
	[tilespmem:$0x1F000] =	vst v63  }
0x96: {  	p2 =	slt.s32 s13, s14;
	s19 =	smov.u32 s14;
	_ =	swait.ge [sflag:s7], $0x4000  }
0x97: {  	s19 =	smov.u32 @p2 s13;
	[sflag:s7] =	ssyncset.done $0x0  }
0x98: {  	s19 =	sshll.u32 s19, $0x7;
	[sflag:s7] =	ssyncadd.s32 $0xFFFFC000  }
0x99: {  	[spmem:s2] =	stream.indirect.scatter.add.f32 [tilespmem:s4], [sflag:$0x3], $0x80, s18, s0, $0xb8;
	[tilespmem:$0x1F000] =	vst v63  }
0x9a: {  	_ =	swait.ge [sflag:s31], $0x4000  }
0x9b: {  	[sflag:s31] =	ssyncset.done $0x0  }
0x9c: {  	s17 =	sand.u32 $0x3FFFFF80, s19;
	[sflag:s31] =	ssyncadd.s32 $0xFFFFC000  }
0x9d: {  	[tilespmem:s4], [sflag:$0x2] =	stream.indirect.gather [hbm4b:s10+s0], $0x80, s17, s0, $0xb8;
	[tilespmem:$0x1F000] =	vst v63  }
0x9e: {  	s13 =	sadd.s32 $0x1, s13;
	_ =	swait.ge [sflag:s5], $0x4000  }
0x9f: {  	s15 =	sshra.s32 s15, $0x2;
	p1 =	slt.s32 s13, s14;
	[sflag:s5] =	ssyncset.done $0x0  }
0xa0: {  	s15 =	sadd.s32 s15, s24;
	s17 =	smov.u32 s14;
	[sflag:s5] =	ssyncadd.s32 $0xFFFFC000  }
0xa1: {  	[spmem:s2] =	stream.indirect.scatter.add.f32 [tilespmem:s3], [sflag:$0x3], $0x80, s15, s0, $0xb8;
	[tilespmem:$0x1F000] =	vst v63  }
0xa2: {  	s17 =	smov.u32 @p1 s13;
	_ =	swait.ge [sflag:s31], $0x4000  }
0xa3: {  	s13 =	sshll.u32 s17, $0x7;
	[sflag:s31] =	ssyncset.done $0x0  }
0xa4: {  	s13 =	sand.u32 $0x3FFFFF80, s13;
	[sflag:s31] =	ssyncadd.s32 $0xFFFFC000  }
0xa5: {  	[tilespmem:s3], [sflag:$0x1] =	stream.indirect.gather [hbm4b:s10+s0], $0x80, s13, s0, $0xb8;
	[tilespmem:$0x1F000] =	vst v63  }
0xa6: {  	_ =	swait.ge [sflag:s7], $0x4000  }
0xa7: {  	[sflag:s7] =	ssyncset.done $0x0  }
0xa8: {  	s19 =	sadd.s32 $0x80, s15;
	[sflag:s7] =	ssyncadd.s32 $0xFFFFC000  }
0xa9: {  	[spmem:s2] =	stream.indirect.scatter.add.f32 [tilespmem:s4], [sflag:$0x3], $0x80, s19, s0, $0xb8;
	[tilespmem:$0x1F000] =	vst v63  }
0xaa: {  	_ =	swait.ge [sflag:s31], $0x4000  }
0xab: {  	[sflag:s31] =	ssyncset.done $0x0  }
0xac: {  	[sflag:s31] =	ssyncadd.s32 $0xFFFFC000  }
0xad: {  	[tilespmem:s4], [sflag:$0x2] =	stream.indirect.gather [hbm4b:s10+s0], $0x80, s28, s0, $0xb8;
	[tilespmem:$0x1F000] =	vst v63  }
0xae: {  	_ =	swait.ge [sflag:s5], $0x4000  }
0xaf: {  	[sflag:s5] =	ssyncset.done $0x0  }
0xb0: {  	[sflag:s5] =	ssyncadd.s32 $0xFFFFC000  }
0xb1: {  	[spmem:s2] =	stream.indirect.scatter.add.f32 [tilespmem:s3], [sflag:$0x3], $0x80, s29, s0, $0xb8;
	[tilespmem:$0x1F000] =	vst v63  }
0xb2: {  	_ =	swait.ge [sflag:s31], $0x4000  }
0xb3: {  	[sflag:s31] =	ssyncset.done $0x0  }
0xb4: {  	[sflag:s31] =	ssyncadd.s32 $0xFFFFC000  }
0xb5: {  	[tilespmem:s3], [sflag:$0x1] =	stream.indirect.gather [hbm4b:s10+s0], $0x80, s28, s0, $0xb8;
	[tilespmem:$0x1F000] =	vst v63  }
0xb6: {  	_ =	swait.ge [sflag:s7], $0x4000  }
0xb7: {  	[sflag:s7] =	ssyncset.done $0x0  }
0xb8: {  	[sflag:s7] =	ssyncadd.s32 $0xFFFFC000  }
0xb9: {  	[spmem:s2] =	stream.indirect.scatter.add.f32 [tilespmem:s4], [sflag:$0x3], $0x80, s30, s0, $0xb8;
	[tilespmem:$0x1F000] =	vst v63  }
0xba: {  	_ =	swait.ge [sflag:s31], $0x4000  }
0xbb: {  	[sflag:s31] =	ssyncset.done $0x0  }
0xbc: {  	[sflag:s31] =	ssyncadd.s32 $0xFFFFC000  }
0xbd: {  	_ =	swait.ge [sflag:s5], $0x4000  }
0xbe: {  	[sflag:s5] =	ssyncset.done $0x0  }
0xbf: {  	s13 =	simm.s32 @!p0 $0x0;
	s15 =	rddreg [dreg:$0x9];
	[sflag:s5] =	ssyncadd.s32 $0xFFFFC000  }
0xc0: {  	[tilespmem:s13], [sflag:$0x3] =	stream.linear.gather @!p0 [hbm4b:s15+s13], $0x400, $0x38;
	[tilespmem:$0x1F000] =	vst v63  }
0xc1: {  	s15 =	simm.s32 @!p0 $0x3  }
0xc2: {  	_ =	swait.ge @!p0 [sflag:s15], $0x400  }
0xc3: {  	[sflag:s15] =	ssyncset.done @!p0 $0x0  }
0xc4: {  	s17 =	simm.s32 @!p0 $0x1800;
	s18 =	rddreg [dreg:$0xa];
	[sflag:s15] =	ssyncadd.s32 @!p0 $0xFFFFFC00  }
0xc5: {  	[tilespmem:s17], [sflag:$0x3] =	stream.linear.gather @!p0 [hbm4b:s18+s13], $0x400, $0x38;
	[tilespmem:$0x1F000] =	vst v63  }
0xc6: {  	_ =	swait.ge @!p0 [sflag:s15], $0x400  }
0xc7: {  	s13 =	simm.s32 @!p0 $0x80;
	[sflag:s15] =	ssyncset.done @!p0 $0x0  }
0xc8: {  	s17 =	simm.s32 @!p0 $0x3000;
	s18 =	simm.s32 @!p0 $0x1;
	[sflag:s15] =	ssyncadd.s32 @!p0 $0xFFFFFC00  }
0xc9: {  	[tilespmem:s17], [sflag:$0x1] =	stream.indirect.gather @!p0 [hbm4b:s10+s13], $0x80, s16, s13, $0xb8;
	[tilespmem:$0x1F000] =	vst v63  }
0xca: {  	_ =	swait.ge @!p0 [sflag:s18], $0x4000  }
0xcb: {  	[sflag:s18] =	ssyncset.done @!p0 $0x0  }
0xcc: {  	[sflag:s18] =	ssyncadd.s32 @!p0 $0xFFFFC000;
	s18 =	rddreg [dreg:$0xb]  }
0xcd: {  	[spmem:s2] =	stream.indirect.scatter.add.f32 @!p0 [tilespmem:s17], [sflag:$0x3], $0x80, s18, s13, $0xb8;
	[tilespmem:$0x1F000] =	vst v63  }
0xce: {  	_ =	swait.ge @!p0 [sflag:s15], $0x4000  }
0xcf: {  	[sflag:s15] =	ssyncset.done @!p0 $0x0  }
0xd0: {  	[sflag:s15] =	ssyncadd.s32 @!p0 $0xFFFFC000  }
0xd1: {  	[bflag:$0x0] =	sbarrier.arrive $0xFFFF  }
0xd2: {  	s20 =	rddreg [dreg:$0xc]  }
0xd3: {  	[hbm:s20], [sflag:s6] =	dma.local [spmem:s12], $0x2800  }
0xd4: {  	_ =	swait.ge [sflag:s31], $0x2800  }
0xd5: {  	s8 =	sadd.s32 $0x1, s8;
	s22 =	rddreg [dreg:$0xd]  }
0xd6: {  	p1 =	sne.s32 s8, s22  }
.Ltmp2:
0xd7: {  	_ = 	snop;
	(pc) =	sbr.rel @p1 .LBB2_1-.Ltmp2, $3  }
0xd8: {  	_ =	sdelay $0x1  }
0xd9: {  	[sflag:s31] =	ssyncset.done $0x0  }
0xda: {  	[sflag:s31] =	ssyncadd.s32 $0xFFFFD800  }
0xdb: {  	_ =	sfence.sel $0x180000  }
0xdc: {  	[bflag:$0x0] =	sbarrier.arrive $0xFFFF  }
0xdd: {  	_ =	strace $0x9000004D  }
0xde: {  	s0 =	stileid.u32;
	[bflag:$0x2] =	sbarrier.arrive $0xFFFF  }
0xdf: {  	p0 =	sne.s32 s0, $0x0;
	s0 =	rddreg [dreg:$0x2]  }
0xe0: {  	s0 =	sadd.s32 @!p0 $0x100000, s0  }
0xe1: {  	[sflag:s0] =	ssyncadd.tile.s32 @!p0 $0x1;
	_ =	shalt  }
.Lfunc_end2:
_tile_overlayer_lowered:
.L_overlay_start_2:
0xe2: {  	(tag) =	ssettag $0x2  }
0xe3: {  	s0 =	rddreg [dreg:$0x0];
	s2 =	stileid.u32  }
0xe4: {  	s1 =	rddreg [dreg:$0x1];
	p0 =	sne.s32 s2, $0x0  }
0xe5: {  	s3 =	rddreg [dreg:$0x2];
	[bflag:$0x3] =	sbarrier.arrive $0xFFFF;
	s2 =	simm.s32 @!p0 $0x1C03  }
0xe6: {  	[timem:s3], [sflag:s2] =	dma.local @!p0 [hbm:s0], s1  }
0xe7: {  	s0 =	simm.s32 @!p0 $0x3  }
0xe8: {  	_ =	swait.ge @!p0 [sflag:s0], s1  }
0xe9: {  	s1 =	ssub.s32 @!p0 $0x0, s1;
	[sflag:s0] =	ssyncset.done @!p0 $0x0  }
0xea: {  	[sflag:s0] =	ssyncadd.s32 @!p0 s1  }
0xeb: {  	[bflag:$0x3] =	sbarrier.arrive $0xFFFF  }
0xec: {  	_ =	shalt  }

// kernel: kernel.19.cloned.1.call-start
scs
__scs_entry_jumppad:
0x0: {  	(pc) =	sbr.rel $0x88, $3  }
0x1: {  	(tag) =	ssettag $0x0;
	lr =	simm.s32 $0x1  }
0x2: {  	[smem:$0x3F97] =	sst lr;
	_ =	strace $0xD0000000  }
0x3: {  	_ = 	snop  }
0x4: {  	_ = 	snop  }
0x5: {  	_ = 	snop  }
0x6: {  	_ = 	snop  }
0x7: {  	_ = 	snop  }
__scs_overlays_trampoline_lowered:
0x8: {  	[smem:$0x3FA6] =	sst s0  }
0x9: {  	[smem:$0x3FA7] =	sst s1  }
0xa: {  	[smem:$0x3FA8] =	sst s2  }
0xb: {  	[smem:$0x3FA9] =	sst s3  }
0xc: {  	[smem:$0x3FAA] =	sst s4  }
0xd: {  	[smem:$0x3FAB] =	sst s5  }
0xe: {  	[smem:$0x3FAC] =	sst s6  }
0xf: {  	[smem:$0x3FAD] =	sst s7  }
0x10: {  	[smem:$0x3FAE] =	sst s8  }
0x11: {  	[smem:$0x3FAF] =	sst s9;
	s0 =	simm.s32 @!p0 $0x0  }
0x12: {  	s1 =	sld [smem:$0x3F95];
	s0 =	simm.s32 @p0 $0x1  }
0x13: {  	[smem:$0x3FB0] =	sst s0;
	s0 =	simm.s32 @!p1 $0x0  }
0x14: {  	s2 =	sld [smem:$0x3F94];
	s0 =	simm.s32 @p1 $0x1  }
0x15: {  	[smem:$0x3FB1] =	sst s0;
	s0 =	simm.s32 @!p2 $0x0  }
0x16: {  	s3 =	sld [smem:$0x3FDB];
	s0 =	simm.s32 @p2 $0x1  }
0x17: {  	s4 =	simm.s32 $0x1BF5;
	[smem:$0x3FB3] =	sst s0  }
0x18: {  	s0 =	sld [smem:$0x3F96];
	_ =	swait.ge [sflag:s4], $0x0  }
0x19: {  	s7 =	sld [smem:$0x3F97]  }
0x1a: {  	s8 =	sadd.s32 $0xFFFFE003, lr  }
0x1b: {  	s9 =	sadd.s32 $0xFFFFFEF7, lr;
	s5 =	simm.s32 $0xFFFFFFFF;
	p2 =	slt.u32 s8, $0xFFFFF086  }
0x1c: {  	p1 =	slt.u32 s9, $0xF7A;
	s5 =	simm.s32 @!p2 $0x0  }
0x1d: {  	s5 =	simm.s32 @p1 $0x1;
	p0 =	seq.s32 s7, s2  }
0x1e: {  	s7 =	smul.u32 @!p0 $0xF7A, s2;
	p2 =	seq.s32 @!p0 s5, $0x0  }
0x1f: {  	s9 =	smul.u32 $0xF7A, s1;
	s8 =	simm.s32 @!p0 $0x1BF5;
	p2 =	por !p2, p0  }
0x20: {  	[sflag:s8] =	ssyncset.s32 @!p0 $0xFFFFF086;
	s6 =	sadd.s32 @!p0 s3, s7;
	s7 =	simm.s32 @!p0 $0x108  }
0x21: {  	s3 =	sadd.s32 s3, s9;
	s6 =	sadd.s32 @!p0 $0x88, s6;
	s7 =	simm.s32 @p2 $0x1082  }
0x22: {  	[simem:s7], [sflag:s8] =	dma.local @!p0 [hbm:s6], $0xF7A  }
0x23: {  	s9 =	sor.u32 $0xD0000000, s2;
	s6 =	simm.s32 $0x108;
	_ =	swait.ge @!p0 [sflag:s8], $0x0  }
0x24: {  	s3 =	sadd.s32 $0x88, s3;
	s6 =	simm.s32 @!p1 $0x1082;
	[sflag:s4] =	ssyncset.s32 $0xFFFFF086  }
0x25: {  	[simem:s6], [sflag:s4] =	dma.local [hbm:s3], $0xF7A  }
0x26: {  	[smem:$0x3F97] =	sst s1;
	(tag) =	ssettag s2;
	_ =	strace s9  }
0x27: {  	s1 =	sld [smem:$0x3FA7]  }
0x28: {  	s2 =	sld [smem:$0x3FA8]  }
0x29: {  	s4 =	sld [smem:$0x3FAA]  }
0x2a: {  	p0 =	seq.s32 s5, $0x0;
	s5 =	sld [smem:$0x3FAB]  }
0x2b: {  	s6 =	sld [smem:$0x3FAC]  }
0x2c: {  	s7 =	sld [smem:$0x3FAD]  }
0x2d: {  	s3 =	simm.s32 $0x108;
	s8 =	sld [smem:$0x3FAE]  }
0x2e: {  	s3 =	simm.s32 @!p0 $0x1082;
	s9 =	sld [smem:$0x3FAF]  }
0x2f: {  	lr =	sadd.s32 s0, s3;
	s0 =	sld [smem:$0x3FA6]  }
0x30: {  	s3 =	sld [smem:$0x3FA9]  }
0x31: {  	[smem:$0x3FB2] =	sst s10  }
0x32: {  	s10 =	sld [smem:$0x3FB0];
	_ =	sdelay $0x3  }
0x33: {  	p0 =	seq.s32 s10, $0x1;
	s10 =	sld [smem:$0x3FB2];
	_ =	sdelay $0x3  }
0x34: {  	[smem:$0x3FB2] =	sst s10  }
0x35: {  	s10 =	sld [smem:$0x3FB1];
	_ =	sdelay $0x3  }
0x36: {  	p1 =	seq.s32 s10, $0x1;
	s10 =	sld [smem:$0x3FB2];
	_ =	sdelay $0x3  }
0x37: {  	[smem:$0x3FB2] =	sst s10  }
0x38: {  	s10 =	sld [smem:$0x3FB3]  }
0x39: {  	_ = 	snop;
	(pc) =	sbr.ind lr, $3  }
0x3a: {  	_ = 	snop  }
0x3b: {  	_ = 	snop  }
0x3c: {  	p2 =	seq.s32 s10, $0x1;
	s10 =	sld [smem:$0x3FB2]  }
0x3d: {  	_ =	shalt  }
0x3e: {  	_ =	shalt  }
0x3f: {  	_ =	shalt  }
0x40: {  	_ =	shalt  }
0x41: {  	_ =	shalt  }
0x42: {  	_ =	shalt  }
0x43: {  	_ =	shalt  }
0x44: {  	_ =	shalt  }
0x45: {  	_ =	shalt  }
0x46: {  	_ =	shalt  }
0x47: {  	_ =	shalt  }
0x48: {  	_ =	shalt  }
0x49: {  	_ =	shalt  }
0x4a: {  	_ =	shalt  }
0x4b: {  	_ =	shalt  }
0x4c: {  	_ =	shalt  }
0x4d: {  	_ =	shalt  }
0x4e: {  	_ =	shalt  }
0x4f: {  	_ =	shalt  }
0x50: {  	_ =	shalt  }
0x51: {  	_ =	shalt  }
0x52: {  	_ =	shalt  }
0x53: {  	_ =	shalt  }
0x54: {  	_ =	shalt  }
0x55: {  	_ =	shalt  }
0x56: {  	_ =	shalt  }
0x57: {  	_ =	shalt  }
0x58: {  	_ =	shalt  }
0x59: {  	_ =	shalt  }
0x5a: {  	_ =	shalt  }
0x5b: {  	_ =	shalt  }
0x5c: {  	_ =	shalt  }
0x5d: {  	_ =	shalt  }
0x5e: {  	_ =	shalt  }
0x5f: {  	_ =	shalt  }
0x60: {  	_ =	shalt  }
0x61: {  	_ =	shalt  }
0x62: {  	_ =	shalt  }
0x63: {  	_ =	shalt  }
0x64: {  	_ =	shalt  }
0x65: {  	_ =	shalt  }
0x66: {  	_ =	shalt  }
0x67: {  	_ =	shalt  }
0x68: {  	_ =	shalt  }
0x69: {  	_ =	shalt  }
0x6a: {  	_ =	shalt  }
0x6b: {  	_ =	shalt  }
0x6c: {  	_ =	shalt  }
0x6d: {  	_ =	shalt  }
0x6e: {  	_ =	shalt  }
0x6f: {  	_ =	shalt  }
0x70: {  	_ =	shalt  }
0x71: {  	_ =	shalt  }
0x72: {  	_ =	shalt  }
0x73: {  	_ =	shalt  }
0x74: {  	_ =	shalt  }
0x75: {  	_ =	shalt  }
0x76: {  	_ =	shalt  }
0x77: {  	_ =	shalt  }
0x78: {  	_ =	shalt  }
0x79: {  	_ =	shalt  }
0x7a: {  	_ =	shalt  }
0x7b: {  	_ =	shalt  }
0x7c: {  	_ =	shalt  }
0x7d: {  	_ =	shalt  }
0x7e: {  	_ =	shalt  }
0x7f: {  	_ =	shalt  }
0x80: {  	_ =	shalt  }
0x81: {  	_ =	shalt  }
0x82: {  	_ =	shalt  }
0x83: {  	_ =	shalt  }
0x84: {  	_ =	shalt  }
0x85: {  	_ =	shalt  }
0x86: {  	_ =	shalt  }
0x87: {  	_ =	shalt  }
.Lfunc_end0:
.L_simem_size_0:
called_computation.3_lowered:
.L_overlay_start_0:
0x88: {  	s2 =	sld [smem:$0x3FD9]  }
0x89: {  	s3 =	sld [smem:$0x3FFE];
	_ =	sdelay $0x1  }
0x8a: {  	s1 =	srdreg.scid  }
0x8b: {  	s0 =	sand.u32 $0x1, s1  }
0x8c: {  	s17 =	sshll.u32 s0, $0xA;
	s2 =	sadd.s32 s3, s2  }
0x8d: {  	s2 =	sadd.s32 s2, s17  }
0x8e: {  	[smem:$0x3FBE] =	sst s2  }
0x8f: {  	_ = 	snop  }
0x90: {  	s2 =	sld [smem:$0x3FD0];
	(tm) =	ssettm $0x1  }
0x91: {  	s18 =	sld [smem:$0x3FFB];
	_ =	sdelay $0x3  }
0x92: {  	_ =	strace s18  }
0x93: {  	s3 =	sld [smem:$0x3FFC];
	_ =	sdelay $0x3  }
0x94: {  	_ =	strace s3  }
0x95: {  	s3 =	sld [smem:$0x3FFD];
	_ =	sdelay $0x3  }
0x96: {  	_ =	strace s3  }
0x97: {  	_ =	strace $0x8FFFFFFF  }
0x98: {  	s19 =	sld [smem:$0x3FDB];
	_ =	sdelay $0x1  }
0x99: {  	s4 =	simm.s32 $_scs_section_size  }
0x9a: {  	s5 =	simm.s32 $_size__tile_overlayer_lowered;
	s6 =	simm.s32 $_tile_overlayer_lowered  }
0x9b: {  	s22 =	simm.s32 $0x1BFF;
	s21 =	sshll.u32 s6, $0x1;
	s3 =	sadd.s32 s4, s19  }
0x9c: {  	s7 =	simm.s32 $0x0;
	s20 =	sshll.u32 s5, $0x1;
	s5 =	sadd.s32 s21, s3  }
0x9d: {  	[timem:s7], [sflag:s22] =	dma.local [hbm:s5], s20  }
0x9e: {  	_ =	swait.ge [sflag:s22], s20  }
0x9f: {  	s4 =	ssub.s32 $0x0, s20;
	[sflag:s22] =	ssyncset.done $0x0  }
0xa0: {  	[sflag:s22] =	ssyncadd.s32 s4;
	_ =	sdelay $0x1  }
0xa1: {  	s23 =	simm.s32 $0x1B8B  }
0xa2: {  	_ =	swait.ge [sflag:s23], $0x1  }
0xa3: {  	[sflag:s23] =	ssyncset.done $0x0  }
0xa4: {  	s25 =	simm.s32 $0x1B8E;
	s24 =	sld [smem:$0x3FFE];
	[sflag:s23] =	ssyncadd.s32 $0xFFFFFFFF  }
0xa5: {  	s26 =	simm.s32 $execute0_lowered;
	[smem:$0x3FD2] =	sst s25  }
0xa6: {  	s5 =	sshll.u32 s26, $0x1;
	_ =	strace $0x8000004F;
	[dreg:$0x1] =	wrdreg $0xFFFFFFFF  }
0xa7: {  	s28 =	simm.s32 $_size_execute0_lowered;
	s3 =	sadd.s32 s3, s5;
	[dreg:$0x0] =	wrdreg $0x0  }
0xa8: {  	s5 =	sshll.u32 s28, $0x1;
	[dreg:$0x2] =	wrdreg s3  }
0xa9: {  	[dreg:$0x3] =	wrdreg s5  }
0xaa: {  	[dreg:$0x4] =	wrdreg $0xC0  }
0xab: {  	_ =	task [dreg:s7], $0x5FFFF  }
0xac: {  	[dreg:$0x1] =	wrdreg $0xFFFFFFFF  }
0xad: {  	[dreg:$0x0] =	wrdreg $0x60  }
0xae: {  	[dreg:$0x2] =	wrdreg s24  }
0xaf: {  	[dreg:$0x3] =	wrdreg s2  }
0xb0: {  	[dreg:$0x4] =	wrdreg $0xBF000  }
0xb1: {  	[dreg:$0x5] =	wrdreg $0x9  }
0xb2: {  	_ =	task.clear_ibuf [dreg:s7], $0x6FFFF;
	_ =	strace $0x9000004F  }
0xb3: {  	s29 =	simm.s32 $0x9;
	_ =	strace $0x80000051  }
0xb4: {  	_ =	swait.ge [sflag:s29], $0x1  }
0xb5: {  	[sflag:s29] =	ssyncadd.s32 $0xFFFFFFFF  }
0xb6: {  	_ =	strace $0x90000051  }
0xb7: {  	_ =	sfence  }
0xb8: {  	s30 =	sld [smem:$0x0];
	_ =	sdelay $0x2  }
0xb9: {  	s31 =	sshll.u32 s1, $0xD;
	s1 =	sshrl.u32 s1, $0x2  }
0xba: {  	s3 =	sand.u32 $0x4000, s31;
	s1 =	sadd.s32 s1, s30  }
0xbb: {  	s0 =	sor.u32 s3, s0;
	s1 =	sshll.u32 s1, $0x11  }
0xbc: {  	s0 =	sor.u32 s1, s0  }
0xbd: {  	s0 =	sadd.s32 $0x8F2B, s0  }
0xbe: {  	[sflag:s0] =	ssyncadd.remote.s32 $0x1  }
0xbf: {  	_ =	sfence.sel $0xFFFF  }
0xc0: {  	[dreg:$0x0] =	wrdreg $0xFFFFFFFF;
	(pc) =	sbr.abs _section_cstart, $3  }
0xc1: {  	[dreg:$0x1] =	wrdreg $0xFFFFFFFF  }
0xc2: {  	_ =	task.clear_ibuf [dreg:s7], $0x2FFFF;
	_ =	strace $0x9FFFFFFF  }
0xc3: {  	(tm) =	ssettm $0x7FFFFFFF  }
tec
execute0_lowered:
.L_overlay_start_1:
0x0: {  	(tag) =	ssettag $0x1  }
0x1: {  	s0 =	rddreg [dreg:$0x0]  }
0x2: {  	s3 =	rddreg [dreg:$0x1]  }
0x3: {  	s1 =	rddreg [dreg:$0x2]  }
0x4: {  	s2 =	simm.s32 $0x0;
	s5 =	stileid.u32;
	s4 =	srdreg.scid  }
0x5: {  	s28 =	simm.s32 $0x4800;
	s29 =	simm.s32 $0x2;
	s30 =	simm.s32 $0x6F80  }
0x6: {  	s31 =	simm.s32 $0x9700;
	[smem:$0x7FF] =	sst s2;
	s7 =	smul.u32 $0x280, s5  }
0x7: {  	s6 =	sadd.s32 $0xDC00, s0;
	s4 =	sand.u32 $0x1, s4;
	s11 =	smul.u32 $0x27, s5  }
0x8: {  	s15 =	sadd.s32 $0xD600, s0;
	s12 =	sadd.s32 $0x3000, s0;
	s23 =	smul.u32 $0x500, s5  }
0x9: {  	p0 =	sne.s32 s5, $0x0;
	_ =	strace $0x80000050;
	[dreg:$0x4] =	wrdreg s6  }
0xa: {  	[dreg:$0x5] =	wrdreg s15;
	s6 =	sadd.s32 $0x5D600, s0;
	s9 =	smul.u32 $0x271, s4  }
0xb: {  	s10 =	ssub.s32 $0x2, s4;
	s24 =	sshll.u32 s4, $0x7;
	s8 =	sshrl.u32 s7, $0x3  }
0xc: {  	s16 =	sshrl.u32 s10, $0x1;
	s7 =	sadd.s32 s7, s1;
	s0 =	sadd.s32 s8, s0  }
0xd: {  	s14 =	ssub.s32 s10, s16;
	s17 =	sadd.s32 s11, s9;
	s19 =	sadd.s32 $0x270, s9  }
0xe: {  	s8 =	sadd.s32 $0xD000, s0;
	s18 =	sshll.u32 s17, $0x4;
	s15 =	sand.u32 $0x7, s17  }
0xf: {  	s20 =	sshrl.u32 s19, $0x3;
	s11 =	sshll.u32 s19, $0x7;
	s0 =	sand.u32 $0x7F80, s18  }
0x10: {  	s21 =	sshll.u32 s20, $0x7;
	s13 =	sshll.u32 s20, $0xA;
	s20 =	smax.u32 s14, $0x1  }
0x11: {  	s9 =	sadd.s32 s12, s0;
	s0 =	sadd.s32 s12, s21;
	s22 =	sshrl.u32 s13, $0x3  }
0x12: {  	s13 =	ssub.s32 s11, s13;
	[dreg:$0x6] =	wrdreg s0;
	s0 =	sadd.s32 s12, s22  }
0x13: {  	s11 =	simm.s32 $0x80;
	s10 =	sadd.s32 $0x5000, s9;
	s0 =	sadd.s32 $0x5000, s0  }
0x14: {  	s25 =	sadd.s32 $0x1800, s13;
	[dreg:$0x7] =	wrdreg s0;
	s0 =	sor.u32 s24, s23  }
0x15: {  	s26 =	sadd.s32 $0x3000, s13;
	s16 =	sor.u32 $0x10, s13;
	s0 =	sshrl.u32 s0, $0x3  }
0x16: {  	s17 =	sor.u32 $0x20, s13;
	s19 =	sadd.s32 s3, s0;
	s3 =	sshll.u32 s15, $0x7  }
.Ltmp0:
0x17: {  	s18 =	sor.u32 $0x30, s13;
	s4 =	sor.u32 $0x40, s3;
	(pc) =	sbr.rel .LBB2_1-.Ltmp0, $4  }
0x18: {  	s12 =	simm.s32 $0x1;
	[dreg:$0x8] =	wrdreg s25;
	s14 =	sor.u32 $0x1870, s3;
	v0 =	vmov s4  }
0x19: {  	[dreg:$0x9] =	wrdreg s26;
	s25 =	sor.u32 $0x60, s13;
	s26 =	sor.u32 $0x70, s13;
	v1 =	vmov s14  }
0x1a: {  	s23 =	sor.u32 $0x40, s13;
	s24 =	sor.u32 $0x50, s13;
	s15 =	sor.u32 $0x3070, s3  }
0x1b: {  	s21 =	sor.u32 $0x3000, s3;
	s22 =	sor.u32 $0x1800, s3;
	s3 =	simm.s32 $0x0;
	v2 =	vmov s15  }
.LBB2_9:
0x1c: {  	s3 =	sadd.s32 $0x1, s3  }
0x1d: {  	[bflag:$0x0] =	sbarrier.arrive $0xFFFF;
	p1 =	sne.s32 s3, s20  }
.Ltmp1:
0x1e: {  	s0 =	simm.s32 $0x20;
	s4 =	simm.s32 $0x10;
	(pc) =	sbr.rel @!p1 .LBB2_10-.Ltmp1, $4  }
0x1f: {  	[hbm:s19@s0], [sflag:s14] =	dma.strided [spmem:s15@s4], $0x50, s12, $0x10   }
0x20: {  	_ =	swait.ge [sflag:s29], $0x50  }
0x21: {  	[sflag:s29] =	ssyncset.done $0x0  }
0x22: {  	[sflag:s29] =	ssyncadd.s32 $0xFFFFFFB0  }
.LBB2_1:
0x23: {  	s0 =	rddreg [dreg:$0x4]  }
0x24: {  	[tilespmem:s28], [sflag:$0x2] =	stream.linear.gather [hbm4b:s0+s2], $0x2780, $0x38;
	[tilespmem:$0xC180] =	vst v63  }
0x25: {  	_ =	swait.ge [sflag:s29], $0x2780  }
0x26: {  	[sflag:s29] =	ssyncset.done $0x0  }
0x27: {  	s15 =	rddreg [dreg:$0x5];
	[sflag:s29] =	ssyncadd.s32 $0xFFFFD880  }
0x28: {  	[tilespmem:s30], [sflag:$0x2] =	stream.linear.gather [hbm4b:s15+s2], $0x2780, $0x38;
	[tilespmem:$0xC180] =	vst v63  }
0x29: {  	_ =	swait.ge [sflag:s29], $0x2780  }
0x2a: {  	[sflag:s29] =	ssyncset.done $0x0  }
0x2b: {  	[sflag:s29] =	ssyncadd.s32 $0xFFFFD880  }
0x2c: {  	[tilespmem:s31], [sflag:$0x2] =	stream.linear.gather [hbm4b:s6+s2], $0x2800, $0x38;
	[tilespmem:$0xC180] =	vst v63  }
0x2d: {  	s4 =	stileid.u32;
	_ =	swait.ge [sflag:s29], $0x2800  }
0x2e: {  	s0 =	sshll.u32 s4, $0x6;
	[sflag:s29] =	ssyncset.done $0x0  }
0x2f: {  	s14 =	sor.u32 $0x1C02, s0;
	s15 =	sshrl.u32 s7, $0x3;
	[sflag:s29] =	ssyncadd.s32 $0xFFFFD800  }
0x30: {  	[spmem:s15], [sflag:s14] =	dma.local [hbm:s8], $0x50  }
0x31: {  	_ =	swait.ge [sflag:s29], $0x50  }
0x32: {  	[sflag:s29] =	ssyncset.done $0x0  }
0x33: {  	[sflag:s29] =	ssyncadd.s32 $0xFFFFFFB0  }
0x34: {  	[tilespmem:s2], [sflag:$0x2] =	stream.linear.gather [hbm4b:s9+s2], $0x1800, $0x38;
	[tilespmem:$0xC180] =	vst v63  }
0x35: {  	_ =	swait.ge [sflag:s29], $0x1800  }
0x36: {  	[sflag:s29] =	ssyncset.done $0x0  }
0x37: {  	s5 =	simm.s32 $0x1800;
	[sflag:s29] =	ssyncadd.s32 $0xFFFFE800  }
0x38: {  	[tilespmem:s5], [sflag:$0x2] =	stream.linear.gather [hbm4b:s10+s2], $0x1800, $0x38;
	[tilespmem:$0xC180] =	vst v63  }
0x39: {  	_ =	swait.ge [sflag:s29], $0x1800  }
0x3a: {  	[sflag:s29] =	ssyncset.done $0x0  }
0x3b: {  	[sflag:s29] =	ssyncadd.s32 $0xFFFFE800  }
0x3c: {  	s0 =	simm.s32 $0x0;
	[bflag:$0x0] =	sbarrier.arrive $0xFFFF  }
.LBB2_2:
0x3d: {  	s4 =	sshra.s32 s0, $0x2  }
0x3e: {  	v3 =	vld.idx.msk [tilespmem:v0+s4+$0xFFFFFFC0 ss:$0x1], $0xffff  }
0x3f: {  	v4 =	vld.idx.msk [tilespmem:v1+s4+$0xFFFFFF90 ss:$0x1], $0xffff;
	_ =	sdelay $0x6  }
0x40: {  	v5 =	vld.idx.msk [tilespmem:v3+s28+$0x0], $0xffff  }
0x41: {  	v4 =	vld.idx.msk [tilespmem:v4+s30+$0x0], $0xffff;
	_ =	sdelay $0x1  }
0x42: {  	v3 =	vld.idx.msk [tilespmem:v3+s31+$0x0], $0xffff;
	_ =	sdelay $0x2  }
0x43: {  	v4 =	vadd.f32 v4, v5;
	_ =	sdelay $0x1  }
0x44: {  	v3 =	vmul.f32 v3, v4;
	_ =	sdelay $0x1  }
0x45: {  	[tilespmem:v2+s4+$0xFFFFFF90 ss:$0x1] =	vst.idx.msk $0xffff, v3  }
0x46: {  	v3 =	vld.idx.msk [tilespmem:v0+s4+$0xFFFFFFD0 ss:$0x1], $0xffff  }
0x47: {  	v50 =	vld.idx.msk [tilespmem:v1+s4+$0xFFFFFFA0 ss:$0x1], $0xffff;
	_ =	sdelay $0x6  }
0x48: {  	v51 =	vld.idx.msk [tilespmem:v3+s28+$0x0], $0xffff  }
0x49: {  	v4 =	vld.idx.msk [tilespmem:v50+s30+$0x0], $0xffff;
	_ =	sdelay $0x1  }
0x4a: {  	v3 =	vld.idx.msk [tilespmem:v3+s31+$0x0], $0xffff;
	_ =	sdelay $0x2  }
0x4b: {  	v4 =	vadd.f32 v4, v51;
	_ =	sdelay $0x1  }
0x4c: {  	v3 =	vmul.f32 v3, v4;
	_ =	sdelay $0x1  }
0x4d: {  	[tilespmem:v2+s4+$0xFFFFFFA0 ss:$0x1] =	vst.idx.msk $0xffff, v3  }
0x4e: {  	v3 =	vld.idx.msk [tilespmem:v0+s4+$0xFFFFFFE0 ss:$0x1], $0xffff  }
0x4f: {  	v52 =	vld.idx.msk [tilespmem:v1+s4+$0xFFFFFFB0 ss:$0x1], $0xffff;
	_ =	sdelay $0x6  }
0x50: {  	v53 =	vld.idx.msk [tilespmem:v3+s28+$0x0], $0xffff  }
0x51: {  	v4 =	vld.idx.msk [tilespmem:v52+s30+$0x0], $0xffff;
	_ =	sdelay $0x1  }
0x52: {  	v3 =	vld.idx.msk [tilespmem:v3+s31+$0x0], $0xffff;
	_ =	sdelay $0x2  }
0x53: {  	v4 =	vadd.f32 v4, v53;
	_ =	sdelay $0x1  }
0x54: {  	v3 =	vmul.f32 v3, v4;
	_ =	sdelay $0x1  }
0x55: {  	[tilespmem:v2+s4+$0xFFFFFFB0 ss:$0x1] =	vst.idx.msk $0xffff, v3  }
0x56: {  	v3 =	vld.idx.msk [tilespmem:v0+s4+$0xFFFFFFF0 ss:$0x1], $0xffff  }
0x57: {  	v54 =	vld.idx.msk [tilespmem:v1+s4+$0xFFFFFFC0 ss:$0x1], $0xffff;
	_ =	sdelay $0x6  }
0x58: {  	v55 =	vld.idx.msk [tilespmem:v3+s28+$0x0], $0xffff  }
0x59: {  	v4 =	vld.idx.msk [tilespmem:v54+s30+$0x0], $0xffff;
	_ =	sdelay $0x1  }
0x5a: {  	v3 =	vld.idx.msk [tilespmem:v3+s31+$0x0], $0xffff;
	_ =	sdelay $0x2  }
0x5b: {  	v4 =	vadd.f32 v4, v55;
	_ =	sdelay $0x1  }
0x5c: {  	v3 =	vmul.f32 v3, v4;
	_ =	sdelay $0x1  }
0x5d: {  	[tilespmem:v2+s4+$0xFFFFFFC0 ss:$0x1] =	vst.idx.msk $0xffff, v3  }
0x5e: {  	v3 =	vld.idx.msk [tilespmem:v0+s4+$0x0 ss:$0x1], $0xffff  }
0x5f: {  	v56 =	vld.idx.msk [tilespmem:v1+s4+$0xFFFFFFD0 ss:$0x1], $0xffff;
	_ =	sdelay $0x6  }
0x60: {  	v57 =	vld.idx.msk [tilespmem:v3+s28+$0x0], $0xffff  }
0x61: {  	v4 =	vld.idx.msk [tilespmem:v56+s30+$0x0], $0xffff;
	_ =	sdelay $0x1  }
0x62: {  	v3 =	vld.idx.msk [tilespmem:v3+s31+$0x0], $0xffff;
	_ =	sdelay $0x2  }
0x63: {  	v4 =	vadd.f32 v4, v57;
	_ =	sdelay $0x1  }
0x64: {  	v3 =	vmul.f32 v3, v4;
	_ =	sdelay $0x1  }
0x65: {  	[tilespmem:v2+s4+$0xFFFFFFD0 ss:$0x1] =	vst.idx.msk $0xffff, v3  }
0x66: {  	v3 =	vld.idx.msk [tilespmem:v0+s4+$0x10 ss:$0x1], $0xffff  }
0x67: {  	v58 =	vld.idx.msk [tilespmem:v1+s4+$0xFFFFFFE0 ss:$0x1], $0xffff;
	_ =	sdelay $0x6  }
0x68: {  	v59 =	vld.idx.msk [tilespmem:v3+s28+$0x0], $0xffff  }
0x69: {  	v4 =	vld.idx.msk [tilespmem:v58+s30+$0x0], $0xffff;
	_ =	sdelay $0x1  }
0x6a: {  	v3 =	vld.idx.msk [tilespmem:v3+s31+$0x0], $0xffff;
	_ =	sdelay $0x2  }
0x6b: {  	v4 =	vadd.f32 v4, v59;
	_ =	sdelay $0x1  }
0x6c: {  	v3 =	vmul.f32 v3, v4;
	_ =	sdelay $0x1  }
0x6d: {  	[tilespmem:v2+s4+$0xFFFFFFE0 ss:$0x1] =	vst.idx.msk $0xffff, v3  }
0x6e: {  	v3 =	vld.idx.msk [tilespmem:v0+s4+$0x20 ss:$0x1], $0xffff  }
0x6f: {  	v60 =	vld.idx.msk [tilespmem:v1+s4+$0xFFFFFFF0 ss:$0x1], $0xffff;
	_ =	sdelay $0x6  }
0x70: {  	v61 =	vld.idx.msk [tilespmem:v3+s28+$0x0], $0xffff  }
0x71: {  	v4 =	vld.idx.msk [tilespmem:v60+s30+$0x0], $0xffff;
	_ =	sdelay $0x1  }
0x72: {  	v3 =	vld.idx.msk [tilespmem:v3+s31+$0x0], $0xffff;
	_ =	sdelay $0x2  }
0x73: {  	v4 =	vadd.f32 v4, v61;
	_ =	sdelay $0x1  }
0x74: {  	v3 =	vmul.f32 v3, v4;
	_ =	sdelay $0x1  }
0x75: {  	[tilespmem:v2+s4+$0xFFFFFFF0 ss:$0x1] =	vst.idx.msk $0xffff, v3  }
0x76: {  	v3 =	vld.idx.msk [tilespmem:v0+s4+$0x30 ss:$0x1], $0xffff  }
0x77: {  	v62 =	vld.idx.msk [tilespmem:v1+s4+$0x0 ss:$0x1], $0xffff;
	_ =	sdelay $0x6  }
0x78: {  	v63 =	vld.idx.msk [tilespmem:v3+s28+$0x0], $0xffff  }
0x79: {  	v4 =	vld.idx.msk [tilespmem:v62+s30+$0x0], $0xffff;
	_ =	sdelay $0x1  }
0x7a: {  	v3 =	vld.idx.msk [tilespmem:v3+s31+$0x0], $0xffff;
	_ =	sdelay $0x1  }
0x7b: {  	p1 =	sne.s32 s0, $0x4C00  }
.Ltmp2:
0x7c: {  	v4 =	vadd.f32 v4, v63;
	(pc) =	sbr.rel @p1 .LBB2_2-.Ltmp2, $3  }
0x7d: {  	_ = 	snop  }
0x7e: {  	v3 =	vmul.f32 v3, v4;
	_ =	sdelay $0x1  }
0x7f: {  	s0 =	sadd.s32 $0x200, s0;
	[tilespmem:v2+s4+$0x0 ss:$0x1] =	vst.idx.msk $0xffff, v3  }
0x80: {  	s0 =	simm.s32 $0x0  }
.LBB2_4:
0x81: {  	p1 =	sne.s32 s0, $0x4C00  }
.Ltmp3:
0x82: {  	_ = 	snop;
	(pc) =	sbr.rel @p1 .LBB2_4-.Ltmp3, $4  }
0x83: {  	_ = 	snop  }
0x84: {  	s4 =	sshra.s32 s0, $0x2  }
0x85: {  	s0 =	sadd.s32 $0x200, s0;
	s5 =	sadd.s32 s4, s21;
	s4 =	sadd.s32 s4, s22  }
0x86: {  	[spmem:s1] =	stream.indirect.scatter.add.f32 [tilespmem:s5], [sflag:$0x1], $0x1, s4, s11, $0xb8;
	[tilespmem:$0xC180] =	vst v63  }
0x87: {  	_ =	swait.ge [sflag:s12], $0x80  }
0x88: {  	s0 =	simm.s32 $0x26;
	[sflag:s12] =	ssyncset.done $0x0  }
.LBB2_6:
0x89: {  	p1 =	sne.s32 s0, $0x1;
	s0 =	sadd.s32 $0xFFFFFFFF, s0;
	[sflag:s12] =	ssyncadd.s32 $0xFFFFFF80  }
.Ltmp4:
0x8a: {  	(pc) =	sbr.rel @p1 .LBB2_6-.Ltmp4, $3  }
0x8b: {  	_ =	sdelay $0x1  }
0x8c: {  	_ =	swait.ge [sflag:s12], $0x80  }
0x8d: {  	[sflag:s12] =	ssyncset.done $0x0  }
.Ltmp5:
0x8e: {  	(pc) =	sbr.rel @p0 .LBB2_9-.Ltmp5, $2  }
0x8f: {  	_ =	sdelay $0x2  }
0x90: {  	[sflag:s12] =	ssyncadd.s32 $0xFFFFFF80  }
0x91: {  	s0 =	rddreg [dreg:$0x6]  }
0x92: {  	[tilespmem:s2], [sflag:$0x2] =	stream.linear.gather [hbm4b:s0+s2], $0x400, $0x38;
	[tilespmem:$0xC180] =	vst v63  }
0x93: {  	_ =	swait.ge [sflag:s29], $0x400  }
0x94: {  	[sflag:s29] =	ssyncset.done $0x0  }
0x95: {  	s4 =	simm.s32 $0x1800;
	s5 =	rddreg [dreg:$0x7];
	[sflag:s29] =	ssyncadd.s32 $0xFFFFFC00  }
0x96: {  	[tilespmem:s4], [sflag:$0x2] =	stream.linear.gather [hbm4b:s5+s2], $0x400, $0x38;
	[tilespmem:$0xC180] =	vst v63  }
0x97: {  	_ =	swait.ge [sflag:s29], $0x400  }
0x98: {  	[sflag:s29] =	ssyncset.done $0x0  }
0x99: {  	[sflag:s29] =	ssyncadd.s32 $0xFFFFFC00  }
0x9a: {  	v3 =	vld [tilespmem:s13+$0x0]  }
0x9b: {  	v4 =	vld [tilespmem:s13+$0x1800];
	_ =	sdelay $0x6  }
0x9c: {  	v5 =	vld.idx.msk [tilespmem:v3+s28+$0x0], $0xffff  }
0x9d: {  	v4 =	vld.idx.msk [tilespmem:v4+s30+$0x0], $0xffff;
	_ =	sdelay $0x1  }
0x9e: {  	v3 =	vld.idx.msk [tilespmem:v3+s31+$0x0], $0xffff;
	_ =	sdelay $0x2  }
0x9f: {  	v4 =	vadd.f32 v4, v5;
	_ =	sdelay $0x1  }
0xa0: {  	v3 =	vmul.f32 v3, v4;
	_ =	sdelay $0x1  }
0xa1: {  	[tilespmem:s13+$0x3000] =	vst v3  }
0xa2: {  	v3 =	vld [tilespmem:s16+$0x0]  }
0xa3: {  	v50 =	vld [tilespmem:s16+$0x1800];
	_ =	sdelay $0x6  }
0xa4: {  	v51 =	vld.idx.msk [tilespmem:v3+s28+$0x0], $0xffff  }
0xa5: {  	v4 =	vld.idx.msk [tilespmem:v50+s30+$0x0], $0xffff;
	_ =	sdelay $0x1  }
0xa6: {  	v3 =	vld.idx.msk [tilespmem:v3+s31+$0x0], $0xffff;
	_ =	sdelay $0x2  }
0xa7: {  	v4 =	vadd.f32 v4, v51;
	_ =	sdelay $0x1  }
0xa8: {  	v3 =	vmul.f32 v3, v4;
	_ =	sdelay $0x1  }
0xa9: {  	[tilespmem:s16+$0x3000] =	vst v3  }
0xaa: {  	v3 =	vld [tilespmem:s17+$0x0]  }
0xab: {  	v52 =	vld [tilespmem:s17+$0x1800];
	_ =	sdelay $0x6  }
0xac: {  	v53 =	vld.idx.msk [tilespmem:v3+s28+$0x0], $0xffff  }
0xad: {  	v4 =	vld.idx.msk [tilespmem:v52+s30+$0x0], $0xffff;
	_ =	sdelay $0x1  }
0xae: {  	v3 =	vld.idx.msk [tilespmem:v3+s31+$0x0], $0xffff;
	_ =	sdelay $0x2  }
0xaf: {  	v4 =	vadd.f32 v4, v53;
	_ =	sdelay $0x1  }
0xb0: {  	v3 =	vmul.f32 v3, v4;
	_ =	sdelay $0x1  }
0xb1: {  	[tilespmem:s17+$0x3000] =	vst v3  }
0xb2: {  	v3 =	vld [tilespmem:s18+$0x0]  }
0xb3: {  	v54 =	vld [tilespmem:s18+$0x1800];
	_ =	sdelay $0x6  }
0xb4: {  	v55 =	vld.idx.msk [tilespmem:v3+s28+$0x0], $0xffff  }
0xb5: {  	v4 =	vld.idx.msk [tilespmem:v54+s30+$0x0], $0xffff;
	_ =	sdelay $0x1  }
0xb6: {  	v3 =	vld.idx.msk [tilespmem:v3+s31+$0x0], $0xffff;
	_ =	sdelay $0x2  }
0xb7: {  	v4 =	vadd.f32 v4, v55;
	_ =	sdelay $0x1  }
0xb8: {  	v3 =	vmul.f32 v3, v4;
	_ =	sdelay $0x1  }
0xb9: {  	[tilespmem:s18+$0x3000] =	vst v3  }
0xba: {  	v3 =	vld [tilespmem:s23+$0x0]  }
0xbb: {  	v56 =	vld [tilespmem:s23+$0x1800];
	_ =	sdelay $0x6  }
0xbc: {  	v57 =	vld.idx.msk [tilespmem:v3+s28+$0x0], $0xffff  }
0xbd: {  	v4 =	vld.idx.msk [tilespmem:v56+s30+$0x0], $0xffff;
	_ =	sdelay $0x1  }
0xbe: {  	v3 =	vld.idx.msk [tilespmem:v3+s31+$0x0], $0xffff;
	_ =	sdelay $0x2  }
0xbf: {  	v4 =	vadd.f32 v4, v57;
	_ =	sdelay $0x1  }
0xc0: {  	v3 =	vmul.f32 v3, v4;
	_ =	sdelay $0x1  }
0xc1: {  	[tilespmem:s23+$0x3000] =	vst v3  }
0xc2: {  	v3 =	vld [tilespmem:s24+$0x0]  }
0xc3: {  	v58 =	vld [tilespmem:s24+$0x1800];
	_ =	sdelay $0x6  }
0xc4: {  	v59 =	vld.idx.msk [tilespmem:v3+s28+$0x0], $0xffff  }
0xc5: {  	v4 =	vld.idx.msk [tilespmem:v58+s30+$0x0], $0xffff;
	_ =	sdelay $0x1  }
0xc6: {  	v3 =	vld.idx.msk [tilespmem:v3+s31+$0x0], $0xffff;
	_ =	sdelay $0x2  }
0xc7: {  	v4 =	vadd.f32 v4, v59;
	_ =	sdelay $0x1  }
0xc8: {  	v3 =	vmul.f32 v3, v4;
	_ =	sdelay $0x1  }
0xc9: {  	[tilespmem:s24+$0x3000] =	vst v3  }
0xca: {  	v3 =	vld [tilespmem:s25+$0x0]  }
0xcb: {  	v60 =	vld [tilespmem:s25+$0x1800];
	_ =	sdelay $0x6  }
0xcc: {  	v61 =	vld.idx.msk [tilespmem:v3+s28+$0x0], $0xffff  }
0xcd: {  	v4 =	vld.idx.msk [tilespmem:v60+s30+$0x0], $0xffff;
	_ =	sdelay $0x1  }
0xce: {  	v3 =	vld.idx.msk [tilespmem:v3+s31+$0x0], $0xffff;
	_ =	sdelay $0x2  }
0xcf: {  	v4 =	vadd.f32 v4, v61;
	_ =	sdelay $0x1  }
0xd0: {  	v3 =	vmul.f32 v3, v4;
	_ =	sdelay $0x1  }
0xd1: {  	[tilespmem:s25+$0x3000] =	vst v3  }
0xd2: {  	v3 =	vld [tilespmem:s26+$0x0]  }
0xd3: {  	v62 =	vld [tilespmem:s26+$0x1800];
	_ =	sdelay $0x6  }
0xd4: {  	v63 =	vld.idx.msk [tilespmem:v3+s28+$0x0], $0xffff  }
0xd5: {  	v4 =	vld.idx.msk [tilespmem:v62+s30+$0x0], $0xffff;
	_ =	sdelay $0x1  }
0xd6: {  	v3 =	vld.idx.msk [tilespmem:v3+s31+$0x0], $0xffff;
	_ =	sdelay $0x2  }
0xd7: {  	v4 =	vadd.f32 v4, v63;
	_ =	sdelay $0x1  }
0xd8: {  	v3 =	vmul.f32 v3, v4  }
0xd9: {  	s4 =	rddreg [dreg:$0x8]  }
.Ltmp6:
0xda: {  	s5 =	rddreg [dreg:$0x9];
	[tilespmem:s26+$0x3000] =	vst v3;
	(pc) =	sbr.rel .LBB2_9-.Ltmp6, $4  }
0xdb: {  	[spmem:s1] =	stream.indirect.scatter.add.f32 [tilespmem:s5], [sflag:$0x1], $0x1, s4, s11, $0xb8;
	[tilespmem:$0xC180] =	vst v63  }
0xdc: {  	_ =	swait.ge [sflag:s12], $0x80  }
0xdd: {  	[sflag:s12] =	ssyncset.done $0x0  }
0xde: {  	[sflag:s12] =	ssyncadd.s32 $0xFFFFFF80  }
.LBB2_10:
0xdf: {  	_ =	sfence.sel $0x180000  }
0xe0: {  	[bflag:$0x0] =	sbarrier.arrive $0xFFFF  }
0xe1: {  	_ =	strace $0x90000050  }
0xe2: {  	[bflag:$0x2] =	sbarrier.arrive $0xFFFF  }
0xe3: {  	s0 =	rddreg [dreg:$0x3]  }
0xe4: {  	s0 =	sadd.s32 @!p0 $0x100000, s0  }
0xe5: {  	[sflag:s0] =	ssyncadd.tile.s32 @!p0 $0x1;
	_ =	shalt  }
.Lfunc_end2:
_tile_overlayer_lowered:
.L_overlay_start_2:
0xe6: {  	(tag) =	ssettag $0x2  }
0xe7: {  	s0 =	rddreg [dreg:$0x0];
	s2 =	stileid.u32  }
0xe8: {  	s1 =	rddreg [dreg:$0x1];
	p0 =	sne.s32 s2, $0x0  }
0xe9: {  	s3 =	rddreg [dreg:$0x2];
	[bflag:$0x3] =	sbarrier.arrive $0xFFFF;
	s2 =	simm.s32 @!p0 $0x1C02  }
0xea: {  	[timem:s3], [sflag:s2] =	dma.local @!p0 [hbm:s0], s1  }
0xeb: {  	s0 =	simm.s32 @!p0 $0x2  }
0xec: {  	_ =	swait.ge @!p0 [sflag:s0], s1  }
0xed: {  	s1 =	ssub.s32 @!p0 $0x0, s1;
	[sflag:s0] =	ssyncset.done @!p0 $0x0  }
0xee: {  	[sflag:s0] =	ssyncadd.s32 @!p0 s1  }
0xef: {  	[bflag:$0x3] =	sbarrier.arrive $0xFFFF  }
0xf0: {  	_ =	shalt  }

// kernel: kernel.22.cloned.1.call-start
scs
__scs_entry_jumppad:
0x0: {  	(pc) =	sbr.rel $0x88, $3  }
0x1: {  	(tag) =	ssettag $0x0;
	lr =	simm.s32 $0x1  }
0x2: {  	[smem:$0x3F97] =	sst lr;
	_ =	strace $0xD0000000  }
0x3: {  	_ = 	snop  }
0x4: {  	_ = 	snop  }
0x5: {  	_ = 	snop  }
0x6: {  	_ = 	snop  }
0x7: {  	_ = 	snop  }
__scs_overlays_trampoline_lowered:
0x8: {  	[smem:$0x3FA6] =	sst s0  }
0x9: {  	[smem:$0x3FA7] =	sst s1  }
0xa: {  	[smem:$0x3FA8] =	sst s2  }
0xb: {  	[smem:$0x3FA9] =	sst s3  }
0xc: {  	[smem:$0x3FAA] =	sst s4  }
0xd: {  	[smem:$0x3FAB] =	sst s5  }
0xe: {  	[smem:$0x3FAC] =	sst s6  }
0xf: {  	[smem:$0x3FAD] =	sst s7  }
0x10: {  	[smem:$0x3FAE] =	sst s8  }
0x11: {  	[smem:$0x3FAF] =	sst s9;
	s0 =	simm.s32 @!p0 $0x0  }
0x12: {  	s1 =	sld [smem:$0x3F95];
	s0 =	simm.s32 @p0 $0x1  }
0x13: {  	[smem:$0x3FB0] =	sst s0;
	s0 =	simm.s32 @!p1 $0x0  }
0x14: {  	s2 =	sld [smem:$0x3F94];
	s0 =	simm.s32 @p1 $0x1  }
0x15: {  	[smem:$0x3FB1] =	sst s0;
	s0 =	simm.s32 @!p2 $0x0  }
0x16: {  	s3 =	sld [smem:$0x3FDB];
	s0 =	simm.s32 @p2 $0x1  }
0x17: {  	s4 =	simm.s32 $0x1BF5;
	[smem:$0x3FB3] =	sst s0  }
0x18: {  	s0 =	sld [smem:$0x3F96];
	_ =	swait.ge [sflag:s4], $0x0  }
0x19: {  	s7 =	sld [smem:$0x3F97]  }
0x1a: {  	s8 =	sadd.s32 $0xFFFFE003, lr  }
0x1b: {  	s9 =	sadd.s32 $0xFFFFFEF7, lr;
	s5 =	simm.s32 $0xFFFFFFFF;
	p2 =	slt.u32 s8, $0xFFFFF086  }
0x1c: {  	p1 =	slt.u32 s9, $0xF7A;
	s5 =	simm.s32 @!p2 $0x0  }
0x1d: {  	s5 =	simm.s32 @p1 $0x1;
	p0 =	seq.s32 s7, s2  }
0x1e: {  	s7 =	smul.u32 @!p0 $0xF7A, s2;
	p2 =	seq.s32 @!p0 s5, $0x0  }
0x1f: {  	s9 =	smul.u32 $0xF7A, s1;
	s8 =	simm.s32 @!p0 $0x1BF5;
	p2 =	por !p2, p0  }
0x20: {  	[sflag:s8] =	ssyncset.s32 @!p0 $0xFFFFF086;
	s6 =	sadd.s32 @!p0 s3, s7;
	s7 =	simm.s32 @!p0 $0x108  }
0x21: {  	s3 =	sadd.s32 s3, s9;
	s6 =	sadd.s32 @!p0 $0x88, s6;
	s7 =	simm.s32 @p2 $0x1082  }
0x22: {  	[simem:s7], [sflag:s8] =	dma.local @!p0 [hbm:s6], $0xF7A  }
0x23: {  	s9 =	sor.u32 $0xD0000000, s2;
	s6 =	simm.s32 $0x108;
	_ =	swait.ge @!p0 [sflag:s8], $0x0  }
0x24: {  	s3 =	sadd.s32 $0x88, s3;
	s6 =	simm.s32 @!p1 $0x1082;
	[sflag:s4] =	ssyncset.s32 $0xFFFFF086  }
0x25: {  	[simem:s6], [sflag:s4] =	dma.local [hbm:s3], $0xF7A  }
0x26: {  	[smem:$0x3F97] =	sst s1;
	(tag) =	ssettag s2;
	_ =	strace s9  }
0x27: {  	s1 =	sld [smem:$0x3FA7]  }
0x28: {  	s2 =	sld [smem:$0x3FA8]  }
0x29: {  	s4 =	sld [smem:$0x3FAA]  }
0x2a: {  	p0 =	seq.s32 s5, $0x0;
	s5 =	sld [smem:$0x3FAB]  }
0x2b: {  	s6 =	sld [smem:$0x3FAC]  }
0x2c: {  	s7 =	sld [smem:$0x3FAD]  }
0x2d: {  	s3 =	simm.s32 $0x108;
	s8 =	sld [smem:$0x3FAE]  }
0x2e: {  	s3 =	simm.s32 @!p0 $0x1082;
	s9 =	sld [smem:$0x3FAF]  }
0x2f: {  	lr =	sadd.s32 s0, s3;
	s0 =	sld [smem:$0x3FA6]  }
0x30: {  	s3 =	sld [smem:$0x3FA9]  }
0x31: {  	[smem:$0x3FB2] =	sst s10  }
0x32: {  	s10 =	sld [smem:$0x3FB0];
	_ =	sdelay $0x3  }
0x33: {  	p0 =	seq.s32 s10, $0x1;
	s10 =	sld [smem:$0x3FB2];
	_ =	sdelay $0x3  }
0x34: {  	[smem:$0x3FB2] =	sst s10  }
0x35: {  	s10 =	sld [smem:$0x3FB1];
	_ =	sdelay $0x3  }
0x36: {  	p1 =	seq.s32 s10, $0x1;
	s10 =	sld [smem:$0x3FB2];
	_ =	sdelay $0x3  }
0x37: {  	[smem:$0x3FB2] =	sst s10  }
0x38: {  	s10 =	sld [smem:$0x3FB3]  }
0x39: {  	_ = 	snop;
	(pc) =	sbr.ind lr, $3  }
0x3a: {  	_ = 	snop  }
0x3b: {  	_ = 	snop  }
0x3c: {  	p2 =	seq.s32 s10, $0x1;
	s10 =	sld [smem:$0x3FB2]  }
0x3d: {  	_ =	shalt  }
0x3e: {  	_ =	shalt  }
0x3f: {  	_ =	shalt  }
0x40: {  	_ =	shalt  }
0x41: {  	_ =	shalt  }
0x42: {  	_ =	shalt  }
0x43: {  	_ =	shalt  }
0x44: {  	_ =	shalt  }
0x45: {  	_ =	shalt  }
0x46: {  	_ =	shalt  }
0x47: {  	_ =	shalt  }
0x48: {  	_ =	shalt  }
0x49: {  	_ =	shalt  }
0x4a: {  	_ =	shalt  }
0x4b: {  	_ =	shalt  }
0x4c: {  	_ =	shalt  }
0x4d: {  	_ =	shalt  }
0x4e: {  	_ =	shalt  }
0x4f: {  	_ =	shalt  }
0x50: {  	_ =	shalt  }
0x51: {  	_ =	shalt  }
0x52: {  	_ =	shalt  }
0x53: {  	_ =	shalt  }
0x54: {  	_ =	shalt  }
0x55: {  	_ =	shalt  }
0x56: {  	_ =	shalt  }
0x57: {  	_ =	shalt  }
0x58: {  	_ =	shalt  }
0x59: {  	_ =	shalt  }
0x5a: {  	_ =	shalt  }
0x5b: {  	_ =	shalt  }
0x5c: {  	_ =	shalt  }
0x5d: {  	_ =	shalt  }
0x5e: {  	_ =	shalt  }
0x5f: {  	_ =	shalt  }
0x60: {  	_ =	shalt  }
0x61: {  	_ =	shalt  }
0x62: {  	_ =	shalt  }
0x63: {  	_ =	shalt  }
0x64: {  	_ =	shalt  }
0x65: {  	_ =	shalt  }
0x66: {  	_ =	shalt  }
0x67: {  	_ =	shalt  }
0x68: {  	_ =	shalt  }
0x69: {  	_ =	shalt  }
0x6a: {  	_ =	shalt  }
0x6b: {  	_ =	shalt  }
0x6c: {  	_ =	shalt  }
0x6d: {  	_ =	shalt  }
0x6e: {  	_ =	shalt  }
0x6f: {  	_ =	shalt  }
0x70: {  	_ =	shalt  }
0x71: {  	_ =	shalt  }
0x72: {  	_ =	shalt  }
0x73: {  	_ =	shalt  }
0x74: {  	_ =	shalt  }
0x75: {  	_ =	shalt  }
0x76: {  	_ =	shalt  }
0x77: {  	_ =	shalt  }
0x78: {  	_ =	shalt  }
0x79: {  	_ =	shalt  }
0x7a: {  	_ =	shalt  }
0x7b: {  	_ =	shalt  }
0x7c: {  	_ =	shalt  }
0x7d: {  	_ =	shalt  }
0x7e: {  	_ =	shalt  }
0x7f: {  	_ =	shalt  }
0x80: {  	_ =	shalt  }
0x81: {  	_ =	shalt  }
0x82: {  	_ =	shalt  }
0x83: {  	_ =	shalt  }
0x84: {  	_ =	shalt  }
0x85: {  	_ =	shalt  }
0x86: {  	_ =	shalt  }
0x87: {  	_ =	shalt  }
.Lfunc_end0:
.L_simem_size_0:
called_computation.4_lowered:
.L_overlay_start_0:
0x88: {  	s2 =	sld [smem:$0x3FD9]  }
0x89: {  	s3 =	sld [smem:$0x3FFE];
	_ =	sdelay $0x1  }
0x8a: {  	s1 =	srdreg.scid  }
0x8b: {  	s0 =	sand.u32 $0x1, s1  }
0x8c: {  	s17 =	sshll.u32 s0, $0xA;
	s2 =	sadd.s32 s3, s2  }
0x8d: {  	s2 =	sadd.s32 s2, s17  }
0x8e: {  	[smem:$0x3FBE] =	sst s2  }
0x8f: {  	_ = 	snop  }
0x90: {  	s2 =	sld [smem:$0x3FD0];
	(tm) =	ssettm $0x1  }
0x91: {  	s18 =	sld [smem:$0x3FFB];
	_ =	sdelay $0x3  }
0x92: {  	_ =	strace s18  }
0x93: {  	s3 =	sld [smem:$0x3FFC];
	_ =	sdelay $0x3  }
0x94: {  	_ =	strace s3  }
0x95: {  	s3 =	sld [smem:$0x3FFD];
	_ =	sdelay $0x3  }
0x96: {  	_ =	strace s3  }
0x97: {  	_ =	strace $0x8FFFFFFF  }
0x98: {  	s19 =	sld [smem:$0x3FDB];
	_ =	sdelay $0x1  }
0x99: {  	s4 =	simm.s32 $_scs_section_size  }
0x9a: {  	s5 =	simm.s32 $_size__tile_overlayer_lowered;
	s6 =	simm.s32 $_tile_overlayer_lowered  }
0x9b: {  	s22 =	simm.s32 $0x1BFF;
	s21 =	sshll.u32 s6, $0x1;
	s3 =	sadd.s32 s4, s19  }
0x9c: {  	s7 =	simm.s32 $0x0;
	s20 =	sshll.u32 s5, $0x1;
	s5 =	sadd.s32 s21, s3  }
0x9d: {  	[timem:s7], [sflag:s22] =	dma.local [hbm:s5], s20  }
0x9e: {  	_ =	swait.ge [sflag:s22], s20  }
0x9f: {  	s4 =	ssub.s32 $0x0, s20;
	[sflag:s22] =	ssyncset.done $0x0  }
0xa0: {  	[sflag:s22] =	ssyncadd.s32 s4;
	_ =	sdelay $0x1  }
0xa1: {  	s23 =	simm.s32 $0x1B8B  }
0xa2: {  	_ =	swait.ge [sflag:s23], $0x1  }
0xa3: {  	[sflag:s23] =	ssyncset.done $0x0  }
0xa4: {  	s25 =	simm.s32 $0x1B8E;
	s24 =	sld [smem:$0x3FFE];
	[sflag:s23] =	ssyncadd.s32 $0xFFFFFFFF  }
0xa5: {  	s26 =	simm.s32 $execute0_lowered;
	[smem:$0x3FD2] =	sst s25  }
0xa6: {  	s5 =	sshll.u32 s26, $0x1;
	_ =	strace $0x80000052;
	[dreg:$0x1] =	wrdreg $0xFFFFFFFF  }
0xa7: {  	s28 =	simm.s32 $_size_execute0_lowered;
	s3 =	sadd.s32 s3, s5;
	[dreg:$0x0] =	wrdreg $0x0  }
0xa8: {  	s5 =	sshll.u32 s28, $0x1;
	[dreg:$0x2] =	wrdreg s3  }
0xa9: {  	[dreg:$0x3] =	wrdreg s5  }
0xaa: {  	[dreg:$0x4] =	wrdreg $0xC0  }
0xab: {  	_ =	task [dreg:s7], $0x5FFFF  }
0xac: {  	[dreg:$0x1] =	wrdreg $0xFFFFFFFF  }
0xad: {  	[dreg:$0x0] =	wrdreg $0x60  }
0xae: {  	[dreg:$0x2] =	wrdreg s24  }
0xaf: {  	[dreg:$0x3] =	wrdreg s2  }
0xb0: {  	[dreg:$0x4] =	wrdreg $0x9  }
0xb1: {  	_ =	task.clear_ibuf [dreg:s7], $0x5FFFF;
	_ =	strace $0x90000052  }
0xb2: {  	s29 =	simm.s32 $0x9;
	_ =	strace $0x80000054  }
0xb3: {  	_ =	swait.ge [sflag:s29], $0x1  }
0xb4: {  	[sflag:s29] =	ssyncadd.s32 $0xFFFFFFFF  }
0xb5: {  	_ =	strace $0x90000054  }
0xb6: {  	_ =	sfence  }
0xb7: {  	s30 =	sld [smem:$0x0];
	_ =	sdelay $0x2  }
0xb8: {  	s31 =	sshll.u32 s1, $0xD;
	s1 =	sshrl.u32 s1, $0x2  }
0xb9: {  	s3 =	sand.u32 $0x4000, s31;
	s1 =	sadd.s32 s1, s30  }
0xba: {  	s0 =	sor.u32 s3, s0;
	s1 =	sshll.u32 s1, $0x11  }
0xbb: {  	s0 =	sor.u32 s1, s0  }
0xbc: {  	s0 =	sadd.s32 $0x8F2B, s0  }
0xbd: {  	[sflag:s0] =	ssyncadd.remote.s32 $0x1  }
0xbe: {  	_ =	sfence.sel $0xFFFF  }
0xbf: {  	[dreg:$0x0] =	wrdreg $0xFFFFFFFF;
	(pc) =	sbr.abs _section_cstart, $3  }
0xc0: {  	[dreg:$0x1] =	wrdreg $0xFFFFFFFF  }
0xc1: {  	_ =	task.clear_ibuf [dreg:s7], $0x2FFFF;
	_ =	strace $0x9FFFFFFF  }
0xc2: {  	(tm) =	ssettm $0x7FFFFFFF  }
0xc3: {  	_ =	shalt  }
tec
execute0_lowered:
.L_overlay_start_1:
0x0: {  	(tag) =	ssettag $0x1  }
0x1: {  	s0 =	srdreg.scid;
	s11 =	rddreg [dreg:$0x0]  }
0x2: {  	s1 =	stileid.u32;
	s13 =	rddreg [dreg:$0x1]  }
0x3: {  	s23 =	simm.s32 $0x4400;
	s24 =	simm.s32 $0x1;
	s25 =	simm.s32 $0x6B80  }
0x4: {  	s26 =	simm.s32 $0x9300;
	s28 =	simm.s32 $0x80;
	s29 =	simm.s32 $0x100  }
0x5: {  	s30 =	simm.s32 $0xBB00;
	s0 =	sand.u32 $0x1, s0;
	s2 =	sshll.u32 s1, $0x1  }
0x6: {  	s4 =	sadd.s32 $0xD600, s11;
	s21 =	sadd.s32 $0xE200, s11;
	s19 =	sadd.s32 $0x7E00, s11  }
0x7: {  	p0 =	sne.s32 s1, $0x0;
	s12 =	sor.u32 s0, s2;
	s2 =	simm.s32 $0x0  }
0x8: {  	s7 =	ssub.s32 $0x2, s0;
	s3 =	smul.u32 $0x1380, s12;
	[smem:$0x7FF] =	sst s2  }
0x9: {  	s8 =	sshrl.u32 s7, $0x1;
	s10 =	smul.u32 $0x270, s12;
	s20 =	ssub.s32 $0x0, s12  }
0xa: {  	s12 =	simm.s32 $0x3000;
	_ =	strace $0x80000053;
	s22 =	ssub.s32 s7, s8  }
0xb: {  	s7 =	sadd.s32 $0x10, s13;
	[dreg:$0x3] =	wrdreg s19;
	s13 =	sshll.u32 s0, $0x7  }
0xc: {  	s0 =	sshll.u32 s0, $0x4;
	s5 =	sand.u32 $0x3FC00, s3;
	s3 =	sadd.s32 $0xDC00, s11  }
0xd: {  	s10 =	sadd.s32 s21, s10;
	s6 =	sshrl.u32 s5, $0x3;
	s5 =	sadd.s32 $0x5D600, s11  }
0xe: {  	s9 =	sadd.s32 s6, s11;
	s6 =	sadd.s32 $0xD000, s11;
	s11 =	sadd.s32 $0xCE00, s11  }
0xf: {  	s14 =	sor.u32 $0x10, s13;
	[dreg:$0x4] =	wrdreg s11;
	s11 =	sand.u32 $0x7, s20  }
0x10: {  	s15 =	sor.u32 $0x20, s13;
	s16 =	sor.u32 $0x30, s13;
	s11 =	sshll.u32 s11, $0x7  }
.Ltmp0:
0x11: {  	s0 =	sadd.s32 s0, s21;
	s21 =	sor.u32 $0x70, s11;
	(pc) =	sbr.rel .LBB2_1-.Ltmp0, $4  }
0x12: {  	s17 =	sor.u32 $0x40, s13;
	s18 =	sor.u32 $0x50, s13;
	s31 =	sor.u32 $0x1870, s11;
	v0 =	vmov s21  }
0x13: {  	s19 =	sor.u32 $0x60, s13;
	s22 =	smax.u32 s22, $0x1;
	s0 =	sadd.s32 $0x4E00, s0;
	v1 =	vmov s31  }
0x14: {  	[dreg:$0x5] =	wrdreg s0;
	s8 =	sadd.s32 $0x3000, s9;
	s9 =	sadd.s32 $0x8000, s9  }
0x15: {  	s20 =	sor.u32 $0x70, s13;
	s11 =	simm.s32 $0x1800;
	s21 =	simm.s32 $0x0  }
.LBB2_7:
0x16: {  	s21 =	sadd.s32 $0x1, s21  }
0x17: {  	p1 =	sne.s32 s21, s22  }
.Ltmp1:
0x18: {  	_ = 	snop;
	(pc) =	sbr.rel @!p1 .LBB2_8-.Ltmp1, $1  }
0x19: {  	_ =	sdelay $0x3  }
.LBB2_1:
0x1a: {  	[tilespmem:s23], [sflag:$0x1] =	stream.linear.gather [hbm4b:s3+s2], $0x2780, $0x38;
	[tilespmem:$0x10B80] =	vst v63  }
0x1b: {  	_ =	swait.ge [sflag:s24], $0x2780  }
0x1c: {  	[sflag:s24] =	ssyncset.done $0x0  }
0x1d: {  	[sflag:s24] =	ssyncadd.s32 $0xFFFFD880  }
0x1e: {  	[tilespmem:s25], [sflag:$0x1] =	stream.linear.gather [hbm4b:s4+s2], $0x2780, $0x38;
	[tilespmem:$0x10B80] =	vst v63  }
0x1f: {  	_ =	swait.ge [sflag:s24], $0x2780  }
0x20: {  	[sflag:s24] =	ssyncset.done $0x0  }
0x21: {  	[sflag:s24] =	ssyncadd.s32 $0xFFFFD880  }
0x22: {  	[tilespmem:s26], [sflag:$0x1] =	stream.linear.gather [hbm4b:s5+s2], $0x2800, $0x38;
	[tilespmem:$0x10B80] =	vst v63  }
0x23: {  	_ =	swait.ge [sflag:s24], $0x2800  }
0x24: {  	[sflag:s24] =	ssyncset.done $0x0  }
0x25: {  	[sflag:s24] =	ssyncadd.s32 $0xFFFFD800  }
0x26: {  	s0 =	rddreg [dreg:$0x1]  }
0x27: {  	[tilespmem:s30], [sflag:$0x1] =	stream.strided.gather [hbm4b:s0+s28], $0x2800, s29, s28, $0x38;
	[tilespmem:$0x10B80] =	vst v63  }
0x28: {  	_ =	swait.ge [sflag:s24], $0x2800  }
0x29: {  	[sflag:s24] =	ssyncset.done $0x0  }
0x2a: {  	s1 =	simm.s32 $0xE300;
	[sflag:s24] =	ssyncadd.s32 $0xFFFFD800  }
0x2b: {  	[tilespmem:s1], [sflag:$0x1] =	stream.strided.gather [hbm4b:s7+s28], $0x2800, s29, s28, $0x38;
	[tilespmem:$0x10B80] =	vst v63  }
0x2c: {  	_ =	swait.ge [sflag:s24], $0x2800  }
0x2d: {  	[sflag:s24] =	ssyncset.done $0x0  }
0x2e: {  	s1 =	simm.s32 $0x10B00;
	[sflag:s24] =	ssyncadd.s32 $0xFFFFD800  }
0x2f: {  	[tilespmem:s1], [sflag:$0x1] =	stream.linear.gather [hbm4b:s6+s2], $0x80, $0x38;
	[tilespmem:$0x10B80] =	vst v63  }
0x30: {  	_ =	swait.ge [sflag:s24], $0x80  }
0x31: {  	[sflag:s24] =	ssyncset.done $0x0  }
0x32: {  	[sflag:s24] =	ssyncadd.s32 $0xFFFFFF80  }
0x33: {  	v2 =	vld [tilespmem:$0x10B00];
	[tilespmem:s2], [sflag:$0x1] =	stream.linear.gather [hbm4b:s8+s2], $0x1800, $0x38  }
0x34: {  	_ =	swait.ge [sflag:s24], $0x1800  }
0x35: {  	[sflag:s24] =	ssyncset.done $0x0  }
0x36: {  	[sflag:s24] =	ssyncadd.s32 $0xFFFFE800  }
0x37: {  	[tilespmem:s11], [sflag:$0x1] =	stream.linear.gather [hbm4b:s9+s2], $0x1800, $0x38;
	[tilespmem:$0x10B80] =	vst v63  }
0x38: {  	_ =	swait.ge [sflag:s24], $0x1800  }
0x39: {  	[sflag:s24] =	ssyncset.done $0x0  }
0x3a: {  	s1 =	simm.s32 $0x0;
	[sflag:s24] =	ssyncadd.s32 $0xFFFFE800  }
0x3b: {  	s31 =	simm.s32 $0x40;
	v3 =	vld [tilespmem:s1+$0xE300]  }
.LBB2_2:
0x3c: {  	p1 =	sne.s32 s31, $0x9FC0;
	v4 =	vld [tilespmem:s1+$0xBB00];
	_ =	sdelay $0x2  }
.Ltmp2:
0x3d: {  	(pc) =	sbr.rel @p1 .LBB2_2-.Ltmp2, $4  }
0x3e: {  	_ = 	snop  }
0x3f: {  	v4 =	vadd.f32 v3, v4  }
0x40: {  	s0 =	sshra.s32 s31, $0x2  }
0x41: {  	s31 =	sadd.s32 $0x40, s31;
	v3 =	vld [tilespmem:s0+$0xE300];
	[tilespmem:s1+$0xBB00] =	vst v4;
	s1 =	smov.u32 s0  }
0x42: {  	v4 =	vld [tilespmem:s1+$0xBB00];
	_ =	sdelay $0x4  }
0x43: {  	v3 =	vadd.f32 v3, v4;
	_ =	sdelay $0x1  }
0x44: {  	[tilespmem:s1+$0xBB00] =	vst v3;
	s1 =	simm.s32 $0x0  }
.LBB2_4:
0x45: {  	s31 =	sshra.s32 s1, $0x2  }
0x46: {  	v3 =	vld.idx.msk [tilespmem:v0+s31+$0xFFFFFF90 ss:$0x1], $0xffff  }
0x47: {  	v4 =	vld.idx.msk [tilespmem:v1+s31+$0xFFFFFF90 ss:$0x1], $0xffff;
	_ =	sdelay $0x6  }
0x48: {  	v5 =	vld.idx.msk [tilespmem:v3+s23+$0x0], $0xffff  }
0x49: {  	v4 =	vld.idx.msk [tilespmem:v4+s25+$0x0], $0xffff  }
0x4a: {  	v6 =	vld.idx.msk [tilespmem:v3+s26+$0x0], $0xffff;
	_ =	sdelay $0x1  }
0x4b: {  	v3 =	vld.idx.msk [tilespmem:v3+s30+$0x0], $0xffff;
	_ =	sdelay $0x2  }
0x4c: {  	v4 =	vadd.f32 v4, v5;
	v35 =	vmul.f32 v6, v6;
	_ =	sdelay $0x1  }
0x4d: {  	v3 =	vmul.f32 v3, v6;
	v4 =	vmul.f32 v35, v4;
	_ =	sdelay $0x1  }
0x4e: {  	v3 =	vadd.f32 v4, v3;
	_ =	sdelay $0x1  }
0x4f: {  	v3 =	vadd.f32 v3, v2;
	_ =	sdelay $0x1  }
0x50: {  	v3 =	vsub.f32 $0.0e+00, v3;
	_ =	sdelay $0x1  }
0x51: {  	v3 =	vmul.f32 $1.442695020e+00, v3;
	_ =	sdelay $0x1  }
0x52: {  	(erf) = vpow2.f32 v3;
	_ =	sdelay $0x8  }
0x53: {  	v3 =	vpop (erf)  }
0x54: {  	v3 =	vadd.f32 $1.000000000e+00, v3;
	_ =	sdelay $0x1  }
0x55: {  	(erf) = vrcp.f32 v3;
	_ =	sdelay $0x8  }
0x56: {  	v3 =	vpop (erf)  }
0x57: {  	[tilespmem:s31+$0x3000] =	vst v3  }
0x58: {  	v3 =	vld.idx.msk [tilespmem:v0+s31+$0xFFFFFFA0 ss:$0x1], $0xffff  }
0x59: {  	v36 =	vld.idx.msk [tilespmem:v1+s31+$0xFFFFFFA0 ss:$0x1], $0xffff;
	_ =	sdelay $0x6  }
0x5a: {  	v37 =	vld.idx.msk [tilespmem:v3+s23+$0x0], $0xffff  }
0x5b: {  	v4 =	vld.idx.msk [tilespmem:v36+s25+$0x0], $0xffff  }
0x5c: {  	v38 =	vld.idx.msk [tilespmem:v3+s26+$0x0], $0xffff;
	_ =	sdelay $0x1  }
0x5d: {  	v3 =	vld.idx.msk [tilespmem:v3+s30+$0x0], $0xffff;
	_ =	sdelay $0x2  }
0x5e: {  	v4 =	vadd.f32 v4, v37;
	v39 =	vmul.f32 v38, v38;
	_ =	sdelay $0x1  }
0x5f: {  	v3 =	vmul.f32 v3, v38;
	v4 =	vmul.f32 v39, v4;
	_ =	sdelay $0x1  }
0x60: {  	v3 =	vadd.f32 v4, v3;
	_ =	sdelay $0x1  }
0x61: {  	v3 =	vadd.f32 v3, v2;
	_ =	sdelay $0x1  }
0x62: {  	v3 =	vsub.f32 $0.0e+00, v3;
	_ =	sdelay $0x1  }
0x63: {  	v3 =	vmul.f32 $1.442695020e+00, v3;
	_ =	sdelay $0x1  }
0x64: {  	(erf) = vpow2.f32 v3;
	_ =	sdelay $0x8  }
0x65: {  	v3 =	vpop (erf)  }
0x66: {  	v3 =	vadd.f32 $1.000000000e+00, v3;
	_ =	sdelay $0x1  }
0x67: {  	(erf) = vrcp.f32 v3;
	_ =	sdelay $0x8  }
0x68: {  	v3 =	vpop (erf)  }
0x69: {  	[tilespmem:s31+$0x3010] =	vst v3  }
0x6a: {  	v3 =	vld.idx.msk [tilespmem:v0+s31+$0xFFFFFFB0 ss:$0x1], $0xffff  }
0x6b: {  	v40 =	vld.idx.msk [tilespmem:v1+s31+$0xFFFFFFB0 ss:$0x1], $0xffff;
	_ =	sdelay $0x6  }
0x6c: {  	v41 =	vld.idx.msk [tilespmem:v3+s23+$0x0], $0xffff  }
0x6d: {  	v4 =	vld.idx.msk [tilespmem:v40+s25+$0x0], $0xffff  }
0x6e: {  	v42 =	vld.idx.msk [tilespmem:v3+s26+$0x0], $0xffff;
	_ =	sdelay $0x1  }
0x6f: {  	v3 =	vld.idx.msk [tilespmem:v3+s30+$0x0], $0xffff;
	_ =	sdelay $0x2  }
0x70: {  	v4 =	vadd.f32 v4, v41;
	v43 =	vmul.f32 v42, v42;
	_ =	sdelay $0x1  }
0x71: {  	v3 =	vmul.f32 v3, v42;
	v4 =	vmul.f32 v43, v4;
	_ =	sdelay $0x1  }
0x72: {  	v3 =	vadd.f32 v4, v3;
	_ =	sdelay $0x1  }
0x73: {  	v3 =	vadd.f32 v3, v2;
	_ =	sdelay $0x1  }
0x74: {  	v3 =	vsub.f32 $0.0e+00, v3;
	_ =	sdelay $0x1  }
0x75: {  	v3 =	vmul.f32 $1.442695020e+00, v3;
	_ =	sdelay $0x1  }
0x76: {  	(erf) = vpow2.f32 v3;
	_ =	sdelay $0x8  }
0x77: {  	v3 =	vpop (erf)  }
0x78: {  	v3 =	vadd.f32 $1.000000000e+00, v3;
	_ =	sdelay $0x1  }
0x79: {  	(erf) = vrcp.f32 v3;
	_ =	sdelay $0x8  }
0x7a: {  	v3 =	vpop (erf)  }
0x7b: {  	[tilespmem:s31+$0x3020] =	vst v3  }
0x7c: {  	v3 =	vld.idx.msk [tilespmem:v0+s31+$0xFFFFFFC0 ss:$0x1], $0xffff  }
0x7d: {  	v44 =	vld.idx.msk [tilespmem:v1+s31+$0xFFFFFFC0 ss:$0x1], $0xffff;
	_ =	sdelay $0x6  }
0x7e: {  	v45 =	vld.idx.msk [tilespmem:v3+s23+$0x0], $0xffff  }
0x7f: {  	v4 =	vld.idx.msk [tilespmem:v44+s25+$0x0], $0xffff  }
0x80: {  	v46 =	vld.idx.msk [tilespmem:v3+s26+$0x0], $0xffff;
	_ =	sdelay $0x1  }
0x81: {  	v3 =	vld.idx.msk [tilespmem:v3+s30+$0x0], $0xffff;
	_ =	sdelay $0x2  }
0x82: {  	v4 =	vadd.f32 v4, v45;
	v47 =	vmul.f32 v46, v46;
	_ =	sdelay $0x1  }
0x83: {  	v3 =	vmul.f32 v3, v46;
	v4 =	vmul.f32 v47, v4;
	_ =	sdelay $0x1  }
0x84: {  	v3 =	vadd.f32 v4, v3;
	_ =	sdelay $0x1  }
0x85: {  	v3 =	vadd.f32 v3, v2;
	_ =	sdelay $0x1  }
0x86: {  	v3 =	vsub.f32 $0.0e+00, v3;
	_ =	sdelay $0x1  }
0x87: {  	v3 =	vmul.f32 $1.442695020e+00, v3;
	_ =	sdelay $0x1  }
0x88: {  	(erf) = vpow2.f32 v3;
	_ =	sdelay $0x8  }
0x89: {  	v3 =	vpop (erf)  }
0x8a: {  	v3 =	vadd.f32 $1.000000000e+00, v3;
	_ =	sdelay $0x1  }
0x8b: {  	(erf) = vrcp.f32 v3;
	_ =	sdelay $0x8  }
0x8c: {  	v3 =	vpop (erf)  }
0x8d: {  	[tilespmem:s31+$0x3030] =	vst v3  }
0x8e: {  	v3 =	vld.idx.msk [tilespmem:v0+s31+$0xFFFFFFD0 ss:$0x1], $0xffff  }
0x8f: {  	v48 =	vld.idx.msk [tilespmem:v1+s31+$0xFFFFFFD0 ss:$0x1], $0xffff;
	_ =	sdelay $0x6  }
0x90: {  	v49 =	vld.idx.msk [tilespmem:v3+s23+$0x0], $0xffff  }
0x91: {  	v4 =	vld.idx.msk [tilespmem:v48+s25+$0x0], $0xffff  }
0x92: {  	v50 =	vld.idx.msk [tilespmem:v3+s26+$0x0], $0xffff;
	_ =	sdelay $0x1  }
0x93: {  	v3 =	vld.idx.msk [tilespmem:v3+s30+$0x0], $0xffff;
	_ =	sdelay $0x2  }
0x94: {  	v4 =	vadd.f32 v4, v49;
	v51 =	vmul.f32 v50, v50;
	_ =	sdelay $0x1  }
0x95: {  	v3 =	vmul.f32 v3, v50;
	v4 =	vmul.f32 v51, v4;
	_ =	sdelay $0x1  }
0x96: {  	v3 =	vadd.f32 v4, v3;
	_ =	sdelay $0x1  }
0x97: {  	v3 =	vadd.f32 v3, v2;
	_ =	sdelay $0x1  }
0x98: {  	v3 =	vsub.f32 $0.0e+00, v3;
	_ =	sdelay $0x1  }
0x99: {  	v3 =	vmul.f32 $1.442695020e+00, v3;
	_ =	sdelay $0x1  }
0x9a: {  	(erf) = vpow2.f32 v3;
	_ =	sdelay $0x8  }
0x9b: {  	v3 =	vpop (erf)  }
0x9c: {  	v3 =	vadd.f32 $1.000000000e+00, v3;
	_ =	sdelay $0x1  }
0x9d: {  	(erf) = vrcp.f32 v3;
	_ =	sdelay $0x8  }
0x9e: {  	v3 =	vpop (erf)  }
0x9f: {  	[tilespmem:s31+$0x3040] =	vst v3  }
0xa0: {  	v3 =	vld.idx.msk [tilespmem:v0+s31+$0xFFFFFFE0 ss:$0x1], $0xffff  }
0xa1: {  	v52 =	vld.idx.msk [tilespmem:v1+s31+$0xFFFFFFE0 ss:$0x1], $0xffff;
	_ =	sdelay $0x6  }
0xa2: {  	v53 =	vld.idx.msk [tilespmem:v3+s23+$0x0], $0xffff  }
0xa3: {  	v4 =	vld.idx.msk [tilespmem:v52+s25+$0x0], $0xffff  }
0xa4: {  	v54 =	vld.idx.msk [tilespmem:v3+s26+$0x0], $0xffff;
	_ =	sdelay $0x1  }
0xa5: {  	v3 =	vld.idx.msk [tilespmem:v3+s30+$0x0], $0xffff;
	_ =	sdelay $0x2  }
0xa6: {  	v4 =	vadd.f32 v4, v53;
	v55 =	vmul.f32 v54, v54;
	_ =	sdelay $0x1  }
0xa7: {  	v3 =	vmul.f32 v3, v54;
	v4 =	vmul.f32 v55, v4;
	_ =	sdelay $0x1  }
0xa8: {  	v3 =	vadd.f32 v4, v3;
	_ =	sdelay $0x1  }
0xa9: {  	v3 =	vadd.f32 v3, v2;
	_ =	sdelay $0x1  }
0xaa: {  	v3 =	vsub.f32 $0.0e+00, v3;
	_ =	sdelay $0x1  }
0xab: {  	v3 =	vmul.f32 $1.442695020e+00, v3;
	_ =	sdelay $0x1  }
0xac: {  	(erf) = vpow2.f32 v3;
	_ =	sdelay $0x8  }
0xad: {  	v3 =	vpop (erf)  }
0xae: {  	v3 =	vadd.f32 $1.000000000e+00, v3;
	_ =	sdelay $0x1  }
0xaf: {  	(erf) = vrcp.f32 v3;
	_ =	sdelay $0x8  }
0xb0: {  	v3 =	vpop (erf)  }
0xb1: {  	[tilespmem:s31+$0x3050] =	vst v3  }
0xb2: {  	v3 =	vld.idx.msk [tilespmem:v0+s31+$0xFFFFFFF0 ss:$0x1], $0xffff  }
0xb3: {  	v56 =	vld.idx.msk [tilespmem:v1+s31+$0xFFFFFFF0 ss:$0x1], $0xffff;
	_ =	sdelay $0x6  }
0xb4: {  	v57 =	vld.idx.msk [tilespmem:v3+s23+$0x0], $0xffff  }
0xb5: {  	v4 =	vld.idx.msk [tilespmem:v56+s25+$0x0], $0xffff  }
0xb6: {  	v58 =	vld.idx.msk [tilespmem:v3+s26+$0x0], $0xffff;
	_ =	sdelay $0x1  }
0xb7: {  	v3 =	vld.idx.msk [tilespmem:v3+s30+$0x0], $0xffff;
	_ =	sdelay $0x2  }
0xb8: {  	v4 =	vadd.f32 v4, v57;
	v59 =	vmul.f32 v58, v58;
	_ =	sdelay $0x1  }
0xb9: {  	v3 =	vmul.f32 v3, v58;
	v4 =	vmul.f32 v59, v4;
	_ =	sdelay $0x1  }
0xba: {  	v3 =	vadd.f32 v4, v3;
	_ =	sdelay $0x1  }
0xbb: {  	v3 =	vadd.f32 v3, v2;
	_ =	sdelay $0x1  }
0xbc: {  	v3 =	vsub.f32 $0.0e+00, v3;
	_ =	sdelay $0x1  }
0xbd: {  	v3 =	vmul.f32 $1.442695020e+00, v3;
	_ =	sdelay $0x1  }
0xbe: {  	(erf) = vpow2.f32 v3;
	_ =	sdelay $0x8  }
0xbf: {  	v3 =	vpop (erf)  }
0xc0: {  	v3 =	vadd.f32 $1.000000000e+00, v3;
	_ =	sdelay $0x1  }
0xc1: {  	(erf) = vrcp.f32 v3;
	_ =	sdelay $0x8  }
0xc2: {  	v3 =	vpop (erf)  }
0xc3: {  	[tilespmem:s31+$0x3060] =	vst v3  }
0xc4: {  	v3 =	vld.idx.msk [tilespmem:v0+s31+$0x0 ss:$0x1], $0xffff  }
0xc5: {  	v60 =	vld.idx.msk [tilespmem:v1+s31+$0x0 ss:$0x1], $0xffff;
	_ =	sdelay $0x6  }
0xc6: {  	v61 =	vld.idx.msk [tilespmem:v3+s23+$0x0], $0xffff  }
0xc7: {  	v4 =	vld.idx.msk [tilespmem:v60+s25+$0x0], $0xffff  }
0xc8: {  	v62 =	vld.idx.msk [tilespmem:v3+s26+$0x0], $0xffff;
	_ =	sdelay $0x1  }
0xc9: {  	v3 =	vld.idx.msk [tilespmem:v3+s30+$0x0], $0xffff;
	_ =	sdelay $0x2  }
0xca: {  	v4 =	vadd.f32 v4, v61;
	v63 =	vmul.f32 v62, v62;
	_ =	sdelay $0x1  }
0xcb: {  	v3 =	vmul.f32 v3, v62;
	v4 =	vmul.f32 v63, v4;
	_ =	sdelay $0x1  }
0xcc: {  	v3 =	vadd.f32 v4, v3;
	_ =	sdelay $0x1  }
0xcd: {  	v3 =	vadd.f32 v3, v2;
	_ =	sdelay $0x1  }
0xce: {  	v3 =	vsub.f32 $0.0e+00, v3;
	_ =	sdelay $0x1  }
0xcf: {  	v3 =	vmul.f32 $1.442695020e+00, v3;
	_ =	sdelay $0x1  }
0xd0: {  	(erf) = vpow2.f32 v3;
	_ =	sdelay $0x8  }
0xd1: {  	v3 =	vpop (erf)  }
0xd2: {  	v3 =	vadd.f32 $1.000000000e+00, v3;
	_ =	sdelay $0x1  }
0xd3: {  	(erf) = vrcp.f32 v3;
	_ =	sdelay $0x4  }
0xd4: {  	p1 =	sne.s32 s1, $0x4C00  }
.Ltmp3:
0xd5: {  	_ = 	snop;
	(pc) =	sbr.rel @p1 .LBB2_4-.Ltmp3, $3  }
0xd6: {  	_ =	sdelay $0x1  }
0xd7: {  	v3 =	vpop (erf)  }
0xd8: {  	s1 =	sadd.s32 $0x200, s1;
	[tilespmem:s31+$0x3070] =	vst v3  }
.Ltmp4:
0xd9: {  	(pc) =	sbr.rel @p0 .LBB2_7-.Ltmp4, $4  }
0xda: {  	[hbm4b:s10+s2] =	stream.linear.scatter [tilespmem:s12], [sflag:$0x1], $0x1380, $0x38;
	[tilespmem:$0x10B80] =	vst v63  }
0xdb: {  	_ =	swait.ge [sflag:s24], $0x1380  }
0xdc: {  	[sflag:s24] =	ssyncset.done $0x0  }
0xdd: {  	[sflag:s24] =	ssyncadd.s32 $0xFFFFEC80  }
0xde: {  	s0 =	rddreg [dreg:$0x3]  }
0xdf: {  	[tilespmem:s2], [sflag:$0x1] =	stream.linear.gather [hbm4b:s0+s2], $0x400, $0x38;
	[tilespmem:$0x10B80] =	vst v63  }
0xe0: {  	_ =	swait.ge [sflag:s24], $0x400  }
0xe1: {  	[sflag:s24] =	ssyncset.done $0x0  }
0xe2: {  	s1 =	rddreg [dreg:$0x4];
	[sflag:s24] =	ssyncadd.s32 $0xFFFFFC00  }
0xe3: {  	[tilespmem:s11], [sflag:$0x1] =	stream.linear.gather [hbm4b:s1+s2], $0x400, $0x38;
	[tilespmem:$0x10B80] =	vst v63  }
0xe4: {  	_ =	swait.ge [sflag:s24], $0x400  }
0xe5: {  	[sflag:s24] =	ssyncset.done $0x0  }
0xe6: {  	[sflag:s24] =	ssyncadd.s32 $0xFFFFFC00  }
0xe7: {  	v3 =	vld [tilespmem:s13+$0x0]  }
0xe8: {  	v4 =	vld [tilespmem:s13+$0x1800];
	_ =	sdelay $0x6  }
0xe9: {  	v5 =	vld.idx.msk [tilespmem:v3+s23+$0x0], $0xffff  }
0xea: {  	v4 =	vld.idx.msk [tilespmem:v4+s25+$0x0], $0xffff  }
0xeb: {  	v6 =	vld.idx.msk [tilespmem:v3+s26+$0x0], $0xffff;
	_ =	sdelay $0x1  }
0xec: {  	v3 =	vld.idx.msk [tilespmem:v3+s30+$0x0], $0xffff;
	_ =	sdelay $0x2  }
0xed: {  	v4 =	vadd.f32 v4, v5;
	v35 =	vmul.f32 v6, v6;
	_ =	sdelay $0x1  }
0xee: {  	v3 =	vmul.f32 v3, v6;
	v4 =	vmul.f32 v35, v4;
	_ =	sdelay $0x1  }
0xef: {  	v3 =	vadd.f32 v4, v3;
	_ =	sdelay $0x1  }
0xf0: {  	v3 =	vadd.f32 v3, v2;
	_ =	sdelay $0x1  }
0xf1: {  	v3 =	vsub.f32 $0.0e+00, v3;
	_ =	sdelay $0x1  }
0xf2: {  	v3 =	vmul.f32 $1.442695020e+00, v3;
	_ =	sdelay $0x1  }
0xf3: {  	(erf) = vpow2.f32 v3;
	_ =	sdelay $0x8  }
0xf4: {  	v3 =	vpop (erf)  }
0xf5: {  	v3 =	vadd.f32 $1.000000000e+00, v3;
	_ =	sdelay $0x1  }
0xf6: {  	(erf) = vrcp.f32 v3;
	_ =	sdelay $0x8  }
0xf7: {  	v3 =	vpop (erf)  }
0xf8: {  	[tilespmem:$0x4380] =	vst v3  }
0xf9: {  	v3 =	vld [tilespmem:s14+$0x0]  }
0xfa: {  	v36 =	vld [tilespmem:s14+$0x1800];
	_ =	sdelay $0x6  }
0xfb: {  	v37 =	vld.idx.msk [tilespmem:v3+s23+$0x0], $0xffff  }
0xfc: {  	v4 =	vld.idx.msk [tilespmem:v36+s25+$0x0], $0xffff  }
0xfd: {  	v38 =	vld.idx.msk [tilespmem:v3+s26+$0x0], $0xffff;
	_ =	sdelay $0x1  }
0xfe: {  	v3 =	vld.idx.msk [tilespmem:v3+s30+$0x0], $0xffff;
	_ =	sdelay $0x2  }
0xff: {  	v4 =	vadd.f32 v4, v37;
	v39 =	vmul.f32 v38, v38;
	_ =	sdelay $0x1  }
0x100: {  	v3 =	vmul.f32 v3, v38;
	v4 =	vmul.f32 v39, v4;
	_ =	sdelay $0x1  }
0x101: {  	v3 =	vadd.f32 v4, v3;
	_ =	sdelay $0x1  }
0x102: {  	v3 =	vadd.f32 v3, v2;
	_ =	sdelay $0x1  }
0x103: {  	v3 =	vsub.f32 $0.0e+00, v3;
	_ =	sdelay $0x1  }
0x104: {  	v3 =	vmul.f32 $1.442695020e+00, v3;
	_ =	sdelay $0x1  }
0x105: {  	(erf) = vpow2.f32 v3;
	_ =	sdelay $0x8  }
0x106: {  	v3 =	vpop (erf)  }
0x107: {  	v3 =	vadd.f32 $1.000000000e+00, v3;
	_ =	sdelay $0x1  }
0x108: {  	(erf) = vrcp.f32 v3;
	_ =	sdelay $0x8  }
0x109: {  	v3 =	vpop (erf)  }
0x10a: {  	[tilespmem:$0x4390] =	vst v3  }
0x10b: {  	v3 =	vld [tilespmem:s15+$0x0]  }
0x10c: {  	v40 =	vld [tilespmem:s15+$0x1800];
	_ =	sdelay $0x6  }
0x10d: {  	v41 =	vld.idx.msk [tilespmem:v3+s23+$0x0], $0xffff  }
0x10e: {  	v4 =	vld.idx.msk [tilespmem:v40+s25+$0x0], $0xffff  }
0x10f: {  	v42 =	vld.idx.msk [tilespmem:v3+s26+$0x0], $0xffff;
	_ =	sdelay $0x1  }
0x110: {  	v3 =	vld.idx.msk [tilespmem:v3+s30+$0x0], $0xffff;
	_ =	sdelay $0x2  }
0x111: {  	v4 =	vadd.f32 v4, v41;
	v43 =	vmul.f32 v42, v42;
	_ =	sdelay $0x1  }
0x112: {  	v3 =	vmul.f32 v3, v42;
	v4 =	vmul.f32 v43, v4;
	_ =	sdelay $0x1  }
0x113: {  	v3 =	vadd.f32 v4, v3;
	_ =	sdelay $0x1  }
0x114: {  	v3 =	vadd.f32 v3, v2;
	_ =	sdelay $0x1  }
0x115: {  	v3 =	vsub.f32 $0.0e+00, v3;
	_ =	sdelay $0x1  }
0x116: {  	v3 =	vmul.f32 $1.442695020e+00, v3;
	_ =	sdelay $0x1  }
0x117: {  	(erf) = vpow2.f32 v3;
	_ =	sdelay $0x8  }
0x118: {  	v3 =	vpop (erf)  }
0x119: {  	v3 =	vadd.f32 $1.000000000e+00, v3;
	_ =	sdelay $0x1  }
0x11a: {  	(erf) = vrcp.f32 v3;
	_ =	sdelay $0x8  }
0x11b: {  	v3 =	vpop (erf)  }
0x11c: {  	[tilespmem:$0x43A0] =	vst v3  }
0x11d: {  	v3 =	vld [tilespmem:s16+$0x0]  }
0x11e: {  	v44 =	vld [tilespmem:s16+$0x1800];
	_ =	sdelay $0x6  }
0x11f: {  	v45 =	vld.idx.msk [tilespmem:v3+s23+$0x0], $0xffff  }
0x120: {  	v4 =	vld.idx.msk [tilespmem:v44+s25+$0x0], $0xffff  }
0x121: {  	v46 =	vld.idx.msk [tilespmem:v3+s26+$0x0], $0xffff;
	_ =	sdelay $0x1  }
0x122: {  	v3 =	vld.idx.msk [tilespmem:v3+s30+$0x0], $0xffff;
	_ =	sdelay $0x2  }
0x123: {  	v4 =	vadd.f32 v4, v45;
	v47 =	vmul.f32 v46, v46;
	_ =	sdelay $0x1  }
0x124: {  	v3 =	vmul.f32 v3, v46;
	v4 =	vmul.f32 v47, v4;
	_ =	sdelay $0x1  }
0x125: {  	v3 =	vadd.f32 v4, v3;
	_ =	sdelay $0x1  }
0x126: {  	v3 =	vadd.f32 v3, v2;
	_ =	sdelay $0x1  }
0x127: {  	v3 =	vsub.f32 $0.0e+00, v3;
	_ =	sdelay $0x1  }
0x128: {  	v3 =	vmul.f32 $1.442695020e+00, v3;
	_ =	sdelay $0x1  }
0x129: {  	(erf) = vpow2.f32 v3;
	_ =	sdelay $0x8  }
0x12a: {  	v3 =	vpop (erf)  }
0x12b: {  	v3 =	vadd.f32 $1.000000000e+00, v3;
	_ =	sdelay $0x1  }
0x12c: {  	(erf) = vrcp.f32 v3;
	_ =	sdelay $0x8  }
0x12d: {  	v3 =	vpop (erf)  }
0x12e: {  	[tilespmem:$0x43B0] =	vst v3  }
0x12f: {  	v3 =	vld [tilespmem:s17+$0x0]  }
0x130: {  	v48 =	vld [tilespmem:s17+$0x1800];
	_ =	sdelay $0x6  }
0x131: {  	v49 =	vld.idx.msk [tilespmem:v3+s23+$0x0], $0xffff  }
0x132: {  	v4 =	vld.idx.msk [tilespmem:v48+s25+$0x0], $0xffff  }
0x133: {  	v50 =	vld.idx.msk [tilespmem:v3+s26+$0x0], $0xffff;
	_ =	sdelay $0x1  }
0x134: {  	v3 =	vld.idx.msk [tilespmem:v3+s30+$0x0], $0xffff;
	_ =	sdelay $0x2  }
0x135: {  	v4 =	vadd.f32 v4, v49;
	v51 =	vmul.f32 v50, v50;
	_ =	sdelay $0x1  }
0x136: {  	v3 =	vmul.f32 v3, v50;
	v4 =	vmul.f32 v51, v4;
	_ =	sdelay $0x1  }
0x137: {  	v3 =	vadd.f32 v4, v3;
	_ =	sdelay $0x1  }
0x138: {  	v3 =	vadd.f32 v3, v2;
	_ =	sdelay $0x1  }
0x139: {  	v3 =	vsub.f32 $0.0e+00, v3;
	_ =	sdelay $0x1  }
0x13a: {  	v3 =	vmul.f32 $1.442695020e+00, v3;
	_ =	sdelay $0x1  }
0x13b: {  	(erf) = vpow2.f32 v3;
	_ =	sdelay $0x8  }
0x13c: {  	v3 =	vpop (erf)  }
0x13d: {  	v3 =	vadd.f32 $1.000000000e+00, v3;
	_ =	sdelay $0x1  }
0x13e: {  	(erf) = vrcp.f32 v3;
	_ =	sdelay $0x8  }
0x13f: {  	v3 =	vpop (erf)  }
0x140: {  	[tilespmem:$0x43C0] =	vst v3  }
0x141: {  	v3 =	vld [tilespmem:s18+$0x0]  }
0x142: {  	v52 =	vld [tilespmem:s18+$0x1800];
	_ =	sdelay $0x6  }
0x143: {  	v53 =	vld.idx.msk [tilespmem:v3+s23+$0x0], $0xffff  }
0x144: {  	v4 =	vld.idx.msk [tilespmem:v52+s25+$0x0], $0xffff  }
0x145: {  	v54 =	vld.idx.msk [tilespmem:v3+s26+$0x0], $0xffff;
	_ =	sdelay $0x1  }
0x146: {  	v3 =	vld.idx.msk [tilespmem:v3+s30+$0x0], $0xffff;
	_ =	sdelay $0x2  }
0x147: {  	v4 =	vadd.f32 v4, v53;
	v55 =	vmul.f32 v54, v54;
	_ =	sdelay $0x1  }
0x148: {  	v3 =	vmul.f32 v3, v54;
	v4 =	vmul.f32 v55, v4;
	_ =	sdelay $0x1  }
0x149: {  	v3 =	vadd.f32 v4, v3;
	_ =	sdelay $0x1  }
0x14a: {  	v3 =	vadd.f32 v3, v2;
	_ =	sdelay $0x1  }
0x14b: {  	v3 =	vsub.f32 $0.0e+00, v3;
	_ =	sdelay $0x1  }
0x14c: {  	v3 =	vmul.f32 $1.442695020e+00, v3;
	_ =	sdelay $0x1  }
0x14d: {  	(erf) = vpow2.f32 v3;
	_ =	sdelay $0x8  }
0x14e: {  	v3 =	vpop (erf)  }
0x14f: {  	v3 =	vadd.f32 $1.000000000e+00, v3;
	_ =	sdelay $0x1  }
0x150: {  	(erf) = vrcp.f32 v3;
	_ =	sdelay $0x8  }
0x151: {  	v3 =	vpop (erf)  }
0x152: {  	[tilespmem:$0x43D0] =	vst v3  }
0x153: {  	v3 =	vld [tilespmem:s19+$0x0]  }
0x154: {  	v56 =	vld [tilespmem:s19+$0x1800];
	_ =	sdelay $0x6  }
0x155: {  	v57 =	vld.idx.msk [tilespmem:v3+s23+$0x0], $0xffff  }
0x156: {  	v4 =	vld.idx.msk [tilespmem:v56+s25+$0x0], $0xffff  }
0x157: {  	v58 =	vld.idx.msk [tilespmem:v3+s26+$0x0], $0xffff;
	_ =	sdelay $0x1  }
0x158: {  	v3 =	vld.idx.msk [tilespmem:v3+s30+$0x0], $0xffff;
	_ =	sdelay $0x2  }
0x159: {  	v4 =	vadd.f32 v4, v57;
	v59 =	vmul.f32 v58, v58;
	_ =	sdelay $0x1  }
0x15a: {  	v3 =	vmul.f32 v3, v58;
	v4 =	vmul.f32 v59, v4;
	_ =	sdelay $0x1  }
0x15b: {  	v3 =	vadd.f32 v4, v3;
	_ =	sdelay $0x1  }
0x15c: {  	v3 =	vadd.f32 v3, v2;
	_ =	sdelay $0x1  }
0x15d: {  	v3 =	vsub.f32 $0.0e+00, v3;
	_ =	sdelay $0x1  }
0x15e: {  	v3 =	vmul.f32 $1.442695020e+00, v3;
	_ =	sdelay $0x1  }
0x15f: {  	(erf) = vpow2.f32 v3;
	_ =	sdelay $0x8  }
0x160: {  	v3 =	vpop (erf)  }
0x161: {  	v3 =	vadd.f32 $1.000000000e+00, v3;
	_ =	sdelay $0x1  }
0x162: {  	(erf) = vrcp.f32 v3;
	_ =	sdelay $0x8  }
0x163: {  	v3 =	vpop (erf)  }
0x164: {  	[tilespmem:$0x43E0] =	vst v3  }
0x165: {  	v3 =	vld [tilespmem:s20+$0x0]  }
0x166: {  	v60 =	vld [tilespmem:s20+$0x1800];
	_ =	sdelay $0x6  }
0x167: {  	v61 =	vld.idx.msk [tilespmem:v3+s23+$0x0], $0xffff  }
0x168: {  	v4 =	vld.idx.msk [tilespmem:v60+s25+$0x0], $0xffff  }
0x169: {  	v62 =	vld.idx.msk [tilespmem:v3+s26+$0x0], $0xffff;
	_ =	sdelay $0x1  }
0x16a: {  	v3 =	vld.idx.msk [tilespmem:v3+s30+$0x0], $0xffff;
	_ =	sdelay $0x2  }
0x16b: {  	v4 =	vadd.f32 v4, v61;
	v63 =	vmul.f32 v62, v62;
	_ =	sdelay $0x1  }
0x16c: {  	v3 =	vmul.f32 v3, v62;
	v4 =	vmul.f32 v63, v4;
	_ =	sdelay $0x1  }
0x16d: {  	v3 =	vadd.f32 v4, v3;
	_ =	sdelay $0x1  }
0x16e: {  	v2 =	vadd.f32 v3, v2;
	_ =	sdelay $0x1  }
0x16f: {  	v2 =	vsub.f32 $0.0e+00, v2;
	_ =	sdelay $0x1  }
0x170: {  	v2 =	vmul.f32 $1.442695020e+00, v2;
	_ =	sdelay $0x1  }
0x171: {  	(erf) = vpow2.f32 v2;
	_ =	sdelay $0x8  }
0x172: {  	v2 =	vpop (erf)  }
0x173: {  	v2 =	vadd.f32 $1.000000000e+00, v2;
	_ =	sdelay $0x1  }
0x174: {  	(erf) = vrcp.f32 v2;
	_ =	sdelay $0x8  }
0x175: {  	v2 =	vpop (erf)  }
.Ltmp5:
0x176: {  	s1 =	simm.s32 $0x4380;
	s31 =	rddreg [dreg:$0x5];
	[tilespmem:$0x43F0] =	vst v2;
	(pc) =	sbr.rel .LBB2_7-.Ltmp5, $4  }
0x177: {  	[hbm4b:s31+s2] =	stream.linear.scatter [tilespmem:s1], [sflag:$0x1], $0x80, $0x38;
	[tilespmem:$0x10B80] =	vst v63  }
0x178: {  	_ =	swait.ge [sflag:s24], $0x80  }
0x179: {  	[sflag:s24] =	ssyncset.done $0x0  }
0x17a: {  	[sflag:s24] =	ssyncadd.s32 $0xFFFFFF80  }
.LBB2_8:
0x17b: {  	_ =	sfence.sel $0x180000  }
0x17c: {  	[bflag:$0x0] =	sbarrier.arrive $0xFFFF  }
0x17d: {  	_ =	strace $0x90000053  }
0x17e: {  	[bflag:$0x2] =	sbarrier.arrive $0xFFFF  }
0x17f: {  	s0 =	rddreg [dreg:$0x2]  }
0x180: {  	s0 =	sadd.s32 @!p0 $0x100000, s0  }
0x181: {  	[sflag:s0] =	ssyncadd.tile.s32 @!p0 $0x1;
	_ =	shalt  }
.Lfunc_end2:
_tile_overlayer_lowered:
.L_overlay_start_2:
0x182: {  	(tag) =	ssettag $0x2  }
0x183: {  	s0 =	rddreg [dreg:$0x0];
	s2 =	stileid.u32  }
0x184: {  	s1 =	rddreg [dreg:$0x1];
	p0 =	sne.s32 s2, $0x0  }
0x185: {  	s3 =	rddreg [dreg:$0x2];
	[bflag:$0x3] =	sbarrier.arrive $0xFFFF;
	s2 =	simm.s32 @!p0 $0x1C01  }
0x186: {  	[timem:s3], [sflag:s2] =	dma.local @!p0 [hbm:s0], s1  }
0x187: {  	s0 =	simm.s32 @!p0 $0x1  }
0x188: {  	_ =	swait.ge @!p0 [sflag:s0], s1  }
0x189: {  	s1 =	ssub.s32 @!p0 $0x0, s1;
	[sflag:s0] =	ssyncset.done @!p0 $0x0  }
0x18a: {  	[sflag:s0] =	ssyncadd.s32 @!p0 s1  }
0x18b: {  	[bflag:$0x3] =	sbarrier.arrive $0xFFFF  }
0x18c: {  	_ =	shalt  }

</sc_bundles>
